<compile_context>
chip_gen: v7x
topology: tpu7x:2x2x1
jax: 0.10.2.dev20260603
libtpu: 0.0.44.dev20260713+nightly
codegen_flags: <defaults>
</compile_context>

<pallas_src>
import functools

import jax
import jax.numpy as jnp
from jax import lax
from jax.experimental import pallas as pl
from jax.experimental.pallas import tpu as pltpu
from jax.experimental.pallas import tpu_sc as plsc

N = 10000
E = 320000
D = 128
NC = 2
NS = 16
NW = NC * NS
EPW = 10000
CH = 40
NCH = EPW // CH
GRP = 50
NGRP = NCH // GRP
NPAD = 10240
RPT = NPAD // NS
RPD = NPAD // NS

@functools.cache
def _sc_mesh():
    return plsc.VectorSubcoreMesh(
        core_axis_name="c", subcore_axis_name="s",
        num_cores=NC, num_subcores=NS)



NBUF = 5


def _hop_body(z_hbm, zeros_hbm, src_hbm, dst_hbm, out_hbm,
              src_v, dst_v, rows, sems, acc):
    c = lax.axis_index("c")
    s = lax.axis_index("s")
    wid = s * NC + c
    r0 = s * RPT

    pltpu.sync_copy(src_hbm.at[wid, 0], src_v)
    pltpu.sync_copy(dst_hbm.at[wid, 0], dst_v)
    for b in range(NBUF):
        pltpu.async_copy(z_hbm.at[src_v.at[b]], rows[b], sems[b])

    @pl.when(c == 0)
    def _():
        pltpu.sync_copy(z_hbm.at[pl.ds(r0, RPT)], acc.at[pl.ds(r0, RPT)])

    @pl.when(c == 1)
    def _():
        pltpu.sync_copy(zeros_hbm.at[pl.ds(r0, RPT)], acc.at[pl.ds(r0, RPT)])

    plsc.subcore_barrier()

    def group(g, carry):
        @pl.when(g > 0)
        def _():
            pltpu.sync_copy(src_hbm.at[wid, g], src_v)
            pltpu.sync_copy(dst_hbm.at[wid, g], dst_v)
            for b in range(NBUF):
                pltpu.async_copy(z_hbm.at[src_v.at[b]], rows[b], sems[b])

        def outer(t, carry2):
            j0 = t * NBUF
            for b in range(NBUF):
                j = j0 + b
                pltpu.make_async_copy(z_hbm.at[src_v.at[j]], rows[b],
                                      sems[b]).wait()
                pltpu.sync_copy(rows[b], acc.at[dst_v.at[j]], add=True)

                @pl.when(j + NBUF < GRP)
                def _():
                    pltpu.async_copy(z_hbm.at[src_v.at[j + NBUF]], rows[b],
                                     sems[b])
            return carry2

        lax.fori_loop(0, GRP // NBUF, outer, 0)
        return carry

    lax.fori_loop(0, NGRP, group, 0)
    plsc.subcore_barrier()
    pltpu.sync_copy(acc.at[pl.ds(r0, RPT)], out_hbm.at[c, pl.ds(r0, RPT)])


@functools.cache
def _hop_kernel():
    return pl.kernel(
        _hop_body,
        out_type=jax.ShapeDtypeStruct((NC, NPAD, D), jnp.float32),
        mesh=_sc_mesh(),
        scratch_types=[
            pltpu.VMEM((GRP, CH), jnp.int32),
            pltpu.VMEM((GRP, CH), jnp.int32),
            [pltpu.VMEM((CH, D), jnp.float32) for _ in range(NBUF)],
            [pltpu.SemaphoreType.DMA for _ in range(NBUF)],
            pltpu.VMEM_SHARED((NPAD, D), jnp.float32),
        ],
    )


def _hop(z, zeros, src_r, dst_r):
    return _hop_kernel()(z, zeros, src_r, dst_r)


DW = 16
DCH = 80
DGRP = 25
DNGRP = (EPW // DCH) // DGRP


def _deg_body(dst_hbm, zerosn_hbm, ones_hbm, out_hbm, dst_v, ones_v, acc):
    c = lax.axis_index("c")
    s = lax.axis_index("s")
    wid = s * NC + c
    r0 = s * RPT

    pltpu.sync_copy(zerosn_hbm.at[pl.ds(r0, RPT)], acc.at[pl.ds(r0, RPT)])
    pltpu.sync_copy(ones_hbm, ones_v)
    plsc.subcore_barrier()

    def group(g, carry):
        pltpu.sync_copy(dst_hbm.at[wid, g], dst_v)

        def body(j, carry2):
            pltpu.sync_copy(ones_v, acc.at[dst_v.at[j]], add=True)
            return carry2

        lax.fori_loop(0, DGRP, body, 0)
        return carry

    lax.fori_loop(0, DNGRP, group, 0)
    plsc.subcore_barrier()
    pltpu.sync_copy(acc.at[pl.ds(r0, RPT)], out_hbm.at[c, pl.ds(r0, RPT)])


@functools.cache
def _deg_kernel():
    return pl.kernel(
        _deg_body,
        out_type=jax.ShapeDtypeStruct((NC, NPAD, DW), jnp.float32),
        mesh=_sc_mesh(),
        compiler_params=pltpu.CompilerParams(use_tc_tiling_on_sc=False),
        scratch_types=[
            pltpu.VMEM((DGRP, DCH), jnp.int32),
            pltpu.VMEM((DCH, DW), jnp.float32),
            pltpu.VMEM_SHARED((NPAD, DW), jnp.float32),
        ],
    )


def _deg(dst_r, zerosn, ones_c):
    return _deg_kernel()(dst_r, zerosn, ones_c)



def _prep_kernel(dp_ref, x_ref, dinv_ref, dinv2_ref, u0_ref):
    deg = dp_ref[0, :, :1] + dp_ref[1, :, :1] + 1.0
    dinv = lax.rsqrt(deg)
    dinv_ref[...] = dinv
    dinv2_ref[...] = dinv * dinv
    u0_ref[...] = x_ref[...] * dinv


def _tc_prep_scale(degp, x):
    br = 2048
    return pl.pallas_call(
        _prep_kernel,
        grid=(NPAD // br,),
        in_specs=[pl.BlockSpec((NC, br, DW), lambda i: (0, i, 0)),
                  pl.BlockSpec((br, D), lambda i: (i, 0))],
        out_specs=[pl.BlockSpec((br, 1), lambda i: (i, 0)),
                   pl.BlockSpec((br, 1), lambda i: (i, 0)),
                   pl.BlockSpec((br, D), lambda i: (i, 0))],
        out_shape=[jax.ShapeDtypeStruct((NPAD, 1), jnp.float32),
                   jax.ShapeDtypeStruct((NPAD, 1), jnp.float32),
                   jax.ShapeDtypeStruct((NPAD, D), jnp.float32)],
    )(degp, x)


def _combine_kernel(p_ref, s_ref, o_ref):
    o_ref[...] = (p_ref[0] + p_ref[1]) * s_ref[...]


def _tc_combine(p, s):
    br = 2048
    return pl.pallas_call(
        _combine_kernel,
        grid=(NPAD // br,),
        in_specs=[pl.BlockSpec((NC, br, D), lambda i: (0, i, 0)),
                  pl.BlockSpec((br, 1), lambda i: (i, 0))],
        out_specs=pl.BlockSpec((br, D), lambda i: (i, 0)),
        out_shape=jax.ShapeDtypeStruct((NPAD, D), jnp.float32),
    )(p, s)


def _layer_kernel(p_ref, s_ref, w_ref, b_ref, o_ref, *, relu, post_scale):
    t = (p_ref[0] + p_ref[1]) * s_ref[...]
    y = jnp.dot(t, w_ref[...], preferred_element_type=jnp.float32) + b_ref[...]
    if relu:
        y = jnp.maximum(y, 0.0)
    if post_scale:
        y = y * s_ref[...]
    o_ref[...] = y


def _tc_layer(p, s, w, b, relu, post_scale):
    br = 2048
    return pl.pallas_call(
        functools.partial(_layer_kernel, relu=relu, post_scale=post_scale),
        grid=(NPAD // br,),
        in_specs=[pl.BlockSpec((NC, br, D), lambda i: (0, i, 0)),
                  pl.BlockSpec((br, 1), lambda i: (i, 0)),
                  pl.BlockSpec((D, D), lambda i: (0, 0)),
                  pl.BlockSpec((1, D), lambda i: (0, 0))],
        out_specs=pl.BlockSpec((br, D), lambda i: (i, 0)),
        out_shape=jax.ShapeDtypeStruct((NPAD, D), jnp.float32),
    )(p, s, w, b)



def kernel(x, edge_index, W1, b1, W2, b2):
    epw0 = E // NW
    pad = jnp.broadcast_to(
        N + jnp.arange(EPW - epw0, dtype=jnp.int32), (NW, EPW - epw0))
    srcp = jnp.concatenate([edge_index[0].reshape(NW, epw0), pad], axis=1)
    dstp = jnp.concatenate([edge_index[1].reshape(NW, epw0), pad], axis=1)
    src_r = srcp.reshape(NW, NGRP, GRP, CH)
    dst_r = dstp.reshape(NW, NGRP, GRP, CH)
    xp = jnp.pad(x, ((0, NPAD - N), (0, 0)))
    zeros = jnp.zeros((NPAD, D), jnp.float32)
    zerosn = jnp.zeros((NPAD, DW), jnp.float32)
    ones_c = jnp.ones((DCH, DW), jnp.float32)
    dst_rd = dstp.reshape(NW, DNGRP, DGRP, DCH)
    b1r = b1.reshape(1, D)
    b2r = b2.reshape(1, D)

    degp = _deg(dst_rd, zerosn, ones_c)
    dinv, dinv2, u0 = _tc_prep_scale(degp, xp)

    p = _hop(u0, zeros, src_r, dst_r)
    u2 = _tc_combine(p, dinv2)
    p = _hop(u2, zeros, src_r, dst_r)
    v0 = _tc_layer(p, dinv, W1, b1r, relu=True, post_scale=True)
    p = _hop(v0, zeros, src_r, dst_r)
    v2 = _tc_combine(p, dinv2)
    p = _hop(v2, zeros, src_r, dst_r)
    out = _tc_layer(p, dinv, W2, b2r, relu=False, post_scale=False)
    return out[:N]

# --- scband reference (transcript-rebuilt; emitter-appended) ---
"""Pipeline reference for scband-sgc-48241072669149 (READ-ONLY COPY).

The authoritative reference and input builder live on the scoring server;
editing this copy changes nothing except your own understanding.
"""

import jax, jax.numpy as jnp
import numpy as np

N = 10000
E = 320000
D_IN = 128
D_HID = 128
D_OUT = 128
K = 2


def setup_inputs(seed: int = 0) -> dict:
    key = jax.random.key(seed)
    k1, k2, k3, k4, k5, k6 = jax.random.split(key, 6)
    x = jax.random.normal(k1, (N, D_IN), dtype=jnp.float32)
    edge_index = jax.random.randint(k2, (2, E), 0, N, dtype=jnp.int32)
    s1 = 1.0 / np.sqrt(D_IN)
    s2 = 1.0 / np.sqrt(D_HID)
    W1 = jax.random.uniform(k3, (D_IN, D_HID), dtype=jnp.float32, minval=-s1, maxval=s1)
    b1 = jax.random.uniform(k4, (D_HID,), dtype=jnp.float32, minval=-s1, maxval=s1)
    W2 = jax.random.uniform(k5, (D_HID, D_OUT), dtype=jnp.float32, minval=-s2, maxval=s2)
    b2 = jax.random.uniform(k6, (D_OUT,), dtype=jnp.float32, minval=-s2, maxval=s2)
    return {"x": x, "edge_index": edge_index, "W1": W1, "b1": b1, "W2": W2, "b2": b2}


def _sgconv(x, src, dst, edge_weight, W, b, num_nodes, k_hops):
    # gcn_norm with added self-loops (fill_value = 1.0)
    loop = jnp.arange(num_nodes, dtype=src.dtype)
    src_f = jnp.concatenate([src, loop])
    dst_f = jnp.concatenate([dst, loop])
    w_f = jnp.concatenate([edge_weight, jnp.ones((num_nodes,), dtype=edge_weight.dtype)])
    deg = jnp.zeros((num_nodes,), dtype=w_f.dtype).at[dst_f].add(w_f)
    deg_inv_sqrt = jnp.where(deg > 0, deg ** -0.5, 0.0)
    norm = deg_inv_sqrt[src_f] * w_f * deg_inv_sqrt[dst_f]
    # propagate K times: out[dst] += norm * x[src]
    for _ in range(k_hops):
        msgs = norm[:, None] * jnp.take(x, src_f, axis=0)
        x = jnp.zeros((num_nodes, x.shape[1]), dtype=x.dtype).at[dst_f].add(msgs)
    return x @ W + b


def reference(x, edge_index, W1, b1, W2, b2):
    src = edge_index[0]
    dst = edge_index[1]
    # forward default: edge_weight = ones(len(edge_index[0]))
    ew = jnp.ones((edge_index.shape[1],), dtype=jnp.float32)
    # dropout is identity in eval mode
    h = _sgconv(x, src, dst, ew, W1, b1, N, K)
    h = jax.nn.relu(h)
    out = _sgconv(h, src, dst, ew, W2, b2, N, K)
    return out

if __name__ == "__main__":
    import jax
    _d = setup_inputs()
    print(jax.jit(kernel)(*tuple(_d.values())))

</pallas_src>

<mosaic_0001>
#map = affine_map<(d0, d1) -> (0, 0)>
#map1 = affine_map<(d0, d1) -> (0, 0, 0, 0)>
#map2 = affine_map<(d0, d1) -> (0, 0, 0)>
module attributes {stable_mosaic.version = 14 : i64} {
  func.func @_hop_body(%arg0: i32, %arg1: i32, %arg2: memref<10240x128xf32, #tpu.memory_space<hbm>>, %arg3: memref<10240x128xf32, #tpu.memory_space<hbm>>, %arg4: memref<32x5x50x40xi32, #tpu.memory_space<hbm>>, %arg5: memref<32x5x50x40xi32, #tpu.memory_space<hbm>>, %arg6: memref<2x10240x128xf32, #tpu.memory_space<hbm>>, %arg7: memref<50x40xi32, #tpu.memory_space<vmem>>, %arg8: memref<50x40xi32, #tpu.memory_space<vmem>>, %arg9: memref<40x128xf32, #tpu.memory_space<vmem>>, %arg10: memref<40x128xf32, #tpu.memory_space<vmem>>, %arg11: memref<40x128xf32, #tpu.memory_space<vmem>>, %arg12: memref<40x128xf32, #tpu.memory_space<vmem>>, %arg13: memref<40x128xf32, #tpu.memory_space<vmem>>, %arg14: memref<!tpu.dma_semaphore, #tpu.memory_space<semaphore_mem>>, %arg15: memref<!tpu.dma_semaphore, #tpu.memory_space<semaphore_mem>>, %arg16: memref<!tpu.dma_semaphore, #tpu.memory_space<semaphore_mem>>, %arg17: memref<!tpu.dma_semaphore, #tpu.memory_space<semaphore_mem>>, %arg18: memref<!tpu.dma_semaphore, #tpu.memory_space<semaphore_mem>>, %arg19: memref<10240x128xf32, #tpu.memory_space<vmem_shared>>) attributes {dimension_semantics = [#tpu.dimension_semantics<core_parallel>, #tpu.dimension_semantics<subcore_parallel>], iteration_bounds = array<i64: 2, 16>, scalar_prefetch = 0 : i64, scratch_operands = 13 : i64, tpu.core_type = #tpu.core_type<sc_vector_subcore>, window_params = [{transform_indices = #map}, {transform_indices = #map}, {transform_indices = #map1}, {transform_indices = #map1}, {transform_indices = #map2}]} {
    %mul3A = arith.constant 2 : i32
    %mul3A_0 = arith.muli %arg1, %mul3A : i32
    %add3A = arith.addi %mul3A_0, %arg0 : i32
    %mul3A_1 = arith.constant 640 : i32
    %mul3A_2 = arith.muli %arg1, %mul3A_1 : i32
    %run_scoped3A = arith.constant 0 : i32
    "tpu.region"() ({
      %run_scoped3A_51 = tpu.sem_alloc : memref<!tpu.dma_semaphore, #tpu.memory_space<semaphore_mem>>
      %dma_start3A_52 = arith.constant 0 : i32
      %dma_start3A_53 = arith.constant 0 : i32
      %dma_start3A_54 = tpu.memref_slice %arg4[%add3A, %run_scoped3A, %dma_start3A_52, %dma_start3A_53] : memref<32x5x50x40xi32, #tpu.memory_space<hbm>> -> memref<1x1x50x40xi32, #tpu.memory_space<hbm>>
      %dma_start3A_55 = tpu.memref_squeeze %dma_start3A_54 : memref<1x1x50x40xi32, #tpu.memory_space<hbm>> -> memref<50x40xi32, #tpu.memory_space<hbm>>
      %dma_start3A_56 = arith.constant 0 : i32
      %dma_start3A_57 = arith.constant 0 : i32
      %dma_start3A_58 = tpu.memref_slice %arg4[%add3A, %run_scoped3A, %dma_start3A_56, %dma_start3A_57] : memref<32x5x50x40xi32, #tpu.memory_space<hbm>> -> memref<1x1x50x40xi32, #tpu.memory_space<hbm>>
      %dma_start3A_59 = tpu.memref_squeeze %dma_start3A_58 : memref<1x1x50x40xi32, #tpu.memory_space<hbm>> -> memref<50x40xi32, #tpu.memory_space<hbm>>
      tpu.enqueue_dma source(%dma_start3A_59 : memref<50x40xi32, #tpu.memory_space<hbm>>) target(%arg7 : memref<50x40xi32, #tpu.memory_space<vmem>>) target_semaphore(%run_scoped3A_51 : memref<!tpu.dma_semaphore, #tpu.memory_space<semaphore_mem>>)
      %dma_wait3A = arith.constant 0 : i32
      %dma_wait3A_60 = arith.constant 0 : i32
      %dma_wait3A_61 = tpu.memref_slice %arg4[%add3A, %run_scoped3A, %dma_wait3A, %dma_wait3A_60] : memref<32x5x50x40xi32, #tpu.memory_space<hbm>> -> memref<1x1x50x40xi32, #tpu.memory_space<hbm>>
      %dma_wait3A_62 = tpu.memref_squeeze %dma_wait3A_61 : memref<1x1x50x40xi32, #tpu.memory_space<hbm>> -> memref<50x40xi32, #tpu.memory_space<hbm>>
      %dma_wait3A_63 = arith.constant 0 : i32
      %dma_wait3A_64 = arith.constant 0 : i32
      %dma_wait3A_65 = tpu.memref_slice %arg4[%add3A, %run_scoped3A, %dma_wait3A_63, %dma_wait3A_64] : memref<32x5x50x40xi32, #tpu.memory_space<hbm>> -> memref<1x1x50x40xi32, #tpu.memory_space<hbm>>
      %dma_wait3A_66 = tpu.memref_squeeze %dma_wait3A_65 : memref<1x1x50x40xi32, #tpu.memory_space<hbm>> -> memref<50x40xi32, #tpu.memory_space<hbm>>
      tpu.wait_dma2 semaphore(%run_scoped3A_51 : memref<!tpu.dma_semaphore, #tpu.memory_space<semaphore_mem>>) src(%dma_wait3A_66 : memref<50x40xi32, #tpu.memory_space<hbm>>) dst(%arg7 : memref<50x40xi32, #tpu.memory_space<vmem>>)
      tpu.yield
    }) : () -> ()
    %run_scoped3A_3 = arith.constant 0 : i32
    "tpu.region"() ({
      %run_scoped3A_51 = tpu.sem_alloc : memref<!tpu.dma_semaphore, #tpu.memory_space<semaphore_mem>>
      %dma_start3A_52 = arith.constant 0 : i32
      %dma_start3A_53 = arith.constant 0 : i32
      %dma_start3A_54 = tpu.memref_slice %arg5[%add3A, %run_scoped3A_3, %dma_start3A_52, %dma_start3A_53] : memref<32x5x50x40xi32, #tpu.memory_space<hbm>> -> memref<1x1x50x40xi32, #tpu.memory_space<hbm>>
      %dma_start3A_55 = tpu.memref_squeeze %dma_start3A_54 : memref<1x1x50x40xi32, #tpu.memory_space<hbm>> -> memref<50x40xi32, #tpu.memory_space<hbm>>
      %dma_start3A_56 = arith.constant 0 : i32
      %dma_start3A_57 = arith.constant 0 : i32
      %dma_start3A_58 = tpu.memref_slice %arg5[%add3A, %run_scoped3A_3, %dma_start3A_56, %dma_start3A_57] : memref<32x5x50x40xi32, #tpu.memory_space<hbm>> -> memref<1x1x50x40xi32, #tpu.memory_space<hbm>>
      %dma_start3A_59 = tpu.memref_squeeze %dma_start3A_58 : memref<1x1x50x40xi32, #tpu.memory_space<hbm>> -> memref<50x40xi32, #tpu.memory_space<hbm>>
      tpu.enqueue_dma source(%dma_start3A_59 : memref<50x40xi32, #tpu.memory_space<hbm>>) target(%arg8 : memref<50x40xi32, #tpu.memory_space<vmem>>) target_semaphore(%run_scoped3A_51 : memref<!tpu.dma_semaphore, #tpu.memory_space<semaphore_mem>>)
      %dma_wait3A = arith.constant 0 : i32
      %dma_wait3A_60 = arith.constant 0 : i32
      %dma_wait3A_61 = tpu.memref_slice %arg5[%add3A, %run_scoped3A_3, %dma_wait3A, %dma_wait3A_60] : memref<32x5x50x40xi32, #tpu.memory_space<hbm>> -> memref<1x1x50x40xi32, #tpu.memory_space<hbm>>
      %dma_wait3A_62 = tpu.memref_squeeze %dma_wait3A_61 : memref<1x1x50x40xi32, #tpu.memory_space<hbm>> -> memref<50x40xi32, #tpu.memory_space<hbm>>
      %dma_wait3A_63 = arith.constant 0 : i32
      %dma_wait3A_64 = arith.constant 0 : i32
      %dma_wait3A_65 = tpu.memref_slice %arg5[%add3A, %run_scoped3A_3, %dma_wait3A_63, %dma_wait3A_64] : memref<32x5x50x40xi32, #tpu.memory_space<hbm>> -> memref<1x1x50x40xi32, #tpu.memory_space<hbm>>
      %dma_wait3A_66 = tpu.memref_squeeze %dma_wait3A_65 : memref<1x1x50x40xi32, #tpu.memory_space<hbm>> -> memref<50x40xi32, #tpu.memory_space<hbm>>
      tpu.wait_dma2 semaphore(%run_scoped3A_51 : memref<!tpu.dma_semaphore, #tpu.memory_space<semaphore_mem>>) src(%dma_wait3A_66 : memref<50x40xi32, #tpu.memory_space<hbm>>) dst(%arg8 : memref<50x40xi32, #tpu.memory_space<vmem>>)
      tpu.yield
    }) : () -> ()
    %dma_start3A = arith.constant 0 : i32
    %dma_start3A_4 = arith.constant 0 : i32
    %dma_start3A_5 = tpu.memref_slice %arg7[%dma_start3A, %dma_start3A_4] : memref<50x40xi32, #tpu.memory_space<vmem>> -> memref<1x40xi32, #tpu.memory_space<vmem>>
    %dma_start3A_6 = tpu.memref_squeeze %dma_start3A_5 : memref<1x40xi32, #tpu.memory_space<vmem>> -> memref<40xi32, #tpu.memory_space<vmem>>
    %dma_start3A_7 = arith.constant 0 : i32
    %dma_start3A_8 = arith.constant 0 : i32
    %dma_start3A_9 = tpu.memref_slice %arg2[%dma_start3A_7, %dma_start3A_8] : memref<10240x128xf32, #tpu.memory_space<hbm>> -> memref<10240x128xf32, #tpu.memory_space<hbm>>
    tpu.enqueue_indirect_dma source(%dma_start3A_9 : memref<10240x128xf32, #tpu.memory_space<hbm>>) target(%arg9 : memref<40x128xf32, #tpu.memory_space<vmem>>) offsets(%dma_start3A_6 : memref<40xi32, #tpu.memory_space<vmem>>) semaphore(%arg14 : memref<!tpu.dma_semaphore, #tpu.memory_space<semaphore_mem>>)
    %dma_start3A_10 = arith.constant 1 : i32
    %dma_start3A_11 = arith.constant 0 : i32
    %dma_start3A_12 = tpu.memref_slice %arg7[%dma_start3A_10, %dma_start3A_11] : memref<50x40xi32, #tpu.memory_space<vmem>> -> memref<1x40xi32, #tpu.memory_space<vmem>>
    %dma_start3A_13 = tpu.memref_squeeze %dma_start3A_12 : memref<1x40xi32, #tpu.memory_space<vmem>> -> memref<40xi32, #tpu.memory_space<vmem>>
    %dma_start3A_14 = arith.constant 0 : i32
    %dma_start3A_15 = arith.constant 0 : i32
    %dma_start3A_16 = tpu.memref_slice %arg2[%dma_start3A_14, %dma_start3A_15] : memref<10240x128xf32, #tpu.memory_space<hbm>> -> memref<10240x128xf32, #tpu.memory_space<hbm>>
    tpu.enqueue_indirect_dma source(%dma_start3A_16 : memref<10240x128xf32, #tpu.memory_space<hbm>>) target(%arg10 : memref<40x128xf32, #tpu.memory_space<vmem>>) offsets(%dma_start3A_13 : memref<40xi32, #tpu.memory_space<vmem>>) semaphore(%arg15 : memref<!tpu.dma_semaphore, #tpu.memory_space<semaphore_mem>>)
    %dma_start3A_17 = arith.constant 2 : i32
    %dma_start3A_18 = arith.constant 0 : i32
    %dma_start3A_19 = tpu.memref_slice %arg7[%dma_start3A_17, %dma_start3A_18] : memref<50x40xi32, #tpu.memory_space<vmem>> -> memref<1x40xi32, #tpu.memory_space<vmem>>
    %dma_start3A_20 = tpu.memref_squeeze %dma_start3A_19 : memref<1x40xi32, #tpu.memory_space<vmem>> -> memref<40xi32, #tpu.memory_space<vmem>>
    %dma_start3A_21 = arith.constant 0 : i32
    %dma_start3A_22 = arith.constant 0 : i32
    %dma_start3A_23 = tpu.memref_slice %arg2[%dma_start3A_21, %dma_start3A_22] : memref<10240x128xf32, #tpu.memory_space<hbm>> -> memref<10240x128xf32, #tpu.memory_space<hbm>>
    tpu.enqueue_indirect_dma source(%dma_start3A_23 : memref<10240x128xf32, #tpu.memory_space<hbm>>) target(%arg11 : memref<40x128xf32, #tpu.memory_space<vmem>>) offsets(%dma_start3A_20 : memref<40xi32, #tpu.memory_space<vmem>>) semaphore(%arg16 : memref<!tpu.dma_semaphore, #tpu.memory_space<semaphore_mem>>)
    %dma_start3A_24 = arith.constant 3 : i32
    %dma_start3A_25 = arith.constant 0 : i32
    %dma_start3A_26 = tpu.memref_slice %arg7[%dma_start3A_24, %dma_start3A_25] : memref<50x40xi32, #tpu.memory_space<vmem>> -> memref<1x40xi32, #tpu.memory_space<vmem>>
    %dma_start3A_27 = tpu.memref_squeeze %dma_start3A_26 : memref<1x40xi32, #tpu.memory_space<vmem>> -> memref<40xi32, #tpu.memory_space<vmem>>
    %dma_start3A_28 = arith.constant 0 : i32
    %dma_start3A_29 = arith.constant 0 : i32
    %dma_start3A_30 = tpu.memref_slice %arg2[%dma_start3A_28, %dma_start3A_29] : memref<10240x128xf32, #tpu.memory_space<hbm>> -> memref<10240x128xf32, #tpu.memory_space<hbm>>
    tpu.enqueue_indirect_dma source(%dma_start3A_30 : memref<10240x128xf32, #tpu.memory_space<hbm>>) target(%arg12 : memref<40x128xf32, #tpu.memory_space<vmem>>) offsets(%dma_start3A_27 : memref<40xi32, #tpu.memory_space<vmem>>) semaphore(%arg17 : memref<!tpu.dma_semaphore, #tpu.memory_space<semaphore_mem>>)
    %dma_start3A_31 = arith.constant 4 : i32
    %dma_start3A_32 = arith.constant 0 : i32
    %dma_start3A_33 = tpu.memref_slice %arg7[%dma_start3A_31, %dma_start3A_32] : memref<50x40xi32, #tpu.memory_space<vmem>> -> memref<1x40xi32, #tpu.memory_space<vmem>>
    %dma_start3A_34 = tpu.memref_squeeze %dma_start3A_33 : memref<1x40xi32, #tpu.memory_space<vmem>> -> memref<40xi32, #tpu.memory_space<vmem>>
    %dma_start3A_35 = arith.constant 0 : i32
    %dma_start3A_36 = arith.constant 0 : i32
    %dma_start3A_37 = tpu.memref_slice %arg2[%dma_start3A_35, %dma_start3A_36] : memref<10240x128xf32, #tpu.memory_space<hbm>> -> memref<10240x128xf32, #tpu.memory_space<hbm>>
    tpu.enqueue_indirect_dma source(%dma_start3A_37 : memref<10240x128xf32, #tpu.memory_space<hbm>>) target(%arg13 : memref<40x128xf32, #tpu.memory_space<vmem>>) offsets(%dma_start3A_34 : memref<40xi32, #tpu.memory_space<vmem>>) semaphore(%arg18 : memref<!tpu.dma_semaphore, #tpu.memory_space<semaphore_mem>>)
    %eq3A = arith.constant 0 : i32
    %eq3A_38 = arith.cmpi eq, %arg0, %eq3A : i32
    %convert_element_type3A = arith.extui %eq3A_38 : i1 to i32
    %cond3A = arith.constant 0 : i32
    %cond3A_39 = arith.cmpi ne, %convert_element_type3A, %cond3A : i32
    scf.if %cond3A_39 {
      "tpu.region"() ({
        %run_scoped3A_51 = tpu.sem_alloc : memref<!tpu.dma_semaphore, #tpu.memory_space<semaphore_mem>>
        %dma_start3A_52 = arith.constant 0 : i32
        %dma_start3A_53 = tpu.memref_slice %arg19[%mul3A_2, %dma_start3A_52] : memref<10240x128xf32, #tpu.memory_space<vmem_shared>> -> memref<640x128xf32, #tpu.memory_space<vmem_shared>>
        %dma_start3A_54 = arith.constant 0 : i32
        %dma_start3A_55 = tpu.memref_slice %arg2[%mul3A_2, %dma_start3A_54] : memref<10240x128xf32, #tpu.memory_space<hbm>> -> memref<640x128xf32, #tpu.memory_space<hbm>>
        tpu.enqueue_dma source(%dma_start3A_55 : memref<640x128xf32, #tpu.memory_space<hbm>>) target(%dma_start3A_53 : memref<640x128xf32, #tpu.memory_space<vmem_shared>>) target_semaphore(%run_scoped3A_51 : memref<!tpu.dma_semaphore, #tpu.memory_space<semaphore_mem>>)
        %dma_wait3A = arith.constant 0 : i32
        %dma_wait3A_56 = tpu.memref_slice %arg19[%mul3A_2, %dma_wait3A] : memref<10240x128xf32, #tpu.memory_space<vmem_shared>> -> memref<640x128xf32, #tpu.memory_space<vmem_shared>>
        %dma_wait3A_57 = arith.constant 0 : i32
        %dma_wait3A_58 = tpu.memref_slice %arg2[%mul3A_2, %dma_wait3A_57] : memref<10240x128xf32, #tpu.memory_space<hbm>> -> memref<640x128xf32, #tpu.memory_space<hbm>>
        tpu.wait_dma2 semaphore(%run_scoped3A_51 : memref<!tpu.dma_semaphore, #tpu.memory_space<semaphore_mem>>) src(%dma_wait3A_58 : memref<640x128xf32, #tpu.memory_space<hbm>>) dst(%dma_wait3A_56 : memref<640x128xf32, #tpu.memory_space<vmem_shared>>)
        tpu.yield
      }) : () -> ()
    } else {
    }
    %eq3A_40 = arith.constant 1 : i32
    %eq3A_41 = arith.cmpi eq, %arg0, %eq3A_40 : i32
    %convert_element_type3A_42 = arith.extui %eq3A_41 : i1 to i32
    %cond3A_43 = arith.constant 0 : i32
    %cond3A_44 = arith.cmpi ne, %convert_element_type3A_42, %cond3A_43 : i32
    scf.if %cond3A_44 {
      "tpu.region"() ({
        %run_scoped3A_51 = tpu.sem_alloc : memref<!tpu.dma_semaphore, #tpu.memory_space<semaphore_mem>>
        %dma_start3A_52 = arith.constant 0 : i32
        %dma_start3A_53 = tpu.memref_slice %arg19[%mul3A_2, %dma_start3A_52] : memref<10240x128xf32, #tpu.memory_space<vmem_shared>> -> memref<640x128xf32, #tpu.memory_space<vmem_shared>>
        %dma_start3A_54 = arith.constant 0 : i32
        %dma_start3A_55 = tpu.memref_slice %arg3[%mul3A_2, %dma_start3A_54] : memref<10240x128xf32, #tpu.memory_space<hbm>> -> memref<640x128xf32, #tpu.memory_space<hbm>>
        tpu.enqueue_dma source(%dma_start3A_55 : memref<640x128xf32, #tpu.memory_space<hbm>>) target(%dma_start3A_53 : memref<640x128xf32, #tpu.memory_space<vmem_shared>>) target_semaphore(%run_scoped3A_51 : memref<!tpu.dma_semaphore, #tpu.memory_space<semaphore_mem>>)
        %dma_wait3A = arith.constant 0 : i32
        %dma_wait3A_56 = tpu.memref_slice %arg19[%mul3A_2, %dma_wait3A] : memref<10240x128xf32, #tpu.memory_space<vmem_shared>> -> memref<640x128xf32, #tpu.memory_space<vmem_shared>>
        %dma_wait3A_57 = arith.constant 0 : i32
        %dma_wait3A_58 = tpu.memref_slice %arg3[%mul3A_2, %dma_wait3A_57] : memref<10240x128xf32, #tpu.memory_space<hbm>> -> memref<640x128xf32, #tpu.memory_space<hbm>>
        tpu.wait_dma2 semaphore(%run_scoped3A_51 : memref<!tpu.dma_semaphore, #tpu.memory_space<semaphore_mem>>) src(%dma_wait3A_58 : memref<640x128xf32, #tpu.memory_space<hbm>>) dst(%dma_wait3A_56 : memref<640x128xf32, #tpu.memory_space<vmem_shared>>)
        tpu.yield
      }) : () -> ()
    } else {
    }
    %barrier3A = arith.constant 0 : index
    tpu.barrier barrier_id(%barrier3A)
    %scan3A = arith.constant 0 : i32
    %scan3A_45 = arith.constant 0 : i32
    %scan3A_46 = arith.constant 5 : i32
    %scan3A_47 = arith.addi %scan3A_45, %scan3A_46 : i32
    %scan3A_48 = arith.constant 1 : i32
    scf.for %scan3A_51 = %scan3A_45 to %scan3A_47 step %scan3A_48  : i32 {
      %gt3A = arith.constant 0 : i32
      %gt3A_52 = arith.cmpi sgt, %scan3A_51, %gt3A : i32
      %convert_element_type3A_53 = arith.extui %gt3A_52 : i1 to i32
      %cond3A_54 = arith.constant 0 : i32
      %cond3A_55 = arith.cmpi ne, %convert_element_type3A_53, %cond3A_54 : i32
      scf.if %cond3A_55 {
        "tpu.region"() ({
          %run_scoped3A_97 = tpu.sem_alloc : memref<!tpu.dma_semaphore, #tpu.memory_space<semaphore_mem>>
          %dma_start3A_98 = arith.constant 0 : i32
          %dma_start3A_99 = arith.constant 0 : i32
          %dma_start3A_100 = tpu.memref_slice %arg4[%add3A, %scan3A_51, %dma_start3A_98, %dma_start3A_99] : memref<32x5x50x40xi32, #tpu.memory_space<hbm>> -> memref<1x1x50x40xi32, #tpu.memory_space<hbm>>
          %dma_start3A_101 = tpu.memref_squeeze %dma_start3A_100 : memref<1x1x50x40xi32, #tpu.memory_space<hbm>> -> memref<50x40xi32, #tpu.memory_space<hbm>>
          %dma_start3A_102 = arith.constant 0 : i32
          %dma_start3A_103 = arith.constant 0 : i32
          %dma_start3A_104 = tpu.memref_slice %arg4[%add3A, %scan3A_51, %dma_start3A_102, %dma_start3A_103] : memref<32x5x50x40xi32, #tpu.memory_space<hbm>> -> memref<1x1x50x40xi32, #tpu.memory_space<hbm>>
          %dma_start3A_105 = tpu.memref_squeeze %dma_start3A_104 : memref<1x1x50x40xi32, #tpu.memory_space<hbm>> -> memref<50x40xi32, #tpu.memory_space<hbm>>
          tpu.enqueue_dma source(%dma_start3A_105 : memref<50x40xi32, #tpu.memory_space<hbm>>) target(%arg7 : memref<50x40xi32, #tpu.memory_space<vmem>>) target_semaphore(%run_scoped3A_97 : memref<!tpu.dma_semaphore, #tpu.memory_space<semaphore_mem>>)
          %dma_wait3A = arith.constant 0 : i32
          %dma_wait3A_106 = arith.constant 0 : i32
          %dma_wait3A_107 = tpu.memref_slice %arg4[%add3A, %scan3A_51, %dma_wait3A, %dma_wait3A_106] : memref<32x5x50x40xi32, #tpu.memory_space<hbm>> -> memref<1x1x50x40xi32, #tpu.memory_space<hbm>>
          %dma_wait3A_108 = tpu.memref_squeeze %dma_wait3A_107 : memref<1x1x50x40xi32, #tpu.memory_space<hbm>> -> memref<50x40xi32, #tpu.memory_space<hbm>>
          %dma_wait3A_109 = arith.constant 0 : i32
          %dma_wait3A_110 = arith.constant 0 : i32
          %dma_wait3A_111 = tpu.memref_slice %arg4[%add3A, %scan3A_51, %dma_wait3A_109, %dma_wait3A_110] : memref<32x5x50x40xi32, #tpu.memory_space<hbm>> -> memref<1x1x50x40xi32, #tpu.memory_space<hbm>>
          %dma_wait3A_112 = tpu.memref_squeeze %dma_wait3A_111 : memref<1x1x50x40xi32, #tpu.memory_space<hbm>> -> memref<50x40xi32, #tpu.memory_space<hbm>>
          tpu.wait_dma2 semaphore(%run_scoped3A_97 : memref<!tpu.dma_semaphore, #tpu.memory_space<semaphore_mem>>) src(%dma_wait3A_112 : memref<50x40xi32, #tpu.memory_space<hbm>>) dst(%arg7 : memref<50x40xi32, #tpu.memory_space<vmem>>)
          tpu.yield
        }) : () -> ()
        "tpu.region"() ({
          %run_scoped3A_97 = tpu.sem_alloc : memref<!tpu.dma_semaphore, #tpu.memory_space<semaphore_mem>>
          %dma_start3A_98 = arith.constant 0 : i32
          %dma_start3A_99 = arith.constant 0 : i32
          %dma_start3A_100 = tpu.memref_slice %arg5[%add3A, %scan3A_51, %dma_start3A_98, %dma_start3A_99] : memref<32x5x50x40xi32, #tpu.memory_space<hbm>> -> memref<1x1x50x40xi32, #tpu.memory_space<hbm>>
          %dma_start3A_101 = tpu.memref_squeeze %dma_start3A_100 : memref<1x1x50x40xi32, #tpu.memory_space<hbm>> -> memref<50x40xi32, #tpu.memory_space<hbm>>
          %dma_start3A_102 = arith.constant 0 : i32
          %dma_start3A_103 = arith.constant 0 : i32
          %dma_start3A_104 = tpu.memref_slice %arg5[%add3A, %scan3A_51, %dma_start3A_102, %dma_start3A_103] : memref<32x5x50x40xi32, #tpu.memory_space<hbm>> -> memref<1x1x50x40xi32, #tpu.memory_space<hbm>>
          %dma_start3A_105 = tpu.memref_squeeze %dma_start3A_104 : memref<1x1x50x40xi32, #tpu.memory_space<hbm>> -> memref<50x40xi32, #tpu.memory_space<hbm>>
          tpu.enqueue_dma source(%dma_start3A_105 : memref<50x40xi32, #tpu.memory_space<hbm>>) target(%arg8 : memref<50x40xi32, #tpu.memory_space<vmem>>) target_semaphore(%run_scoped3A_97 : memref<!tpu.dma_semaphore, #tpu.memory_space<semaphore_mem>>)
          %dma_wait3A = arith.constant 0 : i32
          %dma_wait3A_106 = arith.constant 0 : i32
          %dma_wait3A_107 = tpu.memref_slice %arg5[%add3A, %scan3A_51, %dma_wait3A, %dma_wait3A_106] : memref<32x5x50x40xi32, #tpu.memory_space<hbm>> -> memref<1x1x50x40xi32, #tpu.memory_space<hbm>>
          %dma_wait3A_108 = tpu.memref_squeeze %dma_wait3A_107 : memref<1x1x50x40xi32, #tpu.memory_space<hbm>> -> memref<50x40xi32, #tpu.memory_space<hbm>>
          %dma_wait3A_109 = arith.constant 0 : i32
          %dma_wait3A_110 = arith.constant 0 : i32
          %dma_wait3A_111 = tpu.memref_slice %arg5[%add3A, %scan3A_51, %dma_wait3A_109, %dma_wait3A_110] : memref<32x5x50x40xi32, #tpu.memory_space<hbm>> -> memref<1x1x50x40xi32, #tpu.memory_space<hbm>>
          %dma_wait3A_112 = tpu.memref_squeeze %dma_wait3A_111 : memref<1x1x50x40xi32, #tpu.memory_space<hbm>> -> memref<50x40xi32, #tpu.memory_space<hbm>>
          tpu.wait_dma2 semaphore(%run_scoped3A_97 : memref<!tpu.dma_semaphore, #tpu.memory_space<semaphore_mem>>) src(%dma_wait3A_112 : memref<50x40xi32, #tpu.memory_space<hbm>>) dst(%arg8 : memref<50x40xi32, #tpu.memory_space<vmem>>)
          tpu.yield
        }) : () -> ()
        %dma_start3A_62 = arith.constant 0 : i32
        %dma_start3A_63 = arith.constant 0 : i32
        %dma_start3A_64 = tpu.memref_slice %arg7[%dma_start3A_62, %dma_start3A_63] : memref<50x40xi32, #tpu.memory_space<vmem>> -> memref<1x40xi32, #tpu.memory_space<vmem>>
        %dma_start3A_65 = tpu.memref_squeeze %dma_start3A_64 : memref<1x40xi32, #tpu.memory_space<vmem>> -> memref<40xi32, #tpu.memory_space<vmem>>
        %dma_start3A_66 = arith.constant 0 : i32
        %dma_start3A_67 = arith.constant 0 : i32
        %dma_start3A_68 = tpu.memref_slice %arg2[%dma_start3A_66, %dma_start3A_67] : memref<10240x128xf32, #tpu.memory_space<hbm>> -> memref<10240x128xf32, #tpu.memory_space<hbm>>
        tpu.enqueue_indirect_dma source(%dma_start3A_68 : memref<10240x128xf32, #tpu.memory_space<hbm>>) target(%arg9 : memref<40x128xf32, #tpu.memory_space<vmem>>) offsets(%dma_start3A_65 : memref<40xi32, #tpu.memory_space<vmem>>) semaphore(%arg14 : memref<!tpu.dma_semaphore, #tpu.memory_space<semaphore_mem>>)
        %dma_start3A_69 = arith.constant 1 : i32
        %dma_start3A_70 = arith.constant 0 : i32
        %dma_start3A_71 = tpu.memref_slice %arg7[%dma_start3A_69, %dma_start3A_70] : memref<50x40xi32, #tpu.memory_space<vmem>> -> memref<1x40xi32, #tpu.memory_space<vmem>>
        %dma_start3A_72 = tpu.memref_squeeze %dma_start3A_71 : memref<1x40xi32, #tpu.memory_space<vmem>> -> memref<40xi32, #tpu.memory_space<vmem>>
        %dma_start3A_73 = arith.constant 0 : i32
        %dma_start3A_74 = arith.constant 0 : i32
        %dma_start3A_75 = tpu.memref_slice %arg2[%dma_start3A_73, %dma_start3A_74] : memref<10240x128xf32, #tpu.memory_space<hbm>> -> memref<10240x128xf32, #tpu.memory_space<hbm>>
        tpu.enqueue_indirect_dma source(%dma_start3A_75 : memref<10240x128xf32, #tpu.memory_space<hbm>>) target(%arg10 : memref<40x128xf32, #tpu.memory_space<vmem>>) offsets(%dma_start3A_72 : memref<40xi32, #tpu.memory_space<vmem>>) semaphore(%arg15 : memref<!tpu.dma_semaphore, #tpu.memory_space<semaphore_mem>>)
        %dma_start3A_76 = arith.constant 2 : i32
        %dma_start3A_77 = arith.constant 0 : i32
        %dma_start3A_78 = tpu.memref_slice %arg7[%dma_start3A_76, %dma_start3A_77] : memref<50x40xi32, #tpu.memory_space<vmem>> -> memref<1x40xi32, #tpu.memory_space<vmem>>
        %dma_start3A_79 = tpu.memref_squeeze %dma_start3A_78 : memref<1x40xi32, #tpu.memory_space<vmem>> -> memref<40xi32, #tpu.memory_space<vmem>>
        %dma_start3A_80 = arith.constant 0 : i32
        %dma_start3A_81 = arith.constant 0 : i32
        %dma_start3A_82 = tpu.memref_slice %arg2[%dma_start3A_80, %dma_start3A_81] : memref<10240x128xf32, #tpu.memory_space<hbm>> -> memref<10240x128xf32, #tpu.memory_space<hbm>>
        tpu.enqueue_indirect_dma source(%dma_start3A_82 : memref<10240x128xf32, #tpu.memory_space<hbm>>) target(%arg11 : memref<40x128xf32, #tpu.memory_space<vmem>>) offsets(%dma_start3A_79 : memref<40xi32, #tpu.memory_space<vmem>>) semaphore(%arg16 : memref<!tpu.dma_semaphore, #tpu.memory_space<semaphore_mem>>)
        %dma_start3A_83 = arith.constant 3 : i32
        %dma_start3A_84 = arith.constant 0 : i32
        %dma_start3A_85 = tpu.memref_slice %arg7[%dma_start3A_83, %dma_start3A_84] : memref<50x40xi32, #tpu.memory_space<vmem>> -> memref<1x40xi32, #tpu.memory_space<vmem>>
        %dma_start3A_86 = tpu.memref_squeeze %dma_start3A_85 : memref<1x40xi32, #tpu.memory_space<vmem>> -> memref<40xi32, #tpu.memory_space<vmem>>
        %dma_start3A_87 = arith.constant 0 : i32
        %dma_start3A_88 = arith.constant 0 : i32
        %dma_start3A_89 = tpu.memref_slice %arg2[%dma_start3A_87, %dma_start3A_88] : memref<10240x128xf32, #tpu.memory_space<hbm>> -> memref<10240x128xf32, #tpu.memory_space<hbm>>
        tpu.enqueue_indirect_dma source(%dma_start3A_89 : memref<10240x128xf32, #tpu.memory_space<hbm>>) target(%arg12 : memref<40x128xf32, #tpu.memory_space<vmem>>) offsets(%dma_start3A_86 : memref<40xi32, #tpu.memory_space<vmem>>) semaphore(%arg17 : memref<!tpu.dma_semaphore, #tpu.memory_space<semaphore_mem>>)
        %dma_start3A_90 = arith.constant 4 : i32
        %dma_start3A_91 = arith.constant 0 : i32
        %dma_start3A_92 = tpu.memref_slice %arg7[%dma_start3A_90, %dma_start3A_91] : memref<50x40xi32, #tpu.memory_space<vmem>> -> memref<1x40xi32, #tpu.memory_space<vmem>>
        %dma_start3A_93 = tpu.memref_squeeze %dma_start3A_92 : memref<1x40xi32, #tpu.memory_space<vmem>> -> memref<40xi32, #tpu.memory_space<vmem>>
        %dma_start3A_94 = arith.constant 0 : i32
        %dma_start3A_95 = arith.constant 0 : i32
        %dma_start3A_96 = tpu.memref_slice %arg2[%dma_start3A_94, %dma_start3A_95] : memref<10240x128xf32, #tpu.memory_space<hbm>> -> memref<10240x128xf32, #tpu.memory_space<hbm>>
        tpu.enqueue_indirect_dma source(%dma_start3A_96 : memref<10240x128xf32, #tpu.memory_space<hbm>>) target(%arg13 : memref<40x128xf32, #tpu.memory_space<vmem>>) offsets(%dma_start3A_93 : memref<40xi32, #tpu.memory_space<vmem>>) semaphore(%arg18 : memref<!tpu.dma_semaphore, #tpu.memory_space<semaphore_mem>>)
      } else {
      }
      %scan3A_56 = arith.constant 0 : i32
      %scan3A_57 = arith.constant 0 : i32
      %scan3A_58 = arith.constant 10 : i32
      %scan3A_59 = arith.addi %scan3A_57, %scan3A_58 : i32
      %scan3A_60 = arith.constant 1 : i32
      scf.for %scan3A_62 = %scan3A_57 to %scan3A_59 step %scan3A_60  : i32 {
        %mul3A_63 = arith.constant 5 : i32
        %mul3A_64 = arith.muli %scan3A_62, %mul3A_63 : i32
        %add3A_65 = arith.constant 0 : i32
        %add3A_66 = arith.addi %mul3A_64, %add3A_65 : i32
        %dma_wait3A = arith.constant 0 : i32
        %dma_wait3A_67 = tpu.memref_slice %arg7[%add3A_66, %dma_wait3A] : memref<50x40xi32, #tpu.memory_space<vmem>> -> memref<1x40xi32, #tpu.memory_space<vmem>>
        %dma_wait3A_68 = tpu.memref_squeeze %dma_wait3A_67 : memref<1x40xi32, #tpu.memory_space<vmem>> -> memref<40xi32, #tpu.memory_space<vmem>>
        %dma_wait3A_69 = arith.constant 0 : i32
        %dma_wait3A_70 = arith.constant 0 : i32
        %dma_wait3A_71 = tpu.memref_slice %arg2[%dma_wait3A_69, %dma_wait3A_70] : memref<10240x128xf32, #tpu.memory_space<hbm>> -> memref<10240x128xf32, #tpu.memory_space<hbm>>
        tpu.wait_indirect_dma semaphore(%arg14 : memref<!tpu.dma_semaphore, #tpu.memory_space<semaphore_mem>>) src(%dma_wait3A_71 : memref<10240x128xf32, #tpu.memory_space<hbm>>) dst(%arg9 : memref<40x128xf32, #tpu.memory_space<vmem>>)
        "tpu.region"() ({
          %run_scoped3A_138 = tpu.sem_alloc : memref<!tpu.dma_semaphore, #tpu.memory_space<semaphore_mem>>
          %dma_start3A_139 = arith.constant 0 : i32
          %dma_start3A_140 = tpu.memref_slice %arg8[%add3A_66, %dma_start3A_139] : memref<50x40xi32, #tpu.memory_space<vmem>> -> memref<1x40xi32, #tpu.memory_space<vmem>>
          %dma_start3A_141 = tpu.memref_squeeze %dma_start3A_140 : memref<1x40xi32, #tpu.memory_space<vmem>> -> memref<40xi32, #tpu.memory_space<vmem>>
          %dma_start3A_142 = arith.constant 0 : i32
          %dma_start3A_143 = arith.constant 0 : i32
          %dma_start3A_144 = tpu.memref_slice %arg19[%dma_start3A_142, %dma_start3A_143] : memref<10240x128xf32, #tpu.memory_space<vmem_shared>> -> memref<10240x128xf32, #tpu.memory_space<vmem_shared>>
          tpu.enqueue_indirect_dma source(%arg9 : memref<40x128xf32, #tpu.memory_space<vmem>>) target(%dma_start3A_144 : memref<10240x128xf32, #tpu.memory_space<vmem_shared>>) offsets(%dma_start3A_141 : memref<40xi32, #tpu.memory_space<vmem>>) semaphore(%run_scoped3A_138 : memref<!tpu.dma_semaphore, #tpu.memory_space<semaphore_mem>>) {add = true}
          %dma_wait3A_145 = arith.constant 0 : i32
          %dma_wait3A_146 = tpu.memref_slice %arg8[%add3A_66, %dma_wait3A_145] : memref<50x40xi32, #tpu.memory_space<vmem>> -> memref<1x40xi32, #tpu.memory_space<vmem>>
          %dma_wait3A_147 = tpu.memref_squeeze %dma_wait3A_146 : memref<1x40xi32, #tpu.memory_space<vmem>> -> memref<40xi32, #tpu.memory_space<vmem>>
          %dma_wait3A_148 = arith.constant 0 : i32
          %dma_wait3A_149 = arith.constant 0 : i32
          %dma_wait3A_150 = tpu.memref_slice %arg19[%dma_wait3A_148, %dma_wait3A_149] : memref<10240x128xf32, #tpu.memory_space<vmem_shared>> -> memref<10240x128xf32, #tpu.memory_space<vmem_shared>>
          tpu.wait_indirect_dma semaphore(%run_scoped3A_138 : memref<!tpu.dma_semaphore, #tpu.memory_space<semaphore_mem>>) src(%arg9 : memref<40x128xf32, #tpu.memory_space<vmem>>) dst(%dma_wait3A_150 : memref<10240x128xf32, #tpu.memory_space<vmem_shared>>)
          tpu.yield
        }) : () -> ()
        %add3A_72 = arith.constant 5 : i32
        %add3A_73 = arith.addi %add3A_66, %add3A_72 : i32
        %lt3A = arith.constant 50 : i32
        %lt3A_74 = arith.cmpi slt, %add3A_73, %lt3A : i32
        %convert_element_type3A_75 = arith.extui %lt3A_74 : i1 to i32
        %cond3A_76 = arith.constant 0 : i32
        %cond3A_77 = arith.cmpi ne, %convert_element_type3A_75, %cond3A_76 : i32
        scf.if %cond3A_77 {
          %add3A_138 = arith.constant 5 : i32
          %add3A_139 = arith.addi %add3A_66, %add3A_138 : i32
          %dma_start3A_140 = arith.constant 0 : i32
          %dma_start3A_141 = tpu.memref_slice %arg7[%add3A_139, %dma_start3A_140] : memref<50x40xi32, #tpu.memory_space<vmem>> -> memref<1x40xi32, #tpu.memory_space<vmem>>
          %dma_start3A_142 = tpu.memref_squeeze %dma_start3A_141 : memref<1x40xi32, #tpu.memory_space<vmem>> -> memref<40xi32, #tpu.memory_space<vmem>>
          %dma_start3A_143 = arith.constant 0 : i32
          %dma_start3A_144 = arith.constant 0 : i32
          %dma_start3A_145 = tpu.memref_slice %arg2[%dma_start3A_143, %dma_start3A_144] : memref<10240x128xf32, #tpu.memory_space<hbm>> -> memref<10240x128xf32, #tpu.memory_space<hbm>>
          tpu.enqueue_indirect_dma source(%dma_start3A_145 : memref<10240x128xf32, #tpu.memory_space<hbm>>) target(%arg9 : memref<40x128xf32, #tpu.memory_space<vmem>>) offsets(%dma_start3A_142 : memref<40xi32, #tpu.memory_space<vmem>>) semaphore(%arg14 : memref<!tpu.dma_semaphore, #tpu.memory_space<semaphore_mem>>)
        } else {
        }
        %add3A_78 = arith.constant 1 : i32
        %add3A_79 = arith.addi %mul3A_64, %add3A_78 : i32
        %dma_wait3A_80 = arith.constant 0 : i32
        %dma_wait3A_81 = tpu.memref_slice %arg7[%add3A_79, %dma_wait3A_80] : memref<50x40xi32, #tpu.memory_space<vmem>> -> memref<1x40xi32, #tpu.memory_space<vmem>>
        %dma_wait3A_82 = tpu.memref_squeeze %dma_wait3A_81 : memref<1x40xi32, #tpu.memory_space<vmem>> -> memref<40xi32, #tpu.memory_space<vmem>>
        %dma_wait3A_83 = arith.constant 0 : i32
        %dma_wait3A_84 = arith.constant 0 : i32
        %dma_wait3A_85 = tpu.memref_slice %arg2[%dma_wait3A_83, %dma_wait3A_84] : memref<10240x128xf32, #tpu.memory_space<hbm>> -> memref<10240x128xf32, #tpu.memory_space<hbm>>
        tpu.wait_indirect_dma semaphore(%arg15 : memref<!tpu.dma_semaphore, #tpu.memory_space<semaphore_mem>>) src(%dma_wait3A_85 : memref<10240x128xf32, #tpu.memory_space<hbm>>) dst(%arg10 : memref<40x128xf32, #tpu.memory_space<vmem>>)
        "tpu.region"() ({
          %run_scoped3A_138 = tpu.sem_alloc : memref<!tpu.dma_semaphore, #tpu.memory_space<semaphore_mem>>
          %dma_start3A_139 = arith.constant 0 : i32
          %dma_start3A_140 = tpu.memref_slice %arg8[%add3A_79, %dma_start3A_139] : memref<50x40xi32, #tpu.memory_space<vmem>> -> memref<1x40xi32, #tpu.memory_space<vmem>>
          %dma_start3A_141 = tpu.memref_squeeze %dma_start3A_140 : memref<1x40xi32, #tpu.memory_space<vmem>> -> memref<40xi32, #tpu.memory_space<vmem>>
          %dma_start3A_142 = arith.constant 0 : i32
          %dma_start3A_143 = arith.constant 0 : i32
          %dma_start3A_144 = tpu.memref_slice %arg19[%dma_start3A_142, %dma_start3A_143] : memref<10240x128xf32, #tpu.memory_space<vmem_shared>> -> memref<10240x128xf32, #tpu.memory_space<vmem_shared>>
          tpu.enqueue_indirect_dma source(%arg10 : memref<40x128xf32, #tpu.memory_space<vmem>>) target(%dma_start3A_144 : memref<10240x128xf32, #tpu.memory_space<vmem_shared>>) offsets(%dma_start3A_141 : memref<40xi32, #tpu.memory_space<vmem>>) semaphore(%run_scoped3A_138 : memref<!tpu.dma_semaphore, #tpu.memory_space<semaphore_mem>>) {add = true}
          %dma_wait3A_145 = arith.constant 0 : i32
          %dma_wait3A_146 = tpu.memref_slice %arg8[%add3A_79, %dma_wait3A_145] : memref<50x40xi32, #tpu.memory_space<vmem>> -> memref<1x40xi32, #tpu.memory_space<vmem>>
          %dma_wait3A_147 = tpu.memref_squeeze %dma_wait3A_146 : memref<1x40xi32, #tpu.memory_space<vmem>> -> memref<40xi32, #tpu.memory_space<vmem>>
          %dma_wait3A_148 = arith.constant 0 : i32
          %dma_wait3A_149 = arith.constant 0 : i32
          %dma_wait3A_150 = tpu.memref_slice %arg19[%dma_wait3A_148, %dma_wait3A_149] : memref<10240x128xf32, #tpu.memory_space<vmem_shared>> -> memref<10240x128xf32, #tpu.memory_space<vmem_shared>>
          tpu.wait_indirect_dma semaphore(%run_scoped3A_138 : memref<!tpu.dma_semaphore, #tpu.memory_space<semaphore_mem>>) src(%arg10 : memref<40x128xf32, #tpu.memory_space<vmem>>) dst(%dma_wait3A_150 : memref<10240x128xf32, #tpu.memory_space<vmem_shared>>)
          tpu.yield
        }) : () -> ()
        %add3A_86 = arith.constant 5 : i32
        %add3A_87 = arith.addi %add3A_79, %add3A_86 : i32
        %lt3A_88 = arith.constant 50 : i32
        %lt3A_89 = arith.cmpi slt, %add3A_87, %lt3A_88 : i32
        %convert_element_type3A_90 = arith.extui %lt3A_89 : i1 to i32
        %cond3A_91 = arith.constant 0 : i32
        %cond3A_92 = arith.cmpi ne, %convert_element_type3A_90, %cond3A_91 : i32
        scf.if %cond3A_92 {
          %add3A_138 = arith.constant 5 : i32
          %add3A_139 = arith.addi %add3A_79, %add3A_138 : i32
          %dma_start3A_140 = arith.constant 0 : i32
          %dma_start3A_141 = tpu.memref_slice %arg7[%add3A_139, %dma_start3A_140] : memref<50x40xi32, #tpu.memory_space<vmem>> -> memref<1x40xi32, #tpu.memory_space<vmem>>
          %dma_start3A_142 = tpu.memref_squeeze %dma_start3A_141 : memref<1x40xi32, #tpu.memory_space<vmem>> -> memref<40xi32, #tpu.memory_space<vmem>>
          %dma_start3A_143 = arith.constant 0 : i32
          %dma_start3A_144 = arith.constant 0 : i32
          %dma_start3A_145 = tpu.memref_slice %arg2[%dma_start3A_143, %dma_start3A_144] : memref<10240x128xf32, #tpu.memory_space<hbm>> -> memref<10240x128xf32, #tpu.memory_space<hbm>>
          tpu.enqueue_indirect_dma source(%dma_start3A_145 : memref<10240x128xf32, #tpu.memory_space<hbm>>) target(%arg10 : memref<40x128xf32, #tpu.memory_space<vmem>>) offsets(%dma_start3A_142 : memref<40xi32, #tpu.memory_space<vmem>>) semaphore(%arg15 : memref<!tpu.dma_semaphore, #tpu.memory_space<semaphore_mem>>)
        } else {
        }
        %add3A_93 = arith.constant 2 : i32
        %add3A_94 = arith.addi %mul3A_64, %add3A_93 : i32
        %dma_wait3A_95 = arith.constant 0 : i32
        %dma_wait3A_96 = tpu.memref_slice %arg7[%add3A_94, %dma_wait3A_95] : memref<50x40xi32, #tpu.memory_space<vmem>> -> memref<1x40xi32, #tpu.memory_space<vmem>>
        %dma_wait3A_97 = tpu.memref_squeeze %dma_wait3A_96 : memref<1x40xi32, #tpu.memory_space<vmem>> -> memref<40xi32, #tpu.memory_space<vmem>>
        %dma_wait3A_98 = arith.constant 0 : i32
        %dma_wait3A_99 = arith.constant 0 : i32
        %dma_wait3A_100 = tpu.memref_slice %arg2[%dma_wait3A_98, %dma_wait3A_99] : memref<10240x128xf32, #tpu.memory_space<hbm>> -> memref<10240x128xf32, #tpu.memory_space<hbm>>
        tpu.wait_indirect_dma semaphore(%arg16 : memref<!tpu.dma_semaphore, #tpu.memory_space<semaphore_mem>>) src(%dma_wait3A_100 : memref<10240x128xf32, #tpu.memory_space<hbm>>) dst(%arg11 : memref<40x128xf32, #tpu.memory_space<vmem>>)
        "tpu.region"() ({
          %run_scoped3A_138 = tpu.sem_alloc : memref<!tpu.dma_semaphore, #tpu.memory_space<semaphore_mem>>
          %dma_start3A_139 = arith.constant 0 : i32
          %dma_start3A_140 = tpu.memref_slice %arg8[%add3A_94, %dma_start3A_139] : memref<50x40xi32, #tpu.memory_space<vmem>> -> memref<1x40xi32, #tpu.memory_space<vmem>>
          %dma_start3A_141 = tpu.memref_squeeze %dma_start3A_140 : memref<1x40xi32, #tpu.memory_space<vmem>> -> memref<40xi32, #tpu.memory_space<vmem>>
          %dma_start3A_142 = arith.constant 0 : i32
          %dma_start3A_143 = arith.constant 0 : i32
          %dma_start3A_144 = tpu.memref_slice %arg19[%dma_start3A_142, %dma_start3A_143] : memref<10240x128xf32, #tpu.memory_space<vmem_shared>> -> memref<10240x128xf32, #tpu.memory_space<vmem_shared>>
          tpu.enqueue_indirect_dma source(%arg11 : memref<40x128xf32, #tpu.memory_space<vmem>>) target(%dma_start3A_144 : memref<10240x128xf32, #tpu.memory_space<vmem_shared>>) offsets(%dma_start3A_141 : memref<40xi32, #tpu.memory_space<vmem>>) semaphore(%run_scoped3A_138 : memref<!tpu.dma_semaphore, #tpu.memory_space<semaphore_mem>>) {add = true}
          %dma_wait3A_145 = arith.constant 0 : i32
          %dma_wait3A_146 = tpu.memref_slice %arg8[%add3A_94, %dma_wait3A_145] : memref<50x40xi32, #tpu.memory_space<vmem>> -> memref<1x40xi32, #tpu.memory_space<vmem>>
          %dma_wait3A_147 = tpu.memref_squeeze %dma_wait3A_146 : memref<1x40xi32, #tpu.memory_space<vmem>> -> memref<40xi32, #tpu.memory_space<vmem>>
          %dma_wait3A_148 = arith.constant 0 : i32
          %dma_wait3A_149 = arith.constant 0 : i32
          %dma_wait3A_150 = tpu.memref_slice %arg19[%dma_wait3A_148, %dma_wait3A_149] : memref<10240x128xf32, #tpu.memory_space<vmem_shared>> -> memref<10240x128xf32, #tpu.memory_space<vmem_shared>>
          tpu.wait_indirect_dma semaphore(%run_scoped3A_138 : memref<!tpu.dma_semaphore, #tpu.memory_space<semaphore_mem>>) src(%arg11 : memref<40x128xf32, #tpu.memory_space<vmem>>) dst(%dma_wait3A_150 : memref<10240x128xf32, #tpu.memory_space<vmem_shared>>)
          tpu.yield
        }) : () -> ()
        %add3A_101 = arith.constant 5 : i32
        %add3A_102 = arith.addi %add3A_94, %add3A_101 : i32
        %lt3A_103 = arith.constant 50 : i32
        %lt3A_104 = arith.cmpi slt, %add3A_102, %lt3A_103 : i32
        %convert_element_type3A_105 = arith.extui %lt3A_104 : i1 to i32
        %cond3A_106 = arith.constant 0 : i32
        %cond3A_107 = arith.cmpi ne, %convert_element_type3A_105, %cond3A_106 : i32
        scf.if %cond3A_107 {
          %add3A_138 = arith.constant 5 : i32
          %add3A_139 = arith.addi %add3A_94, %add3A_138 : i32
          %dma_start3A_140 = arith.constant 0 : i32
          %dma_start3A_141 = tpu.memref_slice %arg7[%add3A_139, %dma_start3A_140] : memref<50x40xi32, #tpu.memory_space<vmem>> -> memref<1x40xi32, #tpu.memory_space<vmem>>
          %dma_start3A_142 = tpu.memref_squeeze %dma_start3A_141 : memref<1x40xi32, #tpu.memory_space<vmem>> -> memref<40xi32, #tpu.memory_space<vmem>>
          %dma_start3A_143 = arith.constant 0 : i32
          %dma_start3A_144 = arith.constant 0 : i32
          %dma_start3A_145 = tpu.memref_slice %arg2[%dma_start3A_143, %dma_start3A_144] : memref<10240x128xf32, #tpu.memory_space<hbm>> -> memref<10240x128xf32, #tpu.memory_space<hbm>>
          tpu.enqueue_indirect_dma source(%dma_start3A_145 : memref<10240x128xf32, #tpu.memory_space<hbm>>) target(%arg11 : memref<40x128xf32, #tpu.memory_space<vmem>>) offsets(%dma_start3A_142 : memref<40xi32, #tpu.memory_space<vmem>>) semaphore(%arg16 : memref<!tpu.dma_semaphore, #tpu.memory_space<semaphore_mem>>)
        } else {
        }
        %add3A_108 = arith.constant 3 : i32
        %add3A_109 = arith.addi %mul3A_64, %add3A_108 : i32
        %dma_wait3A_110 = arith.constant 0 : i32
        %dma_wait3A_111 = tpu.memref_slice %arg7[%add3A_109, %dma_wait3A_110] : memref<50x40xi32, #tpu.memory_space<vmem>> -> memref<1x40xi32, #tpu.memory_space<vmem>>
        %dma_wait3A_112 = tpu.memref_squeeze %dma_wait3A_111 : memref<1x40xi32, #tpu.memory_space<vmem>> -> memref<40xi32, #tpu.memory_space<vmem>>
        %dma_wait3A_113 = arith.constant 0 : i32
        %dma_wait3A_114 = arith.constant 0 : i32
        %dma_wait3A_115 = tpu.memref_slice %arg2[%dma_wait3A_113, %dma_wait3A_114] : memref<10240x128xf32, #tpu.memory_space<hbm>> -> memref<10240x128xf32, #tpu.memory_space<hbm>>
        tpu.wait_indirect_dma semaphore(%arg17 : memref<!tpu.dma_semaphore, #tpu.memory_space<semaphore_mem>>) src(%dma_wait3A_115 : memref<10240x128xf32, #tpu.memory_space<hbm>>) dst(%arg12 : memref<40x128xf32, #tpu.memory_space<vmem>>)
        "tpu.region"() ({
          %run_scoped3A_138 = tpu.sem_alloc : memref<!tpu.dma_semaphore, #tpu.memory_space<semaphore_mem>>
          %dma_start3A_139 = arith.constant 0 : i32
          %dma_start3A_140 = tpu.memref_slice %arg8[%add3A_109, %dma_start3A_139] : memref<50x40xi32, #tpu.memory_space<vmem>> -> memref<1x40xi32, #tpu.memory_space<vmem>>
          %dma_start3A_141 = tpu.memref_squeeze %dma_start3A_140 : memref<1x40xi32, #tpu.memory_space<vmem>> -> memref<40xi32, #tpu.memory_space<vmem>>
          %dma_start3A_142 = arith.constant 0 : i32
          %dma_start3A_143 = arith.constant 0 : i32
          %dma_start3A_144 = tpu.memref_slice %arg19[%dma_start3A_142, %dma_start3A_143] : memref<10240x128xf32, #tpu.memory_space<vmem_shared>> -> memref<10240x128xf32, #tpu.memory_space<vmem_shared>>
          tpu.enqueue_indirect_dma source(%arg12 : memref<40x128xf32, #tpu.memory_space<vmem>>) target(%dma_start3A_144 : memref<10240x128xf32, #tpu.memory_space<vmem_shared>>) offsets(%dma_start3A_141 : memref<40xi32, #tpu.memory_space<vmem>>) semaphore(%run_scoped3A_138 : memref<!tpu.dma_semaphore, #tpu.memory_space<semaphore_mem>>) {add = true}
          %dma_wait3A_145 = arith.constant 0 : i32
          %dma_wait3A_146 = tpu.memref_slice %arg8[%add3A_109, %dma_wait3A_145] : memref<50x40xi32, #tpu.memory_space<vmem>> -> memref<1x40xi32, #tpu.memory_space<vmem>>
          %dma_wait3A_147 = tpu.memref_squeeze %dma_wait3A_146 : memref<1x40xi32, #tpu.memory_space<vmem>> -> memref<40xi32, #tpu.memory_space<vmem>>
          %dma_wait3A_148 = arith.constant 0 : i32
          %dma_wait3A_149 = arith.constant 0 : i32
          %dma_wait3A_150 = tpu.memref_slice %arg19[%dma_wait3A_148, %dma_wait3A_149] : memref<10240x128xf32, #tpu.memory_space<vmem_shared>> -> memref<10240x128xf32, #tpu.memory_space<vmem_shared>>
          tpu.wait_indirect_dma semaphore(%run_scoped3A_138 : memref<!tpu.dma_semaphore, #tpu.memory_space<semaphore_mem>>) src(%arg12 : memref<40x128xf32, #tpu.memory_space<vmem>>) dst(%dma_wait3A_150 : memref<10240x128xf32, #tpu.memory_space<vmem_shared>>)
          tpu.yield
        }) : () -> ()
        %add3A_116 = arith.constant 5 : i32
        %add3A_117 = arith.addi %add3A_109, %add3A_116 : i32
        %lt3A_118 = arith.constant 50 : i32
        %lt3A_119 = arith.cmpi slt, %add3A_117, %lt3A_118 : i32
        %convert_element_type3A_120 = arith.extui %lt3A_119 : i1 to i32
        %cond3A_121 = arith.constant 0 : i32
        %cond3A_122 = arith.cmpi ne, %convert_element_type3A_120, %cond3A_121 : i32
        scf.if %cond3A_122 {
          %add3A_138 = arith.constant 5 : i32
          %add3A_139 = arith.addi %add3A_109, %add3A_138 : i32
          %dma_start3A_140 = arith.constant 0 : i32
          %dma_start3A_141 = tpu.memref_slice %arg7[%add3A_139, %dma_start3A_140] : memref<50x40xi32, #tpu.memory_space<vmem>> -> memref<1x40xi32, #tpu.memory_space<vmem>>
          %dma_start3A_142 = tpu.memref_squeeze %dma_start3A_141 : memref<1x40xi32, #tpu.memory_space<vmem>> -> memref<40xi32, #tpu.memory_space<vmem>>
          %dma_start3A_143 = arith.constant 0 : i32
          %dma_start3A_144 = arith.constant 0 : i32
          %dma_start3A_145 = tpu.memref_slice %arg2[%dma_start3A_143, %dma_start3A_144] : memref<10240x128xf32, #tpu.memory_space<hbm>> -> memref<10240x128xf32, #tpu.memory_space<hbm>>
          tpu.enqueue_indirect_dma source(%dma_start3A_145 : memref<10240x128xf32, #tpu.memory_space<hbm>>) target(%arg12 : memref<40x128xf32, #tpu.memory_space<vmem>>) offsets(%dma_start3A_142 : memref<40xi32, #tpu.memory_space<vmem>>) semaphore(%arg17 : memref<!tpu.dma_semaphore, #tpu.memory_space<semaphore_mem>>)
        } else {
        }
        %add3A_123 = arith.constant 4 : i32
        %add3A_124 = arith.addi %mul3A_64, %add3A_123 : i32
        %dma_wait3A_125 = arith.constant 0 : i32
        %dma_wait3A_126 = tpu.memref_slice %arg7[%add3A_124, %dma_wait3A_125] : memref<50x40xi32, #tpu.memory_space<vmem>> -> memref<1x40xi32, #tpu.memory_space<vmem>>
        %dma_wait3A_127 = tpu.memref_squeeze %dma_wait3A_126 : memref<1x40xi32, #tpu.memory_space<vmem>> -> memref<40xi32, #tpu.memory_space<vmem>>
        %dma_wait3A_128 = arith.constant 0 : i32
        %dma_wait3A_129 = arith.constant 0 : i32
        %dma_wait3A_130 = tpu.memref_slice %arg2[%dma_wait3A_128, %dma_wait3A_129] : memref<10240x128xf32, #tpu.memory_space<hbm>> -> memref<10240x128xf32, #tpu.memory_space<hbm>>
        tpu.wait_indirect_dma semaphore(%arg18 : memref<!tpu.dma_semaphore, #tpu.memory_space<semaphore_mem>>) src(%dma_wait3A_130 : memref<10240x128xf32, #tpu.memory_space<hbm>>) dst(%arg13 : memref<40x128xf32, #tpu.memory_space<vmem>>)
        "tpu.region"() ({
          %run_scoped3A_138 = tpu.sem_alloc : memref<!tpu.dma_semaphore, #tpu.memory_space<semaphore_mem>>
          %dma_start3A_139 = arith.constant 0 : i32
          %dma_start3A_140 = tpu.memref_slice %arg8[%add3A_124, %dma_start3A_139] : memref<50x40xi32, #tpu.memory_space<vmem>> -> memref<1x40xi32, #tpu.memory_space<vmem>>
          %dma_start3A_141 = tpu.memref_squeeze %dma_start3A_140 : memref<1x40xi32, #tpu.memory_space<vmem>> -> memref<40xi32, #tpu.memory_space<vmem>>
          %dma_start3A_142 = arith.constant 0 : i32
          %dma_start3A_143 = arith.constant 0 : i32
          %dma_start3A_144 = tpu.memref_slice %arg19[%dma_start3A_142, %dma_start3A_143] : memref<10240x128xf32, #tpu.memory_space<vmem_shared>> -> memref<10240x128xf32, #tpu.memory_space<vmem_shared>>
          tpu.enqueue_indirect_dma source(%arg13 : memref<40x128xf32, #tpu.memory_space<vmem>>) target(%dma_start3A_144 : memref<10240x128xf32, #tpu.memory_space<vmem_shared>>) offsets(%dma_start3A_141 : memref<40xi32, #tpu.memory_space<vmem>>) semaphore(%run_scoped3A_138 : memref<!tpu.dma_semaphore, #tpu.memory_space<semaphore_mem>>) {add = true}
          %dma_wait3A_145 = arith.constant 0 : i32
          %dma_wait3A_146 = tpu.memref_slice %arg8[%add3A_124, %dma_wait3A_145] : memref<50x40xi32, #tpu.memory_space<vmem>> -> memref<1x40xi32, #tpu.memory_space<vmem>>
          %dma_wait3A_147 = tpu.memref_squeeze %dma_wait3A_146 : memref<1x40xi32, #tpu.memory_space<vmem>> -> memref<40xi32, #tpu.memory_space<vmem>>
          %dma_wait3A_148 = arith.constant 0 : i32
          %dma_wait3A_149 = arith.constant 0 : i32
          %dma_wait3A_150 = tpu.memref_slice %arg19[%dma_wait3A_148, %dma_wait3A_149] : memref<10240x128xf32, #tpu.memory_space<vmem_shared>> -> memref<10240x128xf32, #tpu.memory_space<vmem_shared>>
          tpu.wait_indirect_dma semaphore(%run_scoped3A_138 : memref<!tpu.dma_semaphore, #tpu.memory_space<semaphore_mem>>) src(%arg13 : memref<40x128xf32, #tpu.memory_space<vmem>>) dst(%dma_wait3A_150 : memref<10240x128xf32, #tpu.memory_space<vmem_shared>>)
          tpu.yield
        }) : () -> ()
        %add3A_131 = arith.constant 5 : i32
        %add3A_132 = arith.addi %add3A_124, %add3A_131 : i32
        %lt3A_133 = arith.constant 50 : i32
        %lt3A_134 = arith.cmpi slt, %add3A_132, %lt3A_133 : i32
        %convert_element_type3A_135 = arith.extui %lt3A_134 : i1 to i32
        %cond3A_136 = arith.constant 0 : i32
        %cond3A_137 = arith.cmpi ne, %convert_element_type3A_135, %cond3A_136 : i32
        scf.if %cond3A_137 {
          %add3A_138 = arith.constant 5 : i32
          %add3A_139 = arith.addi %add3A_124, %add3A_138 : i32
          %dma_start3A_140 = arith.constant 0 : i32
          %dma_start3A_141 = tpu.memref_slice %arg7[%add3A_139, %dma_start3A_140] : memref<50x40xi32, #tpu.memory_space<vmem>> -> memref<1x40xi32, #tpu.memory_space<vmem>>
          %dma_start3A_142 = tpu.memref_squeeze %dma_start3A_141 : memref<1x40xi32, #tpu.memory_space<vmem>> -> memref<40xi32, #tpu.memory_space<vmem>>
          %dma_start3A_143 = arith.constant 0 : i32
          %dma_start3A_144 = arith.constant 0 : i32
          %dma_start3A_145 = tpu.memref_slice %arg2[%dma_start3A_143, %dma_start3A_144] : memref<10240x128xf32, #tpu.memory_space<hbm>> -> memref<10240x128xf32, #tpu.memory_space<hbm>>
          tpu.enqueue_indirect_dma source(%dma_start3A_145 : memref<10240x128xf32, #tpu.memory_space<hbm>>) target(%arg13 : memref<40x128xf32, #tpu.memory_space<vmem>>) offsets(%dma_start3A_142 : memref<40xi32, #tpu.memory_space<vmem>>) semaphore(%arg18 : memref<!tpu.dma_semaphore, #tpu.memory_space<semaphore_mem>>)
        } else {
        }
      }
      %scan3A_61 = arith.constant 10 : i32
    }
    %scan3A_49 = arith.constant 5 : i32
    %barrier3A_50 = arith.constant 0 : index
    tpu.barrier barrier_id(%barrier3A_50)
    "tpu.region"() ({
      %run_scoped3A_51 = tpu.sem_alloc : memref<!tpu.dma_semaphore, #tpu.memory_space<semaphore_mem>>
      %dma_start3A_52 = arith.constant 0 : i32
      %dma_start3A_53 = tpu.memref_slice %arg6[%arg0, %mul3A_2, %dma_start3A_52] : memref<2x10240x128xf32, #tpu.memory_space<hbm>> -> memref<1x640x128xf32, #tpu.memory_space<hbm>>
      %dma_start3A_54 = tpu.memref_squeeze %dma_start3A_53 : memref<1x640x128xf32, #tpu.memory_space<hbm>> -> memref<640x128xf32, #tpu.memory_space<hbm>>
      %dma_start3A_55 = arith.constant 0 : i32
      %dma_start3A_56 = tpu.memref_slice %arg19[%mul3A_2, %dma_start3A_55] : memref<10240x128xf32, #tpu.memory_space<vmem_shared>> -> memref<640x128xf32, #tpu.memory_space<vmem_shared>>
      tpu.enqueue_dma source(%dma_start3A_56 : memref<640x128xf32, #tpu.memory_space<vmem_shared>>) target(%dma_start3A_54 : memref<640x128xf32, #tpu.memory_space<hbm>>) target_semaphore(%run_scoped3A_51 : memref<!tpu.dma_semaphore, #tpu.memory_space<semaphore_mem>>)
      %dma_wait3A = arith.constant 0 : i32
      %dma_wait3A_57 = tpu.memref_slice %arg6[%arg0, %mul3A_2, %dma_wait3A] : memref<2x10240x128xf32, #tpu.memory_space<hbm>> -> memref<1x640x128xf32, #tpu.memory_space<hbm>>
      %dma_wait3A_58 = tpu.memref_squeeze %dma_wait3A_57 : memref<1x640x128xf32, #tpu.memory_space<hbm>> -> memref<640x128xf32, #tpu.memory_space<hbm>>
      %dma_wait3A_59 = arith.constant 0 : i32
      %dma_wait3A_60 = tpu.memref_slice %arg19[%mul3A_2, %dma_wait3A_59] : memref<10240x128xf32, #tpu.memory_space<vmem_shared>> -> memref<640x128xf32, #tpu.memory_space<vmem_shared>>
      tpu.wait_dma2 semaphore(%run_scoped3A_51 : memref<!tpu.dma_semaphore, #tpu.memory_space<semaphore_mem>>) src(%dma_wait3A_60 : memref<640x128xf32, #tpu.memory_space<vmem_shared>>) dst(%dma_wait3A_58 : memref<640x128xf32, #tpu.memory_space<hbm>>)
      tpu.yield
    }) : () -> ()
    return
  }
}

#map = affine_map<(d0, d1) -> (0, 0, 0, 0)>
#map1 = affine_map<(d0, d1) -> (0, 0)>
#map2 = affine_map<(d0, d1) -> (0, 0, 0)>
module attributes {stable_mosaic.version = 14 : i64} {
  func.func @_deg_body(%arg0: i32, %arg1: i32, %arg2: memref<32x5x25x80xi32, #tpu.memory_space<hbm>>, %arg3: memref<10240x16xf32, #tpu.memory_space<hbm>>, %arg4: memref<80x16xf32, #tpu.memory_space<hbm>>, %arg5: memref<2x10240x16xf32, #tpu.memory_space<hbm>>, %arg6: memref<25x80xi32, #tpu.memory_space<vmem>>, %arg7: memref<80x16xf32, #tpu.memory_space<vmem>>, %arg8: memref<10240x16xf32, #tpu.memory_space<vmem_shared>>) attributes {dimension_semantics = [#tpu.dimension_semantics<core_parallel>, #tpu.dimension_semantics<subcore_parallel>], iteration_bounds = array<i64: 2, 16>, scalar_prefetch = 0 : i64, scratch_operands = 3 : i64, tpu.core_type = #tpu.core_type<sc_vector_subcore>, window_params = [{transform_indices = #map}, {transform_indices = #map1}, {transform_indices = #map1}, {transform_indices = #map2}]} {
    %mul3A = arith.constant 2 : i32
    %mul3A_0 = arith.muli %arg1, %mul3A : i32
    %add3A = arith.addi %mul3A_0, %arg0 : i32
    %mul3A_1 = arith.constant 640 : i32
    %mul3A_2 = arith.muli %arg1, %mul3A_1 : i32
    "tpu.region"() ({
      %run_scoped3A = tpu.sem_alloc : memref<!tpu.dma_semaphore, #tpu.memory_space<semaphore_mem>>
      %dma_start3A = arith.constant 0 : i32
      %dma_start3A_9 = tpu.memref_slice %arg8[%mul3A_2, %dma_start3A] : memref<10240x16xf32, #tpu.memory_space<vmem_shared>> -> memref<640x16xf32, #tpu.memory_space<vmem_shared>>
      %dma_start3A_10 = arith.constant 0 : i32
      %dma_start3A_11 = tpu.memref_slice %arg3[%mul3A_2, %dma_start3A_10] : memref<10240x16xf32, #tpu.memory_space<hbm>> -> memref<640x16xf32, #tpu.memory_space<hbm>>
      tpu.enqueue_dma source(%dma_start3A_11 : memref<640x16xf32, #tpu.memory_space<hbm>>) target(%dma_start3A_9 : memref<640x16xf32, #tpu.memory_space<vmem_shared>>) target_semaphore(%run_scoped3A : memref<!tpu.dma_semaphore, #tpu.memory_space<semaphore_mem>>)
      %dma_wait3A = arith.constant 0 : i32
      %dma_wait3A_12 = tpu.memref_slice %arg8[%mul3A_2, %dma_wait3A] : memref<10240x16xf32, #tpu.memory_space<vmem_shared>> -> memref<640x16xf32, #tpu.memory_space<vmem_shared>>
      %dma_wait3A_13 = arith.constant 0 : i32
      %dma_wait3A_14 = tpu.memref_slice %arg3[%mul3A_2, %dma_wait3A_13] : memref<10240x16xf32, #tpu.memory_space<hbm>> -> memref<640x16xf32, #tpu.memory_space<hbm>>
      tpu.wait_dma2 semaphore(%run_scoped3A : memref<!tpu.dma_semaphore, #tpu.memory_space<semaphore_mem>>) src(%dma_wait3A_14 : memref<640x16xf32, #tpu.memory_space<hbm>>) dst(%dma_wait3A_12 : memref<640x16xf32, #tpu.memory_space<vmem_shared>>)
      tpu.yield
    }) : () -> ()
    "tpu.region"() ({
      %run_scoped3A = tpu.sem_alloc : memref<!tpu.dma_semaphore, #tpu.memory_space<semaphore_mem>>
      tpu.enqueue_dma source(%arg4 : memref<80x16xf32, #tpu.memory_space<hbm>>) target(%arg7 : memref<80x16xf32, #tpu.memory_space<vmem>>) target_semaphore(%run_scoped3A : memref<!tpu.dma_semaphore, #tpu.memory_space<semaphore_mem>>)
      tpu.wait_dma2 semaphore(%run_scoped3A : memref<!tpu.dma_semaphore, #tpu.memory_space<semaphore_mem>>) src(%arg4 : memref<80x16xf32, #tpu.memory_space<hbm>>) dst(%arg7 : memref<80x16xf32, #tpu.memory_space<vmem>>)
      tpu.yield
    }) : () -> ()
    %barrier3A = arith.constant 0 : index
    tpu.barrier barrier_id(%barrier3A)
    %scan3A = arith.constant 0 : i32
    %scan3A_3 = arith.constant 0 : i32
    %scan3A_4 = arith.constant 5 : i32
    %scan3A_5 = arith.addi %scan3A_3, %scan3A_4 : i32
    %scan3A_6 = arith.constant 1 : i32
    scf.for %scan3A_9 = %scan3A_3 to %scan3A_5 step %scan3A_6  : i32 {
      "tpu.region"() ({
        %run_scoped3A = tpu.sem_alloc : memref<!tpu.dma_semaphore, #tpu.memory_space<semaphore_mem>>
        %dma_start3A = arith.constant 0 : i32
        %dma_start3A_16 = arith.constant 0 : i32
        %dma_start3A_17 = tpu.memref_slice %arg2[%add3A, %scan3A_9, %dma_start3A, %dma_start3A_16] : memref<32x5x25x80xi32, #tpu.memory_space<hbm>> -> memref<1x1x25x80xi32, #tpu.memory_space<hbm>>
        %dma_start3A_18 = tpu.memref_squeeze %dma_start3A_17 : memref<1x1x25x80xi32, #tpu.memory_space<hbm>> -> memref<25x80xi32, #tpu.memory_space<hbm>>
        %dma_start3A_19 = arith.constant 0 : i32
        %dma_start3A_20 = arith.constant 0 : i32
        %dma_start3A_21 = tpu.memref_slice %arg2[%add3A, %scan3A_9, %dma_start3A_19, %dma_start3A_20] : memref<32x5x25x80xi32, #tpu.memory_space<hbm>> -> memref<1x1x25x80xi32, #tpu.memory_space<hbm>>
        %dma_start3A_22 = tpu.memref_squeeze %dma_start3A_21 : memref<1x1x25x80xi32, #tpu.memory_space<hbm>> -> memref<25x80xi32, #tpu.memory_space<hbm>>
        tpu.enqueue_dma source(%dma_start3A_22 : memref<25x80xi32, #tpu.memory_space<hbm>>) target(%arg6 : memref<25x80xi32, #tpu.memory_space<vmem>>) target_semaphore(%run_scoped3A : memref<!tpu.dma_semaphore, #tpu.memory_space<semaphore_mem>>)
        %dma_wait3A = arith.constant 0 : i32
        %dma_wait3A_23 = arith.constant 0 : i32
        %dma_wait3A_24 = tpu.memref_slice %arg2[%add3A, %scan3A_9, %dma_wait3A, %dma_wait3A_23] : memref<32x5x25x80xi32, #tpu.memory_space<hbm>> -> memref<1x1x25x80xi32, #tpu.memory_space<hbm>>
        %dma_wait3A_25 = tpu.memref_squeeze %dma_wait3A_24 : memref<1x1x25x80xi32, #tpu.memory_space<hbm>> -> memref<25x80xi32, #tpu.memory_space<hbm>>
        %dma_wait3A_26 = arith.constant 0 : i32
        %dma_wait3A_27 = arith.constant 0 : i32
        %dma_wait3A_28 = tpu.memref_slice %arg2[%add3A, %scan3A_9, %dma_wait3A_26, %dma_wait3A_27] : memref<32x5x25x80xi32, #tpu.memory_space<hbm>> -> memref<1x1x25x80xi32, #tpu.memory_space<hbm>>
        %dma_wait3A_29 = tpu.memref_squeeze %dma_wait3A_28 : memref<1x1x25x80xi32, #tpu.memory_space<hbm>> -> memref<25x80xi32, #tpu.memory_space<hbm>>
        tpu.wait_dma2 semaphore(%run_scoped3A : memref<!tpu.dma_semaphore, #tpu.memory_space<semaphore_mem>>) src(%dma_wait3A_29 : memref<25x80xi32, #tpu.memory_space<hbm>>) dst(%arg6 : memref<25x80xi32, #tpu.memory_space<vmem>>)
        tpu.yield
      }) : () -> ()
      %scan3A_10 = arith.constant 0 : i32
      %scan3A_11 = arith.constant 0 : i32
      %scan3A_12 = arith.constant 25 : i32
      %scan3A_13 = arith.addi %scan3A_11, %scan3A_12 : i32
      %scan3A_14 = arith.constant 1 : i32
      scf.for %scan3A_16 = %scan3A_11 to %scan3A_13 step %scan3A_14  : i32 {
        "tpu.region"() ({
          %run_scoped3A = tpu.sem_alloc : memref<!tpu.dma_semaphore, #tpu.memory_space<semaphore_mem>>
          %dma_start3A = arith.constant 0 : i32
          %dma_start3A_17 = tpu.memref_slice %arg6[%scan3A_16, %dma_start3A] : memref<25x80xi32, #tpu.memory_space<vmem>> -> memref<1x80xi32, #tpu.memory_space<vmem>>
          %dma_start3A_18 = tpu.memref_squeeze %dma_start3A_17 : memref<1x80xi32, #tpu.memory_space<vmem>> -> memref<80xi32, #tpu.memory_space<vmem>>
          %dma_start3A_19 = arith.constant 0 : i32
          %dma_start3A_20 = arith.constant 0 : i32
          %dma_start3A_21 = tpu.memref_slice %arg8[%dma_start3A_19, %dma_start3A_20] : memref<10240x16xf32, #tpu.memory_space<vmem_shared>> -> memref<10240x16xf32, #tpu.memory_space<vmem_shared>>
          tpu.enqueue_indirect_dma source(%arg7 : memref<80x16xf32, #tpu.memory_space<vmem>>) target(%dma_start3A_21 : memref<10240x16xf32, #tpu.memory_space<vmem_shared>>) offsets(%dma_start3A_18 : memref<80xi32, #tpu.memory_space<vmem>>) semaphore(%run_scoped3A : memref<!tpu.dma_semaphore, #tpu.memory_space<semaphore_mem>>) {add = true}
          %dma_wait3A = arith.constant 0 : i32
          %dma_wait3A_22 = tpu.memref_slice %arg6[%scan3A_16, %dma_wait3A] : memref<25x80xi32, #tpu.memory_space<vmem>> -> memref<1x80xi32, #tpu.memory_space<vmem>>
          %dma_wait3A_23 = tpu.memref_squeeze %dma_wait3A_22 : memref<1x80xi32, #tpu.memory_space<vmem>> -> memref<80xi32, #tpu.memory_space<vmem>>
          %dma_wait3A_24 = arith.constant 0 : i32
          %dma_wait3A_25 = arith.constant 0 : i32
          %dma_wait3A_26 = tpu.memref_slice %arg8[%dma_wait3A_24, %dma_wait3A_25] : memref<10240x16xf32, #tpu.memory_space<vmem_shared>> -> memref<10240x16xf32, #tpu.memory_space<vmem_shared>>
          tpu.wait_indirect_dma semaphore(%run_scoped3A : memref<!tpu.dma_semaphore, #tpu.memory_space<semaphore_mem>>) src(%arg7 : memref<80x16xf32, #tpu.memory_space<vmem>>) dst(%dma_wait3A_26 : memref<10240x16xf32, #tpu.memory_space<vmem_shared>>)
          tpu.yield
        }) : () -> ()
      }
      %scan3A_15 = arith.constant 25 : i32
    }
    %scan3A_7 = arith.constant 5 : i32
    %barrier3A_8 = arith.constant 0 : index
    tpu.barrier barrier_id(%barrier3A_8)
    "tpu.region"() ({
      %run_scoped3A = tpu.sem_alloc : memref<!tpu.dma_semaphore, #tpu.memory_space<semaphore_mem>>
      %dma_start3A = arith.constant 0 : i32
      %dma_start3A_9 = tpu.memref_slice %arg5[%arg0, %mul3A_2, %dma_start3A] : memref<2x10240x16xf32, #tpu.memory_space<hbm>> -> memref<1x640x16xf32, #tpu.memory_space<hbm>>
      %dma_start3A_10 = tpu.memref_squeeze %dma_start3A_9 : memref<1x640x16xf32, #tpu.memory_space<hbm>> -> memref<640x16xf32, #tpu.memory_space<hbm>>
      %dma_start3A_11 = arith.constant 0 : i32
      %dma_start3A_12 = tpu.memref_slice %arg8[%mul3A_2, %dma_start3A_11] : memref<10240x16xf32, #tpu.memory_space<vmem_shared>> -> memref<640x16xf32, #tpu.memory_space<vmem_shared>>
      tpu.enqueue_dma source(%dma_start3A_12 : memref<640x16xf32, #tpu.memory_space<vmem_shared>>) target(%dma_start3A_10 : memref<640x16xf32, #tpu.memory_space<hbm>>) target_semaphore(%run_scoped3A : memref<!tpu.dma_semaphore, #tpu.memory_space<semaphore_mem>>)
      %dma_wait3A = arith.constant 0 : i32
      %dma_wait3A_13 = tpu.memref_slice %arg5[%arg0, %mul3A_2, %dma_wait3A] : memref<2x10240x16xf32, #tpu.memory_space<hbm>> -> memref<1x640x16xf32, #tpu.memory_space<hbm>>
      %dma_wait3A_14 = tpu.memref_squeeze %dma_wait3A_13 : memref<1x640x16xf32, #tpu.memory_space<hbm>> -> memref<640x16xf32, #tpu.memory_space<hbm>>
      %dma_wait3A_15 = arith.constant 0 : i32
      %dma_wait3A_16 = tpu.memref_slice %arg8[%mul3A_2, %dma_wait3A_15] : memref<10240x16xf32, #tpu.memory_space<vmem_shared>> -> memref<640x16xf32, #tpu.memory_space<vmem_shared>>
      tpu.wait_dma2 semaphore(%run_scoped3A : memref<!tpu.dma_semaphore, #tpu.memory_space<semaphore_mem>>) src(%dma_wait3A_16 : memref<640x16xf32, #tpu.memory_space<vmem_shared>>) dst(%dma_wait3A_14 : memref<640x16xf32, #tpu.memory_space<hbm>>)
      tpu.yield
    }) : () -> ()
    return
  }
}

#map = affine_map<(d0, d1) -> (0, 0)>
#map1 = affine_map<(d0, d1) -> (0, 0, 0, 0)>
#map2 = affine_map<(d0, d1) -> (0, 0, 0)>
module attributes {stable_mosaic.version = 14 : i64} {
  func.func @_hop_body(%arg0: i32, %arg1: i32, %arg2: memref<10240x128xf32, #tpu.memory_space<hbm>>, %arg3: memref<10240x128xf32, #tpu.memory_space<hbm>>, %arg4: memref<32x5x50x40xi32, #tpu.memory_space<hbm>>, %arg5: memref<32x5x50x40xi32, #tpu.memory_space<hbm>>, %arg6: memref<2x10240x128xf32, #tpu.memory_space<hbm>>, %arg7: memref<50x40xi32, #tpu.memory_space<vmem>>, %arg8: memref<50x40xi32, #tpu.memory_space<vmem>>, %arg9: memref<40x128xf32, #tpu.memory_space<vmem>>, %arg10: memref<40x128xf32, #tpu.memory_space<vmem>>, %arg11: memref<40x128xf32, #tpu.memory_space<vmem>>, %arg12: memref<40x128xf32, #tpu.memory_space<vmem>>, %arg13: memref<40x128xf32, #tpu.memory_space<vmem>>, %arg14: memref<!tpu.dma_semaphore, #tpu.memory_space<semaphore_mem>>, %arg15: memref<!tpu.dma_semaphore, #tpu.memory_space<semaphore_mem>>, %arg16: memref<!tpu.dma_semaphore, #tpu.memory_space<semaphore_mem>>, %arg17: memref<!tpu.dma_semaphore, #tpu.memory_space<semaphore_mem>>, %arg18: memref<!tpu.dma_semaphore, #tpu.memory_space<semaphore_mem>>, %arg19: memref<10240x128xf32, #tpu.memory_space<vmem_shared>>) attributes {dimension_semantics = [#tpu.dimension_semantics<core_parallel>, #tpu.dimension_semantics<subcore_parallel>], iteration_bounds = array<i64: 2, 16>, scalar_prefetch = 0 : i64, scratch_operands = 13 : i64, tpu.core_type = #tpu.core_type<sc_vector_subcore>, window_params = [{transform_indices = #map}, {transform_indices = #map}, {transform_indices = #map1}, {transform_indices = #map1}, {transform_indices = #map2}]} {
    %mul3A = arith.constant 2 : i32
    %mul3A_0 = arith.muli %arg1, %mul3A : i32
    %add3A = arith.addi %mul3A_0, %arg0 : i32
    %mul3A_1 = arith.constant 640 : i32
    %mul3A_2 = arith.muli %arg1, %mul3A_1 : i32
    %run_scoped3A = arith.constant 0 : i32
    "tpu.region"() ({
      %run_scoped3A_51 = tpu.sem_alloc : memref<!tpu.dma_semaphore, #tpu.memory_space<semaphore_mem>>
      %dma_start3A_52 = arith.constant 0 : i32
      %dma_start3A_53 = arith.constant 0 : i32
      %dma_start3A_54 = tpu.memref_slice %arg4[%add3A, %run_scoped3A, %dma_start3A_52, %dma_start3A_53] : memref<32x5x50x40xi32, #tpu.memory_space<hbm>> -> memref<1x1x50x40xi32, #tpu.memory_space<hbm>>
      %dma_start3A_55 = tpu.memref_squeeze %dma_start3A_54 : memref<1x1x50x40xi32, #tpu.memory_space<hbm>> -> memref<50x40xi32, #tpu.memory_space<hbm>>
      %dma_start3A_56 = arith.constant 0 : i32
      %dma_start3A_57 = arith.constant 0 : i32
      %dma_start3A_58 = tpu.memref_slice %arg4[%add3A, %run_scoped3A, %dma_start3A_56, %dma_start3A_57] : memref<32x5x50x40xi32, #tpu.memory_space<hbm>> -> memref<1x1x50x40xi32, #tpu.memory_space<hbm>>
      %dma_start3A_59 = tpu.memref_squeeze %dma_start3A_58 : memref<1x1x50x40xi32, #tpu.memory_space<hbm>> -> memref<50x40xi32, #tpu.memory_space<hbm>>
      tpu.enqueue_dma source(%dma_start3A_59 : memref<50x40xi32, #tpu.memory_space<hbm>>) target(%arg7 : memref<50x40xi32, #tpu.memory_space<vmem>>) target_semaphore(%run_scoped3A_51 : memref<!tpu.dma_semaphore, #tpu.memory_space<semaphore_mem>>)
      %dma_wait3A = arith.constant 0 : i32
      %dma_wait3A_60 = arith.constant 0 : i32
      %dma_wait3A_61 = tpu.memref_slice %arg4[%add3A, %run_scoped3A, %dma_wait3A, %dma_wait3A_60] : memref<32x5x50x40xi32, #tpu.memory_space<hbm>> -> memref<1x1x50x40xi32, #tpu.memory_space<hbm>>
      %dma_wait3A_62 = tpu.memref_squeeze %dma_wait3A_61 : memref<1x1x50x40xi32, #tpu.memory_space<hbm>> -> memref<50x40xi32, #tpu.memory_space<hbm>>
      %dma_wait3A_63 = arith.constant 0 : i32
      %dma_wait3A_64 = arith.constant 0 : i32
      %dma_wait3A_65 = tpu.memref_slice %arg4[%add3A, %run_scoped3A, %dma_wait3A_63, %dma_wait3A_64] : memref<32x5x50x40xi32, #tpu.memory_space<hbm>> -> memref<1x1x50x40xi32, #tpu.memory_space<hbm>>
      %dma_wait3A_66 = tpu.memref_squeeze %dma_wait3A_65 : memref<1x1x50x40xi32, #tpu.memory_space<hbm>> -> memref<50x40xi32, #tpu.memory_space<hbm>>
      tpu.wait_dma2 semaphore(%run_scoped3A_51 : memref<!tpu.dma_semaphore, #tpu.memory_space<semaphore_mem>>) src(%dma_wait3A_66 : memref<50x40xi32, #tpu.memory_space<hbm>>) dst(%arg7 : memref<50x40xi32, #tpu.memory_space<vmem>>)
      tpu.yield
    }) : () -> ()
    %run_scoped3A_3 = arith.constant 0 : i32
    "tpu.region"() ({
      %run_scoped3A_51 = tpu.sem_alloc : memref<!tpu.dma_semaphore, #tpu.memory_space<semaphore_mem>>
      %dma_start3A_52 = arith.constant 0 : i32
      %dma_start3A_53 = arith.constant 0 : i32
      %dma_start3A_54 = tpu.memref_slice %arg5[%add3A, %run_scoped3A_3, %dma_start3A_52, %dma_start3A_53] : memref<32x5x50x40xi32, #tpu.memory_space<hbm>> -> memref<1x1x50x40xi32, #tpu.memory_space<hbm>>
      %dma_start3A_55 = tpu.memref_squeeze %dma_start3A_54 : memref<1x1x50x40xi32, #tpu.memory_space<hbm>> -> memref<50x40xi32, #tpu.memory_space<hbm>>
      %dma_start3A_56 = arith.constant 0 : i32
      %dma_start3A_57 = arith.constant 0 : i32
      %dma_start3A_58 = tpu.memref_slice %arg5[%add3A, %run_scoped3A_3, %dma_start3A_56, %dma_start3A_57] : memref<32x5x50x40xi32, #tpu.memory_space<hbm>> -> memref<1x1x50x40xi32, #tpu.memory_space<hbm>>
      %dma_start3A_59 = tpu.memref_squeeze %dma_start3A_58 : memref<1x1x50x40xi32, #tpu.memory_space<hbm>> -> memref<50x40xi32, #tpu.memory_space<hbm>>
      tpu.enqueue_dma source(%dma_start3A_59 : memref<50x40xi32, #tpu.memory_space<hbm>>) target(%arg8 : memref<50x40xi32, #tpu.memory_space<vmem>>) target_semaphore(%run_scoped3A_51 : memref<!tpu.dma_semaphore, #tpu.memory_space<semaphore_mem>>)
      %dma_wait3A = arith.constant 0 : i32
      %dma_wait3A_60 = arith.constant 0 : i32
      %dma_wait3A_61 = tpu.memref_slice %arg5[%add3A, %run_scoped3A_3, %dma_wait3A, %dma_wait3A_60] : memref<32x5x50x40xi32, #tpu.memory_space<hbm>> -> memref<1x1x50x40xi32, #tpu.memory_space<hbm>>
      %dma_wait3A_62 = tpu.memref_squeeze %dma_wait3A_61 : memref<1x1x50x40xi32, #tpu.memory_space<hbm>> -> memref<50x40xi32, #tpu.memory_space<hbm>>
      %dma_wait3A_63 = arith.constant 0 : i32
      %dma_wait3A_64 = arith.constant 0 : i32
      %dma_wait3A_65 = tpu.memref_slice %arg5[%add3A, %run_scoped3A_3, %dma_wait3A_63, %dma_wait3A_64] : memref<32x5x50x40xi32, #tpu.memory_space<hbm>> -> memref<1x1x50x40xi32, #tpu.memory_space<hbm>>
      %dma_wait3A_66 = tpu.memref_squeeze %dma_wait3A_65 : memref<1x1x50x40xi32, #tpu.memory_space<hbm>> -> memref<50x40xi32, #tpu.memory_space<hbm>>
      tpu.wait_dma2 semaphore(%run_scoped3A_51 : memref<!tpu.dma_semaphore, #tpu.memory_space<semaphore_mem>>) src(%dma_wait3A_66 : memref<50x40xi32, #tpu.memory_space<hbm>>) dst(%arg8 : memref<50x40xi32, #tpu.memory_space<vmem>>)
      tpu.yield
    }) : () -> ()
    %dma_start3A = arith.constant 0 : i32
    %dma_start3A_4 = arith.constant 0 : i32
    %dma_start3A_5 = tpu.memref_slice %arg7[%dma_start3A, %dma_start3A_4] : memref<50x40xi32, #tpu.memory_space<vmem>> -> memref<1x40xi32, #tpu.memory_space<vmem>>
    %dma_start3A_6 = tpu.memref_squeeze %dma_start3A_5 : memref<1x40xi32, #tpu.memory_space<vmem>> -> memref<40xi32, #tpu.memory_space<vmem>>
    %dma_start3A_7 = arith.constant 0 : i32
    %dma_start3A_8 = arith.constant 0 : i32
    %dma_start3A_9 = tpu.memref_slice %arg2[%dma_start3A_7, %dma_start3A_8] : memref<10240x128xf32, #tpu.memory_space<hbm>> -> memref<10240x128xf32, #tpu.memory_space<hbm>>
    tpu.enqueue_indirect_dma source(%dma_start3A_9 : memref<10240x128xf32, #tpu.memory_space<hbm>>) target(%arg9 : memref<40x128xf32, #tpu.memory_space<vmem>>) offsets(%dma_start3A_6 : memref<40xi32, #tpu.memory_space<vmem>>) semaphore(%arg14 : memref<!tpu.dma_semaphore, #tpu.memory_space<semaphore_mem>>)
    %dma_start3A_10 = arith.constant 1 : i32
    %dma_start3A_11 = arith.constant 0 : i32
    %dma_start3A_12 = tpu.memref_slice %arg7[%dma_start3A_10, %dma_start3A_11] : memref<50x40xi32, #tpu.memory_space<vmem>> -> memref<1x40xi32, #tpu.memory_space<vmem>>
    %dma_start3A_13 = tpu.memref_squeeze %dma_start3A_12 : memref<1x40xi32, #tpu.memory_space<vmem>> -> memref<40xi32, #tpu.memory_space<vmem>>
    %dma_start3A_14 = arith.constant 0 : i32
    %dma_start3A_15 = arith.constant 0 : i32
    %dma_start3A_16 = tpu.memref_slice %arg2[%dma_start3A_14, %dma_start3A_15] : memref<10240x128xf32, #tpu.memory_space<hbm>> -> memref<10240x128xf32, #tpu.memory_space<hbm>>
    tpu.enqueue_indirect_dma source(%dma_start3A_16 : memref<10240x128xf32, #tpu.memory_space<hbm>>) target(%arg10 : memref<40x128xf32, #tpu.memory_space<vmem>>) offsets(%dma_start3A_13 : memref<40xi32, #tpu.memory_space<vmem>>) semaphore(%arg15 : memref<!tpu.dma_semaphore, #tpu.memory_space<semaphore_mem>>)
    %dma_start3A_17 = arith.constant 2 : i32
    %dma_start3A_18 = arith.constant 0 : i32
    %dma_start3A_19 = tpu.memref_slice %arg7[%dma_start3A_17, %dma_start3A_18] : memref<50x40xi32, #tpu.memory_space<vmem>> -> memref<1x40xi32, #tpu.memory_space<vmem>>
    %dma_start3A_20 = tpu.memref_squeeze %dma_start3A_19 : memref<1x40xi32, #tpu.memory_space<vmem>> -> memref<40xi32, #tpu.memory_space<vmem>>
    %dma_start3A_21 = arith.constant 0 : i32
    %dma_start3A_22 = arith.constant 0 : i32
    %dma_start3A_23 = tpu.memref_slice %arg2[%dma_start3A_21, %dma_start3A_22] : memref<10240x128xf32, #tpu.memory_space<hbm>> -> memref<10240x128xf32, #tpu.memory_space<hbm>>
    tpu.enqueue_indirect_dma source(%dma_start3A_23 : memref<10240x128xf32, #tpu.memory_space<hbm>>) target(%arg11 : memref<40x128xf32, #tpu.memory_space<vmem>>) offsets(%dma_start3A_20 : memref<40xi32, #tpu.memory_space<vmem>>) semaphore(%arg16 : memref<!tpu.dma_semaphore, #tpu.memory_space<semaphore_mem>>)
    %dma_start3A_24 = arith.constant 3 : i32
    %dma_start3A_25 = arith.constant 0 : i32
    %dma_start3A_26 = tpu.memref_slice %arg7[%dma_start3A_24, %dma_start3A_25] : memref<50x40xi32, #tpu.memory_space<vmem>> -> memref<1x40xi32, #tpu.memory_space<vmem>>
    %dma_start3A_27 = tpu.memref_squeeze %dma_start3A_26 : memref<1x40xi32, #tpu.memory_space<vmem>> -> memref<40xi32, #tpu.memory_space<vmem>>
    %dma_start3A_28 = arith.constant 0 : i32
    %dma_start3A_29 = arith.constant 0 : i32
    %dma_start3A_30 = tpu.memref_slice %arg2[%dma_start3A_28, %dma_start3A_29] : memref<10240x128xf32, #tpu.memory_space<hbm>> -> memref<10240x128xf32, #tpu.memory_space<hbm>>
    tpu.enqueue_indirect_dma source(%dma_start3A_30 : memref<10240x128xf32, #tpu.memory_space<hbm>>) target(%arg12 : memref<40x128xf32, #tpu.memory_space<vmem>>) offsets(%dma_start3A_27 : memref<40xi32, #tpu.memory_space<vmem>>) semaphore(%arg17 : memref<!tpu.dma_semaphore, #tpu.memory_space<semaphore_mem>>)
    %dma_start3A_31 = arith.constant 4 : i32
    %dma_start3A_32 = arith.constant 0 : i32
    %dma_start3A_33 = tpu.memref_slice %arg7[%dma_start3A_31, %dma_start3A_32] : memref<50x40xi32, #tpu.memory_space<vmem>> -> memref<1x40xi32, #tpu.memory_space<vmem>>
    %dma_start3A_34 = tpu.memref_squeeze %dma_start3A_33 : memref<1x40xi32, #tpu.memory_space<vmem>> -> memref<40xi32, #tpu.memory_space<vmem>>
    %dma_start3A_35 = arith.constant 0 : i32
    %dma_start3A_36 = arith.constant 0 : i32
    %dma_start3A_37 = tpu.memref_slice %arg2[%dma_start3A_35, %dma_start3A_36] : memref<10240x128xf32, #tpu.memory_space<hbm>> -> memref<10240x128xf32, #tpu.memory_space<hbm>>
    tpu.enqueue_indirect_dma source(%dma_start3A_37 : memref<10240x128xf32, #tpu.memory_space<hbm>>) target(%arg13 : memref<40x128xf32, #tpu.memory_space<vmem>>) offsets(%dma_start3A_34 : memref<40xi32, #tpu.memory_space<vmem>>) semaphore(%arg18 : memref<!tpu.dma_semaphore, #tpu.memory_space<semaphore_mem>>)
    %eq3A = arith.constant 0 : i32
    %eq3A_38 = arith.cmpi eq, %arg0, %eq3A : i32
    %convert_element_type3A = arith.extui %eq3A_38 : i1 to i32
    %cond3A = arith.constant 0 : i32
    %cond3A_39 = arith.cmpi ne, %convert_element_type3A, %cond3A : i32
    scf.if %cond3A_39 {
      "tpu.region"() ({
        %run_scoped3A_51 = tpu.sem_alloc : memref<!tpu.dma_semaphore, #tpu.memory_space<semaphore_mem>>
        %dma_start3A_52 = arith.constant 0 : i32
        %dma_start3A_53 = tpu.memref_slice %arg19[%mul3A_2, %dma_start3A_52] : memref<10240x128xf32, #tpu.memory_space<vmem_shared>> -> memref<640x128xf32, #tpu.memory_space<vmem_shared>>
        %dma_start3A_54 = arith.constant 0 : i32
        %dma_start3A_55 = tpu.memref_slice %arg2[%mul3A_2, %dma_start3A_54] : memref<10240x128xf32, #tpu.memory_space<hbm>> -> memref<640x128xf32, #tpu.memory_space<hbm>>
        tpu.enqueue_dma source(%dma_start3A_55 : memref<640x128xf32, #tpu.memory_space<hbm>>) target(%dma_start3A_53 : memref<640x128xf32, #tpu.memory_space<vmem_shared>>) target_semaphore(%run_scoped3A_51 : memref<!tpu.dma_semaphore, #tpu.memory_space<semaphore_mem>>)
        %dma_wait3A = arith.constant 0 : i32
        %dma_wait3A_56 = tpu.memref_slice %arg19[%mul3A_2, %dma_wait3A] : memref<10240x128xf32, #tpu.memory_space<vmem_shared>> -> memref<640x128xf32, #tpu.memory_space<vmem_shared>>
        %dma_wait3A_57 = arith.constant 0 : i32
        %dma_wait3A_58 = tpu.memref_slice %arg2[%mul3A_2, %dma_wait3A_57] : memref<10240x128xf32, #tpu.memory_space<hbm>> -> memref<640x128xf32, #tpu.memory_space<hbm>>
        tpu.wait_dma2 semaphore(%run_scoped3A_51 : memref<!tpu.dma_semaphore, #tpu.memory_space<semaphore_mem>>) src(%dma_wait3A_58 : memref<640x128xf32, #tpu.memory_space<hbm>>) dst(%dma_wait3A_56 : memref<640x128xf32, #tpu.memory_space<vmem_shared>>)
        tpu.yield
      }) : () -> ()
    } else {
    }
    %eq3A_40 = arith.constant 1 : i32
    %eq3A_41 = arith.cmpi eq, %arg0, %eq3A_40 : i32
    %convert_element_type3A_42 = arith.extui %eq3A_41 : i1 to i32
    %cond3A_43 = arith.constant 0 : i32
    %cond3A_44 = arith.cmpi ne, %convert_element_type3A_42, %cond3A_43 : i32
    scf.if %cond3A_44 {
      "tpu.region"() ({
        %run_scoped3A_51 = tpu.sem_alloc : memref<!tpu.dma_semaphore, #tpu.memory_space<semaphore_mem>>
        %dma_start3A_52 = arith.constant 0 : i32
        %dma_start3A_53 = tpu.memref_slice %arg19[%mul3A_2, %dma_start3A_52] : memref<10240x128xf32, #tpu.memory_space<vmem_shared>> -> memref<640x128xf32, #tpu.memory_space<vmem_shared>>
        %dma_start3A_54 = arith.constant 0 : i32
        %dma_start3A_55 = tpu.memref_slice %arg3[%mul3A_2, %dma_start3A_54] : memref<10240x128xf32, #tpu.memory_space<hbm>> -> memref<640x128xf32, #tpu.memory_space<hbm>>
        tpu.enqueue_dma source(%dma_start3A_55 : memref<640x128xf32, #tpu.memory_space<hbm>>) target(%dma_start3A_53 : memref<640x128xf32, #tpu.memory_space<vmem_shared>>) target_semaphore(%run_scoped3A_51 : memref<!tpu.dma_semaphore, #tpu.memory_space<semaphore_mem>>)
        %dma_wait3A = arith.constant 0 : i32
        %dma_wait3A_56 = tpu.memref_slice %arg19[%mul3A_2, %dma_wait3A] : memref<10240x128xf32, #tpu.memory_space<vmem_shared>> -> memref<640x128xf32, #tpu.memory_space<vmem_shared>>
        %dma_wait3A_57 = arith.constant 0 : i32
        %dma_wait3A_58 = tpu.memref_slice %arg3[%mul3A_2, %dma_wait3A_57] : memref<10240x128xf32, #tpu.memory_space<hbm>> -> memref<640x128xf32, #tpu.memory_space<hbm>>
        tpu.wait_dma2 semaphore(%run_scoped3A_51 : memref<!tpu.dma_semaphore, #tpu.memory_space<semaphore_mem>>) src(%dma_wait3A_58 : memref<640x128xf32, #tpu.memory_space<hbm>>) dst(%dma_wait3A_56 : memref<640x128xf32, #tpu.memory_space<vmem_shared>>)
        tpu.yield
      }) : () -> ()
    } else {
    }
    %barrier3A = arith.constant 0 : index
    tpu.barrier barrier_id(%barrier3A)
    %scan3A = arith.constant 0 : i32
    %scan3A_45 = arith.constant 0 : i32
    %scan3A_46 = arith.constant 5 : i32
    %scan3A_47 = arith.addi %scan3A_45, %scan3A_46 : i32
    %scan3A_48 = arith.constant 1 : i32
    scf.for %scan3A_51 = %scan3A_45 to %scan3A_47 step %scan3A_48  : i32 {
      %gt3A = arith.constant 0 : i32
      %gt3A_52 = arith.cmpi sgt, %scan3A_51, %gt3A : i32
      %convert_element_type3A_53 = arith.extui %gt3A_52 : i1 to i32
      %cond3A_54 = arith.constant 0 : i32
      %cond3A_55 = arith.cmpi ne, %convert_element_type3A_53, %cond3A_54 : i32
      scf.if %cond3A_55 {
        "tpu.region"() ({
          %run_scoped3A_97 = tpu.sem_alloc : memref<!tpu.dma_semaphore, #tpu.memory_space<semaphore_mem>>
          %dma_start3A_98 = arith.constant 0 : i32
          %dma_start3A_99 = arith.constant 0 : i32
          %dma_start3A_100 = tpu.memref_slice %arg4[%add3A, %scan3A_51, %dma_start3A_98, %dma_start3A_99] : memref<32x5x50x40xi32, #tpu.memory_space<hbm>> -> memref<1x1x50x40xi32, #tpu.memory_space<hbm>>
          %dma_start3A_101 = tpu.memref_squeeze %dma_start3A_100 : memref<1x1x50x40xi32, #tpu.memory_space<hbm>> -> memref<50x40xi32, #tpu.memory_space<hbm>>
          %dma_start3A_102 = arith.constant 0 : i32
          %dma_start3A_103 = arith.constant 0 : i32
          %dma_start3A_104 = tpu.memref_slice %arg4[%add3A, %scan3A_51, %dma_start3A_102, %dma_start3A_103] : memref<32x5x50x40xi32, #tpu.memory_space<hbm>> -> memref<1x1x50x40xi32, #tpu.memory_space<hbm>>
          %dma_start3A_105 = tpu.memref_squeeze %dma_start3A_104 : memref<1x1x50x40xi32, #tpu.memory_space<hbm>> -> memref<50x40xi32, #tpu.memory_space<hbm>>
          tpu.enqueue_dma source(%dma_start3A_105 : memref<50x40xi32, #tpu.memory_space<hbm>>) target(%arg7 : memref<50x40xi32, #tpu.memory_space<vmem>>) target_semaphore(%run_scoped3A_97 : memref<!tpu.dma_semaphore, #tpu.memory_space<semaphore_mem>>)
          %dma_wait3A = arith.constant 0 : i32
          %dma_wait3A_106 = arith.constant 0 : i32
          %dma_wait3A_107 = tpu.memref_slice %arg4[%add3A, %scan3A_51, %dma_wait3A, %dma_wait3A_106] : memref<32x5x50x40xi32, #tpu.memory_space<hbm>> -> memref<1x1x50x40xi32, #tpu.memory_space<hbm>>
          %dma_wait3A_108 = tpu.memref_squeeze %dma_wait3A_107 : memref<1x1x50x40xi32, #tpu.memory_space<hbm>> -> memref<50x40xi32, #tpu.memory_space<hbm>>
          %dma_wait3A_109 = arith.constant 0 : i32
          %dma_wait3A_110 = arith.constant 0 : i32
          %dma_wait3A_111 = tpu.memref_slice %arg4[%add3A, %scan3A_51, %dma_wait3A_109, %dma_wait3A_110] : memref<32x5x50x40xi32, #tpu.memory_space<hbm>> -> memref<1x1x50x40xi32, #tpu.memory_space<hbm>>
          %dma_wait3A_112 = tpu.memref_squeeze %dma_wait3A_111 : memref<1x1x50x40xi32, #tpu.memory_space<hbm>> -> memref<50x40xi32, #tpu.memory_space<hbm>>
          tpu.wait_dma2 semaphore(%run_scoped3A_97 : memref<!tpu.dma_semaphore, #tpu.memory_space<semaphore_mem>>) src(%dma_wait3A_112 : memref<50x40xi32, #tpu.memory_space<hbm>>) dst(%arg7 : memref<50x40xi32, #tpu.memory_space<vmem>>)
          tpu.yield
        }) : () -> ()
        "tpu.region"() ({
          %run_scoped3A_97 = tpu.sem_alloc : memref<!tpu.dma_semaphore, #tpu.memory_space<semaphore_mem>>
          %dma_start3A_98 = arith.constant 0 : i32
          %dma_start3A_99 = arith.constant 0 : i32
          %dma_start3A_100 = tpu.memref_slice %arg5[%add3A, %scan3A_51, %dma_start3A_98, %dma_start3A_99] : memref<32x5x50x40xi32, #tpu.memory_space<hbm>> -> memref<1x1x50x40xi32, #tpu.memory_space<hbm>>
          %dma_start3A_101 = tpu.memref_squeeze %dma_start3A_100 : memref<1x1x50x40xi32, #tpu.memory_space<hbm>> -> memref<50x40xi32, #tpu.memory_space<hbm>>
          %dma_start3A_102 = arith.constant 0 : i32
          %dma_start3A_103 = arith.constant 0 : i32
          %dma_start3A_104 = tpu.memref_slice %arg5[%add3A, %scan3A_51, %dma_start3A_102, %dma_start3A_103] : memref<32x5x50x40xi32, #tpu.memory_space<hbm>> -> memref<1x1x50x40xi32, #tpu.memory_space<hbm>>
          %dma_start3A_105 = tpu.memref_squeeze %dma_start3A_104 : memref<1x1x50x40xi32, #tpu.memory_space<hbm>> -> memref<50x40xi32, #tpu.memory_space<hbm>>
          tpu.enqueue_dma source(%dma_start3A_105 : memref<50x40xi32, #tpu.memory_space<hbm>>) target(%arg8 : memref<50x40xi32, #tpu.memory_space<vmem>>) target_semaphore(%run_scoped3A_97 : memref<!tpu.dma_semaphore, #tpu.memory_space<semaphore_mem>>)
          %dma_wait3A = arith.constant 0 : i32
          %dma_wait3A_106 = arith.constant 0 : i32
          %dma_wait3A_107 = tpu.memref_slice %arg5[%add3A, %scan3A_51, %dma_wait3A, %dma_wait3A_106] : memref<32x5x50x40xi32, #tpu.memory_space<hbm>> -> memref<1x1x50x40xi32, #tpu.memory_space<hbm>>
          %dma_wait3A_108 = tpu.memref_squeeze %dma_wait3A_107 : memref<1x1x50x40xi32, #tpu.memory_space<hbm>> -> memref<50x40xi32, #tpu.memory_space<hbm>>
          %dma_wait3A_109 = arith.constant 0 : i32
          %dma_wait3A_110 = arith.constant 0 : i32
          %dma_wait3A_111 = tpu.memref_slice %arg5[%add3A, %scan3A_51, %dma_wait3A_109, %dma_wait3A_110] : memref<32x5x50x40xi32, #tpu.memory_space<hbm>> -> memref<1x1x50x40xi32, #tpu.memory_space<hbm>>
          %dma_wait3A_112 = tpu.memref_squeeze %dma_wait3A_111 : memref<1x1x50x40xi32, #tpu.memory_space<hbm>> -> memref<50x40xi32, #tpu.memory_space<hbm>>
          tpu.wait_dma2 semaphore(%run_scoped3A_97 : memref<!tpu.dma_semaphore, #tpu.memory_space<semaphore_mem>>) src(%dma_wait3A_112 : memref<50x40xi32, #tpu.memory_space<hbm>>) dst(%arg8 : memref<50x40xi32, #tpu.memory_space<vmem>>)
          tpu.yield
        }) : () -> ()
        %dma_start3A_62 = arith.constant 0 : i32
        %dma_start3A_63 = arith.constant 0 : i32
        %dma_start3A_64 = tpu.memref_slice %arg7[%dma_start3A_62, %dma_start3A_63] : memref<50x40xi32, #tpu.memory_space<vmem>> -> memref<1x40xi32, #tpu.memory_space<vmem>>
        %dma_start3A_65 = tpu.memref_squeeze %dma_start3A_64 : memref<1x40xi32, #tpu.memory_space<vmem>> -> memref<40xi32, #tpu.memory_space<vmem>>
        %dma_start3A_66 = arith.constant 0 : i32
        %dma_start3A_67 = arith.constant 0 : i32
        %dma_start3A_68 = tpu.memref_slice %arg2[%dma_start3A_66, %dma_start3A_67] : memref<10240x128xf32, #tpu.memory_space<hbm>> -> memref<10240x128xf32, #tpu.memory_space<hbm>>
        tpu.enqueue_indirect_dma source(%dma_start3A_68 : memref<10240x128xf32, #tpu.memory_space<hbm>>) target(%arg9 : memref<40x128xf32, #tpu.memory_space<vmem>>) offsets(%dma_start3A_65 : memref<40xi32, #tpu.memory_space<vmem>>) semaphore(%arg14 : memref<!tpu.dma_semaphore, #tpu.memory_space<semaphore_mem>>)
        %dma_start3A_69 = arith.constant 1 : i32
        %dma_start3A_70 = arith.constant 0 : i32
        %dma_start3A_71 = tpu.memref_slice %arg7[%dma_start3A_69, %dma_start3A_70] : memref<50x40xi32, #tpu.memory_space<vmem>> -> memref<1x40xi32, #tpu.memory_space<vmem>>
        %dma_start3A_72 = tpu.memref_squeeze %dma_start3A_71 : memref<1x40xi32, #tpu.memory_space<vmem>> -> memref<40xi32, #tpu.memory_space<vmem>>
        %dma_start3A_73 = arith.constant 0 : i32
        %dma_start3A_74 = arith.constant 0 : i32
        %dma_start3A_75 = tpu.memref_slice %arg2[%dma_start3A_73, %dma_start3A_74] : memref<10240x128xf32, #tpu.memory_space<hbm>> -> memref<10240x128xf32, #tpu.memory_space<hbm>>
        tpu.enqueue_indirect_dma source(%dma_start3A_75 : memref<10240x128xf32, #tpu.memory_space<hbm>>) target(%arg10 : memref<40x128xf32, #tpu.memory_space<vmem>>) offsets(%dma_start3A_72 : memref<40xi32, #tpu.memory_space<vmem>>) semaphore(%arg15 : memref<!tpu.dma_semaphore, #tpu.memory_space<semaphore_mem>>)
        %dma_start3A_76 = arith.constant 2 : i32
        %dma_start3A_77 = arith.constant 0 : i32
        %dma_start3A_78 = tpu.memref_slice %arg7[%dma_start3A_76, %dma_start3A_77] : memref<50x40xi32, #tpu.memory_space<vmem>> -> memref<1x40xi32, #tpu.memory_space<vmem>>
        %dma_start3A_79 = tpu.memref_squeeze %dma_start3A_78 : memref<1x40xi32, #tpu.memory_space<vmem>> -> memref<40xi32, #tpu.memory_space<vmem>>
        %dma_start3A_80 = arith.constant 0 : i32
        %dma_start3A_81 = arith.constant 0 : i32
        %dma_start3A_82 = tpu.memref_slice %arg2[%dma_start3A_80, %dma_start3A_81] : memref<10240x128xf32, #tpu.memory_space<hbm>> -> memref<10240x128xf32, #tpu.memory_space<hbm>>
        tpu.enqueue_indirect_dma source(%dma_start3A_82 : memref<10240x128xf32, #tpu.memory_space<hbm>>) target(%arg11 : memref<40x128xf32, #tpu.memory_space<vmem>>) offsets(%dma_start3A_79 : memref<40xi32, #tpu.memory_space<vmem>>) semaphore(%arg16 : memref<!tpu.dma_semaphore, #tpu.memory_space<semaphore_mem>>)
        %dma_start3A_83 = arith.constant 3 : i32
        %dma_start3A_84 = arith.constant 0 : i32
        %dma_start3A_85 = tpu.memref_slice %arg7[%dma_start3A_83, %dma_start3A_84] : memref<50x40xi32, #tpu.memory_space<vmem>> -> memref<1x40xi32, #tpu.memory_space<vmem>>
        %dma_start3A_86 = tpu.memref_squeeze %dma_start3A_85 : memref<1x40xi32, #tpu.memory_space<vmem>> -> memref<40xi32, #tpu.memory_space<vmem>>
        %dma_start3A_87 = arith.constant 0 : i32
        %dma_start3A_88 = arith.constant 0 : i32
        %dma_start3A_89 = tpu.memref_slice %arg2[%dma_start3A_87, %dma_start3A_88] : memref<10240x128xf32, #tpu.memory_space<hbm>> -> memref<10240x128xf32, #tpu.memory_space<hbm>>
        tpu.enqueue_indirect_dma source(%dma_start3A_89 : memref<10240x128xf32, #tpu.memory_space<hbm>>) target(%arg12 : memref<40x128xf32, #tpu.memory_space<vmem>>) offsets(%dma_start3A_86 : memref<40xi32, #tpu.memory_space<vmem>>) semaphore(%arg17 : memref<!tpu.dma_semaphore, #tpu.memory_space<semaphore_mem>>)
        %dma_start3A_90 = arith.constant 4 : i32
        %dma_start3A_91 = arith.constant 0 : i32
        %dma_start3A_92 = tpu.memref_slice %arg7[%dma_start3A_90, %dma_start3A_91] : memref<50x40xi32, #tpu.memory_space<vmem>> -> memref<1x40xi32, #tpu.memory_space<vmem>>
        %dma_start3A_93 = tpu.memref_squeeze %dma_start3A_92 : memref<1x40xi32, #tpu.memory_space<vmem>> -> memref<40xi32, #tpu.memory_space<vmem>>
        %dma_start3A_94 = arith.constant 0 : i32
        %dma_start3A_95 = arith.constant 0 : i32
        %dma_start3A_96 = tpu.memref_slice %arg2[%dma_start3A_94, %dma_start3A_95] : memref<10240x128xf32, #tpu.memory_space<hbm>> -> memref<10240x128xf32, #tpu.memory_space<hbm>>
        tpu.enqueue_indirect_dma source(%dma_start3A_96 : memref<10240x128xf32, #tpu.memory_space<hbm>>) target(%arg13 : memref<40x128xf32, #tpu.memory_space<vmem>>) offsets(%dma_start3A_93 : memref<40xi32, #tpu.memory_space<vmem>>) semaphore(%arg18 : memref<!tpu.dma_semaphore, #tpu.memory_space<semaphore_mem>>)
      } else {
      }
      %scan3A_56 = arith.constant 0 : i32
      %scan3A_57 = arith.constant 0 : i32
      %scan3A_58 = arith.constant 10 : i32
      %scan3A_59 = arith.addi %scan3A_57, %scan3A_58 : i32
      %scan3A_60 = arith.constant 1 : i32
      scf.for %scan3A_62 = %scan3A_57 to %scan3A_59 step %scan3A_60  : i32 {
        %mul3A_63 = arith.constant 5 : i32
        %mul3A_64 = arith.muli %scan3A_62, %mul3A_63 : i32
        %add3A_65 = arith.constant 0 : i32
        %add3A_66 = arith.addi %mul3A_64, %add3A_65 : i32
        %dma_wait3A = arith.constant 0 : i32
        %dma_wait3A_67 = tpu.memref_slice %arg7[%add3A_66, %dma_wait3A] : memref<50x40xi32, #tpu.memory_space<vmem>> -> memref<1x40xi32, #tpu.memory_space<vmem>>
        %dma_wait3A_68 = tpu.memref_squeeze %dma_wait3A_67 : memref<1x40xi32, #tpu.memory_space<vmem>> -> memref<40xi32, #tpu.memory_space<vmem>>
        %dma_wait3A_69 = arith.constant 0 : i32
        %dma_wait3A_70 = arith.constant 0 : i32
        %dma_wait3A_71 = tpu.memref_slice %arg2[%dma_wait3A_69, %dma_wait3A_70] : memref<10240x128xf32, #tpu.memory_space<hbm>> -> memref<10240x128xf32, #tpu.memory_space<hbm>>
        tpu.wait_indirect_dma semaphore(%arg14 : memref<!tpu.dma_semaphore, #tpu.memory_space<semaphore_mem>>) src(%dma_wait3A_71 : memref<10240x128xf32, #tpu.memory_space<hbm>>) dst(%arg9 : memref<40x128xf32, #tpu.memory_space<vmem>>)
        "tpu.region"() ({
          %run_scoped3A_138 = tpu.sem_alloc : memref<!tpu.dma_semaphore, #tpu.memory_space<semaphore_mem>>
          %dma_start3A_139 = arith.constant 0 : i32
          %dma_start3A_140 = tpu.memref_slice %arg8[%add3A_66, %dma_start3A_139] : memref<50x40xi32, #tpu.memory_space<vmem>> -> memref<1x40xi32, #tpu.memory_space<vmem>>
          %dma_start3A_141 = tpu.memref_squeeze %dma_start3A_140 : memref<1x40xi32, #tpu.memory_space<vmem>> -> memref<40xi32, #tpu.memory_space<vmem>>
          %dma_start3A_142 = arith.constant 0 : i32
          %dma_start3A_143 = arith.constant 0 : i32
          %dma_start3A_144 = tpu.memref_slice %arg19[%dma_start3A_142, %dma_start3A_143] : memref<10240x128xf32, #tpu.memory_space<vmem_shared>> -> memref<10240x128xf32, #tpu.memory_space<vmem_shared>>
          tpu.enqueue_indirect_dma source(%arg9 : memref<40x128xf32, #tpu.memory_space<vmem>>) target(%dma_start3A_144 : memref<10240x128xf32, #tpu.memory_space<vmem_shared>>) offsets(%dma_start3A_141 : memref<40xi32, #tpu.memory_space<vmem>>) semaphore(%run_scoped3A_138 : memref<!tpu.dma_semaphore, #tpu.memory_space<semaphore_mem>>) {add = true}
          %dma_wait3A_145 = arith.constant 0 : i32
          %dma_wait3A_146 = tpu.memref_slice %arg8[%add3A_66, %dma_wait3A_145] : memref<50x40xi32, #tpu.memory_space<vmem>> -> memref<1x40xi32, #tpu.memory_space<vmem>>
          %dma_wait3A_147 = tpu.memref_squeeze %dma_wait3A_146 : memref<1x40xi32, #tpu.memory_space<vmem>> -> memref<40xi32, #tpu.memory_space<vmem>>
          %dma_wait3A_148 = arith.constant 0 : i32
          %dma_wait3A_149 = arith.constant 0 : i32
          %dma_wait3A_150 = tpu.memref_slice %arg19[%dma_wait3A_148, %dma_wait3A_149] : memref<10240x128xf32, #tpu.memory_space<vmem_shared>> -> memref<10240x128xf32, #tpu.memory_space<vmem_shared>>
          tpu.wait_indirect_dma semaphore(%run_scoped3A_138 : memref<!tpu.dma_semaphore, #tpu.memory_space<semaphore_mem>>) src(%arg9 : memref<40x128xf32, #tpu.memory_space<vmem>>) dst(%dma_wait3A_150 : memref<10240x128xf32, #tpu.memory_space<vmem_shared>>)
          tpu.yield
        }) : () -> ()
        %add3A_72 = arith.constant 5 : i32
        %add3A_73 = arith.addi %add3A_66, %add3A_72 : i32
        %lt3A = arith.constant 50 : i32
        %lt3A_74 = arith.cmpi slt, %add3A_73, %lt3A : i32
        %convert_element_type3A_75 = arith.extui %lt3A_74 : i1 to i32
        %cond3A_76 = arith.constant 0 : i32
        %cond3A_77 = arith.cmpi ne, %convert_element_type3A_75, %cond3A_76 : i32
        scf.if %cond3A_77 {
          %add3A_138 = arith.constant 5 : i32
          %add3A_139 = arith.addi %add3A_66, %add3A_138 : i32
          %dma_start3A_140 = arith.constant 0 : i32
          %dma_start3A_141 = tpu.memref_slice %arg7[%add3A_139, %dma_start3A_140] : memref<50x40xi32, #tpu.memory_space<vmem>> -> memref<1x40xi32, #tpu.memory_space<vmem>>
          %dma_start3A_142 = tpu.memref_squeeze %dma_start3A_141 : memref<1x40xi32, #tpu.memory_space<vmem>> -> memref<40xi32, #tpu.memory_space<vmem>>
          %dma_start3A_143 = arith.constant 0 : i32
          %dma_start3A_144 = arith.constant 0 : i32
          %dma_start3A_145 = tpu.memref_slice %arg2[%dma_start3A_143, %dma_start3A_144] : memref<10240x128xf32, #tpu.memory_space<hbm>> -> memref<10240x128xf32, #tpu.memory_space<hbm>>
          tpu.enqueue_indirect_dma source(%dma_start3A_145 : memref<10240x128xf32, #tpu.memory_space<hbm>>) target(%arg9 : memref<40x128xf32, #tpu.memory_space<vmem>>) offsets(%dma_start3A_142 : memref<40xi32, #tpu.memory_space<vmem>>) semaphore(%arg14 : memref<!tpu.dma_semaphore, #tpu.memory_space<semaphore_mem>>)
        } else {
        }
        %add3A_78 = arith.constant 1 : i32
        %add3A_79 = arith.addi %mul3A_64, %add3A_78 : i32
        %dma_wait3A_80 = arith.constant 0 : i32
        %dma_wait3A_81 = tpu.memref_slice %arg7[%add3A_79, %dma_wait3A_80] : memref<50x40xi32, #tpu.memory_space<vmem>> -> memref<1x40xi32, #tpu.memory_space<vmem>>
        %dma_wait3A_82 = tpu.memref_squeeze %dma_wait3A_81 : memref<1x40xi32, #tpu.memory_space<vmem>> -> memref<40xi32, #tpu.memory_space<vmem>>
        %dma_wait3A_83 = arith.constant 0 : i32
        %dma_wait3A_84 = arith.constant 0 : i32
        %dma_wait3A_85 = tpu.memref_slice %arg2[%dma_wait3A_83, %dma_wait3A_84] : memref<10240x128xf32, #tpu.memory_space<hbm>> -> memref<10240x128xf32, #tpu.memory_space<hbm>>
        tpu.wait_indirect_dma semaphore(%arg15 : memref<!tpu.dma_semaphore, #tpu.memory_space<semaphore_mem>>) src(%dma_wait3A_85 : memref<10240x128xf32, #tpu.memory_space<hbm>>) dst(%arg10 : memref<40x128xf32, #tpu.memory_space<vmem>>)
        "tpu.region"() ({
          %run_scoped3A_138 = tpu.sem_alloc : memref<!tpu.dma_semaphore, #tpu.memory_space<semaphore_mem>>
          %dma_start3A_139 = arith.constant 0 : i32
          %dma_start3A_140 = tpu.memref_slice %arg8[%add3A_79, %dma_start3A_139] : memref<50x40xi32, #tpu.memory_space<vmem>> -> memref<1x40xi32, #tpu.memory_space<vmem>>
          %dma_start3A_141 = tpu.memref_squeeze %dma_start3A_140 : memref<1x40xi32, #tpu.memory_space<vmem>> -> memref<40xi32, #tpu.memory_space<vmem>>
          %dma_start3A_142 = arith.constant 0 : i32
          %dma_start3A_143 = arith.constant 0 : i32
          %dma_start3A_144 = tpu.memref_slice %arg19[%dma_start3A_142, %dma_start3A_143] : memref<10240x128xf32, #tpu.memory_space<vmem_shared>> -> memref<10240x128xf32, #tpu.memory_space<vmem_shared>>
          tpu.enqueue_indirect_dma source(%arg10 : memref<40x128xf32, #tpu.memory_space<vmem>>) target(%dma_start3A_144 : memref<10240x128xf32, #tpu.memory_space<vmem_shared>>) offsets(%dma_start3A_141 : memref<40xi32, #tpu.memory_space<vmem>>) semaphore(%run_scoped3A_138 : memref<!tpu.dma_semaphore, #tpu.memory_space<semaphore_mem>>) {add = true}
          %dma_wait3A_145 = arith.constant 0 : i32
          %dma_wait3A_146 = tpu.memref_slice %arg8[%add3A_79, %dma_wait3A_145] : memref<50x40xi32, #tpu.memory_space<vmem>> -> memref<1x40xi32, #tpu.memory_space<vmem>>
          %dma_wait3A_147 = tpu.memref_squeeze %dma_wait3A_146 : memref<1x40xi32, #tpu.memory_space<vmem>> -> memref<40xi32, #tpu.memory_space<vmem>>
          %dma_wait3A_148 = arith.constant 0 : i32
          %dma_wait3A_149 = arith.constant 0 : i32
          %dma_wait3A_150 = tpu.memref_slice %arg19[%dma_wait3A_148, %dma_wait3A_149] : memref<10240x128xf32, #tpu.memory_space<vmem_shared>> -> memref<10240x128xf32, #tpu.memory_space<vmem_shared>>
          tpu.wait_indirect_dma semaphore(%run_scoped3A_138 : memref<!tpu.dma_semaphore, #tpu.memory_space<semaphore_mem>>) src(%arg10 : memref<40x128xf32, #tpu.memory_space<vmem>>) dst(%dma_wait3A_150 : memref<10240x128xf32, #tpu.memory_space<vmem_shared>>)
          tpu.yield
        }) : () -> ()
        %add3A_86 = arith.constant 5 : i32
        %add3A_87 = arith.addi %add3A_79, %add3A_86 : i32
        %lt3A_88 = arith.constant 50 : i32
        %lt3A_89 = arith.cmpi slt, %add3A_87, %lt3A_88 : i32
        %convert_element_type3A_90 = arith.extui %lt3A_89 : i1 to i32
        %cond3A_91 = arith.constant 0 : i32
        %cond3A_92 = arith.cmpi ne, %convert_element_type3A_90, %cond3A_91 : i32
        scf.if %cond3A_92 {
          %add3A_138 = arith.constant 5 : i32
          %add3A_139 = arith.addi %add3A_79, %add3A_138 : i32
          %dma_start3A_140 = arith.constant 0 : i32
          %dma_start3A_141 = tpu.memref_slice %arg7[%add3A_139, %dma_start3A_140] : memref<50x40xi32, #tpu.memory_space<vmem>> -> memref<1x40xi32, #tpu.memory_space<vmem>>
          %dma_start3A_142 = tpu.memref_squeeze %dma_start3A_141 : memref<1x40xi32, #tpu.memory_space<vmem>> -> memref<40xi32, #tpu.memory_space<vmem>>
          %dma_start3A_143 = arith.constant 0 : i32
          %dma_start3A_144 = arith.constant 0 : i32
          %dma_start3A_145 = tpu.memref_slice %arg2[%dma_start3A_143, %dma_start3A_144] : memref<10240x128xf32, #tpu.memory_space<hbm>> -> memref<10240x128xf32, #tpu.memory_space<hbm>>
          tpu.enqueue_indirect_dma source(%dma_start3A_145 : memref<10240x128xf32, #tpu.memory_space<hbm>>) target(%arg10 : memref<40x128xf32, #tpu.memory_space<vmem>>) offsets(%dma_start3A_142 : memref<40xi32, #tpu.memory_space<vmem>>) semaphore(%arg15 : memref<!tpu.dma_semaphore, #tpu.memory_space<semaphore_mem>>)
        } else {
        }
        %add3A_93 = arith.constant 2 : i32
        %add3A_94 = arith.addi %mul3A_64, %add3A_93 : i32
        %dma_wait3A_95 = arith.constant 0 : i32
        %dma_wait3A_96 = tpu.memref_slice %arg7[%add3A_94, %dma_wait3A_95] : memref<50x40xi32, #tpu.memory_space<vmem>> -> memref<1x40xi32, #tpu.memory_space<vmem>>
        %dma_wait3A_97 = tpu.memref_squeeze %dma_wait3A_96 : memref<1x40xi32, #tpu.memory_space<vmem>> -> memref<40xi32, #tpu.memory_space<vmem>>
        %dma_wait3A_98 = arith.constant 0 : i32
        %dma_wait3A_99 = arith.constant 0 : i32
        %dma_wait3A_100 = tpu.memref_slice %arg2[%dma_wait3A_98, %dma_wait3A_99] : memref<10240x128xf32, #tpu.memory_space<hbm>> -> memref<10240x128xf32, #tpu.memory_space<hbm>>
        tpu.wait_indirect_dma semaphore(%arg16 : memref<!tpu.dma_semaphore, #tpu.memory_space<semaphore_mem>>) src(%dma_wait3A_100 : memref<10240x128xf32, #tpu.memory_space<hbm>>) dst(%arg11 : memref<40x128xf32, #tpu.memory_space<vmem>>)
        "tpu.region"() ({
          %run_scoped3A_138 = tpu.sem_alloc : memref<!tpu.dma_semaphore, #tpu.memory_space<semaphore_mem>>
          %dma_start3A_139 = arith.constant 0 : i32
          %dma_start3A_140 = tpu.memref_slice %arg8[%add3A_94, %dma_start3A_139] : memref<50x40xi32, #tpu.memory_space<vmem>> -> memref<1x40xi32, #tpu.memory_space<vmem>>
          %dma_start3A_141 = tpu.memref_squeeze %dma_start3A_140 : memref<1x40xi32, #tpu.memory_space<vmem>> -> memref<40xi32, #tpu.memory_space<vmem>>
          %dma_start3A_142 = arith.constant 0 : i32
          %dma_start3A_143 = arith.constant 0 : i32
          %dma_start3A_144 = tpu.memref_slice %arg19[%dma_start3A_142, %dma_start3A_143] : memref<10240x128xf32, #tpu.memory_space<vmem_shared>> -> memref<10240x128xf32, #tpu.memory_space<vmem_shared>>
          tpu.enqueue_indirect_dma source(%arg11 : memref<40x128xf32, #tpu.memory_space<vmem>>) target(%dma_start3A_144 : memref<10240x128xf32, #tpu.memory_space<vmem_shared>>) offsets(%dma_start3A_141 : memref<40xi32, #tpu.memory_space<vmem>>) semaphore(%run_scoped3A_138 : memref<!tpu.dma_semaphore, #tpu.memory_space<semaphore_mem>>) {add = true}
          %dma_wait3A_145 = arith.constant 0 : i32
          %dma_wait3A_146 = tpu.memref_slice %arg8[%add3A_94, %dma_wait3A_145] : memref<50x40xi32, #tpu.memory_space<vmem>> -> memref<1x40xi32, #tpu.memory_space<vmem>>
          %dma_wait3A_147 = tpu.memref_squeeze %dma_wait3A_146 : memref<1x40xi32, #tpu.memory_space<vmem>> -> memref<40xi32, #tpu.memory_space<vmem>>
          %dma_wait3A_148 = arith.constant 0 : i32
          %dma_wait3A_149 = arith.constant 0 : i32
          %dma_wait3A_150 = tpu.memref_slice %arg19[%dma_wait3A_148, %dma_wait3A_149] : memref<10240x128xf32, #tpu.memory_space<vmem_shared>> -> memref<10240x128xf32, #tpu.memory_space<vmem_shared>>
          tpu.wait_indirect_dma semaphore(%run_scoped3A_138 : memref<!tpu.dma_semaphore, #tpu.memory_space<semaphore_mem>>) src(%arg11 : memref<40x128xf32, #tpu.memory_space<vmem>>) dst(%dma_wait3A_150 : memref<10240x128xf32, #tpu.memory_space<vmem_shared>>)
          tpu.yield
        }) : () -> ()
        %add3A_101 = arith.constant 5 : i32
        %add3A_102 = arith.addi %add3A_94, %add3A_101 : i32
        %lt3A_103 = arith.constant 50 : i32
        %lt3A_104 = arith.cmpi slt, %add3A_102, %lt3A_103 : i32
        %convert_element_type3A_105 = arith.extui %lt3A_104 : i1 to i32
        %cond3A_106 = arith.constant 0 : i32
        %cond3A_107 = arith.cmpi ne, %convert_element_type3A_105, %cond3A_106 : i32
        scf.if %cond3A_107 {
          %add3A_138 = arith.constant 5 : i32
          %add3A_139 = arith.addi %add3A_94, %add3A_138 : i32
          %dma_start3A_140 = arith.constant 0 : i32
          %dma_start3A_141 = tpu.memref_slice %arg7[%add3A_139, %dma_start3A_140] : memref<50x40xi32, #tpu.memory_space<vmem>> -> memref<1x40xi32, #tpu.memory_space<vmem>>
          %dma_start3A_142 = tpu.memref_squeeze %dma_start3A_141 : memref<1x40xi32, #tpu.memory_space<vmem>> -> memref<40xi32, #tpu.memory_space<vmem>>
          %dma_start3A_143 = arith.constant 0 : i32
          %dma_start3A_144 = arith.constant 0 : i32
          %dma_start3A_145 = tpu.memref_slice %arg2[%dma_start3A_143, %dma_start3A_144] : memref<10240x128xf32, #tpu.memory_space<hbm>> -> memref<10240x128xf32, #tpu.memory_space<hbm>>
          tpu.enqueue_indirect_dma source(%dma_start3A_145 : memref<10240x128xf32, #tpu.memory_space<hbm>>) target(%arg11 : memref<40x128xf32, #tpu.memory_space<vmem>>) offsets(%dma_start3A_142 : memref<40xi32, #tpu.memory_space<vmem>>) semaphore(%arg16 : memref<!tpu.dma_semaphore, #tpu.memory_space<semaphore_mem>>)
        } else {
        }
        %add3A_108 = arith.constant 3 : i32
        %add3A_109 = arith.addi %mul3A_64, %add3A_108 : i32
        %dma_wait3A_110 = arith.constant 0 : i32
        %dma_wait3A_111 = tpu.memref_slice %arg7[%add3A_109, %dma_wait3A_110] : memref<50x40xi32, #tpu.memory_space<vmem>> -> memref<1x40xi32, #tpu.memory_space<vmem>>
        %dma_wait3A_112 = tpu.memref_squeeze %dma_wait3A_111 : memref<1x40xi32, #tpu.memory_space<vmem>> -> memref<40xi32, #tpu.memory_space<vmem>>
        %dma_wait3A_113 = arith.constant 0 : i32
        %dma_wait3A_114 = arith.constant 0 : i32
        %dma_wait3A_115 = tpu.memref_slice %arg2[%dma_wait3A_113, %dma_wait3A_114] : memref<10240x128xf32, #tpu.memory_space<hbm>> -> memref<10240x128xf32, #tpu.memory_space<hbm>>
        tpu.wait_indirect_dma semaphore(%arg17 : memref<!tpu.dma_semaphore, #tpu.memory_space<semaphore_mem>>) src(%dma_wait3A_115 : memref<10240x128xf32, #tpu.memory_space<hbm>>) dst(%arg12 : memref<40x128xf32, #tpu.memory_space<vmem>>)
        "tpu.region"() ({
          %run_scoped3A_138 = tpu.sem_alloc : memref<!tpu.dma_semaphore, #tpu.memory_space<semaphore_mem>>
          %dma_start3A_139 = arith.constant 0 : i32
          %dma_start3A_140 = tpu.memref_slice %arg8[%add3A_109, %dma_start3A_139] : memref<50x40xi32, #tpu.memory_space<vmem>> -> memref<1x40xi32, #tpu.memory_space<vmem>>
          %dma_start3A_141 = tpu.memref_squeeze %dma_start3A_140 : memref<1x40xi32, #tpu.memory_space<vmem>> -> memref<40xi32, #tpu.memory_space<vmem>>
          %dma_start3A_142 = arith.constant 0 : i32
          %dma_start3A_143 = arith.constant 0 : i32
          %dma_start3A_144 = tpu.memref_slice %arg19[%dma_start3A_142, %dma_start3A_143] : memref<10240x128xf32, #tpu.memory_space<vmem_shared>> -> memref<10240x128xf32, #tpu.memory_space<vmem_shared>>
          tpu.enqueue_indirect_dma source(%arg12 : memref<40x128xf32, #tpu.memory_space<vmem>>) target(%dma_start3A_144 : memref<10240x128xf32, #tpu.memory_space<vmem_shared>>) offsets(%dma_start3A_141 : memref<40xi32, #tpu.memory_space<vmem>>) semaphore(%run_scoped3A_138 : memref<!tpu.dma_semaphore, #tpu.memory_space<semaphore_mem>>) {add = true}
          %dma_wait3A_145 = arith.constant 0 : i32
          %dma_wait3A_146 = tpu.memref_slice %arg8[%add3A_109, %dma_wait3A_145] : memref<50x40xi32, #tpu.memory_space<vmem>> -> memref<1x40xi32, #tpu.memory_space<vmem>>
          %dma_wait3A_147 = tpu.memref_squeeze %dma_wait3A_146 : memref<1x40xi32, #tpu.memory_space<vmem>> -> memref<40xi32, #tpu.memory_space<vmem>>
          %dma_wait3A_148 = arith.constant 0 : i32
          %dma_wait3A_149 = arith.constant 0 : i32
          %dma_wait3A_150 = tpu.memref_slice %arg19[%dma_wait3A_148, %dma_wait3A_149] : memref<10240x128xf32, #tpu.memory_space<vmem_shared>> -> memref<10240x128xf32, #tpu.memory_space<vmem_shared>>
          tpu.wait_indirect_dma semaphore(%run_scoped3A_138 : memref<!tpu.dma_semaphore, #tpu.memory_space<semaphore_mem>>) src(%arg12 : memref<40x128xf32, #tpu.memory_space<vmem>>) dst(%dma_wait3A_150 : memref<10240x128xf32, #tpu.memory_space<vmem_shared>>)
          tpu.yield
        }) : () -> ()
        %add3A_116 = arith.constant 5 : i32
        %add3A_117 = arith.addi %add3A_109, %add3A_116 : i32
        %lt3A_118 = arith.constant 50 : i32
        %lt3A_119 = arith.cmpi slt, %add3A_117, %lt3A_118 : i32
        %convert_element_type3A_120 = arith.extui %lt3A_119 : i1 to i32
        %cond3A_121 = arith.constant 0 : i32
        %cond3A_122 = arith.cmpi ne, %convert_element_type3A_120, %cond3A_121 : i32
        scf.if %cond3A_122 {
          %add3A_138 = arith.constant 5 : i32
          %add3A_139 = arith.addi %add3A_109, %add3A_138 : i32
          %dma_start3A_140 = arith.constant 0 : i32
          %dma_start3A_141 = tpu.memref_slice %arg7[%add3A_139, %dma_start3A_140] : memref<50x40xi32, #tpu.memory_space<vmem>> -> memref<1x40xi32, #tpu.memory_space<vmem>>
          %dma_start3A_142 = tpu.memref_squeeze %dma_start3A_141 : memref<1x40xi32, #tpu.memory_space<vmem>> -> memref<40xi32, #tpu.memory_space<vmem>>
          %dma_start3A_143 = arith.constant 0 : i32
          %dma_start3A_144 = arith.constant 0 : i32
          %dma_start3A_145 = tpu.memref_slice %arg2[%dma_start3A_143, %dma_start3A_144] : memref<10240x128xf32, #tpu.memory_space<hbm>> -> memref<10240x128xf32, #tpu.memory_space<hbm>>
          tpu.enqueue_indirect_dma source(%dma_start3A_145 : memref<10240x128xf32, #tpu.memory_space<hbm>>) target(%arg12 : memref<40x128xf32, #tpu.memory_space<vmem>>) offsets(%dma_start3A_142 : memref<40xi32, #tpu.memory_space<vmem>>) semaphore(%arg17 : memref<!tpu.dma_semaphore, #tpu.memory_space<semaphore_mem>>)
        } else {
        }
        %add3A_123 = arith.constant 4 : i32
        %add3A_124 = arith.addi %mul3A_64, %add3A_123 : i32
        %dma_wait3A_125 = arith.constant 0 : i32
        %dma_wait3A_126 = tpu.memref_slice %arg7[%add3A_124, %dma_wait3A_125] : memref<50x40xi32, #tpu.memory_space<vmem>> -> memref<1x40xi32, #tpu.memory_space<vmem>>
        %dma_wait3A_127 = tpu.memref_squeeze %dma_wait3A_126 : memref<1x40xi32, #tpu.memory_space<vmem>> -> memref<40xi32, #tpu.memory_space<vmem>>
        %dma_wait3A_128 = arith.constant 0 : i32
        %dma_wait3A_129 = arith.constant 0 : i32
        %dma_wait3A_130 = tpu.memref_slice %arg2[%dma_wait3A_128, %dma_wait3A_129] : memref<10240x128xf32, #tpu.memory_space<hbm>> -> memref<10240x128xf32, #tpu.memory_space<hbm>>
        tpu.wait_indirect_dma semaphore(%arg18 : memref<!tpu.dma_semaphore, #tpu.memory_space<semaphore_mem>>) src(%dma_wait3A_130 : memref<10240x128xf32, #tpu.memory_space<hbm>>) dst(%arg13 : memref<40x128xf32, #tpu.memory_space<vmem>>)
        "tpu.region"() ({
          %run_scoped3A_138 = tpu.sem_alloc : memref<!tpu.dma_semaphore, #tpu.memory_space<semaphore_mem>>
          %dma_start3A_139 = arith.constant 0 : i32
          %dma_start3A_140 = tpu.memref_slice %arg8[%add3A_124, %dma_start3A_139] : memref<50x40xi32, #tpu.memory_space<vmem>> -> memref<1x40xi32, #tpu.memory_space<vmem>>
          %dma_start3A_141 = tpu.memref_squeeze %dma_start3A_140 : memref<1x40xi32, #tpu.memory_space<vmem>> -> memref<40xi32, #tpu.memory_space<vmem>>
          %dma_start3A_142 = arith.constant 0 : i32
          %dma_start3A_143 = arith.constant 0 : i32
          %dma_start3A_144 = tpu.memref_slice %arg19[%dma_start3A_142, %dma_start3A_143] : memref<10240x128xf32, #tpu.memory_space<vmem_shared>> -> memref<10240x128xf32, #tpu.memory_space<vmem_shared>>
          tpu.enqueue_indirect_dma source(%arg13 : memref<40x128xf32, #tpu.memory_space<vmem>>) target(%dma_start3A_144 : memref<10240x128xf32, #tpu.memory_space<vmem_shared>>) offsets(%dma_start3A_141 : memref<40xi32, #tpu.memory_space<vmem>>) semaphore(%run_scoped3A_138 : memref<!tpu.dma_semaphore, #tpu.memory_space<semaphore_mem>>) {add = true}
          %dma_wait3A_145 = arith.constant 0 : i32
          %dma_wait3A_146 = tpu.memref_slice %arg8[%add3A_124, %dma_wait3A_145] : memref<50x40xi32, #tpu.memory_space<vmem>> -> memref<1x40xi32, #tpu.memory_space<vmem>>
          %dma_wait3A_147 = tpu.memref_squeeze %dma_wait3A_146 : memref<1x40xi32, #tpu.memory_space<vmem>> -> memref<40xi32, #tpu.memory_space<vmem>>
          %dma_wait3A_148 = arith.constant 0 : i32
          %dma_wait3A_149 = arith.constant 0 : i32
          %dma_wait3A_150 = tpu.memref_slice %arg19[%dma_wait3A_148, %dma_wait3A_149] : memref<10240x128xf32, #tpu.memory_space<vmem_shared>> -> memref<10240x128xf32, #tpu.memory_space<vmem_shared>>
          tpu.wait_indirect_dma semaphore(%run_scoped3A_138 : memref<!tpu.dma_semaphore, #tpu.memory_space<semaphore_mem>>) src(%arg13 : memref<40x128xf32, #tpu.memory_space<vmem>>) dst(%dma_wait3A_150 : memref<10240x128xf32, #tpu.memory_space<vmem_shared>>)
          tpu.yield
        }) : () -> ()
        %add3A_131 = arith.constant 5 : i32
        %add3A_132 = arith.addi %add3A_124, %add3A_131 : i32
        %lt3A_133 = arith.constant 50 : i32
        %lt3A_134 = arith.cmpi slt, %add3A_132, %lt3A_133 : i32
        %convert_element_type3A_135 = arith.extui %lt3A_134 : i1 to i32
        %cond3A_136 = arith.constant 0 : i32
        %cond3A_137 = arith.cmpi ne, %convert_element_type3A_135, %cond3A_136 : i32
        scf.if %cond3A_137 {
          %add3A_138 = arith.constant 5 : i32
          %add3A_139 = arith.addi %add3A_124, %add3A_138 : i32
          %dma_start3A_140 = arith.constant 0 : i32
          %dma_start3A_141 = tpu.memref_slice %arg7[%add3A_139, %dma_start3A_140] : memref<50x40xi32, #tpu.memory_space<vmem>> -> memref<1x40xi32, #tpu.memory_space<vmem>>
          %dma_start3A_142 = tpu.memref_squeeze %dma_start3A_141 : memref<1x40xi32, #tpu.memory_space<vmem>> -> memref<40xi32, #tpu.memory_space<vmem>>
          %dma_start3A_143 = arith.constant 0 : i32
          %dma_start3A_144 = arith.constant 0 : i32
          %dma_start3A_145 = tpu.memref_slice %arg2[%dma_start3A_143, %dma_start3A_144] : memref<10240x128xf32, #tpu.memory_space<hbm>> -> memref<10240x128xf32, #tpu.memory_space<hbm>>
          tpu.enqueue_indirect_dma source(%dma_start3A_145 : memref<10240x128xf32, #tpu.memory_space<hbm>>) target(%arg13 : memref<40x128xf32, #tpu.memory_space<vmem>>) offsets(%dma_start3A_142 : memref<40xi32, #tpu.memory_space<vmem>>) semaphore(%arg18 : memref<!tpu.dma_semaphore, #tpu.memory_space<semaphore_mem>>)
        } else {
        }
      }
      %scan3A_61 = arith.constant 10 : i32
    }
    %scan3A_49 = arith.constant 5 : i32
    %barrier3A_50 = arith.constant 0 : index
    tpu.barrier barrier_id(%barrier3A_50)
    "tpu.region"() ({
      %run_scoped3A_51 = tpu.sem_alloc : memref<!tpu.dma_semaphore, #tpu.memory_space<semaphore_mem>>
      %dma_start3A_52 = arith.constant 0 : i32
      %dma_start3A_53 = tpu.memref_slice %arg6[%arg0, %mul3A_2, %dma_start3A_52] : memref<2x10240x128xf32, #tpu.memory_space<hbm>> -> memref<1x640x128xf32, #tpu.memory_space<hbm>>
      %dma_start3A_54 = tpu.memref_squeeze %dma_start3A_53 : memref<1x640x128xf32, #tpu.memory_space<hbm>> -> memref<640x128xf32, #tpu.memory_space<hbm>>
      %dma_start3A_55 = arith.constant 0 : i32
      %dma_start3A_56 = tpu.memref_slice %arg19[%mul3A_2, %dma_start3A_55] : memref<10240x128xf32, #tpu.memory_space<vmem_shared>> -> memref<640x128xf32, #tpu.memory_space<vmem_shared>>
      tpu.enqueue_dma source(%dma_start3A_56 : memref<640x128xf32, #tpu.memory_space<vmem_shared>>) target(%dma_start3A_54 : memref<640x128xf32, #tpu.memory_space<hbm>>) target_semaphore(%run_scoped3A_51 : memref<!tpu.dma_semaphore, #tpu.memory_space<semaphore_mem>>)
      %dma_wait3A = arith.constant 0 : i32
      %dma_wait3A_57 = tpu.memref_slice %arg6[%arg0, %mul3A_2, %dma_wait3A] : memref<2x10240x128xf32, #tpu.memory_space<hbm>> -> memref<1x640x128xf32, #tpu.memory_space<hbm>>
      %dma_wait3A_58 = tpu.memref_squeeze %dma_wait3A_57 : memref<1x640x128xf32, #tpu.memory_space<hbm>> -> memref<640x128xf32, #tpu.memory_space<hbm>>
      %dma_wait3A_59 = arith.constant 0 : i32
      %dma_wait3A_60 = tpu.memref_slice %arg19[%mul3A_2, %dma_wait3A_59] : memref<10240x128xf32, #tpu.memory_space<vmem_shared>> -> memref<640x128xf32, #tpu.memory_space<vmem_shared>>
      tpu.wait_dma2 semaphore(%run_scoped3A_51 : memref<!tpu.dma_semaphore, #tpu.memory_space<semaphore_mem>>) src(%dma_wait3A_60 : memref<640x128xf32, #tpu.memory_space<vmem_shared>>) dst(%dma_wait3A_58 : memref<640x128xf32, #tpu.memory_space<hbm>>)
      tpu.yield
    }) : () -> ()
    return
  }
}

#map = affine_map<(d0, d1) -> (0, 0)>
#map1 = affine_map<(d0, d1) -> (0, 0, 0, 0)>
#map2 = affine_map<(d0, d1) -> (0, 0, 0)>
module attributes {stable_mosaic.version = 14 : i64} {
  func.func @_hop_body(%arg0: i32, %arg1: i32, %arg2: memref<10240x128xf32, #tpu.memory_space<hbm>>, %arg3: memref<10240x128xf32, #tpu.memory_space<hbm>>, %arg4: memref<32x5x50x40xi32, #tpu.memory_space<hbm>>, %arg5: memref<32x5x50x40xi32, #tpu.memory_space<hbm>>, %arg6: memref<2x10240x128xf32, #tpu.memory_space<hbm>>, %arg7: memref<50x40xi32, #tpu.memory_space<vmem>>, %arg8: memref<50x40xi32, #tpu.memory_space<vmem>>, %arg9: memref<40x128xf32, #tpu.memory_space<vmem>>, %arg10: memref<40x128xf32, #tpu.memory_space<vmem>>, %arg11: memref<40x128xf32, #tpu.memory_space<vmem>>, %arg12: memref<40x128xf32, #tpu.memory_space<vmem>>, %arg13: memref<40x128xf32, #tpu.memory_space<vmem>>, %arg14: memref<!tpu.dma_semaphore, #tpu.memory_space<semaphore_mem>>, %arg15: memref<!tpu.dma_semaphore, #tpu.memory_space<semaphore_mem>>, %arg16: memref<!tpu.dma_semaphore, #tpu.memory_space<semaphore_mem>>, %arg17: memref<!tpu.dma_semaphore, #tpu.memory_space<semaphore_mem>>, %arg18: memref<!tpu.dma_semaphore, #tpu.memory_space<semaphore_mem>>, %arg19: memref<10240x128xf32, #tpu.memory_space<vmem_shared>>) attributes {dimension_semantics = [#tpu.dimension_semantics<core_parallel>, #tpu.dimension_semantics<subcore_parallel>], iteration_bounds = array<i64: 2, 16>, scalar_prefetch = 0 : i64, scratch_operands = 13 : i64, tpu.core_type = #tpu.core_type<sc_vector_subcore>, window_params = [{transform_indices = #map}, {transform_indices = #map}, {transform_indices = #map1}, {transform_indices = #map1}, {transform_indices = #map2}]} {
    %mul3A = arith.constant 2 : i32
    %mul3A_0 = arith.muli %arg1, %mul3A : i32
    %add3A = arith.addi %mul3A_0, %arg0 : i32
    %mul3A_1 = arith.constant 640 : i32
    %mul3A_2 = arith.muli %arg1, %mul3A_1 : i32
    %run_scoped3A = arith.constant 0 : i32
    "tpu.region"() ({
      %run_scoped3A_51 = tpu.sem_alloc : memref<!tpu.dma_semaphore, #tpu.memory_space<semaphore_mem>>
      %dma_start3A_52 = arith.constant 0 : i32
      %dma_start3A_53 = arith.constant 0 : i32
      %dma_start3A_54 = tpu.memref_slice %arg4[%add3A, %run_scoped3A, %dma_start3A_52, %dma_start3A_53] : memref<32x5x50x40xi32, #tpu.memory_space<hbm>> -> memref<1x1x50x40xi32, #tpu.memory_space<hbm>>
      %dma_start3A_55 = tpu.memref_squeeze %dma_start3A_54 : memref<1x1x50x40xi32, #tpu.memory_space<hbm>> -> memref<50x40xi32, #tpu.memory_space<hbm>>
      %dma_start3A_56 = arith.constant 0 : i32
      %dma_start3A_57 = arith.constant 0 : i32
      %dma_start3A_58 = tpu.memref_slice %arg4[%add3A, %run_scoped3A, %dma_start3A_56, %dma_start3A_57] : memref<32x5x50x40xi32, #tpu.memory_space<hbm>> -> memref<1x1x50x40xi32, #tpu.memory_space<hbm>>
      %dma_start3A_59 = tpu.memref_squeeze %dma_start3A_58 : memref<1x1x50x40xi32, #tpu.memory_space<hbm>> -> memref<50x40xi32, #tpu.memory_space<hbm>>
      tpu.enqueue_dma source(%dma_start3A_59 : memref<50x40xi32, #tpu.memory_space<hbm>>) target(%arg7 : memref<50x40xi32, #tpu.memory_space<vmem>>) target_semaphore(%run_scoped3A_51 : memref<!tpu.dma_semaphore, #tpu.memory_space<semaphore_mem>>)
      %dma_wait3A = arith.constant 0 : i32
      %dma_wait3A_60 = arith.constant 0 : i32
      %dma_wait3A_61 = tpu.memref_slice %arg4[%add3A, %run_scoped3A, %dma_wait3A, %dma_wait3A_60] : memref<32x5x50x40xi32, #tpu.memory_space<hbm>> -> memref<1x1x50x40xi32, #tpu.memory_space<hbm>>
      %dma_wait3A_62 = tpu.memref_squeeze %dma_wait3A_61 : memref<1x1x50x40xi32, #tpu.memory_space<hbm>> -> memref<50x40xi32, #tpu.memory_space<hbm>>
      %dma_wait3A_63 = arith.constant 0 : i32
      %dma_wait3A_64 = arith.constant 0 : i32
      %dma_wait3A_65 = tpu.memref_slice %arg4[%add3A, %run_scoped3A, %dma_wait3A_63, %dma_wait3A_64] : memref<32x5x50x40xi32, #tpu.memory_space<hbm>> -> memref<1x1x50x40xi32, #tpu.memory_space<hbm>>
      %dma_wait3A_66 = tpu.memref_squeeze %dma_wait3A_65 : memref<1x1x50x40xi32, #tpu.memory_space<hbm>> -> memref<50x40xi32, #tpu.memory_space<hbm>>
      tpu.wait_dma2 semaphore(%run_scoped3A_51 : memref<!tpu.dma_semaphore, #tpu.memory_space<semaphore_mem>>) src(%dma_wait3A_66 : memref<50x40xi32, #tpu.memory_space<hbm>>) dst(%arg7 : memref<50x40xi32, #tpu.memory_space<vmem>>)
      tpu.yield
    }) : () -> ()
    %run_scoped3A_3 = arith.constant 0 : i32
    "tpu.region"() ({
      %run_scoped3A_51 = tpu.sem_alloc : memref<!tpu.dma_semaphore, #tpu.memory_space<semaphore_mem>>
      %dma_start3A_52 = arith.constant 0 : i32
      %dma_start3A_53 = arith.constant 0 : i32
      %dma_start3A_54 = tpu.memref_slice %arg5[%add3A, %run_scoped3A_3, %dma_start3A_52, %dma_start3A_53] : memref<32x5x50x40xi32, #tpu.memory_space<hbm>> -> memref<1x1x50x40xi32, #tpu.memory_space<hbm>>
      %dma_start3A_55 = tpu.memref_squeeze %dma_start3A_54 : memref<1x1x50x40xi32, #tpu.memory_space<hbm>> -> memref<50x40xi32, #tpu.memory_space<hbm>>
      %dma_start3A_56 = arith.constant 0 : i32
      %dma_start3A_57 = arith.constant 0 : i32
      %dma_start3A_58 = tpu.memref_slice %arg5[%add3A, %run_scoped3A_3, %dma_start3A_56, %dma_start3A_57] : memref<32x5x50x40xi32, #tpu.memory_space<hbm>> -> memref<1x1x50x40xi32, #tpu.memory_space<hbm>>
      %dma_start3A_59 = tpu.memref_squeeze %dma_start3A_58 : memref<1x1x50x40xi32, #tpu.memory_space<hbm>> -> memref<50x40xi32, #tpu.memory_space<hbm>>
      tpu.enqueue_dma source(%dma_start3A_59 : memref<50x40xi32, #tpu.memory_space<hbm>>) target(%arg8 : memref<50x40xi32, #tpu.memory_space<vmem>>) target_semaphore(%run_scoped3A_51 : memref<!tpu.dma_semaphore, #tpu.memory_space<semaphore_mem>>)
      %dma_wait3A = arith.constant 0 : i32
      %dma_wait3A_60 = arith.constant 0 : i32
      %dma_wait3A_61 = tpu.memref_slice %arg5[%add3A, %run_scoped3A_3, %dma_wait3A, %dma_wait3A_60] : memref<32x5x50x40xi32, #tpu.memory_space<hbm>> -> memref<1x1x50x40xi32, #tpu.memory_space<hbm>>
      %dma_wait3A_62 = tpu.memref_squeeze %dma_wait3A_61 : memref<1x1x50x40xi32, #tpu.memory_space<hbm>> -> memref<50x40xi32, #tpu.memory_space<hbm>>
      %dma_wait3A_63 = arith.constant 0 : i32
      %dma_wait3A_64 = arith.constant 0 : i32
      %dma_wait3A_65 = tpu.memref_slice %arg5[%add3A, %run_scoped3A_3, %dma_wait3A_63, %dma_wait3A_64] : memref<32x5x50x40xi32, #tpu.memory_space<hbm>> -> memref<1x1x50x40xi32, #tpu.memory_space<hbm>>
      %dma_wait3A_66 = tpu.memref_squeeze %dma_wait3A_65 : memref<1x1x50x40xi32, #tpu.memory_space<hbm>> -> memref<50x40xi32, #tpu.memory_space<hbm>>
      tpu.wait_dma2 semaphore(%run_scoped3A_51 : memref<!tpu.dma_semaphore, #tpu.memory_space<semaphore_mem>>) src(%dma_wait3A_66 : memref<50x40xi32, #tpu.memory_space<hbm>>) dst(%arg8 : memref<50x40xi32, #tpu.memory_space<vmem>>)
      tpu.yield
    }) : () -> ()
    %dma_start3A = arith.constant 0 : i32
    %dma_start3A_4 = arith.constant 0 : i32
    %dma_start3A_5 = tpu.memref_slice %arg7[%dma_start3A, %dma_start3A_4] : memref<50x40xi32, #tpu.memory_space<vmem>> -> memref<1x40xi32, #tpu.memory_space<vmem>>
    %dma_start3A_6 = tpu.memref_squeeze %dma_start3A_5 : memref<1x40xi32, #tpu.memory_space<vmem>> -> memref<40xi32, #tpu.memory_space<vmem>>
    %dma_start3A_7 = arith.constant 0 : i32
    %dma_start3A_8 = arith.constant 0 : i32
    %dma_start3A_9 = tpu.memref_slice %arg2[%dma_start3A_7, %dma_start3A_8] : memref<10240x128xf32, #tpu.memory_space<hbm>> -> memref<10240x128xf32, #tpu.memory_space<hbm>>
    tpu.enqueue_indirect_dma source(%dma_start3A_9 : memref<10240x128xf32, #tpu.memory_space<hbm>>) target(%arg9 : memref<40x128xf32, #tpu.memory_space<vmem>>) offsets(%dma_start3A_6 : memref<40xi32, #tpu.memory_space<vmem>>) semaphore(%arg14 : memref<!tpu.dma_semaphore, #tpu.memory_space<semaphore_mem>>)
    %dma_start3A_10 = arith.constant 1 : i32
    %dma_start3A_11 = arith.constant 0 : i32
    %dma_start3A_12 = tpu.memref_slice %arg7[%dma_start3A_10, %dma_start3A_11] : memref<50x40xi32, #tpu.memory_space<vmem>> -> memref<1x40xi32, #tpu.memory_space<vmem>>
    %dma_start3A_13 = tpu.memref_squeeze %dma_start3A_12 : memref<1x40xi32, #tpu.memory_space<vmem>> -> memref<40xi32, #tpu.memory_space<vmem>>
    %dma_start3A_14 = arith.constant 0 : i32
    %dma_start3A_15 = arith.constant 0 : i32
    %dma_start3A_16 = tpu.memref_slice %arg2[%dma_start3A_14, %dma_start3A_15] : memref<10240x128xf32, #tpu.memory_space<hbm>> -> memref<10240x128xf32, #tpu.memory_space<hbm>>
    tpu.enqueue_indirect_dma source(%dma_start3A_16 : memref<10240x128xf32, #tpu.memory_space<hbm>>) target(%arg10 : memref<40x128xf32, #tpu.memory_space<vmem>>) offsets(%dma_start3A_13 : memref<40xi32, #tpu.memory_space<vmem>>) semaphore(%arg15 : memref<!tpu.dma_semaphore, #tpu.memory_space<semaphore_mem>>)
    %dma_start3A_17 = arith.constant 2 : i32
    %dma_start3A_18 = arith.constant 0 : i32
    %dma_start3A_19 = tpu.memref_slice %arg7[%dma_start3A_17, %dma_start3A_18] : memref<50x40xi32, #tpu.memory_space<vmem>> -> memref<1x40xi32, #tpu.memory_space<vmem>>
    %dma_start3A_20 = tpu.memref_squeeze %dma_start3A_19 : memref<1x40xi32, #tpu.memory_space<vmem>> -> memref<40xi32, #tpu.memory_space<vmem>>
    %dma_start3A_21 = arith.constant 0 : i32
    %dma_start3A_22 = arith.constant 0 : i32
    %dma_start3A_23 = tpu.memref_slice %arg2[%dma_start3A_21, %dma_start3A_22] : memref<10240x128xf32, #tpu.memory_space<hbm>> -> memref<10240x128xf32, #tpu.memory_space<hbm>>
    tpu.enqueue_indirect_dma source(%dma_start3A_23 : memref<10240x128xf32, #tpu.memory_space<hbm>>) target(%arg11 : memref<40x128xf32, #tpu.memory_space<vmem>>) offsets(%dma_start3A_20 : memref<40xi32, #tpu.memory_space<vmem>>) semaphore(%arg16 : memref<!tpu.dma_semaphore, #tpu.memory_space<semaphore_mem>>)
    %dma_start3A_24 = arith.constant 3 : i32
    %dma_start3A_25 = arith.constant 0 : i32
    %dma_start3A_26 = tpu.memref_slice %arg7[%dma_start3A_24, %dma_start3A_25] : memref<50x40xi32, #tpu.memory_space<vmem>> -> memref<1x40xi32, #tpu.memory_space<vmem>>
    %dma_start3A_27 = tpu.memref_squeeze %dma_start3A_26 : memref<1x40xi32, #tpu.memory_space<vmem>> -> memref<40xi32, #tpu.memory_space<vmem>>
    %dma_start3A_28 = arith.constant 0 : i32
    %dma_start3A_29 = arith.constant 0 : i32
    %dma_start3A_30 = tpu.memref_slice %arg2[%dma_start3A_28, %dma_start3A_29] : memref<10240x128xf32, #tpu.memory_space<hbm>> -> memref<10240x128xf32, #tpu.memory_space<hbm>>
    tpu.enqueue_indirect_dma source(%dma_start3A_30 : memref<10240x128xf32, #tpu.memory_space<hbm>>) target(%arg12 : memref<40x128xf32, #tpu.memory_space<vmem>>) offsets(%dma_start3A_27 : memref<40xi32, #tpu.memory_space<vmem>>) semaphore(%arg17 : memref<!tpu.dma_semaphore, #tpu.memory_space<semaphore_mem>>)
    %dma_start3A_31 = arith.constant 4 : i32
    %dma_start3A_32 = arith.constant 0 : i32
    %dma_start3A_33 = tpu.memref_slice %arg7[%dma_start3A_31, %dma_start3A_32] : memref<50x40xi32, #tpu.memory_space<vmem>> -> memref<1x40xi32, #tpu.memory_space<vmem>>
    %dma_start3A_34 = tpu.memref_squeeze %dma_start3A_33 : memref<1x40xi32, #tpu.memory_space<vmem>> -> memref<40xi32, #tpu.memory_space<vmem>>
    %dma_start3A_35 = arith.constant 0 : i32
    %dma_start3A_36 = arith.constant 0 : i32
    %dma_start3A_37 = tpu.memref_slice %arg2[%dma_start3A_35, %dma_start3A_36] : memref<10240x128xf32, #tpu.memory_space<hbm>> -> memref<10240x128xf32, #tpu.memory_space<hbm>>
    tpu.enqueue_indirect_dma source(%dma_start3A_37 : memref<10240x128xf32, #tpu.memory_space<hbm>>) target(%arg13 : memref<40x128xf32, #tpu.memory_space<vmem>>) offsets(%dma_start3A_34 : memref<40xi32, #tpu.memory_space<vmem>>) semaphore(%arg18 : memref<!tpu.dma_semaphore, #tpu.memory_space<semaphore_mem>>)
    %eq3A = arith.constant 0 : i32
    %eq3A_38 = arith.cmpi eq, %arg0, %eq3A : i32
    %convert_element_type3A = arith.extui %eq3A_38 : i1 to i32
    %cond3A = arith.constant 0 : i32
    %cond3A_39 = arith.cmpi ne, %convert_element_type3A, %cond3A : i32
    scf.if %cond3A_39 {
      "tpu.region"() ({
        %run_scoped3A_51 = tpu.sem_alloc : memref<!tpu.dma_semaphore, #tpu.memory_space<semaphore_mem>>
        %dma_start3A_52 = arith.constant 0 : i32
        %dma_start3A_53 = tpu.memref_slice %arg19[%mul3A_2, %dma_start3A_52] : memref<10240x128xf32, #tpu.memory_space<vmem_shared>> -> memref<640x128xf32, #tpu.memory_space<vmem_shared>>
        %dma_start3A_54 = arith.constant 0 : i32
        %dma_start3A_55 = tpu.memref_slice %arg2[%mul3A_2, %dma_start3A_54] : memref<10240x128xf32, #tpu.memory_space<hbm>> -> memref<640x128xf32, #tpu.memory_space<hbm>>
        tpu.enqueue_dma source(%dma_start3A_55 : memref<640x128xf32, #tpu.memory_space<hbm>>) target(%dma_start3A_53 : memref<640x128xf32, #tpu.memory_space<vmem_shared>>) target_semaphore(%run_scoped3A_51 : memref<!tpu.dma_semaphore, #tpu.memory_space<semaphore_mem>>)
        %dma_wait3A = arith.constant 0 : i32
        %dma_wait3A_56 = tpu.memref_slice %arg19[%mul3A_2, %dma_wait3A] : memref<10240x128xf32, #tpu.memory_space<vmem_shared>> -> memref<640x128xf32, #tpu.memory_space<vmem_shared>>
        %dma_wait3A_57 = arith.constant 0 : i32
        %dma_wait3A_58 = tpu.memref_slice %arg2[%mul3A_2, %dma_wait3A_57] : memref<10240x128xf32, #tpu.memory_space<hbm>> -> memref<640x128xf32, #tpu.memory_space<hbm>>
        tpu.wait_dma2 semaphore(%run_scoped3A_51 : memref<!tpu.dma_semaphore, #tpu.memory_space<semaphore_mem>>) src(%dma_wait3A_58 : memref<640x128xf32, #tpu.memory_space<hbm>>) dst(%dma_wait3A_56 : memref<640x128xf32, #tpu.memory_space<vmem_shared>>)
        tpu.yield
      }) : () -> ()
    } else {
    }
    %eq3A_40 = arith.constant 1 : i32
    %eq3A_41 = arith.cmpi eq, %arg0, %eq3A_40 : i32
    %convert_element_type3A_42 = arith.extui %eq3A_41 : i1 to i32
    %cond3A_43 = arith.constant 0 : i32
    %cond3A_44 = arith.cmpi ne, %convert_element_type3A_42, %cond3A_43 : i32
    scf.if %cond3A_44 {
      "tpu.region"() ({
        %run_scoped3A_51 = tpu.sem_alloc : memref<!tpu.dma_semaphore, #tpu.memory_space<semaphore_mem>>
        %dma_start3A_52 = arith.constant 0 : i32
        %dma_start3A_53 = tpu.memref_slice %arg19[%mul3A_2, %dma_start3A_52] : memref<10240x128xf32, #tpu.memory_space<vmem_shared>> -> memref<640x128xf32, #tpu.memory_space<vmem_shared>>
        %dma_start3A_54 = arith.constant 0 : i32
        %dma_start3A_55 = tpu.memref_slice %arg3[%mul3A_2, %dma_start3A_54] : memref<10240x128xf32, #tpu.memory_space<hbm>> -> memref<640x128xf32, #tpu.memory_space<hbm>>
        tpu.enqueue_dma source(%dma_start3A_55 : memref<640x128xf32, #tpu.memory_space<hbm>>) target(%dma_start3A_53 : memref<640x128xf32, #tpu.memory_space<vmem_shared>>) target_semaphore(%run_scoped3A_51 : memref<!tpu.dma_semaphore, #tpu.memory_space<semaphore_mem>>)
        %dma_wait3A = arith.constant 0 : i32
        %dma_wait3A_56 = tpu.memref_slice %arg19[%mul3A_2, %dma_wait3A] : memref<10240x128xf32, #tpu.memory_space<vmem_shared>> -> memref<640x128xf32, #tpu.memory_space<vmem_shared>>
        %dma_wait3A_57 = arith.constant 0 : i32
        %dma_wait3A_58 = tpu.memref_slice %arg3[%mul3A_2, %dma_wait3A_57] : memref<10240x128xf32, #tpu.memory_space<hbm>> -> memref<640x128xf32, #tpu.memory_space<hbm>>
        tpu.wait_dma2 semaphore(%run_scoped3A_51 : memref<!tpu.dma_semaphore, #tpu.memory_space<semaphore_mem>>) src(%dma_wait3A_58 : memref<640x128xf32, #tpu.memory_space<hbm>>) dst(%dma_wait3A_56 : memref<640x128xf32, #tpu.memory_space<vmem_shared>>)
        tpu.yield
      }) : () -> ()
    } else {
    }
    %barrier3A = arith.constant 0 : index
    tpu.barrier barrier_id(%barrier3A)
    %scan3A = arith.constant 0 : i32
    %scan3A_45 = arith.constant 0 : i32
    %scan3A_46 = arith.constant 5 : i32
    %scan3A_47 = arith.addi %scan3A_45, %scan3A_46 : i32
    %scan3A_48 = arith.constant 1 : i32
    scf.for %scan3A_51 = %scan3A_45 to %scan3A_47 step %scan3A_48  : i32 {
      %gt3A = arith.constant 0 : i32
      %gt3A_52 = arith.cmpi sgt, %scan3A_51, %gt3A : i32
      %convert_element_type3A_53 = arith.extui %gt3A_52 : i1 to i32
      %cond3A_54 = arith.constant 0 : i32
      %cond3A_55 = arith.cmpi ne, %convert_element_type3A_53, %cond3A_54 : i32
      scf.if %cond3A_55 {
        "tpu.region"() ({
          %run_scoped3A_97 = tpu.sem_alloc : memref<!tpu.dma_semaphore, #tpu.memory_space<semaphore_mem>>
          %dma_start3A_98 = arith.constant 0 : i32
          %dma_start3A_99 = arith.constant 0 : i32
          %dma_start3A_100 = tpu.memref_slice %arg4[%add3A, %scan3A_51, %dma_start3A_98, %dma_start3A_99] : memref<32x5x50x40xi32, #tpu.memory_space<hbm>> -> memref<1x1x50x40xi32, #tpu.memory_space<hbm>>
          %dma_start3A_101 = tpu.memref_squeeze %dma_start3A_100 : memref<1x1x50x40xi32, #tpu.memory_space<hbm>> -> memref<50x40xi32, #tpu.memory_space<hbm>>
          %dma_start3A_102 = arith.constant 0 : i32
          %dma_start3A_103 = arith.constant 0 : i32
          %dma_start3A_104 = tpu.memref_slice %arg4[%add3A, %scan3A_51, %dma_start3A_102, %dma_start3A_103] : memref<32x5x50x40xi32, #tpu.memory_space<hbm>> -> memref<1x1x50x40xi32, #tpu.memory_space<hbm>>
          %dma_start3A_105 = tpu.memref_squeeze %dma_start3A_104 : memref<1x1x50x40xi32, #tpu.memory_space<hbm>> -> memref<50x40xi32, #tpu.memory_space<hbm>>
          tpu.enqueue_dma source(%dma_start3A_105 : memref<50x40xi32, #tpu.memory_space<hbm>>) target(%arg7 : memref<50x40xi32, #tpu.memory_space<vmem>>) target_semaphore(%run_scoped3A_97 : memref<!tpu.dma_semaphore, #tpu.memory_space<semaphore_mem>>)
          %dma_wait3A = arith.constant 0 : i32
          %dma_wait3A_106 = arith.constant 0 : i32
          %dma_wait3A_107 = tpu.memref_slice %arg4[%add3A, %scan3A_51, %dma_wait3A, %dma_wait3A_106] : memref<32x5x50x40xi32, #tpu.memory_space<hbm>> -> memref<1x1x50x40xi32, #tpu.memory_space<hbm>>
          %dma_wait3A_108 = tpu.memref_squeeze %dma_wait3A_107 : memref<1x1x50x40xi32, #tpu.memory_space<hbm>> -> memref<50x40xi32, #tpu.memory_space<hbm>>
          %dma_wait3A_109 = arith.constant 0 : i32
          %dma_wait3A_110 = arith.constant 0 : i32
          %dma_wait3A_111 = tpu.memref_slice %arg4[%add3A, %scan3A_51, %dma_wait3A_109, %dma_wait3A_110] : memref<32x5x50x40xi32, #tpu.memory_space<hbm>> -> memref<1x1x50x40xi32, #tpu.memory_space<hbm>>
          %dma_wait3A_112 = tpu.memref_squeeze %dma_wait3A_111 : memref<1x1x50x40xi32, #tpu.memory_space<hbm>> -> memref<50x40xi32, #tpu.memory_space<hbm>>
          tpu.wait_dma2 semaphore(%run_scoped3A_97 : memref<!tpu.dma_semaphore, #tpu.memory_space<semaphore_mem>>) src(%dma_wait3A_112 : memref<50x40xi32, #tpu.memory_space<hbm>>) dst(%arg7 : memref<50x40xi32, #tpu.memory_space<vmem>>)
          tpu.yield
        }) : () -> ()
        "tpu.region"() ({
          %run_scoped3A_97 = tpu.sem_alloc : memref<!tpu.dma_semaphore, #tpu.memory_space<semaphore_mem>>
          %dma_start3A_98 = arith.constant 0 : i32
          %dma_start3A_99 = arith.constant 0 : i32
          %dma_start3A_100 = tpu.memref_slice %arg5[%add3A, %scan3A_51, %dma_start3A_98, %dma_start3A_99] : memref<32x5x50x40xi32, #tpu.memory_space<hbm>> -> memref<1x1x50x40xi32, #tpu.memory_space<hbm>>
          %dma_start3A_101 = tpu.memref_squeeze %dma_start3A_100 : memref<1x1x50x40xi32, #tpu.memory_space<hbm>> -> memref<50x40xi32, #tpu.memory_space<hbm>>
          %dma_start3A_102 = arith.constant 0 : i32
          %dma_start3A_103 = arith.constant 0 : i32
          %dma_start3A_104 = tpu.memref_slice %arg5[%add3A, %scan3A_51, %dma_start3A_102, %dma_start3A_103] : memref<32x5x50x40xi32, #tpu.memory_space<hbm>> -> memref<1x1x50x40xi32, #tpu.memory_space<hbm>>
          %dma_start3A_105 = tpu.memref_squeeze %dma_start3A_104 : memref<1x1x50x40xi32, #tpu.memory_space<hbm>> -> memref<50x40xi32, #tpu.memory_space<hbm>>
          tpu.enqueue_dma source(%dma_start3A_105 : memref<50x40xi32, #tpu.memory_space<hbm>>) target(%arg8 : memref<50x40xi32, #tpu.memory_space<vmem>>) target_semaphore(%run_scoped3A_97 : memref<!tpu.dma_semaphore, #tpu.memory_space<semaphore_mem>>)
          %dma_wait3A = arith.constant 0 : i32
          %dma_wait3A_106 = arith.constant 0 : i32
          %dma_wait3A_107 = tpu.memref_slice %arg5[%add3A, %scan3A_51, %dma_wait3A, %dma_wait3A_106] : memref<32x5x50x40xi32, #tpu.memory_space<hbm>> -> memref<1x1x50x40xi32, #tpu.memory_space<hbm>>
          %dma_wait3A_108 = tpu.memref_squeeze %dma_wait3A_107 : memref<1x1x50x40xi32, #tpu.memory_space<hbm>> -> memref<50x40xi32, #tpu.memory_space<hbm>>
          %dma_wait3A_109 = arith.constant 0 : i32
          %dma_wait3A_110 = arith.constant 0 : i32
          %dma_wait3A_111 = tpu.memref_slice %arg5[%add3A, %scan3A_51, %dma_wait3A_109, %dma_wait3A_110] : memref<32x5x50x40xi32, #tpu.memory_space<hbm>> -> memref<1x1x50x40xi32, #tpu.memory_space<hbm>>
          %dma_wait3A_112 = tpu.memref_squeeze %dma_wait3A_111 : memref<1x1x50x40xi32, #tpu.memory_space<hbm>> -> memref<50x40xi32, #tpu.memory_space<hbm>>
          tpu.wait_dma2 semaphore(%run_scoped3A_97 : memref<!tpu.dma_semaphore, #tpu.memory_space<semaphore_mem>>) src(%dma_wait3A_112 : memref<50x40xi32, #tpu.memory_space<hbm>>) dst(%arg8 : memref<50x40xi32, #tpu.memory_space<vmem>>)
          tpu.yield
        }) : () -> ()
        %dma_start3A_62 = arith.constant 0 : i32
        %dma_start3A_63 = arith.constant 0 : i32
        %dma_start3A_64 = tpu.memref_slice %arg7[%dma_start3A_62, %dma_start3A_63] : memref<50x40xi32, #tpu.memory_space<vmem>> -> memref<1x40xi32, #tpu.memory_space<vmem>>
        %dma_start3A_65 = tpu.memref_squeeze %dma_start3A_64 : memref<1x40xi32, #tpu.memory_space<vmem>> -> memref<40xi32, #tpu.memory_space<vmem>>
        %dma_start3A_66 = arith.constant 0 : i32
        %dma_start3A_67 = arith.constant 0 : i32
        %dma_start3A_68 = tpu.memref_slice %arg2[%dma_start3A_66, %dma_start3A_67] : memref<10240x128xf32, #tpu.memory_space<hbm>> -> memref<10240x128xf32, #tpu.memory_space<hbm>>
        tpu.enqueue_indirect_dma source(%dma_start3A_68 : memref<10240x128xf32, #tpu.memory_space<hbm>>) target(%arg9 : memref<40x128xf32, #tpu.memory_space<vmem>>) offsets(%dma_start3A_65 : memref<40xi32, #tpu.memory_space<vmem>>) semaphore(%arg14 : memref<!tpu.dma_semaphore, #tpu.memory_space<semaphore_mem>>)
        %dma_start3A_69 = arith.constant 1 : i32
        %dma_start3A_70 = arith.constant 0 : i32
        %dma_start3A_71 = tpu.memref_slice %arg7[%dma_start3A_69, %dma_start3A_70] : memref<50x40xi32, #tpu.memory_space<vmem>> -> memref<1x40xi32, #tpu.memory_space<vmem>>
        %dma_start3A_72 = tpu.memref_squeeze %dma_start3A_71 : memref<1x40xi32, #tpu.memory_space<vmem>> -> memref<40xi32, #tpu.memory_space<vmem>>
        %dma_start3A_73 = arith.constant 0 : i32
        %dma_start3A_74 = arith.constant 0 : i32
        %dma_start3A_75 = tpu.memref_slice %arg2[%dma_start3A_73, %dma_start3A_74] : memref<10240x128xf32, #tpu.memory_space<hbm>> -> memref<10240x128xf32, #tpu.memory_space<hbm>>
        tpu.enqueue_indirect_dma source(%dma_start3A_75 : memref<10240x128xf32, #tpu.memory_space<hbm>>) target(%arg10 : memref<40x128xf32, #tpu.memory_space<vmem>>) offsets(%dma_start3A_72 : memref<40xi32, #tpu.memory_space<vmem>>) semaphore(%arg15 : memref<!tpu.dma_semaphore, #tpu.memory_space<semaphore_mem>>)
        %dma_start3A_76 = arith.constant 2 : i32
        %dma_start3A_77 = arith.constant 0 : i32
        %dma_start3A_78 = tpu.memref_slice %arg7[%dma_start3A_76, %dma_start3A_77] : memref<50x40xi32, #tpu.memory_space<vmem>> -> memref<1x40xi32, #tpu.memory_space<vmem>>
        %dma_start3A_79 = tpu.memref_squeeze %dma_start3A_78 : memref<1x40xi32, #tpu.memory_space<vmem>> -> memref<40xi32, #tpu.memory_space<vmem>>
        %dma_start3A_80 = arith.constant 0 : i32
        %dma_start3A_81 = arith.constant 0 : i32
        %dma_start3A_82 = tpu.memref_slice %arg2[%dma_start3A_80, %dma_start3A_81] : memref<10240x128xf32, #tpu.memory_space<hbm>> -> memref<10240x128xf32, #tpu.memory_space<hbm>>
        tpu.enqueue_indirect_dma source(%dma_start3A_82 : memref<10240x128xf32, #tpu.memory_space<hbm>>) target(%arg11 : memref<40x128xf32, #tpu.memory_space<vmem>>) offsets(%dma_start3A_79 : memref<40xi32, #tpu.memory_space<vmem>>) semaphore(%arg16 : memref<!tpu.dma_semaphore, #tpu.memory_space<semaphore_mem>>)
        %dma_start3A_83 = arith.constant 3 : i32
        %dma_start3A_84 = arith.constant 0 : i32
        %dma_start3A_85 = tpu.memref_slice %arg7[%dma_start3A_83, %dma_start3A_84] : memref<50x40xi32, #tpu.memory_space<vmem>> -> memref<1x40xi32, #tpu.memory_space<vmem>>
        %dma_start3A_86 = tpu.memref_squeeze %dma_start3A_85 : memref<1x40xi32, #tpu.memory_space<vmem>> -> memref<40xi32, #tpu.memory_space<vmem>>
        %dma_start3A_87 = arith.constant 0 : i32
        %dma_start3A_88 = arith.constant 0 : i32
        %dma_start3A_89 = tpu.memref_slice %arg2[%dma_start3A_87, %dma_start3A_88] : memref<10240x128xf32, #tpu.memory_space<hbm>> -> memref<10240x128xf32, #tpu.memory_space<hbm>>
        tpu.enqueue_indirect_dma source(%dma_start3A_89 : memref<10240x128xf32, #tpu.memory_space<hbm>>) target(%arg12 : memref<40x128xf32, #tpu.memory_space<vmem>>) offsets(%dma_start3A_86 : memref<40xi32, #tpu.memory_space<vmem>>) semaphore(%arg17 : memref<!tpu.dma_semaphore, #tpu.memory_space<semaphore_mem>>)
        %dma_start3A_90 = arith.constant 4 : i32
        %dma_start3A_91 = arith.constant 0 : i32
        %dma_start3A_92 = tpu.memref_slice %arg7[%dma_start3A_90, %dma_start3A_91] : memref<50x40xi32, #tpu.memory_space<vmem>> -> memref<1x40xi32, #tpu.memory_space<vmem>>
        %dma_start3A_93 = tpu.memref_squeeze %dma_start3A_92 : memref<1x40xi32, #tpu.memory_space<vmem>> -> memref<40xi32, #tpu.memory_space<vmem>>
        %dma_start3A_94 = arith.constant 0 : i32
        %dma_start3A_95 = arith.constant 0 : i32
        %dma_start3A_96 = tpu.memref_slice %arg2[%dma_start3A_94, %dma_start3A_95] : memref<10240x128xf32, #tpu.memory_space<hbm>> -> memref<10240x128xf32, #tpu.memory_space<hbm>>
        tpu.enqueue_indirect_dma source(%dma_start3A_96 : memref<10240x128xf32, #tpu.memory_space<hbm>>) target(%arg13 : memref<40x128xf32, #tpu.memory_space<vmem>>) offsets(%dma_start3A_93 : memref<40xi32, #tpu.memory_space<vmem>>) semaphore(%arg18 : memref<!tpu.dma_semaphore, #tpu.memory_space<semaphore_mem>>)
      } else {
      }
      %scan3A_56 = arith.constant 0 : i32
      %scan3A_57 = arith.constant 0 : i32
      %scan3A_58 = arith.constant 10 : i32
      %scan3A_59 = arith.addi %scan3A_57, %scan3A_58 : i32
      %scan3A_60 = arith.constant 1 : i32
      scf.for %scan3A_62 = %scan3A_57 to %scan3A_59 step %scan3A_60  : i32 {
        %mul3A_63 = arith.constant 5 : i32
        %mul3A_64 = arith.muli %scan3A_62, %mul3A_63 : i32
        %add3A_65 = arith.constant 0 : i32
        %add3A_66 = arith.addi %mul3A_64, %add3A_65 : i32
        %dma_wait3A = arith.constant 0 : i32
        %dma_wait3A_67 = tpu.memref_slice %arg7[%add3A_66, %dma_wait3A] : memref<50x40xi32, #tpu.memory_space<vmem>> -> memref<1x40xi32, #tpu.memory_space<vmem>>
        %dma_wait3A_68 = tpu.memref_squeeze %dma_wait3A_67 : memref<1x40xi32, #tpu.memory_space<vmem>> -> memref<40xi32, #tpu.memory_space<vmem>>
        %dma_wait3A_69 = arith.constant 0 : i32
        %dma_wait3A_70 = arith.constant 0 : i32
        %dma_wait3A_71 = tpu.memref_slice %arg2[%dma_wait3A_69, %dma_wait3A_70] : memref<10240x128xf32, #tpu.memory_space<hbm>> -> memref<10240x128xf32, #tpu.memory_space<hbm>>
        tpu.wait_indirect_dma semaphore(%arg14 : memref<!tpu.dma_semaphore, #tpu.memory_space<semaphore_mem>>) src(%dma_wait3A_71 : memref<10240x128xf32, #tpu.memory_space<hbm>>) dst(%arg9 : memref<40x128xf32, #tpu.memory_space<vmem>>)
        "tpu.region"() ({
          %run_scoped3A_138 = tpu.sem_alloc : memref<!tpu.dma_semaphore, #tpu.memory_space<semaphore_mem>>
          %dma_start3A_139 = arith.constant 0 : i32
          %dma_start3A_140 = tpu.memref_slice %arg8[%add3A_66, %dma_start3A_139] : memref<50x40xi32, #tpu.memory_space<vmem>> -> memref<1x40xi32, #tpu.memory_space<vmem>>
          %dma_start3A_141 = tpu.memref_squeeze %dma_start3A_140 : memref<1x40xi32, #tpu.memory_space<vmem>> -> memref<40xi32, #tpu.memory_space<vmem>>
          %dma_start3A_142 = arith.constant 0 : i32
          %dma_start3A_143 = arith.constant 0 : i32
          %dma_start3A_144 = tpu.memref_slice %arg19[%dma_start3A_142, %dma_start3A_143] : memref<10240x128xf32, #tpu.memory_space<vmem_shared>> -> memref<10240x128xf32, #tpu.memory_space<vmem_shared>>
          tpu.enqueue_indirect_dma source(%arg9 : memref<40x128xf32, #tpu.memory_space<vmem>>) target(%dma_start3A_144 : memref<10240x128xf32, #tpu.memory_space<vmem_shared>>) offsets(%dma_start3A_141 : memref<40xi32, #tpu.memory_space<vmem>>) semaphore(%run_scoped3A_138 : memref<!tpu.dma_semaphore, #tpu.memory_space<semaphore_mem>>) {add = true}
          %dma_wait3A_145 = arith.constant 0 : i32
          %dma_wait3A_146 = tpu.memref_slice %arg8[%add3A_66, %dma_wait3A_145] : memref<50x40xi32, #tpu.memory_space<vmem>> -> memref<1x40xi32, #tpu.memory_space<vmem>>
          %dma_wait3A_147 = tpu.memref_squeeze %dma_wait3A_146 : memref<1x40xi32, #tpu.memory_space<vmem>> -> memref<40xi32, #tpu.memory_space<vmem>>
          %dma_wait3A_148 = arith.constant 0 : i32
          %dma_wait3A_149 = arith.constant 0 : i32
          %dma_wait3A_150 = tpu.memref_slice %arg19[%dma_wait3A_148, %dma_wait3A_149] : memref<10240x128xf32, #tpu.memory_space<vmem_shared>> -> memref<10240x128xf32, #tpu.memory_space<vmem_shared>>
          tpu.wait_indirect_dma semaphore(%run_scoped3A_138 : memref<!tpu.dma_semaphore, #tpu.memory_space<semaphore_mem>>) src(%arg9 : memref<40x128xf32, #tpu.memory_space<vmem>>) dst(%dma_wait3A_150 : memref<10240x128xf32, #tpu.memory_space<vmem_shared>>)
          tpu.yield
        }) : () -> ()
        %add3A_72 = arith.constant 5 : i32
        %add3A_73 = arith.addi %add3A_66, %add3A_72 : i32
        %lt3A = arith.constant 50 : i32
        %lt3A_74 = arith.cmpi slt, %add3A_73, %lt3A : i32
        %convert_element_type3A_75 = arith.extui %lt3A_74 : i1 to i32
        %cond3A_76 = arith.constant 0 : i32
        %cond3A_77 = arith.cmpi ne, %convert_element_type3A_75, %cond3A_76 : i32
        scf.if %cond3A_77 {
          %add3A_138 = arith.constant 5 : i32
          %add3A_139 = arith.addi %add3A_66, %add3A_138 : i32
          %dma_start3A_140 = arith.constant 0 : i32
          %dma_start3A_141 = tpu.memref_slice %arg7[%add3A_139, %dma_start3A_140] : memref<50x40xi32, #tpu.memory_space<vmem>> -> memref<1x40xi32, #tpu.memory_space<vmem>>
          %dma_start3A_142 = tpu.memref_squeeze %dma_start3A_141 : memref<1x40xi32, #tpu.memory_space<vmem>> -> memref<40xi32, #tpu.memory_space<vmem>>
          %dma_start3A_143 = arith.constant 0 : i32
          %dma_start3A_144 = arith.constant 0 : i32
          %dma_start3A_145 = tpu.memref_slice %arg2[%dma_start3A_143, %dma_start3A_144] : memref<10240x128xf32, #tpu.memory_space<hbm>> -> memref<10240x128xf32, #tpu.memory_space<hbm>>
          tpu.enqueue_indirect_dma source(%dma_start3A_145 : memref<10240x128xf32, #tpu.memory_space<hbm>>) target(%arg9 : memref<40x128xf32, #tpu.memory_space<vmem>>) offsets(%dma_start3A_142 : memref<40xi32, #tpu.memory_space<vmem>>) semaphore(%arg14 : memref<!tpu.dma_semaphore, #tpu.memory_space<semaphore_mem>>)
        } else {
        }
        %add3A_78 = arith.constant 1 : i32
        %add3A_79 = arith.addi %mul3A_64, %add3A_78 : i32
        %dma_wait3A_80 = arith.constant 0 : i32
        %dma_wait3A_81 = tpu.memref_slice %arg7[%add3A_79, %dma_wait3A_80] : memref<50x40xi32, #tpu.memory_space<vmem>> -> memref<1x40xi32, #tpu.memory_space<vmem>>
        %dma_wait3A_82 = tpu.memref_squeeze %dma_wait3A_81 : memref<1x40xi32, #tpu.memory_space<vmem>> -> memref<40xi32, #tpu.memory_space<vmem>>
        %dma_wait3A_83 = arith.constant 0 : i32
        %dma_wait3A_84 = arith.constant 0 : i32
        %dma_wait3A_85 = tpu.memref_slice %arg2[%dma_wait3A_83, %dma_wait3A_84] : memref<10240x128xf32, #tpu.memory_space<hbm>> -> memref<10240x128xf32, #tpu.memory_space<hbm>>
        tpu.wait_indirect_dma semaphore(%arg15 : memref<!tpu.dma_semaphore, #tpu.memory_space<semaphore_mem>>) src(%dma_wait3A_85 : memref<10240x128xf32, #tpu.memory_space<hbm>>) dst(%arg10 : memref<40x128xf32, #tpu.memory_space<vmem>>)
        "tpu.region"() ({
          %run_scoped3A_138 = tpu.sem_alloc : memref<!tpu.dma_semaphore, #tpu.memory_space<semaphore_mem>>
          %dma_start3A_139 = arith.constant 0 : i32
          %dma_start3A_140 = tpu.memref_slice %arg8[%add3A_79, %dma_start3A_139] : memref<50x40xi32, #tpu.memory_space<vmem>> -> memref<1x40xi32, #tpu.memory_space<vmem>>
          %dma_start3A_141 = tpu.memref_squeeze %dma_start3A_140 : memref<1x40xi32, #tpu.memory_space<vmem>> -> memref<40xi32, #tpu.memory_space<vmem>>
          %dma_start3A_142 = arith.constant 0 : i32
          %dma_start3A_143 = arith.constant 0 : i32
          %dma_start3A_144 = tpu.memref_slice %arg19[%dma_start3A_142, %dma_start3A_143] : memref<10240x128xf32, #tpu.memory_space<vmem_shared>> -> memref<10240x128xf32, #tpu.memory_space<vmem_shared>>
          tpu.enqueue_indirect_dma source(%arg10 : memref<40x128xf32, #tpu.memory_space<vmem>>) target(%dma_start3A_144 : memref<10240x128xf32, #tpu.memory_space<vmem_shared>>) offsets(%dma_start3A_141 : memref<40xi32, #tpu.memory_space<vmem>>) semaphore(%run_scoped3A_138 : memref<!tpu.dma_semaphore, #tpu.memory_space<semaphore_mem>>) {add = true}
          %dma_wait3A_145 = arith.constant 0 : i32
          %dma_wait3A_146 = tpu.memref_slice %arg8[%add3A_79, %dma_wait3A_145] : memref<50x40xi32, #tpu.memory_space<vmem>> -> memref<1x40xi32, #tpu.memory_space<vmem>>
          %dma_wait3A_147 = tpu.memref_squeeze %dma_wait3A_146 : memref<1x40xi32, #tpu.memory_space<vmem>> -> memref<40xi32, #tpu.memory_space<vmem>>
          %dma_wait3A_148 = arith.constant 0 : i32
          %dma_wait3A_149 = arith.constant 0 : i32
          %dma_wait3A_150 = tpu.memref_slice %arg19[%dma_wait3A_148, %dma_wait3A_149] : memref<10240x128xf32, #tpu.memory_space<vmem_shared>> -> memref<10240x128xf32, #tpu.memory_space<vmem_shared>>
          tpu.wait_indirect_dma semaphore(%run_scoped3A_138 : memref<!tpu.dma_semaphore, #tpu.memory_space<semaphore_mem>>) src(%arg10 : memref<40x128xf32, #tpu.memory_space<vmem>>) dst(%dma_wait3A_150 : memref<10240x128xf32, #tpu.memory_space<vmem_shared>>)
          tpu.yield
        }) : () -> ()
        %add3A_86 = arith.constant 5 : i32
        %add3A_87 = arith.addi %add3A_79, %add3A_86 : i32
        %lt3A_88 = arith.constant 50 : i32
        %lt3A_89 = arith.cmpi slt, %add3A_87, %lt3A_88 : i32
        %convert_element_type3A_90 = arith.extui %lt3A_89 : i1 to i32
        %cond3A_91 = arith.constant 0 : i32
        %cond3A_92 = arith.cmpi ne, %convert_element_type3A_90, %cond3A_91 : i32
        scf.if %cond3A_92 {
          %add3A_138 = arith.constant 5 : i32
          %add3A_139 = arith.addi %add3A_79, %add3A_138 : i32
          %dma_start3A_140 = arith.constant 0 : i32
          %dma_start3A_141 = tpu.memref_slice %arg7[%add3A_139, %dma_start3A_140] : memref<50x40xi32, #tpu.memory_space<vmem>> -> memref<1x40xi32, #tpu.memory_space<vmem>>
          %dma_start3A_142 = tpu.memref_squeeze %dma_start3A_141 : memref<1x40xi32, #tpu.memory_space<vmem>> -> memref<40xi32, #tpu.memory_space<vmem>>
          %dma_start3A_143 = arith.constant 0 : i32
          %dma_start3A_144 = arith.constant 0 : i32
          %dma_start3A_145 = tpu.memref_slice %arg2[%dma_start3A_143, %dma_start3A_144] : memref<10240x128xf32, #tpu.memory_space<hbm>> -> memref<10240x128xf32, #tpu.memory_space<hbm>>
          tpu.enqueue_indirect_dma source(%dma_start3A_145 : memref<10240x128xf32, #tpu.memory_space<hbm>>) target(%arg10 : memref<40x128xf32, #tpu.memory_space<vmem>>) offsets(%dma_start3A_142 : memref<40xi32, #tpu.memory_space<vmem>>) semaphore(%arg15 : memref<!tpu.dma_semaphore, #tpu.memory_space<semaphore_mem>>)
        } else {
        }
        %add3A_93 = arith.constant 2 : i32
        %add3A_94 = arith.addi %mul3A_64, %add3A_93 : i32
        %dma_wait3A_95 = arith.constant 0 : i32
        %dma_wait3A_96 = tpu.memref_slice %arg7[%add3A_94, %dma_wait3A_95] : memref<50x40xi32, #tpu.memory_space<vmem>> -> memref<1x40xi32, #tpu.memory_space<vmem>>
        %dma_wait3A_97 = tpu.memref_squeeze %dma_wait3A_96 : memref<1x40xi32, #tpu.memory_space<vmem>> -> memref<40xi32, #tpu.memory_space<vmem>>
        %dma_wait3A_98 = arith.constant 0 : i32
        %dma_wait3A_99 = arith.constant 0 : i32
        %dma_wait3A_100 = tpu.memref_slice %arg2[%dma_wait3A_98, %dma_wait3A_99] : memref<10240x128xf32, #tpu.memory_space<hbm>> -> memref<10240x128xf32, #tpu.memory_space<hbm>>
        tpu.wait_indirect_dma semaphore(%arg16 : memref<!tpu.dma_semaphore, #tpu.memory_space<semaphore_mem>>) src(%dma_wait3A_100 : memref<10240x128xf32, #tpu.memory_space<hbm>>) dst(%arg11 : memref<40x128xf32, #tpu.memory_space<vmem>>)
        "tpu.region"() ({
          %run_scoped3A_138 = tpu.sem_alloc : memref<!tpu.dma_semaphore, #tpu.memory_space<semaphore_mem>>
          %dma_start3A_139 = arith.constant 0 : i32
          %dma_start3A_140 = tpu.memref_slice %arg8[%add3A_94, %dma_start3A_139] : memref<50x40xi32, #tpu.memory_space<vmem>> -> memref<1x40xi32, #tpu.memory_space<vmem>>
          %dma_start3A_141 = tpu.memref_squeeze %dma_start3A_140 : memref<1x40xi32, #tpu.memory_space<vmem>> -> memref<40xi32, #tpu.memory_space<vmem>>
          %dma_start3A_142 = arith.constant 0 : i32
          %dma_start3A_143 = arith.constant 0 : i32
          %dma_start3A_144 = tpu.memref_slice %arg19[%dma_start3A_142, %dma_start3A_143] : memref<10240x128xf32, #tpu.memory_space<vmem_shared>> -> memref<10240x128xf32, #tpu.memory_space<vmem_shared>>
          tpu.enqueue_indirect_dma source(%arg11 : memref<40x128xf32, #tpu.memory_space<vmem>>) target(%dma_start3A_144 : memref<10240x128xf32, #tpu.memory_space<vmem_shared>>) offsets(%dma_start3A_141 : memref<40xi32, #tpu.memory_space<vmem>>) semaphore(%run_scoped3A_138 : memref<!tpu.dma_semaphore, #tpu.memory_space<semaphore_mem>>) {add = true}
          %dma_wait3A_145 = arith.constant 0 : i32
          %dma_wait3A_146 = tpu.memref_slice %arg8[%add3A_94, %dma_wait3A_145] : memref<50x40xi32, #tpu.memory_space<vmem>> -> memref<1x40xi32, #tpu.memory_space<vmem>>
          %dma_wait3A_147 = tpu.memref_squeeze %dma_wait3A_146 : memref<1x40xi32, #tpu.memory_space<vmem>> -> memref<40xi32, #tpu.memory_space<vmem>>
          %dma_wait3A_148 = arith.constant 0 : i32
          %dma_wait3A_149 = arith.constant 0 : i32
          %dma_wait3A_150 = tpu.memref_slice %arg19[%dma_wait3A_148, %dma_wait3A_149] : memref<10240x128xf32, #tpu.memory_space<vmem_shared>> -> memref<10240x128xf32, #tpu.memory_space<vmem_shared>>
          tpu.wait_indirect_dma semaphore(%run_scoped3A_138 : memref<!tpu.dma_semaphore, #tpu.memory_space<semaphore_mem>>) src(%arg11 : memref<40x128xf32, #tpu.memory_space<vmem>>) dst(%dma_wait3A_150 : memref<10240x128xf32, #tpu.memory_space<vmem_shared>>)
          tpu.yield
        }) : () -> ()
        %add3A_101 = arith.constant 5 : i32
        %add3A_102 = arith.addi %add3A_94, %add3A_101 : i32
        %lt3A_103 = arith.constant 50 : i32
        %lt3A_104 = arith.cmpi slt, %add3A_102, %lt3A_103 : i32
        %convert_element_type3A_105 = arith.extui %lt3A_104 : i1 to i32
        %cond3A_106 = arith.constant 0 : i32
        %cond3A_107 = arith.cmpi ne, %convert_element_type3A_105, %cond3A_106 : i32
        scf.if %cond3A_107 {
          %add3A_138 = arith.constant 5 : i32
          %add3A_139 = arith.addi %add3A_94, %add3A_138 : i32
          %dma_start3A_140 = arith.constant 0 : i32
          %dma_start3A_141 = tpu.memref_slice %arg7[%add3A_139, %dma_start3A_140] : memref<50x40xi32, #tpu.memory_space<vmem>> -> memref<1x40xi32, #tpu.memory_space<vmem>>
          %dma_start3A_142 = tpu.memref_squeeze %dma_start3A_141 : memref<1x40xi32, #tpu.memory_space<vmem>> -> memref<40xi32, #tpu.memory_space<vmem>>
          %dma_start3A_143 = arith.constant 0 : i32
          %dma_start3A_144 = arith.constant 0 : i32
          %dma_start3A_145 = tpu.memref_slice %arg2[%dma_start3A_143, %dma_start3A_144] : memref<10240x128xf32, #tpu.memory_space<hbm>> -> memref<10240x128xf32, #tpu.memory_space<hbm>>
          tpu.enqueue_indirect_dma source(%dma_start3A_145 : memref<10240x128xf32, #tpu.memory_space<hbm>>) target(%arg11 : memref<40x128xf32, #tpu.memory_space<vmem>>) offsets(%dma_start3A_142 : memref<40xi32, #tpu.memory_space<vmem>>) semaphore(%arg16 : memref<!tpu.dma_semaphore, #tpu.memory_space<semaphore_mem>>)
        } else {
        }
        %add3A_108 = arith.constant 3 : i32
        %add3A_109 = arith.addi %mul3A_64, %add3A_108 : i32
        %dma_wait3A_110 = arith.constant 0 : i32
        %dma_wait3A_111 = tpu.memref_slice %arg7[%add3A_109, %dma_wait3A_110] : memref<50x40xi32, #tpu.memory_space<vmem>> -> memref<1x40xi32, #tpu.memory_space<vmem>>
        %dma_wait3A_112 = tpu.memref_squeeze %dma_wait3A_111 : memref<1x40xi32, #tpu.memory_space<vmem>> -> memref<40xi32, #tpu.memory_space<vmem>>
        %dma_wait3A_113 = arith.constant 0 : i32
        %dma_wait3A_114 = arith.constant 0 : i32
        %dma_wait3A_115 = tpu.memref_slice %arg2[%dma_wait3A_113, %dma_wait3A_114] : memref<10240x128xf32, #tpu.memory_space<hbm>> -> memref<10240x128xf32, #tpu.memory_space<hbm>>
        tpu.wait_indirect_dma semaphore(%arg17 : memref<!tpu.dma_semaphore, #tpu.memory_space<semaphore_mem>>) src(%dma_wait3A_115 : memref<10240x128xf32, #tpu.memory_space<hbm>>) dst(%arg12 : memref<40x128xf32, #tpu.memory_space<vmem>>)
        "tpu.region"() ({
          %run_scoped3A_138 = tpu.sem_alloc : memref<!tpu.dma_semaphore, #tpu.memory_space<semaphore_mem>>
          %dma_start3A_139 = arith.constant 0 : i32
          %dma_start3A_140 = tpu.memref_slice %arg8[%add3A_109, %dma_start3A_139] : memref<50x40xi32, #tpu.memory_space<vmem>> -> memref<1x40xi32, #tpu.memory_space<vmem>>
          %dma_start3A_141 = tpu.memref_squeeze %dma_start3A_140 : memref<1x40xi32, #tpu.memory_space<vmem>> -> memref<40xi32, #tpu.memory_space<vmem>>
          %dma_start3A_142 = arith.constant 0 : i32
          %dma_start3A_143 = arith.constant 0 : i32
          %dma_start3A_144 = tpu.memref_slice %arg19[%dma_start3A_142, %dma_start3A_143] : memref<10240x128xf32, #tpu.memory_space<vmem_shared>> -> memref<10240x128xf32, #tpu.memory_space<vmem_shared>>
          tpu.enqueue_indirect_dma source(%arg12 : memref<40x128xf32, #tpu.memory_space<vmem>>) target(%dma_start3A_144 : memref<10240x128xf32, #tpu.memory_space<vmem_shared>>) offsets(%dma_start3A_141 : memref<40xi32, #tpu.memory_space<vmem>>) semaphore(%run_scoped3A_138 : memref<!tpu.dma_semaphore, #tpu.memory_space<semaphore_mem>>) {add = true}
          %dma_wait3A_145 = arith.constant 0 : i32
          %dma_wait3A_146 = tpu.memref_slice %arg8[%add3A_109, %dma_wait3A_145] : memref<50x40xi32, #tpu.memory_space<vmem>> -> memref<1x40xi32, #tpu.memory_space<vmem>>
          %dma_wait3A_147 = tpu.memref_squeeze %dma_wait3A_146 : memref<1x40xi32, #tpu.memory_space<vmem>> -> memref<40xi32, #tpu.memory_space<vmem>>
          %dma_wait3A_148 = arith.constant 0 : i32
          %dma_wait3A_149 = arith.constant 0 : i32
          %dma_wait3A_150 = tpu.memref_slice %arg19[%dma_wait3A_148, %dma_wait3A_149] : memref<10240x128xf32, #tpu.memory_space<vmem_shared>> -> memref<10240x128xf32, #tpu.memory_space<vmem_shared>>
          tpu.wait_indirect_dma semaphore(%run_scoped3A_138 : memref<!tpu.dma_semaphore, #tpu.memory_space<semaphore_mem>>) src(%arg12 : memref<40x128xf32, #tpu.memory_space<vmem>>) dst(%dma_wait3A_150 : memref<10240x128xf32, #tpu.memory_space<vmem_shared>>)
          tpu.yield
        }) : () -> ()
        %add3A_116 = arith.constant 5 : i32
        %add3A_117 = arith.addi %add3A_109, %add3A_116 : i32
        %lt3A_118 = arith.constant 50 : i32
        %lt3A_119 = arith.cmpi slt, %add3A_117, %lt3A_118 : i32
        %convert_element_type3A_120 = arith.extui %lt3A_119 : i1 to i32
        %cond3A_121 = arith.constant 0 : i32
        %cond3A_122 = arith.cmpi ne, %convert_element_type3A_120, %cond3A_121 : i32
        scf.if %cond3A_122 {
          %add3A_138 = arith.constant 5 : i32
          %add3A_139 = arith.addi %add3A_109, %add3A_138 : i32
          %dma_start3A_140 = arith.constant 0 : i32
          %dma_start3A_141 = tpu.memref_slice %arg7[%add3A_139, %dma_start3A_140] : memref<50x40xi32, #tpu.memory_space<vmem>> -> memref<1x40xi32, #tpu.memory_space<vmem>>
          %dma_start3A_142 = tpu.memref_squeeze %dma_start3A_141 : memref<1x40xi32, #tpu.memory_space<vmem>> -> memref<40xi32, #tpu.memory_space<vmem>>
          %dma_start3A_143 = arith.constant 0 : i32
          %dma_start3A_144 = arith.constant 0 : i32
          %dma_start3A_145 = tpu.memref_slice %arg2[%dma_start3A_143, %dma_start3A_144] : memref<10240x128xf32, #tpu.memory_space<hbm>> -> memref<10240x128xf32, #tpu.memory_space<hbm>>
          tpu.enqueue_indirect_dma source(%dma_start3A_145 : memref<10240x128xf32, #tpu.memory_space<hbm>>) target(%arg12 : memref<40x128xf32, #tpu.memory_space<vmem>>) offsets(%dma_start3A_142 : memref<40xi32, #tpu.memory_space<vmem>>) semaphore(%arg17 : memref<!tpu.dma_semaphore, #tpu.memory_space<semaphore_mem>>)
        } else {
        }
        %add3A_123 = arith.constant 4 : i32
        %add3A_124 = arith.addi %mul3A_64, %add3A_123 : i32
        %dma_wait3A_125 = arith.constant 0 : i32
        %dma_wait3A_126 = tpu.memref_slice %arg7[%add3A_124, %dma_wait3A_125] : memref<50x40xi32, #tpu.memory_space<vmem>> -> memref<1x40xi32, #tpu.memory_space<vmem>>
        %dma_wait3A_127 = tpu.memref_squeeze %dma_wait3A_126 : memref<1x40xi32, #tpu.memory_space<vmem>> -> memref<40xi32, #tpu.memory_space<vmem>>
        %dma_wait3A_128 = arith.constant 0 : i32
        %dma_wait3A_129 = arith.constant 0 : i32
        %dma_wait3A_130 = tpu.memref_slice %arg2[%dma_wait3A_128, %dma_wait3A_129] : memref<10240x128xf32, #tpu.memory_space<hbm>> -> memref<10240x128xf32, #tpu.memory_space<hbm>>
        tpu.wait_indirect_dma semaphore(%arg18 : memref<!tpu.dma_semaphore, #tpu.memory_space<semaphore_mem>>) src(%dma_wait3A_130 : memref<10240x128xf32, #tpu.memory_space<hbm>>) dst(%arg13 : memref<40x128xf32, #tpu.memory_space<vmem>>)
        "tpu.region"() ({
          %run_scoped3A_138 = tpu.sem_alloc : memref<!tpu.dma_semaphore, #tpu.memory_space<semaphore_mem>>
          %dma_start3A_139 = arith.constant 0 : i32
          %dma_start3A_140 = tpu.memref_slice %arg8[%add3A_124, %dma_start3A_139] : memref<50x40xi32, #tpu.memory_space<vmem>> -> memref<1x40xi32, #tpu.memory_space<vmem>>
          %dma_start3A_141 = tpu.memref_squeeze %dma_start3A_140 : memref<1x40xi32, #tpu.memory_space<vmem>> -> memref<40xi32, #tpu.memory_space<vmem>>
          %dma_start3A_142 = arith.constant 0 : i32
          %dma_start3A_143 = arith.constant 0 : i32
          %dma_start3A_144 = tpu.memref_slice %arg19[%dma_start3A_142, %dma_start3A_143] : memref<10240x128xf32, #tpu.memory_space<vmem_shared>> -> memref<10240x128xf32, #tpu.memory_space<vmem_shared>>
          tpu.enqueue_indirect_dma source(%arg13 : memref<40x128xf32, #tpu.memory_space<vmem>>) target(%dma_start3A_144 : memref<10240x128xf32, #tpu.memory_space<vmem_shared>>) offsets(%dma_start3A_141 : memref<40xi32, #tpu.memory_space<vmem>>) semaphore(%run_scoped3A_138 : memref<!tpu.dma_semaphore, #tpu.memory_space<semaphore_mem>>) {add = true}
          %dma_wait3A_145 = arith.constant 0 : i32
          %dma_wait3A_146 = tpu.memref_slice %arg8[%add3A_124, %dma_wait3A_145] : memref<50x40xi32, #tpu.memory_space<vmem>> -> memref<1x40xi32, #tpu.memory_space<vmem>>
          %dma_wait3A_147 = tpu.memref_squeeze %dma_wait3A_146 : memref<1x40xi32, #tpu.memory_space<vmem>> -> memref<40xi32, #tpu.memory_space<vmem>>
          %dma_wait3A_148 = arith.constant 0 : i32
          %dma_wait3A_149 = arith.constant 0 : i32
          %dma_wait3A_150 = tpu.memref_slice %arg19[%dma_wait3A_148, %dma_wait3A_149] : memref<10240x128xf32, #tpu.memory_space<vmem_shared>> -> memref<10240x128xf32, #tpu.memory_space<vmem_shared>>
          tpu.wait_indirect_dma semaphore(%run_scoped3A_138 : memref<!tpu.dma_semaphore, #tpu.memory_space<semaphore_mem>>) src(%arg13 : memref<40x128xf32, #tpu.memory_space<vmem>>) dst(%dma_wait3A_150 : memref<10240x128xf32, #tpu.memory_space<vmem_shared>>)
          tpu.yield
        }) : () -> ()
        %add3A_131 = arith.constant 5 : i32
        %add3A_132 = arith.addi %add3A_124, %add3A_131 : i32
        %lt3A_133 = arith.constant 50 : i32
        %lt3A_134 = arith.cmpi slt, %add3A_132, %lt3A_133 : i32
        %convert_element_type3A_135 = arith.extui %lt3A_134 : i1 to i32
        %cond3A_136 = arith.constant 0 : i32
        %cond3A_137 = arith.cmpi ne, %convert_element_type3A_135, %cond3A_136 : i32
        scf.if %cond3A_137 {
          %add3A_138 = arith.constant 5 : i32
          %add3A_139 = arith.addi %add3A_124, %add3A_138 : i32
          %dma_start3A_140 = arith.constant 0 : i32
          %dma_start3A_141 = tpu.memref_slice %arg7[%add3A_139, %dma_start3A_140] : memref<50x40xi32, #tpu.memory_space<vmem>> -> memref<1x40xi32, #tpu.memory_space<vmem>>
          %dma_start3A_142 = tpu.memref_squeeze %dma_start3A_141 : memref<1x40xi32, #tpu.memory_space<vmem>> -> memref<40xi32, #tpu.memory_space<vmem>>
          %dma_start3A_143 = arith.constant 0 : i32
          %dma_start3A_144 = arith.constant 0 : i32
          %dma_start3A_145 = tpu.memref_slice %arg2[%dma_start3A_143, %dma_start3A_144] : memref<10240x128xf32, #tpu.memory_space<hbm>> -> memref<10240x128xf32, #tpu.memory_space<hbm>>
          tpu.enqueue_indirect_dma source(%dma_start3A_145 : memref<10240x128xf32, #tpu.memory_space<hbm>>) target(%arg13 : memref<40x128xf32, #tpu.memory_space<vmem>>) offsets(%dma_start3A_142 : memref<40xi32, #tpu.memory_space<vmem>>) semaphore(%arg18 : memref<!tpu.dma_semaphore, #tpu.memory_space<semaphore_mem>>)
        } else {
        }
      }
      %scan3A_61 = arith.constant 10 : i32
    }
    %scan3A_49 = arith.constant 5 : i32
    %barrier3A_50 = arith.constant 0 : index
    tpu.barrier barrier_id(%barrier3A_50)
    "tpu.region"() ({
      %run_scoped3A_51 = tpu.sem_alloc : memref<!tpu.dma_semaphore, #tpu.memory_space<semaphore_mem>>
      %dma_start3A_52 = arith.constant 0 : i32
      %dma_start3A_53 = tpu.memref_slice %arg6[%arg0, %mul3A_2, %dma_start3A_52] : memref<2x10240x128xf32, #tpu.memory_space<hbm>> -> memref<1x640x128xf32, #tpu.memory_space<hbm>>
      %dma_start3A_54 = tpu.memref_squeeze %dma_start3A_53 : memref<1x640x128xf32, #tpu.memory_space<hbm>> -> memref<640x128xf32, #tpu.memory_space<hbm>>
      %dma_start3A_55 = arith.constant 0 : i32
      %dma_start3A_56 = tpu.memref_slice %arg19[%mul3A_2, %dma_start3A_55] : memref<10240x128xf32, #tpu.memory_space<vmem_shared>> -> memref<640x128xf32, #tpu.memory_space<vmem_shared>>
      tpu.enqueue_dma source(%dma_start3A_56 : memref<640x128xf32, #tpu.memory_space<vmem_shared>>) target(%dma_start3A_54 : memref<640x128xf32, #tpu.memory_space<hbm>>) target_semaphore(%run_scoped3A_51 : memref<!tpu.dma_semaphore, #tpu.memory_space<semaphore_mem>>)
      %dma_wait3A = arith.constant 0 : i32
      %dma_wait3A_57 = tpu.memref_slice %arg6[%arg0, %mul3A_2, %dma_wait3A] : memref<2x10240x128xf32, #tpu.memory_space<hbm>> -> memref<1x640x128xf32, #tpu.memory_space<hbm>>
      %dma_wait3A_58 = tpu.memref_squeeze %dma_wait3A_57 : memref<1x640x128xf32, #tpu.memory_space<hbm>> -> memref<640x128xf32, #tpu.memory_space<hbm>>
      %dma_wait3A_59 = arith.constant 0 : i32
      %dma_wait3A_60 = tpu.memref_slice %arg19[%mul3A_2, %dma_wait3A_59] : memref<10240x128xf32, #tpu.memory_space<vmem_shared>> -> memref<640x128xf32, #tpu.memory_space<vmem_shared>>
      tpu.wait_dma2 semaphore(%run_scoped3A_51 : memref<!tpu.dma_semaphore, #tpu.memory_space<semaphore_mem>>) src(%dma_wait3A_60 : memref<640x128xf32, #tpu.memory_space<vmem_shared>>) dst(%dma_wait3A_58 : memref<640x128xf32, #tpu.memory_space<hbm>>)
      tpu.yield
    }) : () -> ()
    return
  }
}

#map = affine_map<(d0, d1) -> (0, 0)>
#map1 = affine_map<(d0, d1) -> (0, 0, 0, 0)>
#map2 = affine_map<(d0, d1) -> (0, 0, 0)>
module attributes {stable_mosaic.version = 14 : i64} {
  func.func @_hop_body(%arg0: i32, %arg1: i32, %arg2: memref<10240x128xf32, #tpu.memory_space<hbm>>, %arg3: memref<10240x128xf32, #tpu.memory_space<hbm>>, %arg4: memref<32x5x50x40xi32, #tpu.memory_space<hbm>>, %arg5: memref<32x5x50x40xi32, #tpu.memory_space<hbm>>, %arg6: memref<2x10240x128xf32, #tpu.memory_space<hbm>>, %arg7: memref<50x40xi32, #tpu.memory_space<vmem>>, %arg8: memref<50x40xi32, #tpu.memory_space<vmem>>, %arg9: memref<40x128xf32, #tpu.memory_space<vmem>>, %arg10: memref<40x128xf32, #tpu.memory_space<vmem>>, %arg11: memref<40x128xf32, #tpu.memory_space<vmem>>, %arg12: memref<40x128xf32, #tpu.memory_space<vmem>>, %arg13: memref<40x128xf32, #tpu.memory_space<vmem>>, %arg14: memref<!tpu.dma_semaphore, #tpu.memory_space<semaphore_mem>>, %arg15: memref<!tpu.dma_semaphore, #tpu.memory_space<semaphore_mem>>, %arg16: memref<!tpu.dma_semaphore, #tpu.memory_space<semaphore_mem>>, %arg17: memref<!tpu.dma_semaphore, #tpu.memory_space<semaphore_mem>>, %arg18: memref<!tpu.dma_semaphore, #tpu.memory_space<semaphore_mem>>, %arg19: memref<10240x128xf32, #tpu.memory_space<vmem_shared>>) attributes {dimension_semantics = [#tpu.dimension_semantics<core_parallel>, #tpu.dimension_semantics<subcore_parallel>], iteration_bounds = array<i64: 2, 16>, scalar_prefetch = 0 : i64, scratch_operands = 13 : i64, tpu.core_type = #tpu.core_type<sc_vector_subcore>, window_params = [{transform_indices = #map}, {transform_indices = #map}, {transform_indices = #map1}, {transform_indices = #map1}, {transform_indices = #map2}]} {
    %mul3A = arith.constant 2 : i32
    %mul3A_0 = arith.muli %arg1, %mul3A : i32
    %add3A = arith.addi %mul3A_0, %arg0 : i32
    %mul3A_1 = arith.constant 640 : i32
    %mul3A_2 = arith.muli %arg1, %mul3A_1 : i32
    %run_scoped3A = arith.constant 0 : i32
    "tpu.region"() ({
      %run_scoped3A_51 = tpu.sem_alloc : memref<!tpu.dma_semaphore, #tpu.memory_space<semaphore_mem>>
      %dma_start3A_52 = arith.constant 0 : i32
      %dma_start3A_53 = arith.constant 0 : i32
      %dma_start3A_54 = tpu.memref_slice %arg4[%add3A, %run_scoped3A, %dma_start3A_52, %dma_start3A_53] : memref<32x5x50x40xi32, #tpu.memory_space<hbm>> -> memref<1x1x50x40xi32, #tpu.memory_space<hbm>>
      %dma_start3A_55 = tpu.memref_squeeze %dma_start3A_54 : memref<1x1x50x40xi32, #tpu.memory_space<hbm>> -> memref<50x40xi32, #tpu.memory_space<hbm>>
      %dma_start3A_56 = arith.constant 0 : i32
      %dma_start3A_57 = arith.constant 0 : i32
      %dma_start3A_58 = tpu.memref_slice %arg4[%add3A, %run_scoped3A, %dma_start3A_56, %dma_start3A_57] : memref<32x5x50x40xi32, #tpu.memory_space<hbm>> -> memref<1x1x50x40xi32, #tpu.memory_space<hbm>>
      %dma_start3A_59 = tpu.memref_squeeze %dma_start3A_58 : memref<1x1x50x40xi32, #tpu.memory_space<hbm>> -> memref<50x40xi32, #tpu.memory_space<hbm>>
      tpu.enqueue_dma source(%dma_start3A_59 : memref<50x40xi32, #tpu.memory_space<hbm>>) target(%arg7 : memref<50x40xi32, #tpu.memory_space<vmem>>) target_semaphore(%run_scoped3A_51 : memref<!tpu.dma_semaphore, #tpu.memory_space<semaphore_mem>>)
      %dma_wait3A = arith.constant 0 : i32
      %dma_wait3A_60 = arith.constant 0 : i32
      %dma_wait3A_61 = tpu.memref_slice %arg4[%add3A, %run_scoped3A, %dma_wait3A, %dma_wait3A_60] : memref<32x5x50x40xi32, #tpu.memory_space<hbm>> -> memref<1x1x50x40xi32, #tpu.memory_space<hbm>>
      %dma_wait3A_62 = tpu.memref_squeeze %dma_wait3A_61 : memref<1x1x50x40xi32, #tpu.memory_space<hbm>> -> memref<50x40xi32, #tpu.memory_space<hbm>>
      %dma_wait3A_63 = arith.constant 0 : i32
      %dma_wait3A_64 = arith.constant 0 : i32
      %dma_wait3A_65 = tpu.memref_slice %arg4[%add3A, %run_scoped3A, %dma_wait3A_63, %dma_wait3A_64] : memref<32x5x50x40xi32, #tpu.memory_space<hbm>> -> memref<1x1x50x40xi32, #tpu.memory_space<hbm>>
      %dma_wait3A_66 = tpu.memref_squeeze %dma_wait3A_65 : memref<1x1x50x40xi32, #tpu.memory_space<hbm>> -> memref<50x40xi32, #tpu.memory_space<hbm>>
      tpu.wait_dma2 semaphore(%run_scoped3A_51 : memref<!tpu.dma_semaphore, #tpu.memory_space<semaphore_mem>>) src(%dma_wait3A_66 : memref<50x40xi32, #tpu.memory_space<hbm>>) dst(%arg7 : memref<50x40xi32, #tpu.memory_space<vmem>>)
      tpu.yield
    }) : () -> ()
    %run_scoped3A_3 = arith.constant 0 : i32
    "tpu.region"() ({
      %run_scoped3A_51 = tpu.sem_alloc : memref<!tpu.dma_semaphore, #tpu.memory_space<semaphore_mem>>
      %dma_start3A_52 = arith.constant 0 : i32
      %dma_start3A_53 = arith.constant 0 : i32
      %dma_start3A_54 = tpu.memref_slice %arg5[%add3A, %run_scoped3A_3, %dma_start3A_52, %dma_start3A_53] : memref<32x5x50x40xi32, #tpu.memory_space<hbm>> -> memref<1x1x50x40xi32, #tpu.memory_space<hbm>>
      %dma_start3A_55 = tpu.memref_squeeze %dma_start3A_54 : memref<1x1x50x40xi32, #tpu.memory_space<hbm>> -> memref<50x40xi32, #tpu.memory_space<hbm>>
      %dma_start3A_56 = arith.constant 0 : i32
      %dma_start3A_57 = arith.constant 0 : i32
      %dma_start3A_58 = tpu.memref_slice %arg5[%add3A, %run_scoped3A_3, %dma_start3A_56, %dma_start3A_57] : memref<32x5x50x40xi32, #tpu.memory_space<hbm>> -> memref<1x1x50x40xi32, #tpu.memory_space<hbm>>
      %dma_start3A_59 = tpu.memref_squeeze %dma_start3A_58 : memref<1x1x50x40xi32, #tpu.memory_space<hbm>> -> memref<50x40xi32, #tpu.memory_space<hbm>>
      tpu.enqueue_dma source(%dma_start3A_59 : memref<50x40xi32, #tpu.memory_space<hbm>>) target(%arg8 : memref<50x40xi32, #tpu.memory_space<vmem>>) target_semaphore(%run_scoped3A_51 : memref<!tpu.dma_semaphore, #tpu.memory_space<semaphore_mem>>)
      %dma_wait3A = arith.constant 0 : i32
      %dma_wait3A_60 = arith.constant 0 : i32
      %dma_wait3A_61 = tpu.memref_slice %arg5[%add3A, %run_scoped3A_3, %dma_wait3A, %dma_wait3A_60] : memref<32x5x50x40xi32, #tpu.memory_space<hbm>> -> memref<1x1x50x40xi32, #tpu.memory_space<hbm>>
      %dma_wait3A_62 = tpu.memref_squeeze %dma_wait3A_61 : memref<1x1x50x40xi32, #tpu.memory_space<hbm>> -> memref<50x40xi32, #tpu.memory_space<hbm>>
      %dma_wait3A_63 = arith.constant 0 : i32
      %dma_wait3A_64 = arith.constant 0 : i32
      %dma_wait3A_65 = tpu.memref_slice %arg5[%add3A, %run_scoped3A_3, %dma_wait3A_63, %dma_wait3A_64] : memref<32x5x50x40xi32, #tpu.memory_space<hbm>> -> memref<1x1x50x40xi32, #tpu.memory_space<hbm>>
      %dma_wait3A_66 = tpu.memref_squeeze %dma_wait3A_65 : memref<1x1x50x40xi32, #tpu.memory_space<hbm>> -> memref<50x40xi32, #tpu.memory_space<hbm>>
      tpu.wait_dma2 semaphore(%run_scoped3A_51 : memref<!tpu.dma_semaphore, #tpu.memory_space<semaphore_mem>>) src(%dma_wait3A_66 : memref<50x40xi32, #tpu.memory_space<hbm>>) dst(%arg8 : memref<50x40xi32, #tpu.memory_space<vmem>>)
      tpu.yield
    }) : () -> ()
    %dma_start3A = arith.constant 0 : i32
    %dma_start3A_4 = arith.constant 0 : i32
    %dma_start3A_5 = tpu.memref_slice %arg7[%dma_start3A, %dma_start3A_4] : memref<50x40xi32, #tpu.memory_space<vmem>> -> memref<1x40xi32, #tpu.memory_space<vmem>>
    %dma_start3A_6 = tpu.memref_squeeze %dma_start3A_5 : memref<1x40xi32, #tpu.memory_space<vmem>> -> memref<40xi32, #tpu.memory_space<vmem>>
    %dma_start3A_7 = arith.constant 0 : i32
    %dma_start3A_8 = arith.constant 0 : i32
    %dma_start3A_9 = tpu.memref_slice %arg2[%dma_start3A_7, %dma_start3A_8] : memref<10240x128xf32, #tpu.memory_space<hbm>> -> memref<10240x128xf32, #tpu.memory_space<hbm>>
    tpu.enqueue_indirect_dma source(%dma_start3A_9 : memref<10240x128xf32, #tpu.memory_space<hbm>>) target(%arg9 : memref<40x128xf32, #tpu.memory_space<vmem>>) offsets(%dma_start3A_6 : memref<40xi32, #tpu.memory_space<vmem>>) semaphore(%arg14 : memref<!tpu.dma_semaphore, #tpu.memory_space<semaphore_mem>>)
    %dma_start3A_10 = arith.constant 1 : i32
    %dma_start3A_11 = arith.constant 0 : i32
    %dma_start3A_12 = tpu.memref_slice %arg7[%dma_start3A_10, %dma_start3A_11] : memref<50x40xi32, #tpu.memory_space<vmem>> -> memref<1x40xi32, #tpu.memory_space<vmem>>
    %dma_start3A_13 = tpu.memref_squeeze %dma_start3A_12 : memref<1x40xi32, #tpu.memory_space<vmem>> -> memref<40xi32, #tpu.memory_space<vmem>>
    %dma_start3A_14 = arith.constant 0 : i32
    %dma_start3A_15 = arith.constant 0 : i32
    %dma_start3A_16 = tpu.memref_slice %arg2[%dma_start3A_14, %dma_start3A_15] : memref<10240x128xf32, #tpu.memory_space<hbm>> -> memref<10240x128xf32, #tpu.memory_space<hbm>>
    tpu.enqueue_indirect_dma source(%dma_start3A_16 : memref<10240x128xf32, #tpu.memory_space<hbm>>) target(%arg10 : memref<40x128xf32, #tpu.memory_space<vmem>>) offsets(%dma_start3A_13 : memref<40xi32, #tpu.memory_space<vmem>>) semaphore(%arg15 : memref<!tpu.dma_semaphore, #tpu.memory_space<semaphore_mem>>)
    %dma_start3A_17 = arith.constant 2 : i32
    %dma_start3A_18 = arith.constant 0 : i32
    %dma_start3A_19 = tpu.memref_slice %arg7[%dma_start3A_17, %dma_start3A_18] : memref<50x40xi32, #tpu.memory_space<vmem>> -> memref<1x40xi32, #tpu.memory_space<vmem>>
    %dma_start3A_20 = tpu.memref_squeeze %dma_start3A_19 : memref<1x40xi32, #tpu.memory_space<vmem>> -> memref<40xi32, #tpu.memory_space<vmem>>
    %dma_start3A_21 = arith.constant 0 : i32
    %dma_start3A_22 = arith.constant 0 : i32
    %dma_start3A_23 = tpu.memref_slice %arg2[%dma_start3A_21, %dma_start3A_22] : memref<10240x128xf32, #tpu.memory_space<hbm>> -> memref<10240x128xf32, #tpu.memory_space<hbm>>
    tpu.enqueue_indirect_dma source(%dma_start3A_23 : memref<10240x128xf32, #tpu.memory_space<hbm>>) target(%arg11 : memref<40x128xf32, #tpu.memory_space<vmem>>) offsets(%dma_start3A_20 : memref<40xi32, #tpu.memory_space<vmem>>) semaphore(%arg16 : memref<!tpu.dma_semaphore, #tpu.memory_space<semaphore_mem>>)
    %dma_start3A_24 = arith.constant 3 : i32
    %dma_start3A_25 = arith.constant 0 : i32
    %dma_start3A_26 = tpu.memref_slice %arg7[%dma_start3A_24, %dma_start3A_25] : memref<50x40xi32, #tpu.memory_space<vmem>> -> memref<1x40xi32, #tpu.memory_space<vmem>>
    %dma_start3A_27 = tpu.memref_squeeze %dma_start3A_26 : memref<1x40xi32, #tpu.memory_space<vmem>> -> memref<40xi32, #tpu.memory_space<vmem>>
    %dma_start3A_28 = arith.constant 0 : i32
    %dma_start3A_29 = arith.constant 0 : i32
    %dma_start3A_30 = tpu.memref_slice %arg2[%dma_start3A_28, %dma_start3A_29] : memref<10240x128xf32, #tpu.memory_space<hbm>> -> memref<10240x128xf32, #tpu.memory_space<hbm>>
    tpu.enqueue_indirect_dma source(%dma_start3A_30 : memref<10240x128xf32, #tpu.memory_space<hbm>>) target(%arg12 : memref<40x128xf32, #tpu.memory_space<vmem>>) offsets(%dma_start3A_27 : memref<40xi32, #tpu.memory_space<vmem>>) semaphore(%arg17 : memref<!tpu.dma_semaphore, #tpu.memory_space<semaphore_mem>>)
    %dma_start3A_31 = arith.constant 4 : i32
    %dma_start3A_32 = arith.constant 0 : i32
    %dma_start3A_33 = tpu.memref_slice %arg7[%dma_start3A_31, %dma_start3A_32] : memref<50x40xi32, #tpu.memory_space<vmem>> -> memref<1x40xi32, #tpu.memory_space<vmem>>
    %dma_start3A_34 = tpu.memref_squeeze %dma_start3A_33 : memref<1x40xi32, #tpu.memory_space<vmem>> -> memref<40xi32, #tpu.memory_space<vmem>>
    %dma_start3A_35 = arith.constant 0 : i32
    %dma_start3A_36 = arith.constant 0 : i32
    %dma_start3A_37 = tpu.memref_slice %arg2[%dma_start3A_35, %dma_start3A_36] : memref<10240x128xf32, #tpu.memory_space<hbm>> -> memref<10240x128xf32, #tpu.memory_space<hbm>>
    tpu.enqueue_indirect_dma source(%dma_start3A_37 : memref<10240x128xf32, #tpu.memory_space<hbm>>) target(%arg13 : memref<40x128xf32, #tpu.memory_space<vmem>>) offsets(%dma_start3A_34 : memref<40xi32, #tpu.memory_space<vmem>>) semaphore(%arg18 : memref<!tpu.dma_semaphore, #tpu.memory_space<semaphore_mem>>)
    %eq3A = arith.constant 0 : i32
    %eq3A_38 = arith.cmpi eq, %arg0, %eq3A : i32
    %convert_element_type3A = arith.extui %eq3A_38 : i1 to i32
    %cond3A = arith.constant 0 : i32
    %cond3A_39 = arith.cmpi ne, %convert_element_type3A, %cond3A : i32
    scf.if %cond3A_39 {
      "tpu.region"() ({
        %run_scoped3A_51 = tpu.sem_alloc : memref<!tpu.dma_semaphore, #tpu.memory_space<semaphore_mem>>
        %dma_start3A_52 = arith.constant 0 : i32
        %dma_start3A_53 = tpu.memref_slice %arg19[%mul3A_2, %dma_start3A_52] : memref<10240x128xf32, #tpu.memory_space<vmem_shared>> -> memref<640x128xf32, #tpu.memory_space<vmem_shared>>
        %dma_start3A_54 = arith.constant 0 : i32
        %dma_start3A_55 = tpu.memref_slice %arg2[%mul3A_2, %dma_start3A_54] : memref<10240x128xf32, #tpu.memory_space<hbm>> -> memref<640x128xf32, #tpu.memory_space<hbm>>
        tpu.enqueue_dma source(%dma_start3A_55 : memref<640x128xf32, #tpu.memory_space<hbm>>) target(%dma_start3A_53 : memref<640x128xf32, #tpu.memory_space<vmem_shared>>) target_semaphore(%run_scoped3A_51 : memref<!tpu.dma_semaphore, #tpu.memory_space<semaphore_mem>>)
        %dma_wait3A = arith.constant 0 : i32
        %dma_wait3A_56 = tpu.memref_slice %arg19[%mul3A_2, %dma_wait3A] : memref<10240x128xf32, #tpu.memory_space<vmem_shared>> -> memref<640x128xf32, #tpu.memory_space<vmem_shared>>
        %dma_wait3A_57 = arith.constant 0 : i32
        %dma_wait3A_58 = tpu.memref_slice %arg2[%mul3A_2, %dma_wait3A_57] : memref<10240x128xf32, #tpu.memory_space<hbm>> -> memref<640x128xf32, #tpu.memory_space<hbm>>
        tpu.wait_dma2 semaphore(%run_scoped3A_51 : memref<!tpu.dma_semaphore, #tpu.memory_space<semaphore_mem>>) src(%dma_wait3A_58 : memref<640x128xf32, #tpu.memory_space<hbm>>) dst(%dma_wait3A_56 : memref<640x128xf32, #tpu.memory_space<vmem_shared>>)
        tpu.yield
      }) : () -> ()
    } else {
    }
    %eq3A_40 = arith.constant 1 : i32
    %eq3A_41 = arith.cmpi eq, %arg0, %eq3A_40 : i32
    %convert_element_type3A_42 = arith.extui %eq3A_41 : i1 to i32
    %cond3A_43 = arith.constant 0 : i32
    %cond3A_44 = arith.cmpi ne, %convert_element_type3A_42, %cond3A_43 : i32
    scf.if %cond3A_44 {
      "tpu.region"() ({
        %run_scoped3A_51 = tpu.sem_alloc : memref<!tpu.dma_semaphore, #tpu.memory_space<semaphore_mem>>
        %dma_start3A_52 = arith.constant 0 : i32
        %dma_start3A_53 = tpu.memref_slice %arg19[%mul3A_2, %dma_start3A_52] : memref<10240x128xf32, #tpu.memory_space<vmem_shared>> -> memref<640x128xf32, #tpu.memory_space<vmem_shared>>
        %dma_start3A_54 = arith.constant 0 : i32
        %dma_start3A_55 = tpu.memref_slice %arg3[%mul3A_2, %dma_start3A_54] : memref<10240x128xf32, #tpu.memory_space<hbm>> -> memref<640x128xf32, #tpu.memory_space<hbm>>
        tpu.enqueue_dma source(%dma_start3A_55 : memref<640x128xf32, #tpu.memory_space<hbm>>) target(%dma_start3A_53 : memref<640x128xf32, #tpu.memory_space<vmem_shared>>) target_semaphore(%run_scoped3A_51 : memref<!tpu.dma_semaphore, #tpu.memory_space<semaphore_mem>>)
        %dma_wait3A = arith.constant 0 : i32
        %dma_wait3A_56 = tpu.memref_slice %arg19[%mul3A_2, %dma_wait3A] : memref<10240x128xf32, #tpu.memory_space<vmem_shared>> -> memref<640x128xf32, #tpu.memory_space<vmem_shared>>
        %dma_wait3A_57 = arith.constant 0 : i32
        %dma_wait3A_58 = tpu.memref_slice %arg3[%mul3A_2, %dma_wait3A_57] : memref<10240x128xf32, #tpu.memory_space<hbm>> -> memref<640x128xf32, #tpu.memory_space<hbm>>
        tpu.wait_dma2 semaphore(%run_scoped3A_51 : memref<!tpu.dma_semaphore, #tpu.memory_space<semaphore_mem>>) src(%dma_wait3A_58 : memref<640x128xf32, #tpu.memory_space<hbm>>) dst(%dma_wait3A_56 : memref<640x128xf32, #tpu.memory_space<vmem_shared>>)
        tpu.yield
      }) : () -> ()
    } else {
    }
    %barrier3A = arith.constant 0 : index
    tpu.barrier barrier_id(%barrier3A)
    %scan3A = arith.constant 0 : i32
    %scan3A_45 = arith.constant 0 : i32
    %scan3A_46 = arith.constant 5 : i32
    %scan3A_47 = arith.addi %scan3A_45, %scan3A_46 : i32
    %scan3A_48 = arith.constant 1 : i32
    scf.for %scan3A_51 = %scan3A_45 to %scan3A_47 step %scan3A_48  : i32 {
      %gt3A = arith.constant 0 : i32
      %gt3A_52 = arith.cmpi sgt, %scan3A_51, %gt3A : i32
      %convert_element_type3A_53 = arith.extui %gt3A_52 : i1 to i32
      %cond3A_54 = arith.constant 0 : i32
      %cond3A_55 = arith.cmpi ne, %convert_element_type3A_53, %cond3A_54 : i32
      scf.if %cond3A_55 {
        "tpu.region"() ({
          %run_scoped3A_97 = tpu.sem_alloc : memref<!tpu.dma_semaphore, #tpu.memory_space<semaphore_mem>>
          %dma_start3A_98 = arith.constant 0 : i32
          %dma_start3A_99 = arith.constant 0 : i32
          %dma_start3A_100 = tpu.memref_slice %arg4[%add3A, %scan3A_51, %dma_start3A_98, %dma_start3A_99] : memref<32x5x50x40xi32, #tpu.memory_space<hbm>> -> memref<1x1x50x40xi32, #tpu.memory_space<hbm>>
          %dma_start3A_101 = tpu.memref_squeeze %dma_start3A_100 : memref<1x1x50x40xi32, #tpu.memory_space<hbm>> -> memref<50x40xi32, #tpu.memory_space<hbm>>
          %dma_start3A_102 = arith.constant 0 : i32
          %dma_start3A_103 = arith.constant 0 : i32
          %dma_start3A_104 = tpu.memref_slice %arg4[%add3A, %scan3A_51, %dma_start3A_102, %dma_start3A_103] : memref<32x5x50x40xi32, #tpu.memory_space<hbm>> -> memref<1x1x50x40xi32, #tpu.memory_space<hbm>>
          %dma_start3A_105 = tpu.memref_squeeze %dma_start3A_104 : memref<1x1x50x40xi32, #tpu.memory_space<hbm>> -> memref<50x40xi32, #tpu.memory_space<hbm>>
          tpu.enqueue_dma source(%dma_start3A_105 : memref<50x40xi32, #tpu.memory_space<hbm>>) target(%arg7 : memref<50x40xi32, #tpu.memory_space<vmem>>) target_semaphore(%run_scoped3A_97 : memref<!tpu.dma_semaphore, #tpu.memory_space<semaphore_mem>>)
          %dma_wait3A = arith.constant 0 : i32
          %dma_wait3A_106 = arith.constant 0 : i32
          %dma_wait3A_107 = tpu.memref_slice %arg4[%add3A, %scan3A_51, %dma_wait3A, %dma_wait3A_106] : memref<32x5x50x40xi32, #tpu.memory_space<hbm>> -> memref<1x1x50x40xi32, #tpu.memory_space<hbm>>
          %dma_wait3A_108 = tpu.memref_squeeze %dma_wait3A_107 : memref<1x1x50x40xi32, #tpu.memory_space<hbm>> -> memref<50x40xi32, #tpu.memory_space<hbm>>
          %dma_wait3A_109 = arith.constant 0 : i32
          %dma_wait3A_110 = arith.constant 0 : i32
          %dma_wait3A_111 = tpu.memref_slice %arg4[%add3A, %scan3A_51, %dma_wait3A_109, %dma_wait3A_110] : memref<32x5x50x40xi32, #tpu.memory_space<hbm>> -> memref<1x1x50x40xi32, #tpu.memory_space<hbm>>
          %dma_wait3A_112 = tpu.memref_squeeze %dma_wait3A_111 : memref<1x1x50x40xi32, #tpu.memory_space<hbm>> -> memref<50x40xi32, #tpu.memory_space<hbm>>
          tpu.wait_dma2 semaphore(%run_scoped3A_97 : memref<!tpu.dma_semaphore, #tpu.memory_space<semaphore_mem>>) src(%dma_wait3A_112 : memref<50x40xi32, #tpu.memory_space<hbm>>) dst(%arg7 : memref<50x40xi32, #tpu.memory_space<vmem>>)
          tpu.yield
        }) : () -> ()
        "tpu.region"() ({
          %run_scoped3A_97 = tpu.sem_alloc : memref<!tpu.dma_semaphore, #tpu.memory_space<semaphore_mem>>
          %dma_start3A_98 = arith.constant 0 : i32
          %dma_start3A_99 = arith.constant 0 : i32
          %dma_start3A_100 = tpu.memref_slice %arg5[%add3A, %scan3A_51, %dma_start3A_98, %dma_start3A_99] : memref<32x5x50x40xi32, #tpu.memory_space<hbm>> -> memref<1x1x50x40xi32, #tpu.memory_space<hbm>>
          %dma_start3A_101 = tpu.memref_squeeze %dma_start3A_100 : memref<1x1x50x40xi32, #tpu.memory_space<hbm>> -> memref<50x40xi32, #tpu.memory_space<hbm>>
          %dma_start3A_102 = arith.constant 0 : i32
          %dma_start3A_103 = arith.constant 0 : i32
          %dma_start3A_104 = tpu.memref_slice %arg5[%add3A, %scan3A_51, %dma_start3A_102, %dma_start3A_103] : memref<32x5x50x40xi32, #tpu.memory_space<hbm>> -> memref<1x1x50x40xi32, #tpu.memory_space<hbm>>
          %dma_start3A_105 = tpu.memref_squeeze %dma_start3A_104 : memref<1x1x50x40xi32, #tpu.memory_space<hbm>> -> memref<50x40xi32, #tpu.memory_space<hbm>>
          tpu.enqueue_dma source(%dma_start3A_105 : memref<50x40xi32, #tpu.memory_space<hbm>>) target(%arg8 : memref<50x40xi32, #tpu.memory_space<vmem>>) target_semaphore(%run_scoped3A_97 : memref<!tpu.dma_semaphore, #tpu.memory_space<semaphore_mem>>)
          %dma_wait3A = arith.constant 0 : i32
          %dma_wait3A_106 = arith.constant 0 : i32
          %dma_wait3A_107 = tpu.memref_slice %arg5[%add3A, %scan3A_51, %dma_wait3A, %dma_wait3A_106] : memref<32x5x50x40xi32, #tpu.memory_space<hbm>> -> memref<1x1x50x40xi32, #tpu.memory_space<hbm>>
          %dma_wait3A_108 = tpu.memref_squeeze %dma_wait3A_107 : memref<1x1x50x40xi32, #tpu.memory_space<hbm>> -> memref<50x40xi32, #tpu.memory_space<hbm>>
          %dma_wait3A_109 = arith.constant 0 : i32
          %dma_wait3A_110 = arith.constant 0 : i32
          %dma_wait3A_111 = tpu.memref_slice %arg5[%add3A, %scan3A_51, %dma_wait3A_109, %dma_wait3A_110] : memref<32x5x50x40xi32, #tpu.memory_space<hbm>> -> memref<1x1x50x40xi32, #tpu.memory_space<hbm>>
          %dma_wait3A_112 = tpu.memref_squeeze %dma_wait3A_111 : memref<1x1x50x40xi32, #tpu.memory_space<hbm>> -> memref<50x40xi32, #tpu.memory_space<hbm>>
          tpu.wait_dma2 semaphore(%run_scoped3A_97 : memref<!tpu.dma_semaphore, #tpu.memory_space<semaphore_mem>>) src(%dma_wait3A_112 : memref<50x40xi32, #tpu.memory_space<hbm>>) dst(%arg8 : memref<50x40xi32, #tpu.memory_space<vmem>>)
          tpu.yield
        }) : () -> ()
        %dma_start3A_62 = arith.constant 0 : i32
        %dma_start3A_63 = arith.constant 0 : i32
        %dma_start3A_64 = tpu.memref_slice %arg7[%dma_start3A_62, %dma_start3A_63] : memref<50x40xi32, #tpu.memory_space<vmem>> -> memref<1x40xi32, #tpu.memory_space<vmem>>
        %dma_start3A_65 = tpu.memref_squeeze %dma_start3A_64 : memref<1x40xi32, #tpu.memory_space<vmem>> -> memref<40xi32, #tpu.memory_space<vmem>>
        %dma_start3A_66 = arith.constant 0 : i32
        %dma_start3A_67 = arith.constant 0 : i32
        %dma_start3A_68 = tpu.memref_slice %arg2[%dma_start3A_66, %dma_start3A_67] : memref<10240x128xf32, #tpu.memory_space<hbm>> -> memref<10240x128xf32, #tpu.memory_space<hbm>>
        tpu.enqueue_indirect_dma source(%dma_start3A_68 : memref<10240x128xf32, #tpu.memory_space<hbm>>) target(%arg9 : memref<40x128xf32, #tpu.memory_space<vmem>>) offsets(%dma_start3A_65 : memref<40xi32, #tpu.memory_space<vmem>>) semaphore(%arg14 : memref<!tpu.dma_semaphore, #tpu.memory_space<semaphore_mem>>)
        %dma_start3A_69 = arith.constant 1 : i32
        %dma_start3A_70 = arith.constant 0 : i32
        %dma_start3A_71 = tpu.memref_slice %arg7[%dma_start3A_69, %dma_start3A_70] : memref<50x40xi32, #tpu.memory_space<vmem>> -> memref<1x40xi32, #tpu.memory_space<vmem>>
        %dma_start3A_72 = tpu.memref_squeeze %dma_start3A_71 : memref<1x40xi32, #tpu.memory_space<vmem>> -> memref<40xi32, #tpu.memory_space<vmem>>
        %dma_start3A_73 = arith.constant 0 : i32
        %dma_start3A_74 = arith.constant 0 : i32
        %dma_start3A_75 = tpu.memref_slice %arg2[%dma_start3A_73, %dma_start3A_74] : memref<10240x128xf32, #tpu.memory_space<hbm>> -> memref<10240x128xf32, #tpu.memory_space<hbm>>
        tpu.enqueue_indirect_dma source(%dma_start3A_75 : memref<10240x128xf32, #tpu.memory_space<hbm>>) target(%arg10 : memref<40x128xf32, #tpu.memory_space<vmem>>) offsets(%dma_start3A_72 : memref<40xi32, #tpu.memory_space<vmem>>) semaphore(%arg15 : memref<!tpu.dma_semaphore, #tpu.memory_space<semaphore_mem>>)
        %dma_start3A_76 = arith.constant 2 : i32
        %dma_start3A_77 = arith.constant 0 : i32
        %dma_start3A_78 = tpu.memref_slice %arg7[%dma_start3A_76, %dma_start3A_77] : memref<50x40xi32, #tpu.memory_space<vmem>> -> memref<1x40xi32, #tpu.memory_space<vmem>>
        %dma_start3A_79 = tpu.memref_squeeze %dma_start3A_78 : memref<1x40xi32, #tpu.memory_space<vmem>> -> memref<40xi32, #tpu.memory_space<vmem>>
        %dma_start3A_80 = arith.constant 0 : i32
        %dma_start3A_81 = arith.constant 0 : i32
        %dma_start3A_82 = tpu.memref_slice %arg2[%dma_start3A_80, %dma_start3A_81] : memref<10240x128xf32, #tpu.memory_space<hbm>> -> memref<10240x128xf32, #tpu.memory_space<hbm>>
        tpu.enqueue_indirect_dma source(%dma_start3A_82 : memref<10240x128xf32, #tpu.memory_space<hbm>>) target(%arg11 : memref<40x128xf32, #tpu.memory_space<vmem>>) offsets(%dma_start3A_79 : memref<40xi32, #tpu.memory_space<vmem>>) semaphore(%arg16 : memref<!tpu.dma_semaphore, #tpu.memory_space<semaphore_mem>>)
        %dma_start3A_83 = arith.constant 3 : i32
        %dma_start3A_84 = arith.constant 0 : i32
        %dma_start3A_85 = tpu.memref_slice %arg7[%dma_start3A_83, %dma_start3A_84] : memref<50x40xi32, #tpu.memory_space<vmem>> -> memref<1x40xi32, #tpu.memory_space<vmem>>
        %dma_start3A_86 = tpu.memref_squeeze %dma_start3A_85 : memref<1x40xi32, #tpu.memory_space<vmem>> -> memref<40xi32, #tpu.memory_space<vmem>>
        %dma_start3A_87 = arith.constant 0 : i32
        %dma_start3A_88 = arith.constant 0 : i32
        %dma_start3A_89 = tpu.memref_slice %arg2[%dma_start3A_87, %dma_start3A_88] : memref<10240x128xf32, #tpu.memory_space<hbm>> -> memref<10240x128xf32, #tpu.memory_space<hbm>>
        tpu.enqueue_indirect_dma source(%dma_start3A_89 : memref<10240x128xf32, #tpu.memory_space<hbm>>) target(%arg12 : memref<40x128xf32, #tpu.memory_space<vmem>>) offsets(%dma_start3A_86 : memref<40xi32, #tpu.memory_space<vmem>>) semaphore(%arg17 : memref<!tpu.dma_semaphore, #tpu.memory_space<semaphore_mem>>)
        %dma_start3A_90 = arith.constant 4 : i32
        %dma_start3A_91 = arith.constant 0 : i32
        %dma_start3A_92 = tpu.memref_slice %arg7[%dma_start3A_90, %dma_start3A_91] : memref<50x40xi32, #tpu.memory_space<vmem>> -> memref<1x40xi32, #tpu.memory_space<vmem>>
        %dma_start3A_93 = tpu.memref_squeeze %dma_start3A_92 : memref<1x40xi32, #tpu.memory_space<vmem>> -> memref<40xi32, #tpu.memory_space<vmem>>
        %dma_start3A_94 = arith.constant 0 : i32
        %dma_start3A_95 = arith.constant 0 : i32
        %dma_start3A_96 = tpu.memref_slice %arg2[%dma_start3A_94, %dma_start3A_95] : memref<10240x128xf32, #tpu.memory_space<hbm>> -> memref<10240x128xf32, #tpu.memory_space<hbm>>
        tpu.enqueue_indirect_dma source(%dma_start3A_96 : memref<10240x128xf32, #tpu.memory_space<hbm>>) target(%arg13 : memref<40x128xf32, #tpu.memory_space<vmem>>) offsets(%dma_start3A_93 : memref<40xi32, #tpu.memory_space<vmem>>) semaphore(%arg18 : memref<!tpu.dma_semaphore, #tpu.memory_space<semaphore_mem>>)
      } else {
      }
      %scan3A_56 = arith.constant 0 : i32
      %scan3A_57 = arith.constant 0 : i32
      %scan3A_58 = arith.constant 10 : i32
      %scan3A_59 = arith.addi %scan3A_57, %scan3A_58 : i32
      %scan3A_60 = arith.constant 1 : i32
      scf.for %scan3A_62 = %scan3A_57 to %scan3A_59 step %scan3A_60  : i32 {
        %mul3A_63 = arith.constant 5 : i32
        %mul3A_64 = arith.muli %scan3A_62, %mul3A_63 : i32
        %add3A_65 = arith.constant 0 : i32
        %add3A_66 = arith.addi %mul3A_64, %add3A_65 : i32
        %dma_wait3A = arith.constant 0 : i32
        %dma_wait3A_67 = tpu.memref_slice %arg7[%add3A_66, %dma_wait3A] : memref<50x40xi32, #tpu.memory_space<vmem>> -> memref<1x40xi32, #tpu.memory_space<vmem>>
        %dma_wait3A_68 = tpu.memref_squeeze %dma_wait3A_67 : memref<1x40xi32, #tpu.memory_space<vmem>> -> memref<40xi32, #tpu.memory_space<vmem>>
        %dma_wait3A_69 = arith.constant 0 : i32
        %dma_wait3A_70 = arith.constant 0 : i32
        %dma_wait3A_71 = tpu.memref_slice %arg2[%dma_wait3A_69, %dma_wait3A_70] : memref<10240x128xf32, #tpu.memory_space<hbm>> -> memref<10240x128xf32, #tpu.memory_space<hbm>>
        tpu.wait_indirect_dma semaphore(%arg14 : memref<!tpu.dma_semaphore, #tpu.memory_space<semaphore_mem>>) src(%dma_wait3A_71 : memref<10240x128xf32, #tpu.memory_space<hbm>>) dst(%arg9 : memref<40x128xf32, #tpu.memory_space<vmem>>)
        "tpu.region"() ({
          %run_scoped3A_138 = tpu.sem_alloc : memref<!tpu.dma_semaphore, #tpu.memory_space<semaphore_mem>>
          %dma_start3A_139 = arith.constant 0 : i32
          %dma_start3A_140 = tpu.memref_slice %arg8[%add3A_66, %dma_start3A_139] : memref<50x40xi32, #tpu.memory_space<vmem>> -> memref<1x40xi32, #tpu.memory_space<vmem>>
          %dma_start3A_141 = tpu.memref_squeeze %dma_start3A_140 : memref<1x40xi32, #tpu.memory_space<vmem>> -> memref<40xi32, #tpu.memory_space<vmem>>
          %dma_start3A_142 = arith.constant 0 : i32
          %dma_start3A_143 = arith.constant 0 : i32
          %dma_start3A_144 = tpu.memref_slice %arg19[%dma_start3A_142, %dma_start3A_143] : memref<10240x128xf32, #tpu.memory_space<vmem_shared>> -> memref<10240x128xf32, #tpu.memory_space<vmem_shared>>
          tpu.enqueue_indirect_dma source(%arg9 : memref<40x128xf32, #tpu.memory_space<vmem>>) target(%dma_start3A_144 : memref<10240x128xf32, #tpu.memory_space<vmem_shared>>) offsets(%dma_start3A_141 : memref<40xi32, #tpu.memory_space<vmem>>) semaphore(%run_scoped3A_138 : memref<!tpu.dma_semaphore, #tpu.memory_space<semaphore_mem>>) {add = true}
          %dma_wait3A_145 = arith.constant 0 : i32
          %dma_wait3A_146 = tpu.memref_slice %arg8[%add3A_66, %dma_wait3A_145] : memref<50x40xi32, #tpu.memory_space<vmem>> -> memref<1x40xi32, #tpu.memory_space<vmem>>
          %dma_wait3A_147 = tpu.memref_squeeze %dma_wait3A_146 : memref<1x40xi32, #tpu.memory_space<vmem>> -> memref<40xi32, #tpu.memory_space<vmem>>
          %dma_wait3A_148 = arith.constant 0 : i32
          %dma_wait3A_149 = arith.constant 0 : i32
          %dma_wait3A_150 = tpu.memref_slice %arg19[%dma_wait3A_148, %dma_wait3A_149] : memref<10240x128xf32, #tpu.memory_space<vmem_shared>> -> memref<10240x128xf32, #tpu.memory_space<vmem_shared>>
          tpu.wait_indirect_dma semaphore(%run_scoped3A_138 : memref<!tpu.dma_semaphore, #tpu.memory_space<semaphore_mem>>) src(%arg9 : memref<40x128xf32, #tpu.memory_space<vmem>>) dst(%dma_wait3A_150 : memref<10240x128xf32, #tpu.memory_space<vmem_shared>>)
          tpu.yield
        }) : () -> ()
        %add3A_72 = arith.constant 5 : i32
        %add3A_73 = arith.addi %add3A_66, %add3A_72 : i32
        %lt3A = arith.constant 50 : i32
        %lt3A_74 = arith.cmpi slt, %add3A_73, %lt3A : i32
        %convert_element_type3A_75 = arith.extui %lt3A_74 : i1 to i32
        %cond3A_76 = arith.constant 0 : i32
        %cond3A_77 = arith.cmpi ne, %convert_element_type3A_75, %cond3A_76 : i32
        scf.if %cond3A_77 {
          %add3A_138 = arith.constant 5 : i32
          %add3A_139 = arith.addi %add3A_66, %add3A_138 : i32
          %dma_start3A_140 = arith.constant 0 : i32
          %dma_start3A_141 = tpu.memref_slice %arg7[%add3A_139, %dma_start3A_140] : memref<50x40xi32, #tpu.memory_space<vmem>> -> memref<1x40xi32, #tpu.memory_space<vmem>>
          %dma_start3A_142 = tpu.memref_squeeze %dma_start3A_141 : memref<1x40xi32, #tpu.memory_space<vmem>> -> memref<40xi32, #tpu.memory_space<vmem>>
          %dma_start3A_143 = arith.constant 0 : i32
          %dma_start3A_144 = arith.constant 0 : i32
          %dma_start3A_145 = tpu.memref_slice %arg2[%dma_start3A_143, %dma_start3A_144] : memref<10240x128xf32, #tpu.memory_space<hbm>> -> memref<10240x128xf32, #tpu.memory_space<hbm>>
          tpu.enqueue_indirect_dma source(%dma_start3A_145 : memref<10240x128xf32, #tpu.memory_space<hbm>>) target(%arg9 : memref<40x128xf32, #tpu.memory_space<vmem>>) offsets(%dma_start3A_142 : memref<40xi32, #tpu.memory_space<vmem>>) semaphore(%arg14 : memref<!tpu.dma_semaphore, #tpu.memory_space<semaphore_mem>>)
        } else {
        }
        %add3A_78 = arith.constant 1 : i32
        %add3A_79 = arith.addi %mul3A_64, %add3A_78 : i32
        %dma_wait3A_80 = arith.constant 0 : i32
        %dma_wait3A_81 = tpu.memref_slice %arg7[%add3A_79, %dma_wait3A_80] : memref<50x40xi32, #tpu.memory_space<vmem>> -> memref<1x40xi32, #tpu.memory_space<vmem>>
        %dma_wait3A_82 = tpu.memref_squeeze %dma_wait3A_81 : memref<1x40xi32, #tpu.memory_space<vmem>> -> memref<40xi32, #tpu.memory_space<vmem>>
        %dma_wait3A_83 = arith.constant 0 : i32
        %dma_wait3A_84 = arith.constant 0 : i32
        %dma_wait3A_85 = tpu.memref_slice %arg2[%dma_wait3A_83, %dma_wait3A_84] : memref<10240x128xf32, #tpu.memory_space<hbm>> -> memref<10240x128xf32, #tpu.memory_space<hbm>>
        tpu.wait_indirect_dma semaphore(%arg15 : memref<!tpu.dma_semaphore, #tpu.memory_space<semaphore_mem>>) src(%dma_wait3A_85 : memref<10240x128xf32, #tpu.memory_space<hbm>>) dst(%arg10 : memref<40x128xf32, #tpu.memory_space<vmem>>)
        "tpu.region"() ({
          %run_scoped3A_138 = tpu.sem_alloc : memref<!tpu.dma_semaphore, #tpu.memory_space<semaphore_mem>>
          %dma_start3A_139 = arith.constant 0 : i32
          %dma_start3A_140 = tpu.memref_slice %arg8[%add3A_79, %dma_start3A_139] : memref<50x40xi32, #tpu.memory_space<vmem>> -> memref<1x40xi32, #tpu.memory_space<vmem>>
          %dma_start3A_141 = tpu.memref_squeeze %dma_start3A_140 : memref<1x40xi32, #tpu.memory_space<vmem>> -> memref<40xi32, #tpu.memory_space<vmem>>
          %dma_start3A_142 = arith.constant 0 : i32
          %dma_start3A_143 = arith.constant 0 : i32
          %dma_start3A_144 = tpu.memref_slice %arg19[%dma_start3A_142, %dma_start3A_143] : memref<10240x128xf32, #tpu.memory_space<vmem_shared>> -> memref<10240x128xf32, #tpu.memory_space<vmem_shared>>
          tpu.enqueue_indirect_dma source(%arg10 : memref<40x128xf32, #tpu.memory_space<vmem>>) target(%dma_start3A_144 : memref<10240x128xf32, #tpu.memory_space<vmem_shared>>) offsets(%dma_start3A_141 : memref<40xi32, #tpu.memory_space<vmem>>) semaphore(%run_scoped3A_138 : memref<!tpu.dma_semaphore, #tpu.memory_space<semaphore_mem>>) {add = true}
          %dma_wait3A_145 = arith.constant 0 : i32
          %dma_wait3A_146 = tpu.memref_slice %arg8[%add3A_79, %dma_wait3A_145] : memref<50x40xi32, #tpu.memory_space<vmem>> -> memref<1x40xi32, #tpu.memory_space<vmem>>
          %dma_wait3A_147 = tpu.memref_squeeze %dma_wait3A_146 : memref<1x40xi32, #tpu.memory_space<vmem>> -> memref<40xi32, #tpu.memory_space<vmem>>
          %dma_wait3A_148 = arith.constant 0 : i32
          %dma_wait3A_149 = arith.constant 0 : i32
          %dma_wait3A_150 = tpu.memref_slice %arg19[%dma_wait3A_148, %dma_wait3A_149] : memref<10240x128xf32, #tpu.memory_space<vmem_shared>> -> memref<10240x128xf32, #tpu.memory_space<vmem_shared>>
          tpu.wait_indirect_dma semaphore(%run_scoped3A_138 : memref<!tpu.dma_semaphore, #tpu.memory_space<semaphore_mem>>) src(%arg10 : memref<40x128xf32, #tpu.memory_space<vmem>>) dst(%dma_wait3A_150 : memref<10240x128xf32, #tpu.memory_space<vmem_shared>>)
          tpu.yield
        }) : () -> ()
        %add3A_86 = arith.constant 5 : i32
        %add3A_87 = arith.addi %add3A_79, %add3A_86 : i32
        %lt3A_88 = arith.constant 50 : i32
        %lt3A_89 = arith.cmpi slt, %add3A_87, %lt3A_88 : i32
        %convert_element_type3A_90 = arith.extui %lt3A_89 : i1 to i32
        %cond3A_91 = arith.constant 0 : i32
        %cond3A_92 = arith.cmpi ne, %convert_element_type3A_90, %cond3A_91 : i32
        scf.if %cond3A_92 {
          %add3A_138 = arith.constant 5 : i32
          %add3A_139 = arith.addi %add3A_79, %add3A_138 : i32
          %dma_start3A_140 = arith.constant 0 : i32
          %dma_start3A_141 = tpu.memref_slice %arg7[%add3A_139, %dma_start3A_140] : memref<50x40xi32, #tpu.memory_space<vmem>> -> memref<1x40xi32, #tpu.memory_space<vmem>>
          %dma_start3A_142 = tpu.memref_squeeze %dma_start3A_141 : memref<1x40xi32, #tpu.memory_space<vmem>> -> memref<40xi32, #tpu.memory_space<vmem>>
          %dma_start3A_143 = arith.constant 0 : i32
          %dma_start3A_144 = arith.constant 0 : i32
          %dma_start3A_145 = tpu.memref_slice %arg2[%dma_start3A_143, %dma_start3A_144] : memref<10240x128xf32, #tpu.memory_space<hbm>> -> memref<10240x128xf32, #tpu.memory_space<hbm>>
          tpu.enqueue_indirect_dma source(%dma_start3A_145 : memref<10240x128xf32, #tpu.memory_space<hbm>>) target(%arg10 : memref<40x128xf32, #tpu.memory_space<vmem>>) offsets(%dma_start3A_142 : memref<40xi32, #tpu.memory_space<vmem>>) semaphore(%arg15 : memref<!tpu.dma_semaphore, #tpu.memory_space<semaphore_mem>>)
        } else {
        }
        %add3A_93 = arith.constant 2 : i32
        %add3A_94 = arith.addi %mul3A_64, %add3A_93 : i32
        %dma_wait3A_95 = arith.constant 0 : i32
        %dma_wait3A_96 = tpu.memref_slice %arg7[%add3A_94, %dma_wait3A_95] : memref<50x40xi32, #tpu.memory_space<vmem>> -> memref<1x40xi32, #tpu.memory_space<vmem>>
        %dma_wait3A_97 = tpu.memref_squeeze %dma_wait3A_96 : memref<1x40xi32, #tpu.memory_space<vmem>> -> memref<40xi32, #tpu.memory_space<vmem>>
        %dma_wait3A_98 = arith.constant 0 : i32
        %dma_wait3A_99 = arith.constant 0 : i32
        %dma_wait3A_100 = tpu.memref_slice %arg2[%dma_wait3A_98, %dma_wait3A_99] : memref<10240x128xf32, #tpu.memory_space<hbm>> -> memref<10240x128xf32, #tpu.memory_space<hbm>>
        tpu.wait_indirect_dma semaphore(%arg16 : memref<!tpu.dma_semaphore, #tpu.memory_space<semaphore_mem>>) src(%dma_wait3A_100 : memref<10240x128xf32, #tpu.memory_space<hbm>>) dst(%arg11 : memref<40x128xf32, #tpu.memory_space<vmem>>)
        "tpu.region"() ({
          %run_scoped3A_138 = tpu.sem_alloc : memref<!tpu.dma_semaphore, #tpu.memory_space<semaphore_mem>>
          %dma_start3A_139 = arith.constant 0 : i32
          %dma_start3A_140 = tpu.memref_slice %arg8[%add3A_94, %dma_start3A_139] : memref<50x40xi32, #tpu.memory_space<vmem>> -> memref<1x40xi32, #tpu.memory_space<vmem>>
          %dma_start3A_141 = tpu.memref_squeeze %dma_start3A_140 : memref<1x40xi32, #tpu.memory_space<vmem>> -> memref<40xi32, #tpu.memory_space<vmem>>
          %dma_start3A_142 = arith.constant 0 : i32
          %dma_start3A_143 = arith.constant 0 : i32
          %dma_start3A_144 = tpu.memref_slice %arg19[%dma_start3A_142, %dma_start3A_143] : memref<10240x128xf32, #tpu.memory_space<vmem_shared>> -> memref<10240x128xf32, #tpu.memory_space<vmem_shared>>
          tpu.enqueue_indirect_dma source(%arg11 : memref<40x128xf32, #tpu.memory_space<vmem>>) target(%dma_start3A_144 : memref<10240x128xf32, #tpu.memory_space<vmem_shared>>) offsets(%dma_start3A_141 : memref<40xi32, #tpu.memory_space<vmem>>) semaphore(%run_scoped3A_138 : memref<!tpu.dma_semaphore, #tpu.memory_space<semaphore_mem>>) {add = true}
          %dma_wait3A_145 = arith.constant 0 : i32
          %dma_wait3A_146 = tpu.memref_slice %arg8[%add3A_94, %dma_wait3A_145] : memref<50x40xi32, #tpu.memory_space<vmem>> -> memref<1x40xi32, #tpu.memory_space<vmem>>
          %dma_wait3A_147 = tpu.memref_squeeze %dma_wait3A_146 : memref<1x40xi32, #tpu.memory_space<vmem>> -> memref<40xi32, #tpu.memory_space<vmem>>
          %dma_wait3A_148 = arith.constant 0 : i32
          %dma_wait3A_149 = arith.constant 0 : i32
          %dma_wait3A_150 = tpu.memref_slice %arg19[%dma_wait3A_148, %dma_wait3A_149] : memref<10240x128xf32, #tpu.memory_space<vmem_shared>> -> memref<10240x128xf32, #tpu.memory_space<vmem_shared>>
          tpu.wait_indirect_dma semaphore(%run_scoped3A_138 : memref<!tpu.dma_semaphore, #tpu.memory_space<semaphore_mem>>) src(%arg11 : memref<40x128xf32, #tpu.memory_space<vmem>>) dst(%dma_wait3A_150 : memref<10240x128xf32, #tpu.memory_space<vmem_shared>>)
          tpu.yield
        }) : () -> ()
        %add3A_101 = arith.constant 5 : i32
        %add3A_102 = arith.addi %add3A_94, %add3A_101 : i32
        %lt3A_103 = arith.constant 50 : i32
        %lt3A_104 = arith.cmpi slt, %add3A_102, %lt3A_103 : i32
        %convert_element_type3A_105 = arith.extui %lt3A_104 : i1 to i32
        %cond3A_106 = arith.constant 0 : i32
        %cond3A_107 = arith.cmpi ne, %convert_element_type3A_105, %cond3A_106 : i32
        scf.if %cond3A_107 {
          %add3A_138 = arith.constant 5 : i32
          %add3A_139 = arith.addi %add3A_94, %add3A_138 : i32
          %dma_start3A_140 = arith.constant 0 : i32
          %dma_start3A_141 = tpu.memref_slice %arg7[%add3A_139, %dma_start3A_140] : memref<50x40xi32, #tpu.memory_space<vmem>> -> memref<1x40xi32, #tpu.memory_space<vmem>>
          %dma_start3A_142 = tpu.memref_squeeze %dma_start3A_141 : memref<1x40xi32, #tpu.memory_space<vmem>> -> memref<40xi32, #tpu.memory_space<vmem>>
          %dma_start3A_143 = arith.constant 0 : i32
          %dma_start3A_144 = arith.constant 0 : i32
          %dma_start3A_145 = tpu.memref_slice %arg2[%dma_start3A_143, %dma_start3A_144] : memref<10240x128xf32, #tpu.memory_space<hbm>> -> memref<10240x128xf32, #tpu.memory_space<hbm>>
          tpu.enqueue_indirect_dma source(%dma_start3A_145 : memref<10240x128xf32, #tpu.memory_space<hbm>>) target(%arg11 : memref<40x128xf32, #tpu.memory_space<vmem>>) offsets(%dma_start3A_142 : memref<40xi32, #tpu.memory_space<vmem>>) semaphore(%arg16 : memref<!tpu.dma_semaphore, #tpu.memory_space<semaphore_mem>>)
        } else {
        }
        %add3A_108 = arith.constant 3 : i32
        %add3A_109 = arith.addi %mul3A_64, %add3A_108 : i32
        %dma_wait3A_110 = arith.constant 0 : i32
        %dma_wait3A_111 = tpu.memref_slice %arg7[%add3A_109, %dma_wait3A_110] : memref<50x40xi32, #tpu.memory_space<vmem>> -> memref<1x40xi32, #tpu.memory_space<vmem>>
        %dma_wait3A_112 = tpu.memref_squeeze %dma_wait3A_111 : memref<1x40xi32, #tpu.memory_space<vmem>> -> memref<40xi32, #tpu.memory_space<vmem>>
        %dma_wait3A_113 = arith.constant 0 : i32
        %dma_wait3A_114 = arith.constant 0 : i32
        %dma_wait3A_115 = tpu.memref_slice %arg2[%dma_wait3A_113, %dma_wait3A_114] : memref<10240x128xf32, #tpu.memory_space<hbm>> -> memref<10240x128xf32, #tpu.memory_space<hbm>>
        tpu.wait_indirect_dma semaphore(%arg17 : memref<!tpu.dma_semaphore, #tpu.memory_space<semaphore_mem>>) src(%dma_wait3A_115 : memref<10240x128xf32, #tpu.memory_space<hbm>>) dst(%arg12 : memref<40x128xf32, #tpu.memory_space<vmem>>)
        "tpu.region"() ({
          %run_scoped3A_138 = tpu.sem_alloc : memref<!tpu.dma_semaphore, #tpu.memory_space<semaphore_mem>>
          %dma_start3A_139 = arith.constant 0 : i32
          %dma_start3A_140 = tpu.memref_slice %arg8[%add3A_109, %dma_start3A_139] : memref<50x40xi32, #tpu.memory_space<vmem>> -> memref<1x40xi32, #tpu.memory_space<vmem>>
          %dma_start3A_141 = tpu.memref_squeeze %dma_start3A_140 : memref<1x40xi32, #tpu.memory_space<vmem>> -> memref<40xi32, #tpu.memory_space<vmem>>
          %dma_start3A_142 = arith.constant 0 : i32
          %dma_start3A_143 = arith.constant 0 : i32
          %dma_start3A_144 = tpu.memref_slice %arg19[%dma_start3A_142, %dma_start3A_143] : memref<10240x128xf32, #tpu.memory_space<vmem_shared>> -> memref<10240x128xf32, #tpu.memory_space<vmem_shared>>
          tpu.enqueue_indirect_dma source(%arg12 : memref<40x128xf32, #tpu.memory_space<vmem>>) target(%dma_start3A_144 : memref<10240x128xf32, #tpu.memory_space<vmem_shared>>) offsets(%dma_start3A_141 : memref<40xi32, #tpu.memory_space<vmem>>) semaphore(%run_scoped3A_138 : memref<!tpu.dma_semaphore, #tpu.memory_space<semaphore_mem>>) {add = true}
          %dma_wait3A_145 = arith.constant 0 : i32
          %dma_wait3A_146 = tpu.memref_slice %arg8[%add3A_109, %dma_wait3A_145] : memref<50x40xi32, #tpu.memory_space<vmem>> -> memref<1x40xi32, #tpu.memory_space<vmem>>
          %dma_wait3A_147 = tpu.memref_squeeze %dma_wait3A_146 : memref<1x40xi32, #tpu.memory_space<vmem>> -> memref<40xi32, #tpu.memory_space<vmem>>
          %dma_wait3A_148 = arith.constant 0 : i32
          %dma_wait3A_149 = arith.constant 0 : i32
          %dma_wait3A_150 = tpu.memref_slice %arg19[%dma_wait3A_148, %dma_wait3A_149] : memref<10240x128xf32, #tpu.memory_space<vmem_shared>> -> memref<10240x128xf32, #tpu.memory_space<vmem_shared>>
          tpu.wait_indirect_dma semaphore(%run_scoped3A_138 : memref<!tpu.dma_semaphore, #tpu.memory_space<semaphore_mem>>) src(%arg12 : memref<40x128xf32, #tpu.memory_space<vmem>>) dst(%dma_wait3A_150 : memref<10240x128xf32, #tpu.memory_space<vmem_shared>>)
          tpu.yield
        }) : () -> ()
        %add3A_116 = arith.constant 5 : i32
        %add3A_117 = arith.addi %add3A_109, %add3A_116 : i32
        %lt3A_118 = arith.constant 50 : i32
        %lt3A_119 = arith.cmpi slt, %add3A_117, %lt3A_118 : i32
        %convert_element_type3A_120 = arith.extui %lt3A_119 : i1 to i32
        %cond3A_121 = arith.constant 0 : i32
        %cond3A_122 = arith.cmpi ne, %convert_element_type3A_120, %cond3A_121 : i32
        scf.if %cond3A_122 {
          %add3A_138 = arith.constant 5 : i32
          %add3A_139 = arith.addi %add3A_109, %add3A_138 : i32
          %dma_start3A_140 = arith.constant 0 : i32
          %dma_start3A_141 = tpu.memref_slice %arg7[%add3A_139, %dma_start3A_140] : memref<50x40xi32, #tpu.memory_space<vmem>> -> memref<1x40xi32, #tpu.memory_space<vmem>>
          %dma_start3A_142 = tpu.memref_squeeze %dma_start3A_141 : memref<1x40xi32, #tpu.memory_space<vmem>> -> memref<40xi32, #tpu.memory_space<vmem>>
          %dma_start3A_143 = arith.constant 0 : i32
          %dma_start3A_144 = arith.constant 0 : i32
          %dma_start3A_145 = tpu.memref_slice %arg2[%dma_start3A_143, %dma_start3A_144] : memref<10240x128xf32, #tpu.memory_space<hbm>> -> memref<10240x128xf32, #tpu.memory_space<hbm>>
          tpu.enqueue_indirect_dma source(%dma_start3A_145 : memref<10240x128xf32, #tpu.memory_space<hbm>>) target(%arg12 : memref<40x128xf32, #tpu.memory_space<vmem>>) offsets(%dma_start3A_142 : memref<40xi32, #tpu.memory_space<vmem>>) semaphore(%arg17 : memref<!tpu.dma_semaphore, #tpu.memory_space<semaphore_mem>>)
        } else {
        }
        %add3A_123 = arith.constant 4 : i32
        %add3A_124 = arith.addi %mul3A_64, %add3A_123 : i32
        %dma_wait3A_125 = arith.constant 0 : i32
        %dma_wait3A_126 = tpu.memref_slice %arg7[%add3A_124, %dma_wait3A_125] : memref<50x40xi32, #tpu.memory_space<vmem>> -> memref<1x40xi32, #tpu.memory_space<vmem>>
        %dma_wait3A_127 = tpu.memref_squeeze %dma_wait3A_126 : memref<1x40xi32, #tpu.memory_space<vmem>> -> memref<40xi32, #tpu.memory_space<vmem>>
        %dma_wait3A_128 = arith.constant 0 : i32
        %dma_wait3A_129 = arith.constant 0 : i32
        %dma_wait3A_130 = tpu.memref_slice %arg2[%dma_wait3A_128, %dma_wait3A_129] : memref<10240x128xf32, #tpu.memory_space<hbm>> -> memref<10240x128xf32, #tpu.memory_space<hbm>>
        tpu.wait_indirect_dma semaphore(%arg18 : memref<!tpu.dma_semaphore, #tpu.memory_space<semaphore_mem>>) src(%dma_wait3A_130 : memref<10240x128xf32, #tpu.memory_space<hbm>>) dst(%arg13 : memref<40x128xf32, #tpu.memory_space<vmem>>)
        "tpu.region"() ({
          %run_scoped3A_138 = tpu.sem_alloc : memref<!tpu.dma_semaphore, #tpu.memory_space<semaphore_mem>>
          %dma_start3A_139 = arith.constant 0 : i32
          %dma_start3A_140 = tpu.memref_slice %arg8[%add3A_124, %dma_start3A_139] : memref<50x40xi32, #tpu.memory_space<vmem>> -> memref<1x40xi32, #tpu.memory_space<vmem>>
          %dma_start3A_141 = tpu.memref_squeeze %dma_start3A_140 : memref<1x40xi32, #tpu.memory_space<vmem>> -> memref<40xi32, #tpu.memory_space<vmem>>
          %dma_start3A_142 = arith.constant 0 : i32
          %dma_start3A_143 = arith.constant 0 : i32
          %dma_start3A_144 = tpu.memref_slice %arg19[%dma_start3A_142, %dma_start3A_143] : memref<10240x128xf32, #tpu.memory_space<vmem_shared>> -> memref<10240x128xf32, #tpu.memory_space<vmem_shared>>
          tpu.enqueue_indirect_dma source(%arg13 : memref<40x128xf32, #tpu.memory_space<vmem>>) target(%dma_start3A_144 : memref<10240x128xf32, #tpu.memory_space<vmem_shared>>) offsets(%dma_start3A_141 : memref<40xi32, #tpu.memory_space<vmem>>) semaphore(%run_scoped3A_138 : memref<!tpu.dma_semaphore, #tpu.memory_space<semaphore_mem>>) {add = true}
          %dma_wait3A_145 = arith.constant 0 : i32
          %dma_wait3A_146 = tpu.memref_slice %arg8[%add3A_124, %dma_wait3A_145] : memref<50x40xi32, #tpu.memory_space<vmem>> -> memref<1x40xi32, #tpu.memory_space<vmem>>
          %dma_wait3A_147 = tpu.memref_squeeze %dma_wait3A_146 : memref<1x40xi32, #tpu.memory_space<vmem>> -> memref<40xi32, #tpu.memory_space<vmem>>
          %dma_wait3A_148 = arith.constant 0 : i32
          %dma_wait3A_149 = arith.constant 0 : i32
          %dma_wait3A_150 = tpu.memref_slice %arg19[%dma_wait3A_148, %dma_wait3A_149] : memref<10240x128xf32, #tpu.memory_space<vmem_shared>> -> memref<10240x128xf32, #tpu.memory_space<vmem_shared>>
          tpu.wait_indirect_dma semaphore(%run_scoped3A_138 : memref<!tpu.dma_semaphore, #tpu.memory_space<semaphore_mem>>) src(%arg13 : memref<40x128xf32, #tpu.memory_space<vmem>>) dst(%dma_wait3A_150 : memref<10240x128xf32, #tpu.memory_space<vmem_shared>>)
          tpu.yield
        }) : () -> ()
        %add3A_131 = arith.constant 5 : i32
        %add3A_132 = arith.addi %add3A_124, %add3A_131 : i32
        %lt3A_133 = arith.constant 50 : i32
        %lt3A_134 = arith.cmpi slt, %add3A_132, %lt3A_133 : i32
        %convert_element_type3A_135 = arith.extui %lt3A_134 : i1 to i32
        %cond3A_136 = arith.constant 0 : i32
        %cond3A_137 = arith.cmpi ne, %convert_element_type3A_135, %cond3A_136 : i32
        scf.if %cond3A_137 {
          %add3A_138 = arith.constant 5 : i32
          %add3A_139 = arith.addi %add3A_124, %add3A_138 : i32
          %dma_start3A_140 = arith.constant 0 : i32
          %dma_start3A_141 = tpu.memref_slice %arg7[%add3A_139, %dma_start3A_140] : memref<50x40xi32, #tpu.memory_space<vmem>> -> memref<1x40xi32, #tpu.memory_space<vmem>>
          %dma_start3A_142 = tpu.memref_squeeze %dma_start3A_141 : memref<1x40xi32, #tpu.memory_space<vmem>> -> memref<40xi32, #tpu.memory_space<vmem>>
          %dma_start3A_143 = arith.constant 0 : i32
          %dma_start3A_144 = arith.constant 0 : i32
          %dma_start3A_145 = tpu.memref_slice %arg2[%dma_start3A_143, %dma_start3A_144] : memref<10240x128xf32, #tpu.memory_space<hbm>> -> memref<10240x128xf32, #tpu.memory_space<hbm>>
          tpu.enqueue_indirect_dma source(%dma_start3A_145 : memref<10240x128xf32, #tpu.memory_space<hbm>>) target(%arg13 : memref<40x128xf32, #tpu.memory_space<vmem>>) offsets(%dma_start3A_142 : memref<40xi32, #tpu.memory_space<vmem>>) semaphore(%arg18 : memref<!tpu.dma_semaphore, #tpu.memory_space<semaphore_mem>>)
        } else {
        }
      }
      %scan3A_61 = arith.constant 10 : i32
    }
    %scan3A_49 = arith.constant 5 : i32
    %barrier3A_50 = arith.constant 0 : index
    tpu.barrier barrier_id(%barrier3A_50)
    "tpu.region"() ({
      %run_scoped3A_51 = tpu.sem_alloc : memref<!tpu.dma_semaphore, #tpu.memory_space<semaphore_mem>>
      %dma_start3A_52 = arith.constant 0 : i32
      %dma_start3A_53 = tpu.memref_slice %arg6[%arg0, %mul3A_2, %dma_start3A_52] : memref<2x10240x128xf32, #tpu.memory_space<hbm>> -> memref<1x640x128xf32, #tpu.memory_space<hbm>>
      %dma_start3A_54 = tpu.memref_squeeze %dma_start3A_53 : memref<1x640x128xf32, #tpu.memory_space<hbm>> -> memref<640x128xf32, #tpu.memory_space<hbm>>
      %dma_start3A_55 = arith.constant 0 : i32
      %dma_start3A_56 = tpu.memref_slice %arg19[%mul3A_2, %dma_start3A_55] : memref<10240x128xf32, #tpu.memory_space<vmem_shared>> -> memref<640x128xf32, #tpu.memory_space<vmem_shared>>
      tpu.enqueue_dma source(%dma_start3A_56 : memref<640x128xf32, #tpu.memory_space<vmem_shared>>) target(%dma_start3A_54 : memref<640x128xf32, #tpu.memory_space<hbm>>) target_semaphore(%run_scoped3A_51 : memref<!tpu.dma_semaphore, #tpu.memory_space<semaphore_mem>>)
      %dma_wait3A = arith.constant 0 : i32
      %dma_wait3A_57 = tpu.memref_slice %arg6[%arg0, %mul3A_2, %dma_wait3A] : memref<2x10240x128xf32, #tpu.memory_space<hbm>> -> memref<1x640x128xf32, #tpu.memory_space<hbm>>
      %dma_wait3A_58 = tpu.memref_squeeze %dma_wait3A_57 : memref<1x640x128xf32, #tpu.memory_space<hbm>> -> memref<640x128xf32, #tpu.memory_space<hbm>>
      %dma_wait3A_59 = arith.constant 0 : i32
      %dma_wait3A_60 = tpu.memref_slice %arg19[%mul3A_2, %dma_wait3A_59] : memref<10240x128xf32, #tpu.memory_space<vmem_shared>> -> memref<640x128xf32, #tpu.memory_space<vmem_shared>>
      tpu.wait_dma2 semaphore(%run_scoped3A_51 : memref<!tpu.dma_semaphore, #tpu.memory_space<semaphore_mem>>) src(%dma_wait3A_60 : memref<640x128xf32, #tpu.memory_space<vmem_shared>>) dst(%dma_wait3A_58 : memref<640x128xf32, #tpu.memory_space<hbm>>)
      tpu.yield
    }) : () -> ()
    return
  }
}

module attributes {stable_mosaic.version = 14 : i64} {
  func.func @_prep_kernel(%arg0: i32, %arg1: memref<2x2048x16xf32, #tpu.memory_space<vmem>>, %arg2: memref<2048x128xf32, #tpu.memory_space<vmem>>, %arg3: memref<2048x1xf32, #tpu.memory_space<vmem>>, %arg4: memref<2048x1xf32, #tpu.memory_space<vmem>>, %arg5: memref<2048x128xf32, #tpu.memory_space<vmem>>) attributes {dimension_semantics = [#tpu.dimension_semantics<arbitrary>], iteration_bounds = array<i64: 5>, scalar_prefetch = 0 : i64, scratch_operands = 0 : i64, tpu.core_type = #tpu.core_type<tc>, window_params = [{transform_indices = @transform_0, window_bounds = array<i64: 2, 2048, 16>}, {transform_indices = @transform_1, window_bounds = array<i64: 2048, 128>}, {transform_indices = @transform_2, window_bounds = array<i64: 2048, 1>}, {transform_indices = @transform_3, window_bounds = array<i64: 2048, 1>}, {transform_indices = @transform_4, window_bounds = array<i64: 2048, 128>}]} {
    %get3A = arith.constant 0 : index
    %get3A_0 = arith.constant 0 : index
    %get3A_1 = arith.constant 0 : index
    %get3A_2 = vector.load %arg1[%get3A, %get3A_0, %get3A_1] : memref<2x2048x16xf32, #tpu.memory_space<vmem>>, vector<1x2048x1xf32>
    %get3A_3 = vector.shape_cast %get3A_2 : vector<1x2048x1xf32> to vector<2048x1xf32>
    %get3A_4 = arith.constant 1 : index
    %get3A_5 = arith.constant 0 : index
    %get3A_6 = arith.constant 0 : index
    %get3A_7 = vector.load %arg1[%get3A_4, %get3A_5, %get3A_6] : memref<2x2048x16xf32, #tpu.memory_space<vmem>>, vector<1x2048x1xf32>
    %get3A_8 = vector.shape_cast %get3A_7 : vector<1x2048x1xf32> to vector<2048x1xf32>
    %add3A = arith.addf %get3A_3, %get3A_8 : vector<2048x1xf32>
    %add3A_9 = arith.constant 1.000000e+00 : f32
    %add3A_10 = vector.broadcast %add3A_9 : f32 to vector<2048x1xf32>
    %add3A_11 = arith.addf %add3A, %add3A_10 : vector<2048x1xf32>
    %rsqrt3A = math.rsqrt %add3A_11 : vector<2048x1xf32>
    %swap3A = arith.constant 0 : index
    %swap3A_12 = arith.constant 0 : index
    %swap3A_13 = vector.load %arg3[%swap3A, %swap3A_12] : memref<2048x1xf32, #tpu.memory_space<vmem>>, vector<2048x1xf32>
    tpu.vector_store %arg3[%swap3A, %swap3A_12], %rsqrt3A {strides = array<i32>} : memref<2048x1xf32, #tpu.memory_space<vmem>>, vector<2048x1xf32>,
    %mul3A = arith.mulf %rsqrt3A, %rsqrt3A : vector<2048x1xf32>
    %swap3A_14 = arith.constant 0 : index
    %swap3A_15 = arith.constant 0 : index
    %swap3A_16 = vector.load %arg4[%swap3A_14, %swap3A_15] : memref<2048x1xf32, #tpu.memory_space<vmem>>, vector<2048x1xf32>
    tpu.vector_store %arg4[%swap3A_14, %swap3A_15], %mul3A {strides = array<i32>} : memref<2048x1xf32, #tpu.memory_space<vmem>>, vector<2048x1xf32>,
    %get3A_17 = arith.constant 0 : index
    %get3A_18 = arith.constant 0 : index
    %get3A_19 = vector.load %arg2[%get3A_17, %get3A_18] : memref<2048x128xf32, #tpu.memory_space<vmem>>, vector<2048x128xf32>
    %mul3A_20 = vector.broadcast %rsqrt3A : vector<2048x1xf32> to vector<2048x128xf32>
    %mul3A_21 = arith.mulf %get3A_19, %mul3A_20 : vector<2048x128xf32>
    %swap3A_22 = arith.constant 0 : index
    %swap3A_23 = arith.constant 0 : index
    %swap3A_24 = vector.load %arg5[%swap3A_22, %swap3A_23] : memref<2048x128xf32, #tpu.memory_space<vmem>>, vector<2048x128xf32>
    tpu.vector_store %arg5[%swap3A_22, %swap3A_23], %mul3A_21 {strides = array<i32>} : memref<2048x128xf32, #tpu.memory_space<vmem>>, vector<2048x128xf32>,
    return
  }
  func.func @transform_0(%arg0: i32) -> (i32, i32, i32) {
    %c0_i32 = arith.constant 0 : i32
    %c0_i32_0 = arith.constant 0 : i32
    %c0_i32_1 = arith.constant 0 : i32
    return %c0_i32, %arg0, %c0_i32_0 : i32, i32, i32
  }
  func.func @transform_1(%arg0: i32) -> (i32, i32) {
    %c0_i32 = arith.constant 0 : i32
    %c0_i32_0 = arith.constant 0 : i32
    return %arg0, %c0_i32 : i32, i32
  }
  func.func @transform_2(%arg0: i32) -> (i32, i32) {
    %c0_i32 = arith.constant 0 : i32
    %c0_i32_0 = arith.constant 0 : i32
    return %arg0, %c0_i32 : i32, i32
  }
  func.func @transform_3(%arg0: i32) -> (i32, i32) {
    %c0_i32 = arith.constant 0 : i32
    %c0_i32_0 = arith.constant 0 : i32
    return %arg0, %c0_i32 : i32, i32
  }
  func.func @transform_4(%arg0: i32) -> (i32, i32) {
    %c0_i32 = arith.constant 0 : i32
    %c0_i32_0 = arith.constant 0 : i32
    return %arg0, %c0_i32 : i32, i32
  }
}

module attributes {stable_mosaic.version = 14 : i64} {
  func.func @_combine_kernel(%arg0: i32, %arg1: memref<2x2048x128xf32, #tpu.memory_space<vmem>>, %arg2: memref<2048x1xf32, #tpu.memory_space<vmem>>, %arg3: memref<2048x128xf32, #tpu.memory_space<vmem>>) attributes {dimension_semantics = [#tpu.dimension_semantics<arbitrary>], iteration_bounds = array<i64: 5>, scalar_prefetch = 0 : i64, scratch_operands = 0 : i64, tpu.core_type = #tpu.core_type<tc>, window_params = [{transform_indices = @transform_0, window_bounds = array<i64: 2, 2048, 128>}, {transform_indices = @transform_1, window_bounds = array<i64: 2048, 1>}, {transform_indices = @transform_2, window_bounds = array<i64: 2048, 128>}]} {
    %get3A = arith.constant 0 : index
    %get3A_0 = arith.constant 0 : index
    %get3A_1 = arith.constant 0 : index
    %get3A_2 = vector.load %arg1[%get3A, %get3A_0, %get3A_1] : memref<2x2048x128xf32, #tpu.memory_space<vmem>>, vector<1x2048x128xf32>
    %get3A_3 = vector.shape_cast %get3A_2 : vector<1x2048x128xf32> to vector<2048x128xf32>
    %get3A_4 = arith.constant 1 : index
    %get3A_5 = arith.constant 0 : index
    %get3A_6 = arith.constant 0 : index
    %get3A_7 = vector.load %arg1[%get3A_4, %get3A_5, %get3A_6] : memref<2x2048x128xf32, #tpu.memory_space<vmem>>, vector<1x2048x128xf32>
    %get3A_8 = vector.shape_cast %get3A_7 : vector<1x2048x128xf32> to vector<2048x128xf32>
    %add3A = arith.addf %get3A_3, %get3A_8 : vector<2048x128xf32>
    %get3A_9 = arith.constant 0 : index
    %get3A_10 = arith.constant 0 : index
    %get3A_11 = vector.load %arg2[%get3A_9, %get3A_10] : memref<2048x1xf32, #tpu.memory_space<vmem>>, vector<2048x1xf32>
    %mul3A = vector.broadcast %get3A_11 : vector<2048x1xf32> to vector<2048x128xf32>
    %mul3A_12 = arith.mulf %add3A, %mul3A : vector<2048x128xf32>
    %swap3A = arith.constant 0 : index
    %swap3A_13 = arith.constant 0 : index
    %swap3A_14 = vector.load %arg3[%swap3A, %swap3A_13] : memref<2048x128xf32, #tpu.memory_space<vmem>>, vector<2048x128xf32>
    tpu.vector_store %arg3[%swap3A, %swap3A_13], %mul3A_12 {strides = array<i32>} : memref<2048x128xf32, #tpu.memory_space<vmem>>, vector<2048x128xf32>,
    return
  }
  func.func @transform_0(%arg0: i32) -> (i32, i32, i32) {
    %c0_i32 = arith.constant 0 : i32
    %c0_i32_0 = arith.constant 0 : i32
    %c0_i32_1 = arith.constant 0 : i32
    return %c0_i32, %arg0, %c0_i32_0 : i32, i32, i32
  }
  func.func @transform_1(%arg0: i32) -> (i32, i32) {
    %c0_i32 = arith.constant 0 : i32
    %c0_i32_0 = arith.constant 0 : i32
    return %arg0, %c0_i32 : i32, i32
  }
  func.func @transform_2(%arg0: i32) -> (i32, i32) {
    %c0_i32 = arith.constant 0 : i32
    %c0_i32_0 = arith.constant 0 : i32
    return %arg0, %c0_i32 : i32, i32
  }
}

module attributes {stable_mosaic.version = 14 : i64} {
  func.func @_layer_kernel(%arg0: i32, %arg1: memref<2x2048x128xf32, #tpu.memory_space<vmem>>, %arg2: memref<2048x1xf32, #tpu.memory_space<vmem>>, %arg3: memref<128x128xf32, #tpu.memory_space<vmem>>, %arg4: memref<1x128xf32, #tpu.memory_space<vmem>>, %arg5: memref<2048x128xf32, #tpu.memory_space<vmem>>) attributes {dimension_semantics = [#tpu.dimension_semantics<arbitrary>], iteration_bounds = array<i64: 5>, scalar_prefetch = 0 : i64, scratch_operands = 0 : i64, tpu.core_type = #tpu.core_type<tc>, window_params = [{transform_indices = @transform_0, window_bounds = array<i64: 2, 2048, 128>}, {transform_indices = @transform_1, window_bounds = array<i64: 2048, 1>}, {pipeline_mode = #tpu.pipeline_mode<synchronous>, transform_indices = @transform_2, window_bounds = array<i64: 128, 128>}, {pipeline_mode = #tpu.pipeline_mode<synchronous>, transform_indices = @transform_3, window_bounds = array<i64: 1, 128>}, {transform_indices = @transform_4, window_bounds = array<i64: 2048, 128>}]} {
    %get3A = arith.constant 0 : index
    %get3A_0 = arith.constant 0 : index
    %get3A_1 = arith.constant 0 : index
    %get3A_2 = vector.load %arg1[%get3A, %get3A_0, %get3A_1] : memref<2x2048x128xf32, #tpu.memory_space<vmem>>, vector<1x2048x128xf32>
    %get3A_3 = vector.shape_cast %get3A_2 : vector<1x2048x128xf32> to vector<2048x128xf32>
    %get3A_4 = arith.constant 1 : index
    %get3A_5 = arith.constant 0 : index
    %get3A_6 = arith.constant 0 : index
    %get3A_7 = vector.load %arg1[%get3A_4, %get3A_5, %get3A_6] : memref<2x2048x128xf32, #tpu.memory_space<vmem>>, vector<1x2048x128xf32>
    %get3A_8 = vector.shape_cast %get3A_7 : vector<1x2048x128xf32> to vector<2048x128xf32>
    %add3A = arith.addf %get3A_3, %get3A_8 : vector<2048x128xf32>
    %get3A_9 = arith.constant 0 : index
    %get3A_10 = arith.constant 0 : index
    %get3A_11 = vector.load %arg2[%get3A_9, %get3A_10] : memref<2048x1xf32, #tpu.memory_space<vmem>>, vector<2048x1xf32>
    %mul3A = vector.broadcast %get3A_11 : vector<2048x1xf32> to vector<2048x128xf32>
    %mul3A_12 = arith.mulf %add3A, %mul3A : vector<2048x128xf32>
    %get3A_13 = arith.constant 0 : index
    %get3A_14 = arith.constant 0 : index
    %get3A_15 = vector.load %arg3[%get3A_13, %get3A_14] : memref<128x128xf32, #tpu.memory_space<vmem>>, vector<128x128xf32>
    %dot_general3A = arith.constant dense<0.000000e+00> : vector<2048x128xf32>
    %dot_general3A_16 = tpu.matmul %mul3A_12, %get3A_15, %dot_general3A {dimension_numbers = #tpu.dot_dimension_numbers<[1], [0], [0], [1], [0, 0, 1, 1], [], []>, transpose_lhs_hint = false} : vector<2048x128xf32>, vector<128x128xf32>, vector<2048x128xf32> -> vector<2048x128xf32>
    %get3A_17 = arith.constant 0 : index
    %get3A_18 = arith.constant 0 : index
    %get3A_19 = vector.load %arg4[%get3A_17, %get3A_18] : memref<1x128xf32, #tpu.memory_space<vmem>>, vector<1x128xf32>
    %add3A_20 = vector.broadcast %get3A_19 : vector<1x128xf32> to vector<2048x128xf32>
    %add3A_21 = arith.addf %dot_general3A_16, %add3A_20 : vector<2048x128xf32>
    %max3A = arith.constant 0.000000e+00 : f32
    %max3A_22 = vector.broadcast %max3A : f32 to vector<2048x128xf32>
    %max3A_23 = arith.maximumf %add3A_21, %max3A_22 : vector<2048x128xf32>
    %get3A_24 = arith.constant 0 : index
    %get3A_25 = arith.constant 0 : index
    %get3A_26 = vector.load %arg2[%get3A_24, %get3A_25] : memref<2048x1xf32, #tpu.memory_space<vmem>>, vector<2048x1xf32>
    %mul3A_27 = vector.broadcast %get3A_26 : vector<2048x1xf32> to vector<2048x128xf32>
    %mul3A_28 = arith.mulf %max3A_23, %mul3A_27 : vector<2048x128xf32>
    %swap3A = arith.constant 0 : index
    %swap3A_29 = arith.constant 0 : index
    %swap3A_30 = vector.load %arg5[%swap3A, %swap3A_29] : memref<2048x128xf32, #tpu.memory_space<vmem>>, vector<2048x128xf32>
    tpu.vector_store %arg5[%swap3A, %swap3A_29], %mul3A_28 {strides = array<i32>} : memref<2048x128xf32, #tpu.memory_space<vmem>>, vector<2048x128xf32>,
    return
  }
  func.func @transform_0(%arg0: i32) -> (i32, i32, i32) {
    %c0_i32 = arith.constant 0 : i32
    %c0_i32_0 = arith.constant 0 : i32
    %c0_i32_1 = arith.constant 0 : i32
    return %c0_i32, %arg0, %c0_i32_0 : i32, i32, i32
  }
  func.func @transform_1(%arg0: i32) -> (i32, i32) {
    %c0_i32 = arith.constant 0 : i32
    %c0_i32_0 = arith.constant 0 : i32
    return %arg0, %c0_i32 : i32, i32
  }
  func.func @transform_2(%arg0: i32) -> (i32, i32) {
    %c0_i32 = arith.constant 0 : i32
    %c0_i32_0 = arith.constant 0 : i32
    %c0_i32_1 = arith.constant 0 : i32
    return %c0_i32, %c0_i32_0 : i32, i32
  }
  func.func @transform_3(%arg0: i32) -> (i32, i32) {
    %c0_i32 = arith.constant 0 : i32
    %c0_i32_0 = arith.constant 0 : i32
    %c0_i32_1 = arith.constant 0 : i32
    return %c0_i32, %c0_i32_0 : i32, i32
  }
  func.func @transform_4(%arg0: i32) -> (i32, i32) {
    %c0_i32 = arith.constant 0 : i32
    %c0_i32_0 = arith.constant 0 : i32
    return %arg0, %c0_i32 : i32, i32
  }
}

module attributes {stable_mosaic.version = 14 : i64} {
  func.func @_layer_kernel(%arg0: i32, %arg1: memref<2x2048x128xf32, #tpu.memory_space<vmem>>, %arg2: memref<2048x1xf32, #tpu.memory_space<vmem>>, %arg3: memref<128x128xf32, #tpu.memory_space<vmem>>, %arg4: memref<1x128xf32, #tpu.memory_space<vmem>>, %arg5: memref<2048x128xf32, #tpu.memory_space<vmem>>) attributes {dimension_semantics = [#tpu.dimension_semantics<arbitrary>], iteration_bounds = array<i64: 5>, scalar_prefetch = 0 : i64, scratch_operands = 0 : i64, tpu.core_type = #tpu.core_type<tc>, window_params = [{transform_indices = @transform_0, window_bounds = array<i64: 2, 2048, 128>}, {transform_indices = @transform_1, window_bounds = array<i64: 2048, 1>}, {pipeline_mode = #tpu.pipeline_mode<synchronous>, transform_indices = @transform_2, window_bounds = array<i64: 128, 128>}, {pipeline_mode = #tpu.pipeline_mode<synchronous>, transform_indices = @transform_3, window_bounds = array<i64: 1, 128>}, {transform_indices = @transform_4, window_bounds = array<i64: 2048, 128>}]} {
    %get3A = arith.constant 0 : index
    %get3A_0 = arith.constant 0 : index
    %get3A_1 = arith.constant 0 : index
    %get3A_2 = vector.load %arg1[%get3A, %get3A_0, %get3A_1] : memref<2x2048x128xf32, #tpu.memory_space<vmem>>, vector<1x2048x128xf32>
    %get3A_3 = vector.shape_cast %get3A_2 : vector<1x2048x128xf32> to vector<2048x128xf32>
    %get3A_4 = arith.constant 1 : index
    %get3A_5 = arith.constant 0 : index
    %get3A_6 = arith.constant 0 : index
    %get3A_7 = vector.load %arg1[%get3A_4, %get3A_5, %get3A_6] : memref<2x2048x128xf32, #tpu.memory_space<vmem>>, vector<1x2048x128xf32>
    %get3A_8 = vector.shape_cast %get3A_7 : vector<1x2048x128xf32> to vector<2048x128xf32>
    %add3A = arith.addf %get3A_3, %get3A_8 : vector<2048x128xf32>
    %get3A_9 = arith.constant 0 : index
    %get3A_10 = arith.constant 0 : index
    %get3A_11 = vector.load %arg2[%get3A_9, %get3A_10] : memref<2048x1xf32, #tpu.memory_space<vmem>>, vector<2048x1xf32>
    %mul3A = vector.broadcast %get3A_11 : vector<2048x1xf32> to vector<2048x128xf32>
    %mul3A_12 = arith.mulf %add3A, %mul3A : vector<2048x128xf32>
    %get3A_13 = arith.constant 0 : index
    %get3A_14 = arith.constant 0 : index
    %get3A_15 = vector.load %arg3[%get3A_13, %get3A_14] : memref<128x128xf32, #tpu.memory_space<vmem>>, vector<128x128xf32>
    %dot_general3A = arith.constant dense<0.000000e+00> : vector<2048x128xf32>
    %dot_general3A_16 = tpu.matmul %mul3A_12, %get3A_15, %dot_general3A {dimension_numbers = #tpu.dot_dimension_numbers<[1], [0], [0], [1], [0, 0, 1, 1], [], []>, transpose_lhs_hint = false} : vector<2048x128xf32>, vector<128x128xf32>, vector<2048x128xf32> -> vector<2048x128xf32>
    %get3A_17 = arith.constant 0 : index
    %get3A_18 = arith.constant 0 : index
    %get3A_19 = vector.load %arg4[%get3A_17, %get3A_18] : memref<1x128xf32, #tpu.memory_space<vmem>>, vector<1x128xf32>
    %add3A_20 = vector.broadcast %get3A_19 : vector<1x128xf32> to vector<2048x128xf32>
    %add3A_21 = arith.addf %dot_general3A_16, %add3A_20 : vector<2048x128xf32>
    %swap3A = arith.constant 0 : index
    %swap3A_22 = arith.constant 0 : index
    %swap3A_23 = vector.load %arg5[%swap3A, %swap3A_22] : memref<2048x128xf32, #tpu.memory_space<vmem>>, vector<2048x128xf32>
    tpu.vector_store %arg5[%swap3A, %swap3A_22], %add3A_21 {strides = array<i32>} : memref<2048x128xf32, #tpu.memory_space<vmem>>, vector<2048x128xf32>,
    return
  }
  func.func @transform_0(%arg0: i32) -> (i32, i32, i32) {
    %c0_i32 = arith.constant 0 : i32
    %c0_i32_0 = arith.constant 0 : i32
    %c0_i32_1 = arith.constant 0 : i32
    return %c0_i32, %arg0, %c0_i32_0 : i32, i32, i32
  }
  func.func @transform_1(%arg0: i32) -> (i32, i32) {
    %c0_i32 = arith.constant 0 : i32
    %c0_i32_0 = arith.constant 0 : i32
    return %arg0, %c0_i32 : i32, i32
  }
  func.func @transform_2(%arg0: i32) -> (i32, i32) {
    %c0_i32 = arith.constant 0 : i32
    %c0_i32_0 = arith.constant 0 : i32
    %c0_i32_1 = arith.constant 0 : i32
    return %c0_i32, %c0_i32_0 : i32, i32
  }
  func.func @transform_3(%arg0: i32) -> (i32, i32) {
    %c0_i32 = arith.constant 0 : i32
    %c0_i32_0 = arith.constant 0 : i32
    %c0_i32_1 = arith.constant 0 : i32
    return %c0_i32, %c0_i32_0 : i32, i32
  }
  func.func @transform_4(%arg0: i32) -> (i32, i32) {
    %c0_i32 = arith.constant 0 : i32
    %c0_i32_0 = arith.constant 0 : i32
    return %arg0, %c0_i32 : i32, i32
  }
}

</mosaic_0001>

<sc_bundles>
// kernel: kernel.12.cloned.1.call-start
scs
__scs_entry_jumppad:
0x0: {  	(pc) =	sbr.rel $0x88, $3  }
0x1: {  	(tag) =	ssettag $0x0;
	lr =	simm.s32 $0x1  }
0x2: {  	[smem:$0x3F9B] =	sst lr;
	_ =	strace $0xD0000000  }
0x3: {  	_ = 	snop  }
0x4: {  	_ = 	snop  }
0x5: {  	_ = 	snop  }
0x6: {  	_ = 	snop  }
0x7: {  	_ = 	snop  }
__scs_overlays_trampoline_lowered:
0x8: {  	[smem:$0x3FAA] =	sst s0  }
0x9: {  	[smem:$0x3FAB] =	sst s1  }
0xa: {  	[smem:$0x3FAC] =	sst s2  }
0xb: {  	[smem:$0x3FAD] =	sst s3  }
0xc: {  	[smem:$0x3FAE] =	sst s4  }
0xd: {  	[smem:$0x3FAF] =	sst s5  }
0xe: {  	[smem:$0x3FB0] =	sst s6  }
0xf: {  	[smem:$0x3FB1] =	sst s7  }
0x10: {  	[smem:$0x3FB2] =	sst s8  }
0x11: {  	[smem:$0x3FB3] =	sst s9;
	s0 =	simm.s32 @!p0 $0x0  }
0x12: {  	s1 =	sld [smem:$0x3F99];
	s0 =	simm.s32 @p0 $0x1  }
0x13: {  	[smem:$0x3FB4] =	sst s0;
	s0 =	simm.s32 @!p1 $0x0  }
0x14: {  	s2 =	sld [smem:$0x3F98];
	s0 =	simm.s32 @p1 $0x1  }
0x15: {  	[smem:$0x3FB5] =	sst s0;
	s0 =	simm.s32 @!p2 $0x0  }
0x16: {  	s3 =	sld [smem:$0x3FDB];
	s0 =	simm.s32 @p2 $0x1  }
0x17: {  	s4 =	simm.s32 $0x1BF5;
	[smem:$0x3FB7] =	sst s0  }
0x18: {  	s0 =	sld [smem:$0x3F9A];
	_ =	swait.ge [sflag:s4], $0x0  }
0x19: {  	s7 =	sld [smem:$0x3F9B]  }
0x1a: {  	s8 =	sadd.s32 $0xFFFFE003, lr  }
0x1b: {  	s9 =	sadd.s32 $0xFFFFFEF7, lr;
	s5 =	simm.s32 $0xFFFFFFFF;
	p2 =	slt.u32 s8, $0xFFFFF086  }
0x1c: {  	p1 =	slt.u32 s9, $0xF7A;
	s5 =	simm.s32 @!p2 $0x0  }
0x1d: {  	s5 =	simm.s32 @p1 $0x1;
	p0 =	seq.s32 s7, s2  }
0x1e: {  	s7 =	smul.u32 @!p0 $0xF7A, s2;
	p2 =	seq.s32 @!p0 s5, $0x0  }
0x1f: {  	s9 =	smul.u32 $0xF7A, s1;
	s8 =	simm.s32 @!p0 $0x1BF5;
	p2 =	por !p2, p0  }
0x20: {  	[sflag:s8] =	ssyncset.s32 @!p0 $0xFFFFF086;
	s6 =	sadd.s32 @!p0 s3, s7;
	s7 =	simm.s32 @!p0 $0x108  }
0x21: {  	s3 =	sadd.s32 s3, s9;
	s6 =	sadd.s32 @!p0 $0x88, s6;
	s7 =	simm.s32 @p2 $0x1082  }
0x22: {  	[simem:s7], [sflag:s8] =	dma.local @!p0 [hbm:s6], $0xF7A  }
0x23: {  	s9 =	sor.u32 $0xD0000000, s2;
	s6 =	simm.s32 $0x108;
	_ =	swait.ge @!p0 [sflag:s8], $0x0  }
0x24: {  	s3 =	sadd.s32 $0x88, s3;
	s6 =	simm.s32 @!p1 $0x1082;
	[sflag:s4] =	ssyncset.s32 $0xFFFFF086  }
0x25: {  	[simem:s6], [sflag:s4] =	dma.local [hbm:s3], $0xF7A  }
0x26: {  	[smem:$0x3F9B] =	sst s1;
	(tag) =	ssettag s2;
	_ =	strace s9  }
0x27: {  	s1 =	sld [smem:$0x3FAB]  }
0x28: {  	s2 =	sld [smem:$0x3FAC]  }
0x29: {  	s4 =	sld [smem:$0x3FAE]  }
0x2a: {  	p0 =	seq.s32 s5, $0x0;
	s5 =	sld [smem:$0x3FAF]  }
0x2b: {  	s6 =	sld [smem:$0x3FB0]  }
0x2c: {  	s7 =	sld [smem:$0x3FB1]  }
0x2d: {  	s3 =	simm.s32 $0x108;
	s8 =	sld [smem:$0x3FB2]  }
0x2e: {  	s3 =	simm.s32 @!p0 $0x1082;
	s9 =	sld [smem:$0x3FB3]  }
0x2f: {  	lr =	sadd.s32 s0, s3;
	s0 =	sld [smem:$0x3FAA]  }
0x30: {  	s3 =	sld [smem:$0x3FAD]  }
0x31: {  	[smem:$0x3FB6] =	sst s10  }
0x32: {  	s10 =	sld [smem:$0x3FB4];
	_ =	sdelay $0x3  }
0x33: {  	p0 =	seq.s32 s10, $0x1;
	s10 =	sld [smem:$0x3FB6];
	_ =	sdelay $0x3  }
0x34: {  	[smem:$0x3FB6] =	sst s10  }
0x35: {  	s10 =	sld [smem:$0x3FB5];
	_ =	sdelay $0x3  }
0x36: {  	p1 =	seq.s32 s10, $0x1;
	s10 =	sld [smem:$0x3FB6];
	_ =	sdelay $0x3  }
0x37: {  	[smem:$0x3FB6] =	sst s10  }
0x38: {  	s10 =	sld [smem:$0x3FB7]  }
0x39: {  	_ = 	snop;
	(pc) =	sbr.ind lr, $3  }
0x3a: {  	_ = 	snop  }
0x3b: {  	_ = 	snop  }
0x3c: {  	p2 =	seq.s32 s10, $0x1;
	s10 =	sld [smem:$0x3FB6]  }
0x3d: {  	_ =	shalt  }
0x3e: {  	_ =	shalt  }
0x3f: {  	_ =	shalt  }
0x40: {  	_ =	shalt  }
0x41: {  	_ =	shalt  }
0x42: {  	_ =	shalt  }
0x43: {  	_ =	shalt  }
0x44: {  	_ =	shalt  }
0x45: {  	_ =	shalt  }
0x46: {  	_ =	shalt  }
0x47: {  	_ =	shalt  }
0x48: {  	_ =	shalt  }
0x49: {  	_ =	shalt  }
0x4a: {  	_ =	shalt  }
0x4b: {  	_ =	shalt  }
0x4c: {  	_ =	shalt  }
0x4d: {  	_ =	shalt  }
0x4e: {  	_ =	shalt  }
0x4f: {  	_ =	shalt  }
0x50: {  	_ =	shalt  }
0x51: {  	_ =	shalt  }
0x52: {  	_ =	shalt  }
0x53: {  	_ =	shalt  }
0x54: {  	_ =	shalt  }
0x55: {  	_ =	shalt  }
0x56: {  	_ =	shalt  }
0x57: {  	_ =	shalt  }
0x58: {  	_ =	shalt  }
0x59: {  	_ =	shalt  }
0x5a: {  	_ =	shalt  }
0x5b: {  	_ =	shalt  }
0x5c: {  	_ =	shalt  }
0x5d: {  	_ =	shalt  }
0x5e: {  	_ =	shalt  }
0x5f: {  	_ =	shalt  }
0x60: {  	_ =	shalt  }
0x61: {  	_ =	shalt  }
0x62: {  	_ =	shalt  }
0x63: {  	_ =	shalt  }
0x64: {  	_ =	shalt  }
0x65: {  	_ =	shalt  }
0x66: {  	_ =	shalt  }
0x67: {  	_ =	shalt  }
0x68: {  	_ =	shalt  }
0x69: {  	_ =	shalt  }
0x6a: {  	_ =	shalt  }
0x6b: {  	_ =	shalt  }
0x6c: {  	_ =	shalt  }
0x6d: {  	_ =	shalt  }
0x6e: {  	_ =	shalt  }
0x6f: {  	_ =	shalt  }
0x70: {  	_ =	shalt  }
0x71: {  	_ =	shalt  }
0x72: {  	_ =	shalt  }
0x73: {  	_ =	shalt  }
0x74: {  	_ =	shalt  }
0x75: {  	_ =	shalt  }
0x76: {  	_ =	shalt  }
0x77: {  	_ =	shalt  }
0x78: {  	_ =	shalt  }
0x79: {  	_ =	shalt  }
0x7a: {  	_ =	shalt  }
0x7b: {  	_ =	shalt  }
0x7c: {  	_ =	shalt  }
0x7d: {  	_ =	shalt  }
0x7e: {  	_ =	shalt  }
0x7f: {  	_ =	shalt  }
0x80: {  	_ =	shalt  }
0x81: {  	_ =	shalt  }
0x82: {  	_ =	shalt  }
0x83: {  	_ =	shalt  }
0x84: {  	_ =	shalt  }
0x85: {  	_ =	shalt  }
0x86: {  	_ =	shalt  }
0x87: {  	_ =	shalt  }
.Lfunc_end0:
.L_simem_size_0:
called_computation_lowered:
.L_overlay_start_0:
0x88: {  	s2 =	sld [smem:$0x3FD9]  }
0x89: {  	s3 =	sld [smem:$0x3FFE];
	_ =	sdelay $0x1  }
0x8a: {  	s1 =	srdreg.scid  }
0x8b: {  	s0 =	sand.u32 $0x1, s1  }
0x8c: {  	s16 =	sshll.u32 s0, $0xA;
	s2 =	sadd.s32 s3, s2  }
0x8d: {  	s2 =	sadd.s32 s2, s16  }
0x8e: {  	[smem:$0x3FC2] =	sst s2  }
0x8f: {  	_ = 	snop  }
0x90: {  	(tm) =	ssettm $0x1  }
0x91: {  	s17 =	sld [smem:$0x3FFB];
	_ =	sdelay $0x3  }
0x92: {  	_ =	strace s17  }
0x93: {  	s2 =	sld [smem:$0x3FFC];
	_ =	sdelay $0x3  }
0x94: {  	_ =	strace s2  }
0x95: {  	s2 =	sld [smem:$0x3FFD];
	_ =	sdelay $0x3  }
0x96: {  	_ =	strace s2  }
0x97: {  	_ =	strace $0x8FFFFFFF  }
0x98: {  	s18 =	sld [smem:$0x3FDB];
	_ =	sdelay $0x1  }
0x99: {  	s19 =	simm.s32 $_scs_section_size  }
0x9a: {  	s4 =	simm.s32 $_size__tile_overlayer_lowered;
	s5 =	simm.s32 $_tile_overlayer_lowered  }
0x9b: {  	s22 =	simm.s32 $0x1BFF;
	s21 =	sshll.u32 s5, $0x1;
	s2 =	sadd.s32 s19, s18  }
0x9c: {  	s6 =	simm.s32 $0x0;
	s20 =	sshll.u32 s4, $0x1;
	s4 =	sadd.s32 s21, s2  }
0x9d: {  	[timem:s6], [sflag:s22] =	dma.local [hbm:s4], s20  }
0x9e: {  	_ =	swait.ge [sflag:s22], s20  }
0x9f: {  	s3 =	ssub.s32 $0x0, s20;
	[sflag:s22] =	ssyncset.done $0x0  }
0xa0: {  	[sflag:s22] =	ssyncadd.s32 s3;
	_ =	sdelay $0x1  }
0xa1: {  	s23 =	simm.s32 $0x1B8B  }
0xa2: {  	_ =	swait.ge [sflag:s23], $0x1  }
0xa3: {  	[sflag:s23] =	ssyncset.done $0x0  }
0xa4: {  	s25 =	simm.s32 $0x1B8E;
	s24 =	sld [smem:$0x3FFE];
	[sflag:s23] =	ssyncadd.s32 $0xFFFFFFFF  }
0xa5: {  	s26 =	simm.s32 $execute0_lowered;
	[smem:$0x3FD2] =	sst s25  }
0xa6: {  	s4 =	sshll.u32 s26, $0x1;
	_ =	strace $0x80000046;
	[dreg:$0x1] =	wrdreg $0xFFFFFFFF  }
0xa7: {  	s28 =	simm.s32 $_size_execute0_lowered;
	s2 =	sadd.s32 s2, s4;
	[dreg:$0x0] =	wrdreg $0x0  }
0xa8: {  	s4 =	sshll.u32 s28, $0x1;
	[dreg:$0x2] =	wrdreg s2  }
0xa9: {  	[dreg:$0x3] =	wrdreg s4  }
0xaa: {  	[dreg:$0x4] =	wrdreg $0xC0  }
0xab: {  	_ =	task [dreg:s6], $0x5FFFF  }
0xac: {  	[dreg:$0x1] =	wrdreg $0xFFFFFFFF  }
0xad: {  	[dreg:$0x0] =	wrdreg $0x60  }
0xae: {  	[dreg:$0x2] =	wrdreg s24  }
0xaf: {  	[dreg:$0x3] =	wrdreg $0xCD00  }
0xb0: {  	[dreg:$0x4] =	wrdreg $0x9  }
0xb1: {  	_ =	task.clear_ibuf [dreg:s6], $0x5FFFF;
	_ =	strace $0x90000046  }
0xb2: {  	s29 =	simm.s32 $0x9;
	_ =	strace $0x80000048  }
0xb3: {  	_ =	swait.ge [sflag:s29], $0x1  }
0xb4: {  	[sflag:s29] =	ssyncadd.s32 $0xFFFFFFFF  }
0xb5: {  	_ =	strace $0x90000048  }
0xb6: {  	_ =	sfence  }
0xb7: {  	s30 =	sld [smem:$0x0];
	_ =	sdelay $0x2  }
0xb8: {  	s31 =	sshll.u32 s1, $0xD;
	s1 =	sshrl.u32 s1, $0x2  }
0xb9: {  	s3 =	sand.u32 $0x4000, s31;
	s1 =	sadd.s32 s1, s30  }
0xba: {  	s0 =	sor.u32 s3, s0;
	s1 =	sshll.u32 s1, $0x11  }
0xbb: {  	s0 =	sor.u32 s1, s0  }
0xbc: {  	s0 =	sadd.s32 $0x8F2B, s0  }
0xbd: {  	[sflag:s0] =	ssyncadd.remote.s32 $0x1  }
0xbe: {  	_ =	sfence.sel $0xFFFF  }
0xbf: {  	[dreg:$0x0] =	wrdreg $0xFFFFFFFF;
	(pc) =	sbr.abs _section_cstart, $3  }
0xc0: {  	[dreg:$0x1] =	wrdreg $0xFFFFFFFF  }
0xc1: {  	_ =	task.clear_ibuf [dreg:s6], $0x2FFFF;
	_ =	strace $0x9FFFFFFF  }
0xc2: {  	(tm) =	ssettm $0x7FFFFFFF  }
0xc3: {  	_ =	shalt  }
tec
execute0_lowered:
.L_overlay_start_1:
0x0: {  	(tag) =	ssettag $0x1  }
0x1: {  	s1 =	srdreg.scid;
	s5 =	rddreg [dreg:$0x0]  }
0x2: {  	s0 =	stileid.u32;
	s2 =	rddreg [dreg:$0x1];
	s3 =	simm.s32 $0x0  }
0x3: {  	s15 =	simm.s32 $0x1;
	s16 =	simm.s32 $0x7D0;
	s17 =	simm.s32 $0x50  }
0x4: {  	s18 =	simm.s32 $0x0;
	s4 =	sand.u32 $0x1, s1;
	s29 =	sshll.u32 s0, $0x1  }
0x5: {  	s7 =	smul.u32 $0x2800, s0;
	[smem:$0x7FF] =	sst s3;
	s31 =	sshll.u32 s0, $0x6  }
0x6: {  	s1 =	sor.u32 s4, s29;
	s8 =	smul.u32 $0x28000, s4;
	s9 =	ssub.s32 $0x2, s4  }
0x7: {  	s4 =	sadd.s32 $0x11E00, s5;
	s6 =	smul.u32 $0x2710, s1;
	s1 =	rddreg [dreg:$0x2]  }
0x8: {  	_ =	strace $0x80000047;
	s30 =	sshrl.u32 s7, $0x3;
	s10 =	sshrl.u32 s9, $0x1  }
0x9: {  	s14 =	sadd.s32 s7, s2;
	s8 =	sadd.s32 s7, s8;
	s9 =	ssub.s32 s9, s10  }
0xa: {  	s14 =	sshrl.u32 s14, $0x3;
	s6 =	sshrl.u32 s6, $0x3;
	s8 =	sshrl.u32 s8, $0x3  }
0xb: {  	s13 =	sadd.s32 s6, s5;
	s6 =	sadd.s32 s30, s5;
	s8 =	sadd.s32 s8, s5  }
0xc: {  	s5 =	sadd.s32 $0xCE00, s6;
	s6 =	sor.u32 $0x1C01, s31;
	s7 =	sadd.s32 $0x12000, s8  }
0xd: {  	s8 =	smax.u32 s9, $0x1;
	s9 =	sadd.s32 $0x3000, s13;
	s10 =	sadd.s32 $0x30FA, s13  }
0xe: {  	s11 =	sadd.s32 $0x31F4, s13;
	s12 =	sadd.s32 $0x32EE, s13;
	s13 =	sadd.s32 $0x33E8, s13  }
.LBB2_1:
0xf: {  	[spmem:s14], [sflag:s6] =	dma.local [hbm:s5], $0x500  }
0x10: {  	_ =	swait.ge [sflag:s15], $0x500  }
0x11: {  	[sflag:s15] =	ssyncset.done $0x0  }
0x12: {  	[sflag:s15] =	ssyncadd.s32 $0xFFFFFB00  }
0x13: {  	[tilespmem:s16], [sflag:$0x1] =	stream.linear.gather [hbm4b:s4+s3], $0x500, $0x38;
	[tilespmem:$0x34D0] =	vst v63  }
0x14: {  	_ =	swait.ge [sflag:s15], $0x500  }
0x15: {  	[sflag:s15] =	ssyncset.done $0x0  }
0x16: {  	[sflag:s15] =	ssyncadd.s32 $0xFFFFFB00  }
0x17: {  	[bflag:$0x0] =	sbarrier.arrive $0xFFFF  }
0x18: {  	[tilespmem:s3], [sflag:$0x1] =	stream.linear.gather [hbm4b:s9+s3], $0x7D0, $0x38;
	[tilespmem:$0x34D0] =	vst v63  }
0x19: {  	_ =	swait.ge [sflag:s15], $0x7D0  }
0x1a: {  	[sflag:s15] =	ssyncset.done $0x0  }
0x1b: {  	s19 =	simm.s32 $0x0;
	[sflag:s15] =	ssyncadd.s32 $0xFFFFF830  }
0x1c: {  	[spmem:s2] =	stream.indirect.scatter.add.f32 [tilespmem:s16], [sflag:$0x1], $0x10, s19, s17, $0xb8;
	[tilespmem:$0x34D0] =	vst v63  }
0x1d: {  	_ =	swait.ge [sflag:s15], $0x500  }
0x1e: {  	s19 =	simm.s32 $0x140;
	[sflag:s15] =	ssyncset.done $0x0  }
.LBB2_2:
0x1f: {  	s20 =	sshra.s32 s19, $0x2;
	[sflag:s15] =	ssyncadd.s32 $0xFFFFFB00;
	p0 =	sne.s32 s19, $0x1E00  }
0x20: {  	[spmem:s2] =	stream.indirect.scatter.add.f32 [tilespmem:s16], [sflag:$0x1], $0x10, s20, s17, $0xb8;
	[tilespmem:$0x34D0] =	vst v63  }
.Ltmp0:
0x21: {  	_ = 	snop;
	(pc) =	sbr.rel @p0 .LBB2_2-.Ltmp0, $4  }
0x22: {  	_ = 	snop  }
0x23: {  	s19 =	sadd.s32 $0x140, s19  }
0x24: {  	_ =	swait.ge [sflag:s15], $0x500  }
0x25: {  	[sflag:s15] =	ssyncset.done $0x0  }
0x26: {  	[sflag:s15] =	ssyncadd.s32 $0xFFFFFB00;
	s19 =	simm.s32 $0x0  }
0x27: {  	[tilespmem:s19], [sflag:$0x1] =	stream.linear.gather [hbm4b:s10+s19], $0x7D0, $0x38;
	[tilespmem:$0x34D0] =	vst v63  }
0x28: {  	_ =	swait.ge [sflag:s15], $0x7D0  }
0x29: {  	[sflag:s15] =	ssyncset.done $0x0  }
0x2a: {  	s31 =	simm.s32 $0x0;
	[sflag:s15] =	ssyncadd.s32 $0xFFFFF830  }
0x2b: {  	[spmem:s2] =	stream.indirect.scatter.add.f32 [tilespmem:s16], [sflag:$0x1], $0x10, s31, s17, $0xb8;
	[tilespmem:$0x34D0] =	vst v63  }
0x2c: {  	_ =	swait.ge [sflag:s15], $0x500  }
0x2d: {  	s19 =	simm.s32 $0x140;
	[sflag:s15] =	ssyncset.done $0x0  }
.LBB2_4:
0x2e: {  	s20 =	sshra.s32 s19, $0x2;
	[sflag:s15] =	ssyncadd.s32 $0xFFFFFB00;
	p0 =	sne.s32 s19, $0x1E00  }
0x2f: {  	[spmem:s2] =	stream.indirect.scatter.add.f32 [tilespmem:s16], [sflag:$0x1], $0x10, s20, s17, $0xb8;
	[tilespmem:$0x34D0] =	vst v63  }
.Ltmp1:
0x30: {  	_ = 	snop;
	(pc) =	sbr.rel @p0 .LBB2_4-.Ltmp1, $4  }
0x31: {  	_ = 	snop  }
0x32: {  	s19 =	sadd.s32 $0x140, s19  }
0x33: {  	_ =	swait.ge [sflag:s15], $0x500  }
0x34: {  	[sflag:s15] =	ssyncset.done $0x0  }
0x35: {  	[sflag:s15] =	ssyncadd.s32 $0xFFFFFB00;
	s19 =	simm.s32 $0x0  }
0x36: {  	[tilespmem:s19], [sflag:$0x1] =	stream.linear.gather [hbm4b:s11+s19], $0x7D0, $0x38;
	[tilespmem:$0x34D0] =	vst v63  }
0x37: {  	_ =	swait.ge [sflag:s15], $0x7D0  }
0x38: {  	[sflag:s15] =	ssyncset.done $0x0  }
0x39: {  	s31 =	simm.s32 $0x0;
	[sflag:s15] =	ssyncadd.s32 $0xFFFFF830  }
0x3a: {  	[spmem:s2] =	stream.indirect.scatter.add.f32 [tilespmem:s16], [sflag:$0x1], $0x10, s31, s17, $0xb8;
	[tilespmem:$0x34D0] =	vst v63  }
0x3b: {  	_ =	swait.ge [sflag:s15], $0x500  }
0x3c: {  	s19 =	simm.s32 $0x140;
	[sflag:s15] =	ssyncset.done $0x0  }
.LBB2_6:
0x3d: {  	s20 =	sshra.s32 s19, $0x2;
	[sflag:s15] =	ssyncadd.s32 $0xFFFFFB00;
	p0 =	sne.s32 s19, $0x1E00  }
0x3e: {  	[spmem:s2] =	stream.indirect.scatter.add.f32 [tilespmem:s16], [sflag:$0x1], $0x10, s20, s17, $0xb8;
	[tilespmem:$0x34D0] =	vst v63  }
.Ltmp2:
0x3f: {  	_ = 	snop;
	(pc) =	sbr.rel @p0 .LBB2_6-.Ltmp2, $4  }
0x40: {  	_ = 	snop  }
0x41: {  	s19 =	sadd.s32 $0x140, s19  }
0x42: {  	_ =	swait.ge [sflag:s15], $0x500  }
0x43: {  	[sflag:s15] =	ssyncset.done $0x0  }
0x44: {  	[sflag:s15] =	ssyncadd.s32 $0xFFFFFB00;
	s19 =	simm.s32 $0x0  }
0x45: {  	[tilespmem:s19], [sflag:$0x1] =	stream.linear.gather [hbm4b:s12+s19], $0x7D0, $0x38;
	[tilespmem:$0x34D0] =	vst v63  }
0x46: {  	_ =	swait.ge [sflag:s15], $0x7D0  }
0x47: {  	[sflag:s15] =	ssyncset.done $0x0  }
0x48: {  	s31 =	simm.s32 $0x0;
	[sflag:s15] =	ssyncadd.s32 $0xFFFFF830  }
0x49: {  	[spmem:s2] =	stream.indirect.scatter.add.f32 [tilespmem:s16], [sflag:$0x1], $0x10, s31, s17, $0xb8;
	[tilespmem:$0x34D0] =	vst v63  }
0x4a: {  	_ =	swait.ge [sflag:s15], $0x500  }
0x4b: {  	s19 =	simm.s32 $0x140;
	[sflag:s15] =	ssyncset.done $0x0  }
.LBB2_8:
0x4c: {  	s20 =	sshra.s32 s19, $0x2;
	[sflag:s15] =	ssyncadd.s32 $0xFFFFFB00;
	p0 =	sne.s32 s19, $0x1E00  }
0x4d: {  	[spmem:s2] =	stream.indirect.scatter.add.f32 [tilespmem:s16], [sflag:$0x1], $0x10, s20, s17, $0xb8;
	[tilespmem:$0x34D0] =	vst v63  }
.Ltmp3:
0x4e: {  	_ = 	snop;
	(pc) =	sbr.rel @p0 .LBB2_8-.Ltmp3, $4  }
0x4f: {  	_ = 	snop  }
0x50: {  	s19 =	sadd.s32 $0x140, s19  }
0x51: {  	_ =	swait.ge [sflag:s15], $0x500  }
0x52: {  	[sflag:s15] =	ssyncset.done $0x0  }
0x53: {  	[sflag:s15] =	ssyncadd.s32 $0xFFFFFB00;
	s19 =	simm.s32 $0x0  }
0x54: {  	[tilespmem:s19], [sflag:$0x1] =	stream.linear.gather [hbm4b:s13+s19], $0x7D0, $0x38;
	[tilespmem:$0x34D0] =	vst v63  }
0x55: {  	_ =	swait.ge [sflag:s15], $0x7D0  }
0x56: {  	[sflag:s15] =	ssyncset.done $0x0  }
0x57: {  	s31 =	simm.s32 $0x0;
	[sflag:s15] =	ssyncadd.s32 $0xFFFFF830  }
0x58: {  	[spmem:s2] =	stream.indirect.scatter.add.f32 [tilespmem:s16], [sflag:$0x1], $0x10, s31, s17, $0xb8;
	[tilespmem:$0x34D0] =	vst v63  }
0x59: {  	_ =	swait.ge [sflag:s15], $0x500  }
0x5a: {  	s19 =	simm.s32 $0x140;
	[sflag:s15] =	ssyncset.done $0x0  }
.LBB2_10:
0x5b: {  	s20 =	sshra.s32 s19, $0x2;
	[sflag:s15] =	ssyncadd.s32 $0xFFFFFB00;
	p0 =	sne.s32 s19, $0x1E00  }
0x5c: {  	[spmem:s2] =	stream.indirect.scatter.add.f32 [tilespmem:s16], [sflag:$0x1], $0x10, s20, s17, $0xb8;
	[tilespmem:$0x34D0] =	vst v63  }
.Ltmp4:
0x5d: {  	_ = 	snop;
	(pc) =	sbr.rel @p0 .LBB2_10-.Ltmp4, $4  }
0x5e: {  	_ = 	snop  }
0x5f: {  	s19 =	sadd.s32 $0x140, s19  }
0x60: {  	_ =	swait.ge [sflag:s15], $0x500  }
0x61: {  	[sflag:s15] =	ssyncset.done $0x0  }
0x62: {  	s18 =	sadd.s32 $0x1, s18  }
0x63: {  	[sflag:s15] =	ssyncadd.s32 $0xFFFFFB00;
	p0 =	sne.s32 s18, s8  }
.Ltmp5:
0x64: {  	[bflag:$0x0] =	sbarrier.arrive $0xFFFF;
	(pc) =	sbr.rel @p0 .LBB2_1-.Ltmp5, $4  }
0x65: {  	[hbm:s7], [sflag:s6] =	dma.local [spmem:s14], $0x500  }
0x66: {  	_ =	swait.ge [sflag:s15], $0x500  }
0x67: {  	[sflag:s15] =	ssyncset.done $0x0  }
0x68: {  	[sflag:s15] =	ssyncadd.s32 $0xFFFFFB00  }
0x69: {  	_ =	sfence.sel $0x180000  }
0x6a: {  	[bflag:$0x0] =	sbarrier.arrive $0xFFFF  }
0x6b: {  	p0 =	sne.s32 s0, $0x0;
	_ =	strace $0x90000047  }
0x6c: {  	s0 =	sadd.s32 @!p0 $0x100000, s1;
	[bflag:$0x2] =	sbarrier.arrive $0xFFFF  }
0x6d: {  	[sflag:s0] =	ssyncadd.tile.s32 @!p0 $0x1;
	_ =	shalt  }
.Lfunc_end2:
_tile_overlayer_lowered:
.L_overlay_start_2:
0x6e: {  	(tag) =	ssettag $0x2  }
0x6f: {  	s0 =	rddreg [dreg:$0x0];
	s2 =	stileid.u32  }
0x70: {  	s1 =	rddreg [dreg:$0x1];
	p0 =	sne.s32 s2, $0x0  }
0x71: {  	s3 =	rddreg [dreg:$0x2];
	[bflag:$0x3] =	sbarrier.arrive $0xFFFF;
	s2 =	simm.s32 @!p0 $0x1C01  }
0x72: {  	[timem:s3], [sflag:s2] =	dma.local @!p0 [hbm:s0], s1  }
0x73: {  	s0 =	simm.s32 @!p0 $0x1  }
0x74: {  	_ =	swait.ge @!p0 [sflag:s0], s1  }
0x75: {  	s1 =	ssub.s32 @!p0 $0x0, s1;
	[sflag:s0] =	ssyncset.done @!p0 $0x0  }
0x76: {  	[sflag:s0] =	ssyncadd.s32 @!p0 s1  }
0x77: {  	[bflag:$0x3] =	sbarrier.arrive $0xFFFF  }
0x78: {  	_ =	shalt  }

// kernel: kernel.15.cloned.1.call-start
scs
__scs_entry_jumppad:
0x0: {  	(pc) =	sbr.rel $0x88, $3  }
0x1: {  	(tag) =	ssettag $0x0;
	lr =	simm.s32 $0x1  }
0x2: {  	[smem:$0x3F9B] =	sst lr;
	_ =	strace $0xD0000000  }
0x3: {  	_ = 	snop  }
0x4: {  	_ = 	snop  }
0x5: {  	_ = 	snop  }
0x6: {  	_ = 	snop  }
0x7: {  	_ = 	snop  }
__scs_overlays_trampoline_lowered:
0x8: {  	[smem:$0x3FAA] =	sst s0  }
0x9: {  	[smem:$0x3FAB] =	sst s1  }
0xa: {  	[smem:$0x3FAC] =	sst s2  }
0xb: {  	[smem:$0x3FAD] =	sst s3  }
0xc: {  	[smem:$0x3FAE] =	sst s4  }
0xd: {  	[smem:$0x3FAF] =	sst s5  }
0xe: {  	[smem:$0x3FB0] =	sst s6  }
0xf: {  	[smem:$0x3FB1] =	sst s7  }
0x10: {  	[smem:$0x3FB2] =	sst s8  }
0x11: {  	[smem:$0x3FB3] =	sst s9;
	s0 =	simm.s32 @!p0 $0x0  }
0x12: {  	s1 =	sld [smem:$0x3F99];
	s0 =	simm.s32 @p0 $0x1  }
0x13: {  	[smem:$0x3FB4] =	sst s0;
	s0 =	simm.s32 @!p1 $0x0  }
0x14: {  	s2 =	sld [smem:$0x3F98];
	s0 =	simm.s32 @p1 $0x1  }
0x15: {  	[smem:$0x3FB5] =	sst s0;
	s0 =	simm.s32 @!p2 $0x0  }
0x16: {  	s3 =	sld [smem:$0x3FDB];
	s0 =	simm.s32 @p2 $0x1  }
0x17: {  	s4 =	simm.s32 $0x1BF5;
	[smem:$0x3FB7] =	sst s0  }
0x18: {  	s0 =	sld [smem:$0x3F9A];
	_ =	swait.ge [sflag:s4], $0x0  }
0x19: {  	s7 =	sld [smem:$0x3F9B]  }
0x1a: {  	s8 =	sadd.s32 $0xFFFFE003, lr  }
0x1b: {  	s9 =	sadd.s32 $0xFFFFFEF7, lr;
	s5 =	simm.s32 $0xFFFFFFFF;
	p2 =	slt.u32 s8, $0xFFFFF086  }
0x1c: {  	p1 =	slt.u32 s9, $0xF7A;
	s5 =	simm.s32 @!p2 $0x0  }
0x1d: {  	s5 =	simm.s32 @p1 $0x1;
	p0 =	seq.s32 s7, s2  }
0x1e: {  	s7 =	smul.u32 @!p0 $0xF7A, s2;
	p2 =	seq.s32 @!p0 s5, $0x0  }
0x1f: {  	s9 =	smul.u32 $0xF7A, s1;
	s8 =	simm.s32 @!p0 $0x1BF5;
	p2 =	por !p2, p0  }
0x20: {  	[sflag:s8] =	ssyncset.s32 @!p0 $0xFFFFF086;
	s6 =	sadd.s32 @!p0 s3, s7;
	s7 =	simm.s32 @!p0 $0x108  }
0x21: {  	s3 =	sadd.s32 s3, s9;
	s6 =	sadd.s32 @!p0 $0x88, s6;
	s7 =	simm.s32 @p2 $0x1082  }
0x22: {  	[simem:s7], [sflag:s8] =	dma.local @!p0 [hbm:s6], $0xF7A  }
0x23: {  	s9 =	sor.u32 $0xD0000000, s2;
	s6 =	simm.s32 $0x108;
	_ =	swait.ge @!p0 [sflag:s8], $0x0  }
0x24: {  	s3 =	sadd.s32 $0x88, s3;
	s6 =	simm.s32 @!p1 $0x1082;
	[sflag:s4] =	ssyncset.s32 $0xFFFFF086  }
0x25: {  	[simem:s6], [sflag:s4] =	dma.local [hbm:s3], $0xF7A  }
0x26: {  	[smem:$0x3F9B] =	sst s1;
	(tag) =	ssettag s2;
	_ =	strace s9  }
0x27: {  	s1 =	sld [smem:$0x3FAB]  }
0x28: {  	s2 =	sld [smem:$0x3FAC]  }
0x29: {  	s4 =	sld [smem:$0x3FAE]  }
0x2a: {  	p0 =	seq.s32 s5, $0x0;
	s5 =	sld [smem:$0x3FAF]  }
0x2b: {  	s6 =	sld [smem:$0x3FB0]  }
0x2c: {  	s7 =	sld [smem:$0x3FB1]  }
0x2d: {  	s3 =	simm.s32 $0x108;
	s8 =	sld [smem:$0x3FB2]  }
0x2e: {  	s3 =	simm.s32 @!p0 $0x1082;
	s9 =	sld [smem:$0x3FB3]  }
0x2f: {  	lr =	sadd.s32 s0, s3;
	s0 =	sld [smem:$0x3FAA]  }
0x30: {  	s3 =	sld [smem:$0x3FAD]  }
0x31: {  	[smem:$0x3FB6] =	sst s10  }
0x32: {  	s10 =	sld [smem:$0x3FB4];
	_ =	sdelay $0x3  }
0x33: {  	p0 =	seq.s32 s10, $0x1;
	s10 =	sld [smem:$0x3FB6];
	_ =	sdelay $0x3  }
0x34: {  	[smem:$0x3FB6] =	sst s10  }
0x35: {  	s10 =	sld [smem:$0x3FB5];
	_ =	sdelay $0x3  }
0x36: {  	p1 =	seq.s32 s10, $0x1;
	s10 =	sld [smem:$0x3FB6];
	_ =	sdelay $0x3  }
0x37: {  	[smem:$0x3FB6] =	sst s10  }
0x38: {  	s10 =	sld [smem:$0x3FB7]  }
0x39: {  	_ = 	snop;
	(pc) =	sbr.ind lr, $3  }
0x3a: {  	_ = 	snop  }
0x3b: {  	_ = 	snop  }
0x3c: {  	p2 =	seq.s32 s10, $0x1;
	s10 =	sld [smem:$0x3FB6]  }
0x3d: {  	_ =	shalt  }
0x3e: {  	_ =	shalt  }
0x3f: {  	_ =	shalt  }
0x40: {  	_ =	shalt  }
0x41: {  	_ =	shalt  }
0x42: {  	_ =	shalt  }
0x43: {  	_ =	shalt  }
0x44: {  	_ =	shalt  }
0x45: {  	_ =	shalt  }
0x46: {  	_ =	shalt  }
0x47: {  	_ =	shalt  }
0x48: {  	_ =	shalt  }
0x49: {  	_ =	shalt  }
0x4a: {  	_ =	shalt  }
0x4b: {  	_ =	shalt  }
0x4c: {  	_ =	shalt  }
0x4d: {  	_ =	shalt  }
0x4e: {  	_ =	shalt  }
0x4f: {  	_ =	shalt  }
0x50: {  	_ =	shalt  }
0x51: {  	_ =	shalt  }
0x52: {  	_ =	shalt  }
0x53: {  	_ =	shalt  }
0x54: {  	_ =	shalt  }
0x55: {  	_ =	shalt  }
0x56: {  	_ =	shalt  }
0x57: {  	_ =	shalt  }
0x58: {  	_ =	shalt  }
0x59: {  	_ =	shalt  }
0x5a: {  	_ =	shalt  }
0x5b: {  	_ =	shalt  }
0x5c: {  	_ =	shalt  }
0x5d: {  	_ =	shalt  }
0x5e: {  	_ =	shalt  }
0x5f: {  	_ =	shalt  }
0x60: {  	_ =	shalt  }
0x61: {  	_ =	shalt  }
0x62: {  	_ =	shalt  }
0x63: {  	_ =	shalt  }
0x64: {  	_ =	shalt  }
0x65: {  	_ =	shalt  }
0x66: {  	_ =	shalt  }
0x67: {  	_ =	shalt  }
0x68: {  	_ =	shalt  }
0x69: {  	_ =	shalt  }
0x6a: {  	_ =	shalt  }
0x6b: {  	_ =	shalt  }
0x6c: {  	_ =	shalt  }
0x6d: {  	_ =	shalt  }
0x6e: {  	_ =	shalt  }
0x6f: {  	_ =	shalt  }
0x70: {  	_ =	shalt  }
0x71: {  	_ =	shalt  }
0x72: {  	_ =	shalt  }
0x73: {  	_ =	shalt  }
0x74: {  	_ =	shalt  }
0x75: {  	_ =	shalt  }
0x76: {  	_ =	shalt  }
0x77: {  	_ =	shalt  }
0x78: {  	_ =	shalt  }
0x79: {  	_ =	shalt  }
0x7a: {  	_ =	shalt  }
0x7b: {  	_ =	shalt  }
0x7c: {  	_ =	shalt  }
0x7d: {  	_ =	shalt  }
0x7e: {  	_ =	shalt  }
0x7f: {  	_ =	shalt  }
0x80: {  	_ =	shalt  }
0x81: {  	_ =	shalt  }
0x82: {  	_ =	shalt  }
0x83: {  	_ =	shalt  }
0x84: {  	_ =	shalt  }
0x85: {  	_ =	shalt  }
0x86: {  	_ =	shalt  }
0x87: {  	_ =	shalt  }
.Lfunc_end0:
.L_simem_size_0:
called_computation.1_lowered:
.L_overlay_start_0:
0x88: {  	s2 =	sld [smem:$0x3FD9]  }
0x89: {  	s3 =	sld [smem:$0x3FFE];
	_ =	sdelay $0x1  }
0x8a: {  	s1 =	srdreg.scid  }
0x8b: {  	s0 =	sand.u32 $0x1, s1  }
0x8c: {  	s17 =	sshll.u32 s0, $0xA;
	s2 =	sadd.s32 s3, s2  }
0x8d: {  	s2 =	sadd.s32 s2, s17  }
0x8e: {  	[smem:$0x3FC2] =	sst s2  }
0x8f: {  	_ = 	snop  }
0x90: {  	s2 =	sld [smem:$0x3FD0];
	(tm) =	ssettm $0x1  }
0x91: {  	s18 =	sld [smem:$0x3FFB];
	_ =	sdelay $0x3  }
0x92: {  	_ =	strace s18  }
0x93: {  	s3 =	sld [smem:$0x3FFC];
	_ =	sdelay $0x3  }
0x94: {  	_ =	strace s3  }
0x95: {  	s3 =	sld [smem:$0x3FFD];
	_ =	sdelay $0x3  }
0x96: {  	_ =	strace s3  }
0x97: {  	_ =	strace $0x8FFFFFFF  }
0x98: {  	s19 =	sld [smem:$0x3FDB];
	_ =	sdelay $0x1  }
0x99: {  	s4 =	simm.s32 $_scs_section_size  }
0x9a: {  	s5 =	simm.s32 $_size__tile_overlayer_lowered;
	s6 =	simm.s32 $_tile_overlayer_lowered  }
0x9b: {  	s22 =	simm.s32 $0x1BFF;
	s21 =	sshll.u32 s6, $0x1;
	s3 =	sadd.s32 s4, s19  }
0x9c: {  	s7 =	simm.s32 $0x0;
	s20 =	sshll.u32 s5, $0x1;
	s5 =	sadd.s32 s21, s3  }
0x9d: {  	[timem:s7], [sflag:s22] =	dma.local [hbm:s5], s20  }
0x9e: {  	_ =	swait.ge [sflag:s22], s20  }
0x9f: {  	s4 =	ssub.s32 $0x0, s20;
	[sflag:s22] =	ssyncset.done $0x0  }
0xa0: {  	[sflag:s22] =	ssyncadd.s32 s4;
	_ =	sdelay $0x1  }
0xa1: {  	s23 =	simm.s32 $0x1B8B  }
0xa2: {  	_ =	swait.ge [sflag:s23], $0x1  }
0xa3: {  	[sflag:s23] =	ssyncset.done $0x0  }
0xa4: {  	s25 =	simm.s32 $0x1B8E;
	s24 =	sld [smem:$0x3FFE];
	[sflag:s23] =	ssyncadd.s32 $0xFFFFFFFF  }
0xa5: {  	s26 =	simm.s32 $execute0_lowered;
	[smem:$0x3FD2] =	sst s25  }
0xa6: {  	s5 =	sshll.u32 s26, $0x1;
	_ =	strace $0x80000049;
	[dreg:$0x1] =	wrdreg $0xFFFFFFFF  }
0xa7: {  	s28 =	simm.s32 $_size_execute0_lowered;
	s3 =	sadd.s32 s3, s5;
	[dreg:$0x0] =	wrdreg $0x0  }
0xa8: {  	s5 =	sshll.u32 s28, $0x1;
	[dreg:$0x2] =	wrdreg s3  }
0xa9: {  	[dreg:$0x3] =	wrdreg s5  }
0xaa: {  	[dreg:$0x4] =	wrdreg $0xC0  }
0xab: {  	_ =	task [dreg:s7], $0x5FFFF  }
0xac: {  	[dreg:$0x1] =	wrdreg $0xFFFFFFFF  }
0xad: {  	[dreg:$0x0] =	wrdreg $0x60  }
0xae: {  	[dreg:$0x2] =	wrdreg s24  }
0xaf: {  	[dreg:$0x3] =	wrdreg s2  }
0xb0: {  	[dreg:$0x4] =	wrdreg $0x9C000  }
0xb1: {  	[dreg:$0x5] =	wrdreg $0x9  }
0xb2: {  	_ =	task.clear_ibuf [dreg:s7], $0x6FFFF;
	_ =	strace $0x90000049  }
0xb3: {  	s29 =	simm.s32 $0x9;
	_ =	strace $0x8000004B  }
0xb4: {  	_ =	swait.ge [sflag:s29], $0x1  }
0xb5: {  	[sflag:s29] =	ssyncadd.s32 $0xFFFFFFFF  }
0xb6: {  	_ =	strace $0x9000004B  }
0xb7: {  	_ =	sfence  }
0xb8: {  	s30 =	sld [smem:$0x0];
	_ =	sdelay $0x2  }
0xb9: {  	s31 =	sshll.u32 s1, $0xD;
	s1 =	sshrl.u32 s1, $0x2  }
0xba: {  	s3 =	sand.u32 $0x4000, s31;
	s1 =	sadd.s32 s1, s30  }
0xbb: {  	s0 =	sor.u32 s3, s0;
	s1 =	sshll.u32 s1, $0x11  }
0xbc: {  	s0 =	sor.u32 s1, s0  }
0xbd: {  	s0 =	sadd.s32 $0x8F2B, s0  }
0xbe: {  	[sflag:s0] =	ssyncadd.remote.s32 $0x1  }
0xbf: {  	_ =	sfence.sel $0xFFFF  }
0xc0: {  	[dreg:$0x0] =	wrdreg $0xFFFFFFFF;
	(pc) =	sbr.abs _section_cstart, $3  }
0xc1: {  	[dreg:$0x1] =	wrdreg $0xFFFFFFFF  }
0xc2: {  	_ =	task.clear_ibuf [dreg:s7], $0x2FFFF;
	_ =	strace $0x9FFFFFFF  }
0xc3: {  	(tm) =	ssettm $0x7FFFFFFF  }
tec
execute0_lowered:
.L_overlay_start_1:
0x0: {  	(tag) =	ssettag $0x1  }
0x1: {  	s0 =	rddreg [dreg:$0x0]  }
0x2: {  	s1 =	rddreg [dreg:$0x1]  }
0x3: {  	s2 =	rddreg [dreg:$0x2]  }
0x4: {  	s3 =	simm.s32 $0x0;
	s4 =	srdreg.scid;
	s13 =	stileid.u32  }
0x5: {  	s14 =	simm.s32 $0x6;
	s16 =	simm.s32 $0x28;
	s17 =	simm.s32 $0x3800  }
0x6: {  	s28 =	simm.s32 $0x2;
	s29 =	simm.s32 $0x3;
	s30 =	simm.s32 $0x4  }
0x7: {  	s31 =	simm.s32 $0x5;
	s15 =	simm.s32 $0x3300;
	[smem:$0x7FF] =	sst s3  }
0x8: {  	s4 =	sand.u32 $0x1, s4;
	s5 =	sadd.s32 $0x3F000, s0;
	s8 =	smul.u32 $0x14000, s13  }
0x9: {  	s9 =	sshll.u32 s13, $0x1;
	s10 =	sadd.s32 $0x67000, s0;
	s12 =	smul.u32 $0x50000, s13  }
0xa: {  	s6 =	sadd.s32 $0x1C000, s0;
	s24 =	smul.u32 $0x2800, s13;
	_ =	strace $0x8000004A  }
0xb: {  	s7 =	smul.u32 $0x140000, s4;
	s9 =	sor.u32 s4, s9;
	s11 =	ssub.s32 $0x2, s4  }
0xc: {  	p0 =	seq.s32 s4, $0x1;
	s18 =	sshrl.u32 s11, $0x1;
	s22 =	sshrl.u32 s12, $0x2  }
0xd: {  	s8 =	sadd.s32 s8, s7;
	s7 =	smul.u32 $0x8C00, s9;
	s19 =	ssub.s32 s11, s18  }
0xe: {  	s23 =	sadd.s32 s22, s2;
	s18 =	simm.s32 $0x3380;
	s22 =	simm.s32 $0x3480  }
0xf: {  	s8 =	sshrl.u32 s8, $0x3;
	[dreg:$0x6] =	wrdreg s23;
	s25 =	smax.u32 s19, $0x1  }
0x10: {  	s19 =	simm.s32 $0x4C00;
	s23 =	simm.s32 $0x7400;
	s20 =	sshrl.u32 s7, $0x3  }
0x11: {  	s0 =	sadd.s32 s8, s0;
	[dreg:$0x8] =	wrdreg s25;
	s21 =	sadd.s32 s1, s20  }
0x12: {  	s25 =	simm.s32 $0x8800;
	s9 =	sadd.s32 s6, s20;
	[dreg:$0x4] =	wrdreg s21  }
0x13: {  	s0 =	sadd.s32 $0x8F000, s0;
	[dreg:$0x5] =	wrdreg s9;
	s9 =	smov.u32 s5  }
0x14: {  	s20 =	simm.s32 $0x3400;
	[dreg:$0x7] =	wrdreg s0;
	s9 =	smov.u32 @p0 s10  }
0x15: {  	s21 =	simm.s32 $0x6000;
	s0 =	simm.s32 $0x3280;
	s26 =	sadd.s32 s9, s24  }
0x16: {  	s24 =	simm.s32 $0x0;
	[dreg:$0x9] =	wrdreg s26;
	s26 =	simm.s32 $0x1  }
.LBB2_1:
0x17: {  	s4 =	rddreg [dreg:$0x4]  }
0x18: {  	[tilespmem:s3], [sflag:$0x6] =	stream.linear.gather [hbm4b:s4+s3], $0x1900, $0x38;
	[tilespmem:$0x1DC00] =	vst v63  }
0x19: {  	_ =	swait.ge [sflag:s14], $0x1900  }
0x1a: {  	[sflag:s14] =	ssyncset.done $0x0  }
0x1b: {  	s8 =	simm.s32 $0x1C00;
	s13 =	rddreg [dreg:$0x5];
	[sflag:s14] =	ssyncadd.s32 $0xFFFFE700  }
0x1c: {  	[tilespmem:s8], [sflag:$0x6] =	stream.linear.gather [hbm4b:s13+s3], $0x1900, $0x38;
	[tilespmem:$0x1DC00] =	vst v63  }
0x1d: {  	_ =	swait.ge [sflag:s14], $0x1900  }
0x1e: {  	[sflag:s14] =	ssyncset.done $0x0  }
0x1f: {  	[sflag:s14] =	ssyncadd.s32 $0xFFFFE700  }
0x20: {  	[tilespmem:s17], [sflag:$0x1] =	stream.indirect.gather [hbm4b:s5+s16], $0x80, s3, s16, $0xb8;
	[tilespmem:$0x1DC00] =	vst v63  }
0x21: {  	s8 =	simm.s32 $0x80  }
0x22: {  	[tilespmem:s19], [sflag:$0x2] =	stream.indirect.gather [hbm4b:s5+s16], $0x80, s8, s16, $0xb8;
	[tilespmem:$0x1DC00] =	vst v63  }
0x23: {  	s9 =	simm.s32 $0x100;
	s10 =	simm.s32 $0x180;
	s12 =	stileid.u32  }
0x24: {  	[tilespmem:s21], [sflag:$0x3] =	stream.indirect.gather [hbm4b:s5+s16], $0x80, s9, s16, $0xb8;
	[tilespmem:$0x1DC00] =	vst v63  }
0x25: {  	s11 =	simm.s32 $0x200;
	s4 =	sshll.u32 s12, $0x6;
	s13 =	rddreg [dreg:$0x6]  }
0x26: {  	[tilespmem:s23], [sflag:$0x4] =	stream.indirect.gather [hbm4b:s5+s16], $0x80, s10, s16, $0xb8;
	[tilespmem:$0x1DC00] =	vst v63  }
0x27: {  	s4 =	sor.u32 $0x1C06, s4;
	s8 =	sshrl.u32 s13, $0x3;
	s9 =	rddreg [dreg:$0x9]  }
0x28: {  	[tilespmem:s25], [sflag:$0x5] =	stream.indirect.gather [hbm4b:s5+s16], $0x80, s11, s16, $0xb8;
	[tilespmem:$0x1DC00] =	vst v63  }
0x29: {  	[spmem:s8], [sflag:s4] =	dma.local [hbm:s9], $0x2800  }
0x2a: {  	_ =	swait.ge [sflag:s14], $0x2800  }
0x2b: {  	[sflag:s14] =	ssyncset.done $0x0  }
0x2c: {  	[sflag:s14] =	ssyncadd.s32 $0xFFFFD800  }
0x2d: {  	s9 =	simm.s32 $0x0;
	[bflag:$0x0] =	sbarrier.arrive $0xFFFF  }
.LBB2_2:
0x2e: {  	p0 =	seq.s32 s9, $0x0  }
0x2f: {  	s10 =	smul.u32 @!p0 $0x1C00, s9;
	_ =	sdelay $0x1  }
0x30: {  	s10 =	sadd.s32 @!p0 s7, s10  }
0x31: {  	s10 =	sshrl.u32 @!p0 s10, $0x3  }
0x32: {  	s12 =	simm.s32 @!p0 $0x0;
	s11 =	sadd.s32 @!p0 s1, s10  }
0x33: {  	[tilespmem:s12], [sflag:$0x6] =	stream.linear.gather @!p0 [hbm4b:s11+s12], $0x1900, $0x38;
	[tilespmem:$0x1DC00] =	vst v63  }
0x34: {  	s11 =	simm.s32 @!p0 $0x6  }
0x35: {  	_ =	swait.ge @!p0 [sflag:s11], $0x1900  }
0x36: {  	[sflag:s11] =	ssyncset.done @!p0 $0x0  }
0x37: {  	s13 =	simm.s32 @!p0 $0x1C00;
	s10 =	sadd.s32 @!p0 s6, s10;
	[sflag:s11] =	ssyncadd.s32 @!p0 $0xFFFFE700  }
0x38: {  	[tilespmem:s13], [sflag:$0x6] =	stream.linear.gather @!p0 [hbm4b:s10+s12], $0x1900, $0x38;
	[tilespmem:$0x1DC00] =	vst v63  }
0x39: {  	_ =	swait.ge @!p0 [sflag:s11], $0x1900  }
0x3a: {  	[sflag:s11] =	ssyncset.done @!p0 $0x0  }
0x3b: {  	s10 =	simm.s32 @!p0 $0x28;
	[sflag:s11] =	ssyncadd.s32 @!p0 $0xFFFFE700;
	s11 =	simm.s32 @!p0 $0x3800  }
0x3c: {  	[tilespmem:s11], [sflag:$0x1] =	stream.indirect.gather @!p0 [hbm4b:s5+s10], $0x80, s12, s10, $0xb8;
	[tilespmem:$0x1DC00] =	vst v63  }
0x3d: {  	s11 =	simm.s32 @!p0 $0x80;
	s12 =	simm.s32 @!p0 $0x4C00  }
0x3e: {  	[tilespmem:s12], [sflag:$0x2] =	stream.indirect.gather @!p0 [hbm4b:s5+s10], $0x80, s11, s10, $0xb8;
	[tilespmem:$0x1DC00] =	vst v63  }
0x3f: {  	s11 =	simm.s32 @!p0 $0x100;
	s12 =	simm.s32 @!p0 $0x6000  }
0x40: {  	[tilespmem:s12], [sflag:$0x3] =	stream.indirect.gather @!p0 [hbm4b:s5+s10], $0x80, s11, s10, $0xb8;
	[tilespmem:$0x1DC00] =	vst v63  }
0x41: {  	s11 =	simm.s32 @!p0 $0x180;
	s12 =	simm.s32 @!p0 $0x7400  }
0x42: {  	[tilespmem:s12], [sflag:$0x4] =	stream.indirect.gather @!p0 [hbm4b:s5+s10], $0x80, s11, s10, $0xb8;
	[tilespmem:$0x1DC00] =	vst v63  }
0x43: {  	s11 =	simm.s32 @!p0 $0x200;
	s12 =	simm.s32 @!p0 $0x8800  }
0x44: {  	[tilespmem:s12], [sflag:$0x5] =	stream.indirect.gather @!p0 [hbm4b:s5+s10], $0x80, s11, s10, $0xb8;
	[tilespmem:$0x1DC00] =	vst v63  }
0x45: {  	_ =	swait.ge [sflag:s26], $0x1400  }
0x46: {  	[sflag:s26] =	ssyncset.done $0x0  }
0x47: {  	s11 =	simm.s32 $0x1C00;
	[sflag:s26] =	ssyncadd.s32 $0xFFFFEC00  }
0x48: {  	[spmem:s2] =	stream.indirect.scatter.add.f32 [tilespmem:s17], [sflag:$0x6], $0x80, s11, s16, $0xb8;
	[tilespmem:$0x1DC00] =	vst v63  }
0x49: {  	_ =	swait.ge [sflag:s14], $0x1400  }
0x4a: {  	[sflag:s14] =	ssyncset.done $0x0  }
0x4b: {  	s12 =	simm.s32 $0x280;
	[sflag:s14] =	ssyncadd.s32 $0xFFFFEC00  }
0x4c: {  	[tilespmem:s17], [sflag:$0x1] =	stream.indirect.gather [hbm4b:s5+s16], $0x80, s12, s16, $0xb8;
	[tilespmem:$0x1DC00] =	vst v63  }
0x4d: {  	_ =	swait.ge [sflag:s28], $0x1400  }
0x4e: {  	[sflag:s28] =	ssyncset.done $0x0  }
0x4f: {  	s13 =	simm.s32 $0x1C80;
	[sflag:s28] =	ssyncadd.s32 $0xFFFFEC00  }
0x50: {  	[spmem:s2] =	stream.indirect.scatter.add.f32 [tilespmem:s19], [sflag:$0x6], $0x80, s13, s16, $0xb8;
	[tilespmem:$0x1DC00] =	vst v63  }
0x51: {  	_ =	swait.ge [sflag:s14], $0x1400  }
0x52: {  	[sflag:s14] =	ssyncset.done $0x0  }
0x53: {  	s11 =	simm.s32 $0x300;
	[sflag:s14] =	ssyncadd.s32 $0xFFFFEC00  }
0x54: {  	[tilespmem:s19], [sflag:$0x2] =	stream.indirect.gather [hbm4b:s5+s16], $0x80, s11, s16, $0xb8;
	[tilespmem:$0x1DC00] =	vst v63  }
0x55: {  	_ =	swait.ge [sflag:s29], $0x1400  }
0x56: {  	[sflag:s29] =	ssyncset.done $0x0  }
0x57: {  	s12 =	simm.s32 $0x1D00;
	[sflag:s29] =	ssyncadd.s32 $0xFFFFEC00  }
0x58: {  	[spmem:s2] =	stream.indirect.scatter.add.f32 [tilespmem:s21], [sflag:$0x6], $0x80, s12, s16, $0xb8;
	[tilespmem:$0x1DC00] =	vst v63  }
0x59: {  	_ =	swait.ge [sflag:s14], $0x1400  }
0x5a: {  	[sflag:s14] =	ssyncset.done $0x0  }
0x5b: {  	s13 =	simm.s32 $0x380;
	[sflag:s14] =	ssyncadd.s32 $0xFFFFEC00  }
0x5c: {  	[tilespmem:s21], [sflag:$0x3] =	stream.indirect.gather [hbm4b:s5+s16], $0x80, s13, s16, $0xb8;
	[tilespmem:$0x1DC00] =	vst v63  }
0x5d: {  	_ =	swait.ge [sflag:s30], $0x1400  }
0x5e: {  	[sflag:s30] =	ssyncset.done $0x0  }
0x5f: {  	s11 =	simm.s32 $0x1D80;
	[sflag:s30] =	ssyncadd.s32 $0xFFFFEC00  }
0x60: {  	[spmem:s2] =	stream.indirect.scatter.add.f32 [tilespmem:s23], [sflag:$0x6], $0x80, s11, s16, $0xb8;
	[tilespmem:$0x1DC00] =	vst v63  }
0x61: {  	_ =	swait.ge [sflag:s14], $0x1400  }
0x62: {  	[sflag:s14] =	ssyncset.done $0x0  }
0x63: {  	s12 =	simm.s32 $0x400;
	[sflag:s14] =	ssyncadd.s32 $0xFFFFEC00  }
0x64: {  	[tilespmem:s23], [sflag:$0x4] =	stream.indirect.gather [hbm4b:s5+s16], $0x80, s12, s16, $0xb8;
	[tilespmem:$0x1DC00] =	vst v63  }
0x65: {  	_ =	swait.ge [sflag:s31], $0x1400  }
0x66: {  	[sflag:s31] =	ssyncset.done $0x0  }
0x67: {  	s13 =	simm.s32 $0x1E00;
	[sflag:s31] =	ssyncadd.s32 $0xFFFFEC00  }
0x68: {  	[spmem:s2] =	stream.indirect.scatter.add.f32 [tilespmem:s25], [sflag:$0x6], $0x80, s13, s16, $0xb8;
	[tilespmem:$0x1DC00] =	vst v63  }
0x69: {  	_ =	swait.ge [sflag:s14], $0x1400  }
0x6a: {  	[sflag:s14] =	ssyncset.done $0x0  }
0x6b: {  	s10 =	simm.s32 $0xA00;
	s11 =	simm.s32 $0x480;
	[sflag:s14] =	ssyncadd.s32 $0xFFFFEC00  }
.LBB2_3:
0x6c: {  	[tilespmem:s25], [sflag:$0x5] =	stream.indirect.gather [hbm4b:s5+s16], $0x80, s11, s16, $0xb8;
	[tilespmem:$0x1DC00] =	vst v63  }
0x6d: {  	s11 =	smov.u32 s10  }
0x6e: {  	p0 =	sne.s32 s10, $0x5000;
	s10 =	sadd.s32 $0xA00, s10;
	_ =	swait.ge [sflag:s26], $0x1400  }
0x6f: {  	s11 =	sshra.s32 s11, $0x2;
	[sflag:s26] =	ssyncset.done $0x0  }
0x70: {  	s12 =	sadd.s32 $0x1C00, s11;
	[sflag:s26] =	ssyncadd.s32 $0xFFFFEC00  }
0x71: {  	[spmem:s2] =	stream.indirect.scatter.add.f32 [tilespmem:s17], [sflag:$0x6], $0x80, s12, s16, $0xb8;
	[tilespmem:$0x1DC00] =	vst v63  }
0x72: {  	_ =	swait.ge [sflag:s14], $0x1400  }
0x73: {  	[sflag:s14] =	ssyncset.done $0x0  }
0x74: {  	s12 =	sadd.s32 $0x280, s11;
	[sflag:s14] =	ssyncadd.s32 $0xFFFFEC00  }
0x75: {  	[tilespmem:s17], [sflag:$0x1] =	stream.indirect.gather [hbm4b:s5+s16], $0x80, s12, s16, $0xb8;
	[tilespmem:$0x1DC00] =	vst v63  }
0x76: {  	_ =	swait.ge [sflag:s28], $0x1400  }
0x77: {  	[sflag:s28] =	ssyncset.done $0x0  }
0x78: {  	s12 =	sadd.s32 $0x1C80, s11;
	[sflag:s28] =	ssyncadd.s32 $0xFFFFEC00  }
0x79: {  	[spmem:s2] =	stream.indirect.scatter.add.f32 [tilespmem:s19], [sflag:$0x6], $0x80, s12, s16, $0xb8;
	[tilespmem:$0x1DC00] =	vst v63  }
0x7a: {  	_ =	swait.ge [sflag:s14], $0x1400  }
0x7b: {  	[sflag:s14] =	ssyncset.done $0x0  }
0x7c: {  	s12 =	sadd.s32 $0x300, s11;
	[sflag:s14] =	ssyncadd.s32 $0xFFFFEC00  }
0x7d: {  	[tilespmem:s19], [sflag:$0x2] =	stream.indirect.gather [hbm4b:s5+s16], $0x80, s12, s16, $0xb8;
	[tilespmem:$0x1DC00] =	vst v63  }
0x7e: {  	_ =	swait.ge [sflag:s29], $0x1400  }
0x7f: {  	[sflag:s29] =	ssyncset.done $0x0  }
0x80: {  	s12 =	sadd.s32 $0x1D00, s11;
	[sflag:s29] =	ssyncadd.s32 $0xFFFFEC00  }
0x81: {  	[spmem:s2] =	stream.indirect.scatter.add.f32 [tilespmem:s21], [sflag:$0x6], $0x80, s12, s16, $0xb8;
	[tilespmem:$0x1DC00] =	vst v63  }
0x82: {  	_ =	swait.ge [sflag:s14], $0x1400  }
0x83: {  	[sflag:s14] =	ssyncset.done $0x0  }
0x84: {  	s12 =	sadd.s32 $0x380, s11;
	[sflag:s14] =	ssyncadd.s32 $0xFFFFEC00  }
0x85: {  	[tilespmem:s21], [sflag:$0x3] =	stream.indirect.gather [hbm4b:s5+s16], $0x80, s12, s16, $0xb8;
	[tilespmem:$0x1DC00] =	vst v63  }
0x86: {  	_ =	swait.ge [sflag:s30], $0x1400  }
0x87: {  	[sflag:s30] =	ssyncset.done $0x0  }
0x88: {  	s12 =	sadd.s32 $0x1D80, s11;
	[sflag:s30] =	ssyncadd.s32 $0xFFFFEC00  }
0x89: {  	[spmem:s2] =	stream.indirect.scatter.add.f32 [tilespmem:s23], [sflag:$0x6], $0x80, s12, s16, $0xb8;
	[tilespmem:$0x1DC00] =	vst v63  }
0x8a: {  	_ =	swait.ge [sflag:s14], $0x1400  }
0x8b: {  	[sflag:s14] =	ssyncset.done $0x0  }
0x8c: {  	s12 =	sadd.s32 $0x400, s11;
	[sflag:s14] =	ssyncadd.s32 $0xFFFFEC00  }
0x8d: {  	[tilespmem:s23], [sflag:$0x4] =	stream.indirect.gather [hbm4b:s5+s16], $0x80, s12, s16, $0xb8;
	[tilespmem:$0x1DC00] =	vst v63  }
0x8e: {  	_ =	swait.ge [sflag:s31], $0x1400  }
0x8f: {  	[sflag:s31] =	ssyncset.done $0x0  }
.Ltmp0:
0x90: {  	s12 =	sadd.s32 $0x1E00, s11;
	[sflag:s31] =	ssyncadd.s32 $0xFFFFEC00;
	(pc) =	sbr.rel @p0 .LBB2_3-.Ltmp0, $4  }
0x91: {  	[spmem:s2] =	stream.indirect.scatter.add.f32 [tilespmem:s25], [sflag:$0x6], $0x80, s12, s16, $0xb8;
	[tilespmem:$0x1DC00] =	vst v63  }
0x92: {  	_ =	swait.ge [sflag:s14], $0x1400  }
0x93: {  	[sflag:s14] =	ssyncset.done $0x0  }
0x94: {  	s11 =	sadd.s32 $0x480, s11;
	[sflag:s14] =	ssyncadd.s32 $0xFFFFEC00  }
0x95: {  	[tilespmem:s25], [sflag:$0x5] =	stream.indirect.gather [hbm4b:s5+s16], $0x80, s11, s16, $0xb8;
	[tilespmem:$0x1DC00] =	vst v63  }
0x96: {  	_ =	swait.ge [sflag:s26], $0x1400  }
0x97: {  	[sflag:s26] =	ssyncset.done $0x0  }
0x98: {  	[sflag:s26] =	ssyncadd.s32 $0xFFFFEC00  }
0x99: {  	[spmem:s2] =	stream.indirect.scatter.add.f32 [tilespmem:s17], [sflag:$0x6], $0x80, s0, s16, $0xb8;
	[tilespmem:$0x1DC00] =	vst v63  }
0x9a: {  	_ =	swait.ge [sflag:s14], $0x1400  }
0x9b: {  	[sflag:s14] =	ssyncset.done $0x0  }
0x9c: {  	[sflag:s14] =	ssyncadd.s32 $0xFFFFEC00  }
0x9d: {  	_ =	swait.ge [sflag:s28], $0x1400  }
0x9e: {  	[sflag:s28] =	ssyncset.done $0x0  }
0x9f: {  	[sflag:s28] =	ssyncadd.s32 $0xFFFFEC00  }
0xa0: {  	[spmem:s2] =	stream.indirect.scatter.add.f32 [tilespmem:s19], [sflag:$0x6], $0x80, s15, s16, $0xb8;
	[tilespmem:$0x1DC00] =	vst v63  }
0xa1: {  	_ =	swait.ge [sflag:s14], $0x1400  }
0xa2: {  	[sflag:s14] =	ssyncset.done $0x0  }
0xa3: {  	[sflag:s14] =	ssyncadd.s32 $0xFFFFEC00  }
0xa4: {  	_ =	swait.ge [sflag:s29], $0x1400  }
0xa5: {  	[sflag:s29] =	ssyncset.done $0x0  }
0xa6: {  	[sflag:s29] =	ssyncadd.s32 $0xFFFFEC00  }
0xa7: {  	[spmem:s2] =	stream.indirect.scatter.add.f32 [tilespmem:s21], [sflag:$0x6], $0x80, s18, s16, $0xb8;
	[tilespmem:$0x1DC00] =	vst v63  }
0xa8: {  	_ =	swait.ge [sflag:s14], $0x1400  }
0xa9: {  	[sflag:s14] =	ssyncset.done $0x0  }
0xaa: {  	[sflag:s14] =	ssyncadd.s32 $0xFFFFEC00  }
0xab: {  	_ =	swait.ge [sflag:s30], $0x1400  }
0xac: {  	[sflag:s30] =	ssyncset.done $0x0  }
0xad: {  	[sflag:s30] =	ssyncadd.s32 $0xFFFFEC00  }
0xae: {  	[spmem:s2] =	stream.indirect.scatter.add.f32 [tilespmem:s23], [sflag:$0x6], $0x80, s20, s16, $0xb8;
	[tilespmem:$0x1DC00] =	vst v63  }
0xaf: {  	_ =	swait.ge [sflag:s14], $0x1400  }
0xb0: {  	[sflag:s14] =	ssyncset.done $0x0  }
0xb1: {  	[sflag:s14] =	ssyncadd.s32 $0xFFFFEC00  }
0xb2: {  	s9 =	sadd.s32 $0x1, s9;
	_ =	swait.ge [sflag:s31], $0x1400  }
0xb3: {  	p0 =	sne.s32 s9, $0x5;
	[sflag:s31] =	ssyncset.done $0x0  }
.Ltmp1:
0xb4: {  	[sflag:s31] =	ssyncadd.s32 $0xFFFFEC00;
	(pc) =	sbr.rel @p0 .LBB2_2-.Ltmp1, $4  }
0xb5: {  	[spmem:s2] =	stream.indirect.scatter.add.f32 [tilespmem:s25], [sflag:$0x6], $0x80, s22, s16, $0xb8;
	[tilespmem:$0x1DC00] =	vst v63  }
0xb6: {  	_ =	swait.ge [sflag:s14], $0x1400  }
0xb7: {  	[sflag:s14] =	ssyncset.done $0x0  }
0xb8: {  	[sflag:s14] =	ssyncadd.s32 $0xFFFFEC00  }
0xb9: {  	[bflag:$0x0] =	sbarrier.arrive $0xFFFF  }
0xba: {  	s9 =	rddreg [dreg:$0x7]  }
0xbb: {  	[hbm:s9], [sflag:s4] =	dma.local [spmem:s8], $0x2800  }
0xbc: {  	_ =	swait.ge [sflag:s14], $0x2800  }
0xbd: {  	s24 =	sadd.s32 $0x1, s24;
	s13 =	rddreg [dreg:$0x8]  }
0xbe: {  	p0 =	sne.s32 s24, s13  }
.Ltmp2:
0xbf: {  	_ = 	snop;
	(pc) =	sbr.rel @p0 .LBB2_1-.Ltmp2, $3  }
0xc0: {  	_ =	sdelay $0x1  }
0xc1: {  	[sflag:s14] =	ssyncset.done $0x0  }
0xc2: {  	[sflag:s14] =	ssyncadd.s32 $0xFFFFD800  }
0xc3: {  	_ =	sfence.sel $0x180000  }
0xc4: {  	[bflag:$0x0] =	sbarrier.arrive $0xFFFF  }
0xc5: {  	_ =	strace $0x9000004A  }
0xc6: {  	s0 =	stileid.u32;
	[bflag:$0x2] =	sbarrier.arrive $0xFFFF  }
0xc7: {  	p0 =	sne.s32 s0, $0x0;
	s0 =	rddreg [dreg:$0x3]  }
0xc8: {  	s0 =	sadd.s32 @!p0 $0x100000, s0  }
0xc9: {  	[sflag:s0] =	ssyncadd.tile.s32 @!p0 $0x1;
	_ =	shalt  }
.Lfunc_end2:
_tile_overlayer_lowered:
.L_overlay_start_2:
0xca: {  	(tag) =	ssettag $0x2  }
0xcb: {  	s0 =	rddreg [dreg:$0x0];
	s2 =	stileid.u32  }
0xcc: {  	s1 =	rddreg [dreg:$0x1];
	p0 =	sne.s32 s2, $0x0  }
0xcd: {  	s3 =	rddreg [dreg:$0x2];
	[bflag:$0x3] =	sbarrier.arrive $0xFFFF;
	s2 =	simm.s32 @!p0 $0x1C06  }
0xce: {  	[timem:s3], [sflag:s2] =	dma.local @!p0 [hbm:s0], s1  }
0xcf: {  	s0 =	simm.s32 @!p0 $0x6  }
0xd0: {  	_ =	swait.ge @!p0 [sflag:s0], s1  }
0xd1: {  	s1 =	ssub.s32 @!p0 $0x0, s1;
	[sflag:s0] =	ssyncset.done @!p0 $0x0  }
0xd2: {  	[sflag:s0] =	ssyncadd.s32 @!p0 s1  }
0xd3: {  	[bflag:$0x3] =	sbarrier.arrive $0xFFFF  }
0xd4: {  	_ =	shalt  }

// kernel: kernel.18.cloned.1.call-start
scs
__scs_entry_jumppad:
0x0: {  	(pc) =	sbr.rel $0x88, $3  }
0x1: {  	(tag) =	ssettag $0x0;
	lr =	simm.s32 $0x1  }
0x2: {  	[smem:$0x3F9B] =	sst lr;
	_ =	strace $0xD0000000  }
0x3: {  	_ = 	snop  }
0x4: {  	_ = 	snop  }
0x5: {  	_ = 	snop  }
0x6: {  	_ = 	snop  }
0x7: {  	_ = 	snop  }
__scs_overlays_trampoline_lowered:
0x8: {  	[smem:$0x3FAA] =	sst s0  }
0x9: {  	[smem:$0x3FAB] =	sst s1  }
0xa: {  	[smem:$0x3FAC] =	sst s2  }
0xb: {  	[smem:$0x3FAD] =	sst s3  }
0xc: {  	[smem:$0x3FAE] =	sst s4  }
0xd: {  	[smem:$0x3FAF] =	sst s5  }
0xe: {  	[smem:$0x3FB0] =	sst s6  }
0xf: {  	[smem:$0x3FB1] =	sst s7  }
0x10: {  	[smem:$0x3FB2] =	sst s8  }
0x11: {  	[smem:$0x3FB3] =	sst s9;
	s0 =	simm.s32 @!p0 $0x0  }
0x12: {  	s1 =	sld [smem:$0x3F99];
	s0 =	simm.s32 @p0 $0x1  }
0x13: {  	[smem:$0x3FB4] =	sst s0;
	s0 =	simm.s32 @!p1 $0x0  }
0x14: {  	s2 =	sld [smem:$0x3F98];
	s0 =	simm.s32 @p1 $0x1  }
0x15: {  	[smem:$0x3FB5] =	sst s0;
	s0 =	simm.s32 @!p2 $0x0  }
0x16: {  	s3 =	sld [smem:$0x3FDB];
	s0 =	simm.s32 @p2 $0x1  }
0x17: {  	s4 =	simm.s32 $0x1BF5;
	[smem:$0x3FB7] =	sst s0  }
0x18: {  	s0 =	sld [smem:$0x3F9A];
	_ =	swait.ge [sflag:s4], $0x0  }
0x19: {  	s7 =	sld [smem:$0x3F9B]  }
0x1a: {  	s8 =	sadd.s32 $0xFFFFE003, lr  }
0x1b: {  	s9 =	sadd.s32 $0xFFFFFEF7, lr;
	s5 =	simm.s32 $0xFFFFFFFF;
	p2 =	slt.u32 s8, $0xFFFFF086  }
0x1c: {  	p1 =	slt.u32 s9, $0xF7A;
	s5 =	simm.s32 @!p2 $0x0  }
0x1d: {  	s5 =	simm.s32 @p1 $0x1;
	p0 =	seq.s32 s7, s2  }
0x1e: {  	s7 =	smul.u32 @!p0 $0xF7A, s2;
	p2 =	seq.s32 @!p0 s5, $0x0  }
0x1f: {  	s9 =	smul.u32 $0xF7A, s1;
	s8 =	simm.s32 @!p0 $0x1BF5;
	p2 =	por !p2, p0  }
0x20: {  	[sflag:s8] =	ssyncset.s32 @!p0 $0xFFFFF086;
	s6 =	sadd.s32 @!p0 s3, s7;
	s7 =	simm.s32 @!p0 $0x108  }
0x21: {  	s3 =	sadd.s32 s3, s9;
	s6 =	sadd.s32 @!p0 $0x88, s6;
	s7 =	simm.s32 @p2 $0x1082  }
0x22: {  	[simem:s7], [sflag:s8] =	dma.local @!p0 [hbm:s6], $0xF7A  }
0x23: {  	s9 =	sor.u32 $0xD0000000, s2;
	s6 =	simm.s32 $0x108;
	_ =	swait.ge @!p0 [sflag:s8], $0x0  }
0x24: {  	s3 =	sadd.s32 $0x88, s3;
	s6 =	simm.s32 @!p1 $0x1082;
	[sflag:s4] =	ssyncset.s32 $0xFFFFF086  }
0x25: {  	[simem:s6], [sflag:s4] =	dma.local [hbm:s3], $0xF7A  }
0x26: {  	[smem:$0x3F9B] =	sst s1;
	(tag) =	ssettag s2;
	_ =	strace s9  }
0x27: {  	s1 =	sld [smem:$0x3FAB]  }
0x28: {  	s2 =	sld [smem:$0x3FAC]  }
0x29: {  	s4 =	sld [smem:$0x3FAE]  }
0x2a: {  	p0 =	seq.s32 s5, $0x0;
	s5 =	sld [smem:$0x3FAF]  }
0x2b: {  	s6 =	sld [smem:$0x3FB0]  }
0x2c: {  	s7 =	sld [smem:$0x3FB1]  }
0x2d: {  	s3 =	simm.s32 $0x108;
	s8 =	sld [smem:$0x3FB2]  }
0x2e: {  	s3 =	simm.s32 @!p0 $0x1082;
	s9 =	sld [smem:$0x3FB3]  }
0x2f: {  	lr =	sadd.s32 s0, s3;
	s0 =	sld [smem:$0x3FAA]  }
0x30: {  	s3 =	sld [smem:$0x3FAD]  }
0x31: {  	[smem:$0x3FB6] =	sst s10  }
0x32: {  	s10 =	sld [smem:$0x3FB4];
	_ =	sdelay $0x3  }
0x33: {  	p0 =	seq.s32 s10, $0x1;
	s10 =	sld [smem:$0x3FB6];
	_ =	sdelay $0x3  }
0x34: {  	[smem:$0x3FB6] =	sst s10  }
0x35: {  	s10 =	sld [smem:$0x3FB5];
	_ =	sdelay $0x3  }
0x36: {  	p1 =	seq.s32 s10, $0x1;
	s10 =	sld [smem:$0x3FB6];
	_ =	sdelay $0x3  }
0x37: {  	[smem:$0x3FB6] =	sst s10  }
0x38: {  	s10 =	sld [smem:$0x3FB7]  }
0x39: {  	_ = 	snop;
	(pc) =	sbr.ind lr, $3  }
0x3a: {  	_ = 	snop  }
0x3b: {  	_ = 	snop  }
0x3c: {  	p2 =	seq.s32 s10, $0x1;
	s10 =	sld [smem:$0x3FB6]  }
0x3d: {  	_ =	shalt  }
0x3e: {  	_ =	shalt  }
0x3f: {  	_ =	shalt  }
0x40: {  	_ =	shalt  }
0x41: {  	_ =	shalt  }
0x42: {  	_ =	shalt  }
0x43: {  	_ =	shalt  }
0x44: {  	_ =	shalt  }
0x45: {  	_ =	shalt  }
0x46: {  	_ =	shalt  }
0x47: {  	_ =	shalt  }
0x48: {  	_ =	shalt  }
0x49: {  	_ =	shalt  }
0x4a: {  	_ =	shalt  }
0x4b: {  	_ =	shalt  }
0x4c: {  	_ =	shalt  }
0x4d: {  	_ =	shalt  }
0x4e: {  	_ =	shalt  }
0x4f: {  	_ =	shalt  }
0x50: {  	_ =	shalt  }
0x51: {  	_ =	shalt  }
0x52: {  	_ =	shalt  }
0x53: {  	_ =	shalt  }
0x54: {  	_ =	shalt  }
0x55: {  	_ =	shalt  }
0x56: {  	_ =	shalt  }
0x57: {  	_ =	shalt  }
0x58: {  	_ =	shalt  }
0x59: {  	_ =	shalt  }
0x5a: {  	_ =	shalt  }
0x5b: {  	_ =	shalt  }
0x5c: {  	_ =	shalt  }
0x5d: {  	_ =	shalt  }
0x5e: {  	_ =	shalt  }
0x5f: {  	_ =	shalt  }
0x60: {  	_ =	shalt  }
0x61: {  	_ =	shalt  }
0x62: {  	_ =	shalt  }
0x63: {  	_ =	shalt  }
0x64: {  	_ =	shalt  }
0x65: {  	_ =	shalt  }
0x66: {  	_ =	shalt  }
0x67: {  	_ =	shalt  }
0x68: {  	_ =	shalt  }
0x69: {  	_ =	shalt  }
0x6a: {  	_ =	shalt  }
0x6b: {  	_ =	shalt  }
0x6c: {  	_ =	shalt  }
0x6d: {  	_ =	shalt  }
0x6e: {  	_ =	shalt  }
0x6f: {  	_ =	shalt  }
0x70: {  	_ =	shalt  }
0x71: {  	_ =	shalt  }
0x72: {  	_ =	shalt  }
0x73: {  	_ =	shalt  }
0x74: {  	_ =	shalt  }
0x75: {  	_ =	shalt  }
0x76: {  	_ =	shalt  }
0x77: {  	_ =	shalt  }
0x78: {  	_ =	shalt  }
0x79: {  	_ =	shalt  }
0x7a: {  	_ =	shalt  }
0x7b: {  	_ =	shalt  }
0x7c: {  	_ =	shalt  }
0x7d: {  	_ =	shalt  }
0x7e: {  	_ =	shalt  }
0x7f: {  	_ =	shalt  }
0x80: {  	_ =	shalt  }
0x81: {  	_ =	shalt  }
0x82: {  	_ =	shalt  }
0x83: {  	_ =	shalt  }
0x84: {  	_ =	shalt  }
0x85: {  	_ =	shalt  }
0x86: {  	_ =	shalt  }
0x87: {  	_ =	shalt  }
.Lfunc_end0:
.L_simem_size_0:
called_computation.2_lowered:
.L_overlay_start_0:
0x88: {  	s2 =	sld [smem:$0x3FD9]  }
0x89: {  	s3 =	sld [smem:$0x3FFE];
	_ =	sdelay $0x1  }
0x8a: {  	s1 =	srdreg.scid  }
0x8b: {  	s0 =	sand.u32 $0x1, s1  }
0x8c: {  	s17 =	sshll.u32 s0, $0xA;
	s2 =	sadd.s32 s3, s2  }
0x8d: {  	s2 =	sadd.s32 s2, s17  }
0x8e: {  	[smem:$0x3FC2] =	sst s2  }
0x8f: {  	_ = 	snop  }
0x90: {  	s2 =	sld [smem:$0x3FD0];
	(tm) =	ssettm $0x1  }
0x91: {  	s18 =	sld [smem:$0x3FFB];
	_ =	sdelay $0x3  }
0x92: {  	_ =	strace s18  }
0x93: {  	s3 =	sld [smem:$0x3FFC];
	_ =	sdelay $0x3  }
0x94: {  	_ =	strace s3  }
0x95: {  	s3 =	sld [smem:$0x3FFD];
	_ =	sdelay $0x3  }
0x96: {  	_ =	strace s3  }
0x97: {  	_ =	strace $0x8FFFFFFF  }
0x98: {  	s19 =	sld [smem:$0x3FDB];
	_ =	sdelay $0x1  }
0x99: {  	s4 =	simm.s32 $_scs_section_size  }
0x9a: {  	s5 =	simm.s32 $_size__tile_overlayer_lowered;
	s6 =	simm.s32 $_tile_overlayer_lowered  }
0x9b: {  	s22 =	simm.s32 $0x1BFF;
	s21 =	sshll.u32 s6, $0x1;
	s3 =	sadd.s32 s4, s19  }
0x9c: {  	s7 =	simm.s32 $0x0;
	s20 =	sshll.u32 s5, $0x1;
	s5 =	sadd.s32 s21, s3  }
0x9d: {  	[timem:s7], [sflag:s22] =	dma.local [hbm:s5], s20  }
0x9e: {  	_ =	swait.ge [sflag:s22], s20  }
0x9f: {  	s4 =	ssub.s32 $0x0, s20;
	[sflag:s22] =	ssyncset.done $0x0  }
0xa0: {  	[sflag:s22] =	ssyncadd.s32 s4;
	_ =	sdelay $0x1  }
0xa1: {  	s23 =	simm.s32 $0x1B8B  }
0xa2: {  	_ =	swait.ge [sflag:s23], $0x1  }
0xa3: {  	[sflag:s23] =	ssyncset.done $0x0  }
0xa4: {  	s25 =	simm.s32 $0x1B8E;
	s24 =	sld [smem:$0x3FFE];
	[sflag:s23] =	ssyncadd.s32 $0xFFFFFFFF  }
0xa5: {  	s26 =	simm.s32 $execute0_lowered;
	[smem:$0x3FD2] =	sst s25  }
0xa6: {  	s5 =	sshll.u32 s26, $0x1;
	_ =	strace $0x8000004C;
	[dreg:$0x1] =	wrdreg $0xFFFFFFFF  }
0xa7: {  	s28 =	simm.s32 $_size_execute0_lowered;
	s3 =	sadd.s32 s3, s5;
	[dreg:$0x0] =	wrdreg $0x0  }
0xa8: {  	s5 =	sshll.u32 s28, $0x1;
	[dreg:$0x2] =	wrdreg s3  }
0xa9: {  	[dreg:$0x3] =	wrdreg s5  }
0xaa: {  	[dreg:$0x4] =	wrdreg $0xC0  }
0xab: {  	_ =	task [dreg:s7], $0x5FFFF  }
0xac: {  	[dreg:$0x1] =	wrdreg $0xFFFFFFFF  }
0xad: {  	[dreg:$0x0] =	wrdreg $0x60  }
0xae: {  	[dreg:$0x2] =	wrdreg s24  }
0xaf: {  	[dreg:$0x3] =	wrdreg s2  }
0xb0: {  	[dreg:$0x4] =	wrdreg $0x9C000  }
0xb1: {  	[dreg:$0x5] =	wrdreg $0x9  }
0xb2: {  	_ =	task.clear_ibuf [dreg:s7], $0x6FFFF;
	_ =	strace $0x9000004C  }
0xb3: {  	s29 =	simm.s32 $0x9;
	_ =	strace $0x8000004E  }
0xb4: {  	_ =	swait.ge [sflag:s29], $0x1  }
0xb5: {  	[sflag:s29] =	ssyncadd.s32 $0xFFFFFFFF  }
0xb6: {  	_ =	strace $0x9000004E  }
0xb7: {  	_ =	sfence  }
0xb8: {  	s30 =	sld [smem:$0x0];
	_ =	sdelay $0x2  }
0xb9: {  	s31 =	sshll.u32 s1, $0xD;
	s1 =	sshrl.u32 s1, $0x2  }
0xba: {  	s3 =	sand.u32 $0x4000, s31;
	s1 =	sadd.s32 s1, s30  }
0xbb: {  	s0 =	sor.u32 s3, s0;
	s1 =	sshll.u32 s1, $0x11  }
0xbc: {  	s0 =	sor.u32 s1, s0  }
0xbd: {  	s0 =	sadd.s32 $0x8F2B, s0  }
0xbe: {  	[sflag:s0] =	ssyncadd.remote.s32 $0x1  }
0xbf: {  	_ =	sfence.sel $0xFFFF  }
0xc0: {  	[dreg:$0x0] =	wrdreg $0xFFFFFFFF;
	(pc) =	sbr.abs _section_cstart, $3  }
0xc1: {  	[dreg:$0x1] =	wrdreg $0xFFFFFFFF  }
0xc2: {  	_ =	task.clear_ibuf [dreg:s7], $0x2FFFF;
	_ =	strace $0x9FFFFFFF  }
0xc3: {  	(tm) =	ssettm $0x7FFFFFFF  }
tec
execute0_lowered:
.L_overlay_start_1:
0x0: {  	(tag) =	ssettag $0x1  }
0x1: {  	s0 =	rddreg [dreg:$0x0]  }
0x2: {  	s1 =	rddreg [dreg:$0x1]  }
0x3: {  	s2 =	rddreg [dreg:$0x2]  }
0x4: {  	s3 =	simm.s32 $0x0;
	s4 =	srdreg.scid;
	s13 =	stileid.u32  }
0x5: {  	s14 =	simm.s32 $0x6;
	s16 =	simm.s32 $0x28;
	s17 =	simm.s32 $0x3800  }
0x6: {  	s28 =	simm.s32 $0x2;
	s29 =	simm.s32 $0x3;
	s30 =	simm.s32 $0x4  }
0x7: {  	s31 =	simm.s32 $0x5;
	s15 =	simm.s32 $0x3300;
	[smem:$0x7FF] =	sst s3  }
0x8: {  	s4 =	sand.u32 $0x1, s4;
	s5 =	sadd.s32 $0x3F000, s0;
	s8 =	smul.u32 $0x14000, s13  }
0x9: {  	s9 =	sshll.u32 s13, $0x1;
	s10 =	sadd.s32 $0x67000, s0;
	s12 =	smul.u32 $0x50000, s13  }
0xa: {  	s6 =	sadd.s32 $0x1C000, s0;
	s24 =	smul.u32 $0x2800, s13;
	_ =	strace $0x8000004D  }
0xb: {  	s7 =	smul.u32 $0x140000, s4;
	s9 =	sor.u32 s4, s9;
	s11 =	ssub.s32 $0x2, s4  }
0xc: {  	p0 =	seq.s32 s4, $0x1;
	s18 =	sshrl.u32 s11, $0x1;
	s22 =	sshrl.u32 s12, $0x2  }
0xd: {  	s8 =	sadd.s32 s8, s7;
	s7 =	smul.u32 $0x8C00, s9;
	s19 =	ssub.s32 s11, s18  }
0xe: {  	s23 =	sadd.s32 s22, s2;
	s18 =	simm.s32 $0x3380;
	s22 =	simm.s32 $0x3480  }
0xf: {  	s8 =	sshrl.u32 s8, $0x3;
	[dreg:$0x6] =	wrdreg s23;
	s25 =	smax.u32 s19, $0x1  }
0x10: {  	s19 =	simm.s32 $0x4C00;
	s23 =	simm.s32 $0x7400;
	s20 =	sshrl.u32 s7, $0x3  }
0x11: {  	s0 =	sadd.s32 s8, s0;
	[dreg:$0x8] =	wrdreg s25;
	s21 =	sadd.s32 s1, s20  }
0x12: {  	s25 =	simm.s32 $0x8800;
	s9 =	sadd.s32 s6, s20;
	[dreg:$0x4] =	wrdreg s21  }
0x13: {  	s0 =	sadd.s32 $0x8F000, s0;
	[dreg:$0x5] =	wrdreg s9;
	s9 =	smov.u32 s5  }
0x14: {  	s20 =	simm.s32 $0x3400;
	[dreg:$0x7] =	wrdreg s0;
	s9 =	smov.u32 @p0 s10  }
0x15: {  	s21 =	simm.s32 $0x6000;
	s0 =	simm.s32 $0x3280;
	s26 =	sadd.s32 s9, s24  }
0x16: {  	s24 =	simm.s32 $0x0;
	[dreg:$0x9] =	wrdreg s26;
	s26 =	simm.s32 $0x1  }
.LBB2_1:
0x17: {  	s4 =	rddreg [dreg:$0x4]  }
0x18: {  	[tilespmem:s3], [sflag:$0x6] =	stream.linear.gather [hbm4b:s4+s3], $0x1900, $0x38;
	[tilespmem:$0x1DC00] =	vst v63  }
0x19: {  	_ =	swait.ge [sflag:s14], $0x1900  }
0x1a: {  	[sflag:s14] =	ssyncset.done $0x0  }
0x1b: {  	s8 =	simm.s32 $0x1C00;
	s13 =	rddreg [dreg:$0x5];
	[sflag:s14] =	ssyncadd.s32 $0xFFFFE700  }
0x1c: {  	[tilespmem:s8], [sflag:$0x6] =	stream.linear.gather [hbm4b:s13+s3], $0x1900, $0x38;
	[tilespmem:$0x1DC00] =	vst v63  }
0x1d: {  	_ =	swait.ge [sflag:s14], $0x1900  }
0x1e: {  	[sflag:s14] =	ssyncset.done $0x0  }
0x1f: {  	[sflag:s14] =	ssyncadd.s32 $0xFFFFE700  }
0x20: {  	[tilespmem:s17], [sflag:$0x1] =	stream.indirect.gather [hbm4b:s5+s16], $0x80, s3, s16, $0xb8;
	[tilespmem:$0x1DC00] =	vst v63  }
0x21: {  	s8 =	simm.s32 $0x80  }
0x22: {  	[tilespmem:s19], [sflag:$0x2] =	stream.indirect.gather [hbm4b:s5+s16], $0x80, s8, s16, $0xb8;
	[tilespmem:$0x1DC00] =	vst v63  }
0x23: {  	s9 =	simm.s32 $0x100;
	s10 =	simm.s32 $0x180;
	s12 =	stileid.u32  }
0x24: {  	[tilespmem:s21], [sflag:$0x3] =	stream.indirect.gather [hbm4b:s5+s16], $0x80, s9, s16, $0xb8;
	[tilespmem:$0x1DC00] =	vst v63  }
0x25: {  	s11 =	simm.s32 $0x200;
	s4 =	sshll.u32 s12, $0x6;
	s13 =	rddreg [dreg:$0x6]  }
0x26: {  	[tilespmem:s23], [sflag:$0x4] =	stream.indirect.gather [hbm4b:s5+s16], $0x80, s10, s16, $0xb8;
	[tilespmem:$0x1DC00] =	vst v63  }
0x27: {  	s4 =	sor.u32 $0x1C06, s4;
	s8 =	sshrl.u32 s13, $0x3;
	s9 =	rddreg [dreg:$0x9]  }
0x28: {  	[tilespmem:s25], [sflag:$0x5] =	stream.indirect.gather [hbm4b:s5+s16], $0x80, s11, s16, $0xb8;
	[tilespmem:$0x1DC00] =	vst v63  }
0x29: {  	[spmem:s8], [sflag:s4] =	dma.local [hbm:s9], $0x2800  }
0x2a: {  	_ =	swait.ge [sflag:s14], $0x2800  }
0x2b: {  	[sflag:s14] =	ssyncset.done $0x0  }
0x2c: {  	[sflag:s14] =	ssyncadd.s32 $0xFFFFD800  }
0x2d: {  	s9 =	simm.s32 $0x0;
	[bflag:$0x0] =	sbarrier.arrive $0xFFFF  }
.LBB2_2:
0x2e: {  	p0 =	seq.s32 s9, $0x0  }
0x2f: {  	s10 =	smul.u32 @!p0 $0x1C00, s9;
	_ =	sdelay $0x1  }
0x30: {  	s10 =	sadd.s32 @!p0 s7, s10  }
0x31: {  	s10 =	sshrl.u32 @!p0 s10, $0x3  }
0x32: {  	s12 =	simm.s32 @!p0 $0x0;
	s11 =	sadd.s32 @!p0 s1, s10  }
0x33: {  	[tilespmem:s12], [sflag:$0x6] =	stream.linear.gather @!p0 [hbm4b:s11+s12], $0x1900, $0x38;
	[tilespmem:$0x1DC00] =	vst v63  }
0x34: {  	s11 =	simm.s32 @!p0 $0x6  }
0x35: {  	_ =	swait.ge @!p0 [sflag:s11], $0x1900  }
0x36: {  	[sflag:s11] =	ssyncset.done @!p0 $0x0  }
0x37: {  	s13 =	simm.s32 @!p0 $0x1C00;
	s10 =	sadd.s32 @!p0 s6, s10;
	[sflag:s11] =	ssyncadd.s32 @!p0 $0xFFFFE700  }
0x38: {  	[tilespmem:s13], [sflag:$0x6] =	stream.linear.gather @!p0 [hbm4b:s10+s12], $0x1900, $0x38;
	[tilespmem:$0x1DC00] =	vst v63  }
0x39: {  	_ =	swait.ge @!p0 [sflag:s11], $0x1900  }
0x3a: {  	[sflag:s11] =	ssyncset.done @!p0 $0x0  }
0x3b: {  	s10 =	simm.s32 @!p0 $0x28;
	[sflag:s11] =	ssyncadd.s32 @!p0 $0xFFFFE700;
	s11 =	simm.s32 @!p0 $0x3800  }
0x3c: {  	[tilespmem:s11], [sflag:$0x1] =	stream.indirect.gather @!p0 [hbm4b:s5+s10], $0x80, s12, s10, $0xb8;
	[tilespmem:$0x1DC00] =	vst v63  }
0x3d: {  	s11 =	simm.s32 @!p0 $0x80;
	s12 =	simm.s32 @!p0 $0x4C00  }
0x3e: {  	[tilespmem:s12], [sflag:$0x2] =	stream.indirect.gather @!p0 [hbm4b:s5+s10], $0x80, s11, s10, $0xb8;
	[tilespmem:$0x1DC00] =	vst v63  }
0x3f: {  	s11 =	simm.s32 @!p0 $0x100;
	s12 =	simm.s32 @!p0 $0x6000  }
0x40: {  	[tilespmem:s12], [sflag:$0x3] =	stream.indirect.gather @!p0 [hbm4b:s5+s10], $0x80, s11, s10, $0xb8;
	[tilespmem:$0x1DC00] =	vst v63  }
0x41: {  	s11 =	simm.s32 @!p0 $0x180;
	s12 =	simm.s32 @!p0 $0x7400  }
0x42: {  	[tilespmem:s12], [sflag:$0x4] =	stream.indirect.gather @!p0 [hbm4b:s5+s10], $0x80, s11, s10, $0xb8;
	[tilespmem:$0x1DC00] =	vst v63  }
0x43: {  	s11 =	simm.s32 @!p0 $0x200;
	s12 =	simm.s32 @!p0 $0x8800  }
0x44: {  	[tilespmem:s12], [sflag:$0x5] =	stream.indirect.gather @!p0 [hbm4b:s5+s10], $0x80, s11, s10, $0xb8;
	[tilespmem:$0x1DC00] =	vst v63  }
0x45: {  	_ =	swait.ge [sflag:s26], $0x1400  }
0x46: {  	[sflag:s26] =	ssyncset.done $0x0  }
0x47: {  	s11 =	simm.s32 $0x1C00;
	[sflag:s26] =	ssyncadd.s32 $0xFFFFEC00  }
0x48: {  	[spmem:s2] =	stream.indirect.scatter.add.f32 [tilespmem:s17], [sflag:$0x6], $0x80, s11, s16, $0xb8;
	[tilespmem:$0x1DC00] =	vst v63  }
0x49: {  	_ =	swait.ge [sflag:s14], $0x1400  }
0x4a: {  	[sflag:s14] =	ssyncset.done $0x0  }
0x4b: {  	s12 =	simm.s32 $0x280;
	[sflag:s14] =	ssyncadd.s32 $0xFFFFEC00  }
0x4c: {  	[tilespmem:s17], [sflag:$0x1] =	stream.indirect.gather [hbm4b:s5+s16], $0x80, s12, s16, $0xb8;
	[tilespmem:$0x1DC00] =	vst v63  }
0x4d: {  	_ =	swait.ge [sflag:s28], $0x1400  }
0x4e: {  	[sflag:s28] =	ssyncset.done $0x0  }
0x4f: {  	s13 =	simm.s32 $0x1C80;
	[sflag:s28] =	ssyncadd.s32 $0xFFFFEC00  }
0x50: {  	[spmem:s2] =	stream.indirect.scatter.add.f32 [tilespmem:s19], [sflag:$0x6], $0x80, s13, s16, $0xb8;
	[tilespmem:$0x1DC00] =	vst v63  }
0x51: {  	_ =	swait.ge [sflag:s14], $0x1400  }
0x52: {  	[sflag:s14] =	ssyncset.done $0x0  }
0x53: {  	s11 =	simm.s32 $0x300;
	[sflag:s14] =	ssyncadd.s32 $0xFFFFEC00  }
0x54: {  	[tilespmem:s19], [sflag:$0x2] =	stream.indirect.gather [hbm4b:s5+s16], $0x80, s11, s16, $0xb8;
	[tilespmem:$0x1DC00] =	vst v63  }
0x55: {  	_ =	swait.ge [sflag:s29], $0x1400  }
0x56: {  	[sflag:s29] =	ssyncset.done $0x0  }
0x57: {  	s12 =	simm.s32 $0x1D00;
	[sflag:s29] =	ssyncadd.s32 $0xFFFFEC00  }
0x58: {  	[spmem:s2] =	stream.indirect.scatter.add.f32 [tilespmem:s21], [sflag:$0x6], $0x80, s12, s16, $0xb8;
	[tilespmem:$0x1DC00] =	vst v63  }
0x59: {  	_ =	swait.ge [sflag:s14], $0x1400  }
0x5a: {  	[sflag:s14] =	ssyncset.done $0x0  }
0x5b: {  	s13 =	simm.s32 $0x380;
	[sflag:s14] =	ssyncadd.s32 $0xFFFFEC00  }
0x5c: {  	[tilespmem:s21], [sflag:$0x3] =	stream.indirect.gather [hbm4b:s5+s16], $0x80, s13, s16, $0xb8;
	[tilespmem:$0x1DC00] =	vst v63  }
0x5d: {  	_ =	swait.ge [sflag:s30], $0x1400  }
0x5e: {  	[sflag:s30] =	ssyncset.done $0x0  }
0x5f: {  	s11 =	simm.s32 $0x1D80;
	[sflag:s30] =	ssyncadd.s32 $0xFFFFEC00  }
0x60: {  	[spmem:s2] =	stream.indirect.scatter.add.f32 [tilespmem:s23], [sflag:$0x6], $0x80, s11, s16, $0xb8;
	[tilespmem:$0x1DC00] =	vst v63  }
0x61: {  	_ =	swait.ge [sflag:s14], $0x1400  }
0x62: {  	[sflag:s14] =	ssyncset.done $0x0  }
0x63: {  	s12 =	simm.s32 $0x400;
	[sflag:s14] =	ssyncadd.s32 $0xFFFFEC00  }
0x64: {  	[tilespmem:s23], [sflag:$0x4] =	stream.indirect.gather [hbm4b:s5+s16], $0x80, s12, s16, $0xb8;
	[tilespmem:$0x1DC00] =	vst v63  }
0x65: {  	_ =	swait.ge [sflag:s31], $0x1400  }
0x66: {  	[sflag:s31] =	ssyncset.done $0x0  }
0x67: {  	s13 =	simm.s32 $0x1E00;
	[sflag:s31] =	ssyncadd.s32 $0xFFFFEC00  }
0x68: {  	[spmem:s2] =	stream.indirect.scatter.add.f32 [tilespmem:s25], [sflag:$0x6], $0x80, s13, s16, $0xb8;
	[tilespmem:$0x1DC00] =	vst v63  }
0x69: {  	_ =	swait.ge [sflag:s14], $0x1400  }
0x6a: {  	[sflag:s14] =	ssyncset.done $0x0  }
0x6b: {  	s10 =	simm.s32 $0xA00;
	s11 =	simm.s32 $0x480;
	[sflag:s14] =	ssyncadd.s32 $0xFFFFEC00  }
.LBB2_3:
0x6c: {  	[tilespmem:s25], [sflag:$0x5] =	stream.indirect.gather [hbm4b:s5+s16], $0x80, s11, s16, $0xb8;
	[tilespmem:$0x1DC00] =	vst v63  }
0x6d: {  	s11 =	smov.u32 s10  }
0x6e: {  	p0 =	sne.s32 s10, $0x5000;
	s10 =	sadd.s32 $0xA00, s10;
	_ =	swait.ge [sflag:s26], $0x1400  }
0x6f: {  	s11 =	sshra.s32 s11, $0x2;
	[sflag:s26] =	ssyncset.done $0x0  }
0x70: {  	s12 =	sadd.s32 $0x1C00, s11;
	[sflag:s26] =	ssyncadd.s32 $0xFFFFEC00  }
0x71: {  	[spmem:s2] =	stream.indirect.scatter.add.f32 [tilespmem:s17], [sflag:$0x6], $0x80, s12, s16, $0xb8;
	[tilespmem:$0x1DC00] =	vst v63  }
0x72: {  	_ =	swait.ge [sflag:s14], $0x1400  }
0x73: {  	[sflag:s14] =	ssyncset.done $0x0  }
0x74: {  	s12 =	sadd.s32 $0x280, s11;
	[sflag:s14] =	ssyncadd.s32 $0xFFFFEC00  }
0x75: {  	[tilespmem:s17], [sflag:$0x1] =	stream.indirect.gather [hbm4b:s5+s16], $0x80, s12, s16, $0xb8;
	[tilespmem:$0x1DC00] =	vst v63  }
0x76: {  	_ =	swait.ge [sflag:s28], $0x1400  }
0x77: {  	[sflag:s28] =	ssyncset.done $0x0  }
0x78: {  	s12 =	sadd.s32 $0x1C80, s11;
	[sflag:s28] =	ssyncadd.s32 $0xFFFFEC00  }
0x79: {  	[spmem:s2] =	stream.indirect.scatter.add.f32 [tilespmem:s19], [sflag:$0x6], $0x80, s12, s16, $0xb8;
	[tilespmem:$0x1DC00] =	vst v63  }
0x7a: {  	_ =	swait.ge [sflag:s14], $0x1400  }
0x7b: {  	[sflag:s14] =	ssyncset.done $0x0  }
0x7c: {  	s12 =	sadd.s32 $0x300, s11;
	[sflag:s14] =	ssyncadd.s32 $0xFFFFEC00  }
0x7d: {  	[tilespmem:s19], [sflag:$0x2] =	stream.indirect.gather [hbm4b:s5+s16], $0x80, s12, s16, $0xb8;
	[tilespmem:$0x1DC00] =	vst v63  }
0x7e: {  	_ =	swait.ge [sflag:s29], $0x1400  }
0x7f: {  	[sflag:s29] =	ssyncset.done $0x0  }
0x80: {  	s12 =	sadd.s32 $0x1D00, s11;
	[sflag:s29] =	ssyncadd.s32 $0xFFFFEC00  }
0x81: {  	[spmem:s2] =	stream.indirect.scatter.add.f32 [tilespmem:s21], [sflag:$0x6], $0x80, s12, s16, $0xb8;
	[tilespmem:$0x1DC00] =	vst v63  }
0x82: {  	_ =	swait.ge [sflag:s14], $0x1400  }
0x83: {  	[sflag:s14] =	ssyncset.done $0x0  }
0x84: {  	s12 =	sadd.s32 $0x380, s11;
	[sflag:s14] =	ssyncadd.s32 $0xFFFFEC00  }
0x85: {  	[tilespmem:s21], [sflag:$0x3] =	stream.indirect.gather [hbm4b:s5+s16], $0x80, s12, s16, $0xb8;
	[tilespmem:$0x1DC00] =	vst v63  }
0x86: {  	_ =	swait.ge [sflag:s30], $0x1400  }
0x87: {  	[sflag:s30] =	ssyncset.done $0x0  }
0x88: {  	s12 =	sadd.s32 $0x1D80, s11;
	[sflag:s30] =	ssyncadd.s32 $0xFFFFEC00  }
0x89: {  	[spmem:s2] =	stream.indirect.scatter.add.f32 [tilespmem:s23], [sflag:$0x6], $0x80, s12, s16, $0xb8;
	[tilespmem:$0x1DC00] =	vst v63  }
0x8a: {  	_ =	swait.ge [sflag:s14], $0x1400  }
0x8b: {  	[sflag:s14] =	ssyncset.done $0x0  }
0x8c: {  	s12 =	sadd.s32 $0x400, s11;
	[sflag:s14] =	ssyncadd.s32 $0xFFFFEC00  }
0x8d: {  	[tilespmem:s23], [sflag:$0x4] =	stream.indirect.gather [hbm4b:s5+s16], $0x80, s12, s16, $0xb8;
	[tilespmem:$0x1DC00] =	vst v63  }
0x8e: {  	_ =	swait.ge [sflag:s31], $0x1400  }
0x8f: {  	[sflag:s31] =	ssyncset.done $0x0  }
.Ltmp0:
0x90: {  	s12 =	sadd.s32 $0x1E00, s11;
	[sflag:s31] =	ssyncadd.s32 $0xFFFFEC00;
	(pc) =	sbr.rel @p0 .LBB2_3-.Ltmp0, $4  }
0x91: {  	[spmem:s2] =	stream.indirect.scatter.add.f32 [tilespmem:s25], [sflag:$0x6], $0x80, s12, s16, $0xb8;
	[tilespmem:$0x1DC00] =	vst v63  }
0x92: {  	_ =	swait.ge [sflag:s14], $0x1400  }
0x93: {  	[sflag:s14] =	ssyncset.done $0x0  }
0x94: {  	s11 =	sadd.s32 $0x480, s11;
	[sflag:s14] =	ssyncadd.s32 $0xFFFFEC00  }
0x95: {  	[tilespmem:s25], [sflag:$0x5] =	stream.indirect.gather [hbm4b:s5+s16], $0x80, s11, s16, $0xb8;
	[tilespmem:$0x1DC00] =	vst v63  }
0x96: {  	_ =	swait.ge [sflag:s26], $0x1400  }
0x97: {  	[sflag:s26] =	ssyncset.done $0x0  }
0x98: {  	[sflag:s26] =	ssyncadd.s32 $0xFFFFEC00  }
0x99: {  	[spmem:s2] =	stream.indirect.scatter.add.f32 [tilespmem:s17], [sflag:$0x6], $0x80, s0, s16, $0xb8;
	[tilespmem:$0x1DC00] =	vst v63  }
0x9a: {  	_ =	swait.ge [sflag:s14], $0x1400  }
0x9b: {  	[sflag:s14] =	ssyncset.done $0x0  }
0x9c: {  	[sflag:s14] =	ssyncadd.s32 $0xFFFFEC00  }
0x9d: {  	_ =	swait.ge [sflag:s28], $0x1400  }
0x9e: {  	[sflag:s28] =	ssyncset.done $0x0  }
0x9f: {  	[sflag:s28] =	ssyncadd.s32 $0xFFFFEC00  }
0xa0: {  	[spmem:s2] =	stream.indirect.scatter.add.f32 [tilespmem:s19], [sflag:$0x6], $0x80, s15, s16, $0xb8;
	[tilespmem:$0x1DC00] =	vst v63  }
0xa1: {  	_ =	swait.ge [sflag:s14], $0x1400  }
0xa2: {  	[sflag:s14] =	ssyncset.done $0x0  }
0xa3: {  	[sflag:s14] =	ssyncadd.s32 $0xFFFFEC00  }
0xa4: {  	_ =	swait.ge [sflag:s29], $0x1400  }
0xa5: {  	[sflag:s29] =	ssyncset.done $0x0  }
0xa6: {  	[sflag:s29] =	ssyncadd.s32 $0xFFFFEC00  }
0xa7: {  	[spmem:s2] =	stream.indirect.scatter.add.f32 [tilespmem:s21], [sflag:$0x6], $0x80, s18, s16, $0xb8;
	[tilespmem:$0x1DC00] =	vst v63  }
0xa8: {  	_ =	swait.ge [sflag:s14], $0x1400  }
0xa9: {  	[sflag:s14] =	ssyncset.done $0x0  }
0xaa: {  	[sflag:s14] =	ssyncadd.s32 $0xFFFFEC00  }
0xab: {  	_ =	swait.ge [sflag:s30], $0x1400  }
0xac: {  	[sflag:s30] =	ssyncset.done $0x0  }
0xad: {  	[sflag:s30] =	ssyncadd.s32 $0xFFFFEC00  }
0xae: {  	[spmem:s2] =	stream.indirect.scatter.add.f32 [tilespmem:s23], [sflag:$0x6], $0x80, s20, s16, $0xb8;
	[tilespmem:$0x1DC00] =	vst v63  }
0xaf: {  	_ =	swait.ge [sflag:s14], $0x1400  }
0xb0: {  	[sflag:s14] =	ssyncset.done $0x0  }
0xb1: {  	[sflag:s14] =	ssyncadd.s32 $0xFFFFEC00  }
0xb2: {  	s9 =	sadd.s32 $0x1, s9;
	_ =	swait.ge [sflag:s31], $0x1400  }
0xb3: {  	p0 =	sne.s32 s9, $0x5;
	[sflag:s31] =	ssyncset.done $0x0  }
.Ltmp1:
0xb4: {  	[sflag:s31] =	ssyncadd.s32 $0xFFFFEC00;
	(pc) =	sbr.rel @p0 .LBB2_2-.Ltmp1, $4  }
0xb5: {  	[spmem:s2] =	stream.indirect.scatter.add.f32 [tilespmem:s25], [sflag:$0x6], $0x80, s22, s16, $0xb8;
	[tilespmem:$0x1DC00] =	vst v63  }
0xb6: {  	_ =	swait.ge [sflag:s14], $0x1400  }
0xb7: {  	[sflag:s14] =	ssyncset.done $0x0  }
0xb8: {  	[sflag:s14] =	ssyncadd.s32 $0xFFFFEC00  }
0xb9: {  	[bflag:$0x0] =	sbarrier.arrive $0xFFFF  }
0xba: {  	s9 =	rddreg [dreg:$0x7]  }
0xbb: {  	[hbm:s9], [sflag:s4] =	dma.local [spmem:s8], $0x2800  }
0xbc: {  	_ =	swait.ge [sflag:s14], $0x2800  }
0xbd: {  	s24 =	sadd.s32 $0x1, s24;
	s13 =	rddreg [dreg:$0x8]  }
0xbe: {  	p0 =	sne.s32 s24, s13  }
.Ltmp2:
0xbf: {  	_ = 	snop;
	(pc) =	sbr.rel @p0 .LBB2_1-.Ltmp2, $3  }
0xc0: {  	_ =	sdelay $0x1  }
0xc1: {  	[sflag:s14] =	ssyncset.done $0x0  }
0xc2: {  	[sflag:s14] =	ssyncadd.s32 $0xFFFFD800  }
0xc3: {  	_ =	sfence.sel $0x180000  }
0xc4: {  	[bflag:$0x0] =	sbarrier.arrive $0xFFFF  }
0xc5: {  	_ =	strace $0x9000004D  }
0xc6: {  	s0 =	stileid.u32;
	[bflag:$0x2] =	sbarrier.arrive $0xFFFF  }
0xc7: {  	p0 =	sne.s32 s0, $0x0;
	s0 =	rddreg [dreg:$0x3]  }
0xc8: {  	s0 =	sadd.s32 @!p0 $0x100000, s0  }
0xc9: {  	[sflag:s0] =	ssyncadd.tile.s32 @!p0 $0x1;
	_ =	shalt  }
.Lfunc_end2:
_tile_overlayer_lowered:
.L_overlay_start_2:
0xca: {  	(tag) =	ssettag $0x2  }
0xcb: {  	s0 =	rddreg [dreg:$0x0];
	s2 =	stileid.u32  }
0xcc: {  	s1 =	rddreg [dreg:$0x1];
	p0 =	sne.s32 s2, $0x0  }
0xcd: {  	s3 =	rddreg [dreg:$0x2];
	[bflag:$0x3] =	sbarrier.arrive $0xFFFF;
	s2 =	simm.s32 @!p0 $0x1C06  }
0xce: {  	[timem:s3], [sflag:s2] =	dma.local @!p0 [hbm:s0], s1  }
0xcf: {  	s0 =	simm.s32 @!p0 $0x6  }
0xd0: {  	_ =	swait.ge @!p0 [sflag:s0], s1  }
0xd1: {  	s1 =	ssub.s32 @!p0 $0x0, s1;
	[sflag:s0] =	ssyncset.done @!p0 $0x0  }
0xd2: {  	[sflag:s0] =	ssyncadd.s32 @!p0 s1  }
0xd3: {  	[bflag:$0x3] =	sbarrier.arrive $0xFFFF  }
0xd4: {  	_ =	shalt  }

// kernel: kernel.21.cloned.1.call-start
scs
__scs_entry_jumppad:
0x0: {  	(pc) =	sbr.rel $0x88, $3  }
0x1: {  	(tag) =	ssettag $0x0;
	lr =	simm.s32 $0x1  }
0x2: {  	[smem:$0x3F9B] =	sst lr;
	_ =	strace $0xD0000000  }
0x3: {  	_ = 	snop  }
0x4: {  	_ = 	snop  }
0x5: {  	_ = 	snop  }
0x6: {  	_ = 	snop  }
0x7: {  	_ = 	snop  }
__scs_overlays_trampoline_lowered:
0x8: {  	[smem:$0x3FAA] =	sst s0  }
0x9: {  	[smem:$0x3FAB] =	sst s1  }
0xa: {  	[smem:$0x3FAC] =	sst s2  }
0xb: {  	[smem:$0x3FAD] =	sst s3  }
0xc: {  	[smem:$0x3FAE] =	sst s4  }
0xd: {  	[smem:$0x3FAF] =	sst s5  }
0xe: {  	[smem:$0x3FB0] =	sst s6  }
0xf: {  	[smem:$0x3FB1] =	sst s7  }
0x10: {  	[smem:$0x3FB2] =	sst s8  }
0x11: {  	[smem:$0x3FB3] =	sst s9;
	s0 =	simm.s32 @!p0 $0x0  }
0x12: {  	s1 =	sld [smem:$0x3F99];
	s0 =	simm.s32 @p0 $0x1  }
0x13: {  	[smem:$0x3FB4] =	sst s0;
	s0 =	simm.s32 @!p1 $0x0  }
0x14: {  	s2 =	sld [smem:$0x3F98];
	s0 =	simm.s32 @p1 $0x1  }
0x15: {  	[smem:$0x3FB5] =	sst s0;
	s0 =	simm.s32 @!p2 $0x0  }
0x16: {  	s3 =	sld [smem:$0x3FDB];
	s0 =	simm.s32 @p2 $0x1  }
0x17: {  	s4 =	simm.s32 $0x1BF5;
	[smem:$0x3FB7] =	sst s0  }
0x18: {  	s0 =	sld [smem:$0x3F9A];
	_ =	swait.ge [sflag:s4], $0x0  }
0x19: {  	s7 =	sld [smem:$0x3F9B]  }
0x1a: {  	s8 =	sadd.s32 $0xFFFFE003, lr  }
0x1b: {  	s9 =	sadd.s32 $0xFFFFFEF7, lr;
	s5 =	simm.s32 $0xFFFFFFFF;
	p2 =	slt.u32 s8, $0xFFFFF086  }
0x1c: {  	p1 =	slt.u32 s9, $0xF7A;
	s5 =	simm.s32 @!p2 $0x0  }
0x1d: {  	s5 =	simm.s32 @p1 $0x1;
	p0 =	seq.s32 s7, s2  }
0x1e: {  	s7 =	smul.u32 @!p0 $0xF7A, s2;
	p2 =	seq.s32 @!p0 s5, $0x0  }
0x1f: {  	s9 =	smul.u32 $0xF7A, s1;
	s8 =	simm.s32 @!p0 $0x1BF5;
	p2 =	por !p2, p0  }
0x20: {  	[sflag:s8] =	ssyncset.s32 @!p0 $0xFFFFF086;
	s6 =	sadd.s32 @!p0 s3, s7;
	s7 =	simm.s32 @!p0 $0x108  }
0x21: {  	s3 =	sadd.s32 s3, s9;
	s6 =	sadd.s32 @!p0 $0x88, s6;
	s7 =	simm.s32 @p2 $0x1082  }
0x22: {  	[simem:s7], [sflag:s8] =	dma.local @!p0 [hbm:s6], $0xF7A  }
0x23: {  	s9 =	sor.u32 $0xD0000000, s2;
	s6 =	simm.s32 $0x108;
	_ =	swait.ge @!p0 [sflag:s8], $0x0  }
0x24: {  	s3 =	sadd.s32 $0x88, s3;
	s6 =	simm.s32 @!p1 $0x1082;
	[sflag:s4] =	ssyncset.s32 $0xFFFFF086  }
0x25: {  	[simem:s6], [sflag:s4] =	dma.local [hbm:s3], $0xF7A  }
0x26: {  	[smem:$0x3F9B] =	sst s1;
	(tag) =	ssettag s2;
	_ =	strace s9  }
0x27: {  	s1 =	sld [smem:$0x3FAB]  }
0x28: {  	s2 =	sld [smem:$0x3FAC]  }
0x29: {  	s4 =	sld [smem:$0x3FAE]  }
0x2a: {  	p0 =	seq.s32 s5, $0x0;
	s5 =	sld [smem:$0x3FAF]  }
0x2b: {  	s6 =	sld [smem:$0x3FB0]  }
0x2c: {  	s7 =	sld [smem:$0x3FB1]  }
0x2d: {  	s3 =	simm.s32 $0x108;
	s8 =	sld [smem:$0x3FB2]  }
0x2e: {  	s3 =	simm.s32 @!p0 $0x1082;
	s9 =	sld [smem:$0x3FB3]  }
0x2f: {  	lr =	sadd.s32 s0, s3;
	s0 =	sld [smem:$0x3FAA]  }
0x30: {  	s3 =	sld [smem:$0x3FAD]  }
0x31: {  	[smem:$0x3FB6] =	sst s10  }
0x32: {  	s10 =	sld [smem:$0x3FB4];
	_ =	sdelay $0x3  }
0x33: {  	p0 =	seq.s32 s10, $0x1;
	s10 =	sld [smem:$0x3FB6];
	_ =	sdelay $0x3  }
0x34: {  	[smem:$0x3FB6] =	sst s10  }
0x35: {  	s10 =	sld [smem:$0x3FB5];
	_ =	sdelay $0x3  }
0x36: {  	p1 =	seq.s32 s10, $0x1;
	s10 =	sld [smem:$0x3FB6];
	_ =	sdelay $0x3  }
0x37: {  	[smem:$0x3FB6] =	sst s10  }
0x38: {  	s10 =	sld [smem:$0x3FB7]  }
0x39: {  	_ = 	snop;
	(pc) =	sbr.ind lr, $3  }
0x3a: {  	_ = 	snop  }
0x3b: {  	_ = 	snop  }
0x3c: {  	p2 =	seq.s32 s10, $0x1;
	s10 =	sld [smem:$0x3FB6]  }
0x3d: {  	_ =	shalt  }
0x3e: {  	_ =	shalt  }
0x3f: {  	_ =	shalt  }
0x40: {  	_ =	shalt  }
0x41: {  	_ =	shalt  }
0x42: {  	_ =	shalt  }
0x43: {  	_ =	shalt  }
0x44: {  	_ =	shalt  }
0x45: {  	_ =	shalt  }
0x46: {  	_ =	shalt  }
0x47: {  	_ =	shalt  }
0x48: {  	_ =	shalt  }
0x49: {  	_ =	shalt  }
0x4a: {  	_ =	shalt  }
0x4b: {  	_ =	shalt  }
0x4c: {  	_ =	shalt  }
0x4d: {  	_ =	shalt  }
0x4e: {  	_ =	shalt  }
0x4f: {  	_ =	shalt  }
0x50: {  	_ =	shalt  }
0x51: {  	_ =	shalt  }
0x52: {  	_ =	shalt  }
0x53: {  	_ =	shalt  }
0x54: {  	_ =	shalt  }
0x55: {  	_ =	shalt  }
0x56: {  	_ =	shalt  }
0x57: {  	_ =	shalt  }
0x58: {  	_ =	shalt  }
0x59: {  	_ =	shalt  }
0x5a: {  	_ =	shalt  }
0x5b: {  	_ =	shalt  }
0x5c: {  	_ =	shalt  }
0x5d: {  	_ =	shalt  }
0x5e: {  	_ =	shalt  }
0x5f: {  	_ =	shalt  }
0x60: {  	_ =	shalt  }
0x61: {  	_ =	shalt  }
0x62: {  	_ =	shalt  }
0x63: {  	_ =	shalt  }
0x64: {  	_ =	shalt  }
0x65: {  	_ =	shalt  }
0x66: {  	_ =	shalt  }
0x67: {  	_ =	shalt  }
0x68: {  	_ =	shalt  }
0x69: {  	_ =	shalt  }
0x6a: {  	_ =	shalt  }
0x6b: {  	_ =	shalt  }
0x6c: {  	_ =	shalt  }
0x6d: {  	_ =	shalt  }
0x6e: {  	_ =	shalt  }
0x6f: {  	_ =	shalt  }
0x70: {  	_ =	shalt  }
0x71: {  	_ =	shalt  }
0x72: {  	_ =	shalt  }
0x73: {  	_ =	shalt  }
0x74: {  	_ =	shalt  }
0x75: {  	_ =	shalt  }
0x76: {  	_ =	shalt  }
0x77: {  	_ =	shalt  }
0x78: {  	_ =	shalt  }
0x79: {  	_ =	shalt  }
0x7a: {  	_ =	shalt  }
0x7b: {  	_ =	shalt  }
0x7c: {  	_ =	shalt  }
0x7d: {  	_ =	shalt  }
0x7e: {  	_ =	shalt  }
0x7f: {  	_ =	shalt  }
0x80: {  	_ =	shalt  }
0x81: {  	_ =	shalt  }
0x82: {  	_ =	shalt  }
0x83: {  	_ =	shalt  }
0x84: {  	_ =	shalt  }
0x85: {  	_ =	shalt  }
0x86: {  	_ =	shalt  }
0x87: {  	_ =	shalt  }
.Lfunc_end0:
.L_simem_size_0:
called_computation.3_lowered:
.L_overlay_start_0:
0x88: {  	s2 =	sld [smem:$0x3FD9]  }
0x89: {  	s3 =	sld [smem:$0x3FFE];
	_ =	sdelay $0x1  }
0x8a: {  	s1 =	srdreg.scid  }
0x8b: {  	s0 =	sand.u32 $0x1, s1  }
0x8c: {  	s17 =	sshll.u32 s0, $0xA;
	s2 =	sadd.s32 s3, s2  }
0x8d: {  	s2 =	sadd.s32 s2, s17  }
0x8e: {  	[smem:$0x3FC2] =	sst s2  }
0x8f: {  	_ = 	snop  }
0x90: {  	s2 =	sld [smem:$0x3FD0];
	(tm) =	ssettm $0x1  }
0x91: {  	s18 =	sld [smem:$0x3FFB];
	_ =	sdelay $0x3  }
0x92: {  	_ =	strace s18  }
0x93: {  	s3 =	sld [smem:$0x3FFC];
	_ =	sdelay $0x3  }
0x94: {  	_ =	strace s3  }
0x95: {  	s3 =	sld [smem:$0x3FFD];
	_ =	sdelay $0x3  }
0x96: {  	_ =	strace s3  }
0x97: {  	_ =	strace $0x8FFFFFFF  }
0x98: {  	s19 =	sld [smem:$0x3FDB];
	_ =	sdelay $0x1  }
0x99: {  	s4 =	simm.s32 $_scs_section_size  }
0x9a: {  	s5 =	simm.s32 $_size__tile_overlayer_lowered;
	s6 =	simm.s32 $_tile_overlayer_lowered  }
0x9b: {  	s22 =	simm.s32 $0x1BFF;
	s21 =	sshll.u32 s6, $0x1;
	s3 =	sadd.s32 s4, s19  }
0x9c: {  	s7 =	simm.s32 $0x0;
	s20 =	sshll.u32 s5, $0x1;
	s5 =	sadd.s32 s21, s3  }
0x9d: {  	[timem:s7], [sflag:s22] =	dma.local [hbm:s5], s20  }
0x9e: {  	_ =	swait.ge [sflag:s22], s20  }
0x9f: {  	s4 =	ssub.s32 $0x0, s20;
	[sflag:s22] =	ssyncset.done $0x0  }
0xa0: {  	[sflag:s22] =	ssyncadd.s32 s4;
	_ =	sdelay $0x1  }
0xa1: {  	s23 =	simm.s32 $0x1B8B  }
0xa2: {  	_ =	swait.ge [sflag:s23], $0x1  }
0xa3: {  	[sflag:s23] =	ssyncset.done $0x0  }
0xa4: {  	s25 =	simm.s32 $0x1B8E;
	s24 =	sld [smem:$0x3FFE];
	[sflag:s23] =	ssyncadd.s32 $0xFFFFFFFF  }
0xa5: {  	s26 =	simm.s32 $execute0_lowered;
	[smem:$0x3FD2] =	sst s25  }
0xa6: {  	s5 =	sshll.u32 s26, $0x1;
	_ =	strace $0x8000004F;
	[dreg:$0x1] =	wrdreg $0xFFFFFFFF  }
0xa7: {  	s28 =	simm.s32 $_size_execute0_lowered;
	s3 =	sadd.s32 s3, s5;
	[dreg:$0x0] =	wrdreg $0x0  }
0xa8: {  	s5 =	sshll.u32 s28, $0x1;
	[dreg:$0x2] =	wrdreg s3  }
0xa9: {  	[dreg:$0x3] =	wrdreg s5  }
0xaa: {  	[dreg:$0x4] =	wrdreg $0xC0  }
0xab: {  	_ =	task [dreg:s7], $0x5FFFF  }
0xac: {  	[dreg:$0x1] =	wrdreg $0xFFFFFFFF  }
0xad: {  	[dreg:$0x0] =	wrdreg $0x60  }
0xae: {  	[dreg:$0x2] =	wrdreg s24  }
0xaf: {  	[dreg:$0x3] =	wrdreg s2  }
0xb0: {  	[dreg:$0x4] =	wrdreg $0x9C000  }
0xb1: {  	[dreg:$0x5] =	wrdreg $0x9  }
0xb2: {  	_ =	task.clear_ibuf [dreg:s7], $0x6FFFF;
	_ =	strace $0x9000004F  }
0xb3: {  	s29 =	simm.s32 $0x9;
	_ =	strace $0x80000051  }
0xb4: {  	_ =	swait.ge [sflag:s29], $0x1  }
0xb5: {  	[sflag:s29] =	ssyncadd.s32 $0xFFFFFFFF  }
0xb6: {  	_ =	strace $0x90000051  }
0xb7: {  	_ =	sfence  }
0xb8: {  	s30 =	sld [smem:$0x0];
	_ =	sdelay $0x2  }
0xb9: {  	s31 =	sshll.u32 s1, $0xD;
	s1 =	sshrl.u32 s1, $0x2  }
0xba: {  	s3 =	sand.u32 $0x4000, s31;
	s1 =	sadd.s32 s1, s30  }
0xbb: {  	s0 =	sor.u32 s3, s0;
	s1 =	sshll.u32 s1, $0x11  }
0xbc: {  	s0 =	sor.u32 s1, s0  }
0xbd: {  	s0 =	sadd.s32 $0x8F2B, s0  }
0xbe: {  	[sflag:s0] =	ssyncadd.remote.s32 $0x1  }
0xbf: {  	_ =	sfence.sel $0xFFFF  }
0xc0: {  	[dreg:$0x0] =	wrdreg $0xFFFFFFFF;
	(pc) =	sbr.abs _section_cstart, $3  }
0xc1: {  	[dreg:$0x1] =	wrdreg $0xFFFFFFFF  }
0xc2: {  	_ =	task.clear_ibuf [dreg:s7], $0x2FFFF;
	_ =	strace $0x9FFFFFFF  }
0xc3: {  	(tm) =	ssettm $0x7FFFFFFF  }
tec
execute0_lowered:
.L_overlay_start_1:
0x0: {  	(tag) =	ssettag $0x1  }
0x1: {  	s0 =	rddreg [dreg:$0x0]  }
0x2: {  	s1 =	rddreg [dreg:$0x1]  }
0x3: {  	s2 =	rddreg [dreg:$0x2]  }
0x4: {  	s3 =	simm.s32 $0x0;
	s4 =	srdreg.scid;
	s13 =	stileid.u32  }
0x5: {  	s14 =	simm.s32 $0x6;
	s16 =	simm.s32 $0x28;
	s17 =	simm.s32 $0x3800  }
0x6: {  	s28 =	simm.s32 $0x2;
	s29 =	simm.s32 $0x3;
	s30 =	simm.s32 $0x4  }
0x7: {  	s31 =	simm.s32 $0x5;
	s15 =	simm.s32 $0x3300;
	[smem:$0x7FF] =	sst s3  }
0x8: {  	s4 =	sand.u32 $0x1, s4;
	s5 =	sadd.s32 $0x3F000, s0;
	s8 =	smul.u32 $0x14000, s13  }
0x9: {  	s9 =	sshll.u32 s13, $0x1;
	s10 =	sadd.s32 $0x67000, s0;
	s12 =	smul.u32 $0x50000, s13  }
0xa: {  	s6 =	sadd.s32 $0x1C000, s0;
	s24 =	smul.u32 $0x2800, s13;
	_ =	strace $0x80000050  }
0xb: {  	s7 =	smul.u32 $0x140000, s4;
	s9 =	sor.u32 s4, s9;
	s11 =	ssub.s32 $0x2, s4  }
0xc: {  	p0 =	seq.s32 s4, $0x1;
	s18 =	sshrl.u32 s11, $0x1;
	s22 =	sshrl.u32 s12, $0x2  }
0xd: {  	s8 =	sadd.s32 s8, s7;
	s7 =	smul.u32 $0x8C00, s9;
	s19 =	ssub.s32 s11, s18  }
0xe: {  	s23 =	sadd.s32 s22, s2;
	s18 =	simm.s32 $0x3380;
	s22 =	simm.s32 $0x3480  }
0xf: {  	s8 =	sshrl.u32 s8, $0x3;
	[dreg:$0x6] =	wrdreg s23;
	s25 =	smax.u32 s19, $0x1  }
0x10: {  	s19 =	simm.s32 $0x4C00;
	s23 =	simm.s32 $0x7400;
	s20 =	sshrl.u32 s7, $0x3  }
0x11: {  	s0 =	sadd.s32 s8, s0;
	[dreg:$0x8] =	wrdreg s25;
	s21 =	sadd.s32 s1, s20  }
0x12: {  	s25 =	simm.s32 $0x8800;
	s9 =	sadd.s32 s6, s20;
	[dreg:$0x4] =	wrdreg s21  }
0x13: {  	s0 =	sadd.s32 $0x8F000, s0;
	[dreg:$0x5] =	wrdreg s9;
	s9 =	smov.u32 s5  }
0x14: {  	s20 =	simm.s32 $0x3400;
	[dreg:$0x7] =	wrdreg s0;
	s9 =	smov.u32 @p0 s10  }
0x15: {  	s21 =	simm.s32 $0x6000;
	s0 =	simm.s32 $0x3280;
	s26 =	sadd.s32 s9, s24  }
0x16: {  	s24 =	simm.s32 $0x0;
	[dreg:$0x9] =	wrdreg s26;
	s26 =	simm.s32 $0x1  }
.LBB2_1:
0x17: {  	s4 =	rddreg [dreg:$0x4]  }
0x18: {  	[tilespmem:s3], [sflag:$0x6] =	stream.linear.gather [hbm4b:s4+s3], $0x1900, $0x38;
	[tilespmem:$0x1DC00] =	vst v63  }
0x19: {  	_ =	swait.ge [sflag:s14], $0x1900  }
0x1a: {  	[sflag:s14] =	ssyncset.done $0x0  }
0x1b: {  	s8 =	simm.s32 $0x1C00;
	s13 =	rddreg [dreg:$0x5];
	[sflag:s14] =	ssyncadd.s32 $0xFFFFE700  }
0x1c: {  	[tilespmem:s8], [sflag:$0x6] =	stream.linear.gather [hbm4b:s13+s3], $0x1900, $0x38;
	[tilespmem:$0x1DC00] =	vst v63  }
0x1d: {  	_ =	swait.ge [sflag:s14], $0x1900  }
0x1e: {  	[sflag:s14] =	ssyncset.done $0x0  }
0x1f: {  	[sflag:s14] =	ssyncadd.s32 $0xFFFFE700  }
0x20: {  	[tilespmem:s17], [sflag:$0x1] =	stream.indirect.gather [hbm4b:s5+s16], $0x80, s3, s16, $0xb8;
	[tilespmem:$0x1DC00] =	vst v63  }
0x21: {  	s8 =	simm.s32 $0x80  }
0x22: {  	[tilespmem:s19], [sflag:$0x2] =	stream.indirect.gather [hbm4b:s5+s16], $0x80, s8, s16, $0xb8;
	[tilespmem:$0x1DC00] =	vst v63  }
0x23: {  	s9 =	simm.s32 $0x100;
	s10 =	simm.s32 $0x180;
	s12 =	stileid.u32  }
0x24: {  	[tilespmem:s21], [sflag:$0x3] =	stream.indirect.gather [hbm4b:s5+s16], $0x80, s9, s16, $0xb8;
	[tilespmem:$0x1DC00] =	vst v63  }
0x25: {  	s11 =	simm.s32 $0x200;
	s4 =	sshll.u32 s12, $0x6;
	s13 =	rddreg [dreg:$0x6]  }
0x26: {  	[tilespmem:s23], [sflag:$0x4] =	stream.indirect.gather [hbm4b:s5+s16], $0x80, s10, s16, $0xb8;
	[tilespmem:$0x1DC00] =	vst v63  }
0x27: {  	s4 =	sor.u32 $0x1C06, s4;
	s8 =	sshrl.u32 s13, $0x3;
	s9 =	rddreg [dreg:$0x9]  }
0x28: {  	[tilespmem:s25], [sflag:$0x5] =	stream.indirect.gather [hbm4b:s5+s16], $0x80, s11, s16, $0xb8;
	[tilespmem:$0x1DC00] =	vst v63  }
0x29: {  	[spmem:s8], [sflag:s4] =	dma.local [hbm:s9], $0x2800  }
0x2a: {  	_ =	swait.ge [sflag:s14], $0x2800  }
0x2b: {  	[sflag:s14] =	ssyncset.done $0x0  }
0x2c: {  	[sflag:s14] =	ssyncadd.s32 $0xFFFFD800  }
0x2d: {  	s9 =	simm.s32 $0x0;
	[bflag:$0x0] =	sbarrier.arrive $0xFFFF  }
.LBB2_2:
0x2e: {  	p0 =	seq.s32 s9, $0x0  }
0x2f: {  	s10 =	smul.u32 @!p0 $0x1C00, s9;
	_ =	sdelay $0x1  }
0x30: {  	s10 =	sadd.s32 @!p0 s7, s10  }
0x31: {  	s10 =	sshrl.u32 @!p0 s10, $0x3  }
0x32: {  	s12 =	simm.s32 @!p0 $0x0;
	s11 =	sadd.s32 @!p0 s1, s10  }
0x33: {  	[tilespmem:s12], [sflag:$0x6] =	stream.linear.gather @!p0 [hbm4b:s11+s12], $0x1900, $0x38;
	[tilespmem:$0x1DC00] =	vst v63  }
0x34: {  	s11 =	simm.s32 @!p0 $0x6  }
0x35: {  	_ =	swait.ge @!p0 [sflag:s11], $0x1900  }
0x36: {  	[sflag:s11] =	ssyncset.done @!p0 $0x0  }
0x37: {  	s13 =	simm.s32 @!p0 $0x1C00;
	s10 =	sadd.s32 @!p0 s6, s10;
	[sflag:s11] =	ssyncadd.s32 @!p0 $0xFFFFE700  }
0x38: {  	[tilespmem:s13], [sflag:$0x6] =	stream.linear.gather @!p0 [hbm4b:s10+s12], $0x1900, $0x38;
	[tilespmem:$0x1DC00] =	vst v63  }
0x39: {  	_ =	swait.ge @!p0 [sflag:s11], $0x1900  }
0x3a: {  	[sflag:s11] =	ssyncset.done @!p0 $0x0  }
0x3b: {  	s10 =	simm.s32 @!p0 $0x28;
	[sflag:s11] =	ssyncadd.s32 @!p0 $0xFFFFE700;
	s11 =	simm.s32 @!p0 $0x3800  }
0x3c: {  	[tilespmem:s11], [sflag:$0x1] =	stream.indirect.gather @!p0 [hbm4b:s5+s10], $0x80, s12, s10, $0xb8;
	[tilespmem:$0x1DC00] =	vst v63  }
0x3d: {  	s11 =	simm.s32 @!p0 $0x80;
	s12 =	simm.s32 @!p0 $0x4C00  }
0x3e: {  	[tilespmem:s12], [sflag:$0x2] =	stream.indirect.gather @!p0 [hbm4b:s5+s10], $0x80, s11, s10, $0xb8;
	[tilespmem:$0x1DC00] =	vst v63  }
0x3f: {  	s11 =	simm.s32 @!p0 $0x100;
	s12 =	simm.s32 @!p0 $0x6000  }
0x40: {  	[tilespmem:s12], [sflag:$0x3] =	stream.indirect.gather @!p0 [hbm4b:s5+s10], $0x80, s11, s10, $0xb8;
	[tilespmem:$0x1DC00] =	vst v63  }
0x41: {  	s11 =	simm.s32 @!p0 $0x180;
	s12 =	simm.s32 @!p0 $0x7400  }
0x42: {  	[tilespmem:s12], [sflag:$0x4] =	stream.indirect.gather @!p0 [hbm4b:s5+s10], $0x80, s11, s10, $0xb8;
	[tilespmem:$0x1DC00] =	vst v63  }
0x43: {  	s11 =	simm.s32 @!p0 $0x200;
	s12 =	simm.s32 @!p0 $0x8800  }
0x44: {  	[tilespmem:s12], [sflag:$0x5] =	stream.indirect.gather @!p0 [hbm4b:s5+s10], $0x80, s11, s10, $0xb8;
	[tilespmem:$0x1DC00] =	vst v63  }
0x45: {  	_ =	swait.ge [sflag:s26], $0x1400  }
0x46: {  	[sflag:s26] =	ssyncset.done $0x0  }
0x47: {  	s11 =	simm.s32 $0x1C00;
	[sflag:s26] =	ssyncadd.s32 $0xFFFFEC00  }
0x48: {  	[spmem:s2] =	stream.indirect.scatter.add.f32 [tilespmem:s17], [sflag:$0x6], $0x80, s11, s16, $0xb8;
	[tilespmem:$0x1DC00] =	vst v63  }
0x49: {  	_ =	swait.ge [sflag:s14], $0x1400  }
0x4a: {  	[sflag:s14] =	ssyncset.done $0x0  }
0x4b: {  	s12 =	simm.s32 $0x280;
	[sflag:s14] =	ssyncadd.s32 $0xFFFFEC00  }
0x4c: {  	[tilespmem:s17], [sflag:$0x1] =	stream.indirect.gather [hbm4b:s5+s16], $0x80, s12, s16, $0xb8;
	[tilespmem:$0x1DC00] =	vst v63  }
0x4d: {  	_ =	swait.ge [sflag:s28], $0x1400  }
0x4e: {  	[sflag:s28] =	ssyncset.done $0x0  }
0x4f: {  	s13 =	simm.s32 $0x1C80;
	[sflag:s28] =	ssyncadd.s32 $0xFFFFEC00  }
0x50: {  	[spmem:s2] =	stream.indirect.scatter.add.f32 [tilespmem:s19], [sflag:$0x6], $0x80, s13, s16, $0xb8;
	[tilespmem:$0x1DC00] =	vst v63  }
0x51: {  	_ =	swait.ge [sflag:s14], $0x1400  }
0x52: {  	[sflag:s14] =	ssyncset.done $0x0  }
0x53: {  	s11 =	simm.s32 $0x300;
	[sflag:s14] =	ssyncadd.s32 $0xFFFFEC00  }
0x54: {  	[tilespmem:s19], [sflag:$0x2] =	stream.indirect.gather [hbm4b:s5+s16], $0x80, s11, s16, $0xb8;
	[tilespmem:$0x1DC00] =	vst v63  }
0x55: {  	_ =	swait.ge [sflag:s29], $0x1400  }
0x56: {  	[sflag:s29] =	ssyncset.done $0x0  }
0x57: {  	s12 =	simm.s32 $0x1D00;
	[sflag:s29] =	ssyncadd.s32 $0xFFFFEC00  }
0x58: {  	[spmem:s2] =	stream.indirect.scatter.add.f32 [tilespmem:s21], [sflag:$0x6], $0x80, s12, s16, $0xb8;
	[tilespmem:$0x1DC00] =	vst v63  }
0x59: {  	_ =	swait.ge [sflag:s14], $0x1400  }
0x5a: {  	[sflag:s14] =	ssyncset.done $0x0  }
0x5b: {  	s13 =	simm.s32 $0x380;
	[sflag:s14] =	ssyncadd.s32 $0xFFFFEC00  }
0x5c: {  	[tilespmem:s21], [sflag:$0x3] =	stream.indirect.gather [hbm4b:s5+s16], $0x80, s13, s16, $0xb8;
	[tilespmem:$0x1DC00] =	vst v63  }
0x5d: {  	_ =	swait.ge [sflag:s30], $0x1400  }
0x5e: {  	[sflag:s30] =	ssyncset.done $0x0  }
0x5f: {  	s11 =	simm.s32 $0x1D80;
	[sflag:s30] =	ssyncadd.s32 $0xFFFFEC00  }
0x60: {  	[spmem:s2] =	stream.indirect.scatter.add.f32 [tilespmem:s23], [sflag:$0x6], $0x80, s11, s16, $0xb8;
	[tilespmem:$0x1DC00] =	vst v63  }
0x61: {  	_ =	swait.ge [sflag:s14], $0x1400  }
0x62: {  	[sflag:s14] =	ssyncset.done $0x0  }
0x63: {  	s12 =	simm.s32 $0x400;
	[sflag:s14] =	ssyncadd.s32 $0xFFFFEC00  }
0x64: {  	[tilespmem:s23], [sflag:$0x4] =	stream.indirect.gather [hbm4b:s5+s16], $0x80, s12, s16, $0xb8;
	[tilespmem:$0x1DC00] =	vst v63  }
0x65: {  	_ =	swait.ge [sflag:s31], $0x1400  }
0x66: {  	[sflag:s31] =	ssyncset.done $0x0  }
0x67: {  	s13 =	simm.s32 $0x1E00;
	[sflag:s31] =	ssyncadd.s32 $0xFFFFEC00  }
0x68: {  	[spmem:s2] =	stream.indirect.scatter.add.f32 [tilespmem:s25], [sflag:$0x6], $0x80, s13, s16, $0xb8;
	[tilespmem:$0x1DC00] =	vst v63  }
0x69: {  	_ =	swait.ge [sflag:s14], $0x1400  }
0x6a: {  	[sflag:s14] =	ssyncset.done $0x0  }
0x6b: {  	s10 =	simm.s32 $0xA00;
	s11 =	simm.s32 $0x480;
	[sflag:s14] =	ssyncadd.s32 $0xFFFFEC00  }
.LBB2_3:
0x6c: {  	[tilespmem:s25], [sflag:$0x5] =	stream.indirect.gather [hbm4b:s5+s16], $0x80, s11, s16, $0xb8;
	[tilespmem:$0x1DC00] =	vst v63  }
0x6d: {  	s11 =	smov.u32 s10  }
0x6e: {  	p0 =	sne.s32 s10, $0x5000;
	s10 =	sadd.s32 $0xA00, s10;
	_ =	swait.ge [sflag:s26], $0x1400  }
0x6f: {  	s11 =	sshra.s32 s11, $0x2;
	[sflag:s26] =	ssyncset.done $0x0  }
0x70: {  	s12 =	sadd.s32 $0x1C00, s11;
	[sflag:s26] =	ssyncadd.s32 $0xFFFFEC00  }
0x71: {  	[spmem:s2] =	stream.indirect.scatter.add.f32 [tilespmem:s17], [sflag:$0x6], $0x80, s12, s16, $0xb8;
	[tilespmem:$0x1DC00] =	vst v63  }
0x72: {  	_ =	swait.ge [sflag:s14], $0x1400  }
0x73: {  	[sflag:s14] =	ssyncset.done $0x0  }
0x74: {  	s12 =	sadd.s32 $0x280, s11;
	[sflag:s14] =	ssyncadd.s32 $0xFFFFEC00  }
0x75: {  	[tilespmem:s17], [sflag:$0x1] =	stream.indirect.gather [hbm4b:s5+s16], $0x80, s12, s16, $0xb8;
	[tilespmem:$0x1DC00] =	vst v63  }
0x76: {  	_ =	swait.ge [sflag:s28], $0x1400  }
0x77: {  	[sflag:s28] =	ssyncset.done $0x0  }
0x78: {  	s12 =	sadd.s32 $0x1C80, s11;
	[sflag:s28] =	ssyncadd.s32 $0xFFFFEC00  }
0x79: {  	[spmem:s2] =	stream.indirect.scatter.add.f32 [tilespmem:s19], [sflag:$0x6], $0x80, s12, s16, $0xb8;
	[tilespmem:$0x1DC00] =	vst v63  }
0x7a: {  	_ =	swait.ge [sflag:s14], $0x1400  }
0x7b: {  	[sflag:s14] =	ssyncset.done $0x0  }
0x7c: {  	s12 =	sadd.s32 $0x300, s11;
	[sflag:s14] =	ssyncadd.s32 $0xFFFFEC00  }
0x7d: {  	[tilespmem:s19], [sflag:$0x2] =	stream.indirect.gather [hbm4b:s5+s16], $0x80, s12, s16, $0xb8;
	[tilespmem:$0x1DC00] =	vst v63  }
0x7e: {  	_ =	swait.ge [sflag:s29], $0x1400  }
0x7f: {  	[sflag:s29] =	ssyncset.done $0x0  }
0x80: {  	s12 =	sadd.s32 $0x1D00, s11;
	[sflag:s29] =	ssyncadd.s32 $0xFFFFEC00  }
0x81: {  	[spmem:s2] =	stream.indirect.scatter.add.f32 [tilespmem:s21], [sflag:$0x6], $0x80, s12, s16, $0xb8;
	[tilespmem:$0x1DC00] =	vst v63  }
0x82: {  	_ =	swait.ge [sflag:s14], $0x1400  }
0x83: {  	[sflag:s14] =	ssyncset.done $0x0  }
0x84: {  	s12 =	sadd.s32 $0x380, s11;
	[sflag:s14] =	ssyncadd.s32 $0xFFFFEC00  }
0x85: {  	[tilespmem:s21], [sflag:$0x3] =	stream.indirect.gather [hbm4b:s5+s16], $0x80, s12, s16, $0xb8;
	[tilespmem:$0x1DC00] =	vst v63  }
0x86: {  	_ =	swait.ge [sflag:s30], $0x1400  }
0x87: {  	[sflag:s30] =	ssyncset.done $0x0  }
0x88: {  	s12 =	sadd.s32 $0x1D80, s11;
	[sflag:s30] =	ssyncadd.s32 $0xFFFFEC00  }
0x89: {  	[spmem:s2] =	stream.indirect.scatter.add.f32 [tilespmem:s23], [sflag:$0x6], $0x80, s12, s16, $0xb8;
	[tilespmem:$0x1DC00] =	vst v63  }
0x8a: {  	_ =	swait.ge [sflag:s14], $0x1400  }
0x8b: {  	[sflag:s14] =	ssyncset.done $0x0  }
0x8c: {  	s12 =	sadd.s32 $0x400, s11;
	[sflag:s14] =	ssyncadd.s32 $0xFFFFEC00  }
0x8d: {  	[tilespmem:s23], [sflag:$0x4] =	stream.indirect.gather [hbm4b:s5+s16], $0x80, s12, s16, $0xb8;
	[tilespmem:$0x1DC00] =	vst v63  }
0x8e: {  	_ =	swait.ge [sflag:s31], $0x1400  }
0x8f: {  	[sflag:s31] =	ssyncset.done $0x0  }
.Ltmp0:
0x90: {  	s12 =	sadd.s32 $0x1E00, s11;
	[sflag:s31] =	ssyncadd.s32 $0xFFFFEC00;
	(pc) =	sbr.rel @p0 .LBB2_3-.Ltmp0, $4  }
0x91: {  	[spmem:s2] =	stream.indirect.scatter.add.f32 [tilespmem:s25], [sflag:$0x6], $0x80, s12, s16, $0xb8;
	[tilespmem:$0x1DC00] =	vst v63  }
0x92: {  	_ =	swait.ge [sflag:s14], $0x1400  }
0x93: {  	[sflag:s14] =	ssyncset.done $0x0  }
0x94: {  	s11 =	sadd.s32 $0x480, s11;
	[sflag:s14] =	ssyncadd.s32 $0xFFFFEC00  }
0x95: {  	[tilespmem:s25], [sflag:$0x5] =	stream.indirect.gather [hbm4b:s5+s16], $0x80, s11, s16, $0xb8;
	[tilespmem:$0x1DC00] =	vst v63  }
0x96: {  	_ =	swait.ge [sflag:s26], $0x1400  }
0x97: {  	[sflag:s26] =	ssyncset.done $0x0  }
0x98: {  	[sflag:s26] =	ssyncadd.s32 $0xFFFFEC00  }
0x99: {  	[spmem:s2] =	stream.indirect.scatter.add.f32 [tilespmem:s17], [sflag:$0x6], $0x80, s0, s16, $0xb8;
	[tilespmem:$0x1DC00] =	vst v63  }
0x9a: {  	_ =	swait.ge [sflag:s14], $0x1400  }
0x9b: {  	[sflag:s14] =	ssyncset.done $0x0  }
0x9c: {  	[sflag:s14] =	ssyncadd.s32 $0xFFFFEC00  }
0x9d: {  	_ =	swait.ge [sflag:s28], $0x1400  }
0x9e: {  	[sflag:s28] =	ssyncset.done $0x0  }
0x9f: {  	[sflag:s28] =	ssyncadd.s32 $0xFFFFEC00  }
0xa0: {  	[spmem:s2] =	stream.indirect.scatter.add.f32 [tilespmem:s19], [sflag:$0x6], $0x80, s15, s16, $0xb8;
	[tilespmem:$0x1DC00] =	vst v63  }
0xa1: {  	_ =	swait.ge [sflag:s14], $0x1400  }
0xa2: {  	[sflag:s14] =	ssyncset.done $0x0  }
0xa3: {  	[sflag:s14] =	ssyncadd.s32 $0xFFFFEC00  }
0xa4: {  	_ =	swait.ge [sflag:s29], $0x1400  }
0xa5: {  	[sflag:s29] =	ssyncset.done $0x0  }
0xa6: {  	[sflag:s29] =	ssyncadd.s32 $0xFFFFEC00  }
0xa7: {  	[spmem:s2] =	stream.indirect.scatter.add.f32 [tilespmem:s21], [sflag:$0x6], $0x80, s18, s16, $0xb8;
	[tilespmem:$0x1DC00] =	vst v63  }
0xa8: {  	_ =	swait.ge [sflag:s14], $0x1400  }
0xa9: {  	[sflag:s14] =	ssyncset.done $0x0  }
0xaa: {  	[sflag:s14] =	ssyncadd.s32 $0xFFFFEC00  }
0xab: {  	_ =	swait.ge [sflag:s30], $0x1400  }
0xac: {  	[sflag:s30] =	ssyncset.done $0x0  }
0xad: {  	[sflag:s30] =	ssyncadd.s32 $0xFFFFEC00  }
0xae: {  	[spmem:s2] =	stream.indirect.scatter.add.f32 [tilespmem:s23], [sflag:$0x6], $0x80, s20, s16, $0xb8;
	[tilespmem:$0x1DC00] =	vst v63  }
0xaf: {  	_ =	swait.ge [sflag:s14], $0x1400  }
0xb0: {  	[sflag:s14] =	ssyncset.done $0x0  }
0xb1: {  	[sflag:s14] =	ssyncadd.s32 $0xFFFFEC00  }
0xb2: {  	s9 =	sadd.s32 $0x1, s9;
	_ =	swait.ge [sflag:s31], $0x1400  }
0xb3: {  	p0 =	sne.s32 s9, $0x5;
	[sflag:s31] =	ssyncset.done $0x0  }
.Ltmp1:
0xb4: {  	[sflag:s31] =	ssyncadd.s32 $0xFFFFEC00;
	(pc) =	sbr.rel @p0 .LBB2_2-.Ltmp1, $4  }
0xb5: {  	[spmem:s2] =	stream.indirect.scatter.add.f32 [tilespmem:s25], [sflag:$0x6], $0x80, s22, s16, $0xb8;
	[tilespmem:$0x1DC00] =	vst v63  }
0xb6: {  	_ =	swait.ge [sflag:s14], $0x1400  }
0xb7: {  	[sflag:s14] =	ssyncset.done $0x0  }
0xb8: {  	[sflag:s14] =	ssyncadd.s32 $0xFFFFEC00  }
0xb9: {  	[bflag:$0x0] =	sbarrier.arrive $0xFFFF  }
0xba: {  	s9 =	rddreg [dreg:$0x7]  }
0xbb: {  	[hbm:s9], [sflag:s4] =	dma.local [spmem:s8], $0x2800  }
0xbc: {  	_ =	swait.ge [sflag:s14], $0x2800  }
0xbd: {  	s24 =	sadd.s32 $0x1, s24;
	s13 =	rddreg [dreg:$0x8]  }
0xbe: {  	p0 =	sne.s32 s24, s13  }
.Ltmp2:
0xbf: {  	_ = 	snop;
	(pc) =	sbr.rel @p0 .LBB2_1-.Ltmp2, $3  }
0xc0: {  	_ =	sdelay $0x1  }
0xc1: {  	[sflag:s14] =	ssyncset.done $0x0  }
0xc2: {  	[sflag:s14] =	ssyncadd.s32 $0xFFFFD800  }
0xc3: {  	_ =	sfence.sel $0x180000  }
0xc4: {  	[bflag:$0x0] =	sbarrier.arrive $0xFFFF  }
0xc5: {  	_ =	strace $0x90000050  }
0xc6: {  	s0 =	stileid.u32;
	[bflag:$0x2] =	sbarrier.arrive $0xFFFF  }
0xc7: {  	p0 =	sne.s32 s0, $0x0;
	s0 =	rddreg [dreg:$0x3]  }
0xc8: {  	s0 =	sadd.s32 @!p0 $0x100000, s0  }
0xc9: {  	[sflag:s0] =	ssyncadd.tile.s32 @!p0 $0x1;
	_ =	shalt  }
.Lfunc_end2:
_tile_overlayer_lowered:
.L_overlay_start_2:
0xca: {  	(tag) =	ssettag $0x2  }
0xcb: {  	s0 =	rddreg [dreg:$0x0];
	s2 =	stileid.u32  }
0xcc: {  	s1 =	rddreg [dreg:$0x1];
	p0 =	sne.s32 s2, $0x0  }
0xcd: {  	s3 =	rddreg [dreg:$0x2];
	[bflag:$0x3] =	sbarrier.arrive $0xFFFF;
	s2 =	simm.s32 @!p0 $0x1C06  }
0xce: {  	[timem:s3], [sflag:s2] =	dma.local @!p0 [hbm:s0], s1  }
0xcf: {  	s0 =	simm.s32 @!p0 $0x6  }
0xd0: {  	_ =	swait.ge @!p0 [sflag:s0], s1  }
0xd1: {  	s1 =	ssub.s32 @!p0 $0x0, s1;
	[sflag:s0] =	ssyncset.done @!p0 $0x0  }
0xd2: {  	[sflag:s0] =	ssyncadd.s32 @!p0 s1  }
0xd3: {  	[bflag:$0x3] =	sbarrier.arrive $0xFFFF  }
0xd4: {  	_ =	shalt  }

// kernel: kernel.24.cloned.1.call-start
scs
__scs_entry_jumppad:
0x0: {  	(pc) =	sbr.rel $0x88, $3  }
0x1: {  	(tag) =	ssettag $0x0;
	lr =	simm.s32 $0x1  }
0x2: {  	[smem:$0x3F9B] =	sst lr;
	_ =	strace $0xD0000000  }
0x3: {  	_ = 	snop  }
0x4: {  	_ = 	snop  }
0x5: {  	_ = 	snop  }
0x6: {  	_ = 	snop  }
0x7: {  	_ = 	snop  }
__scs_overlays_trampoline_lowered:
0x8: {  	[smem:$0x3FAA] =	sst s0  }
0x9: {  	[smem:$0x3FAB] =	sst s1  }
0xa: {  	[smem:$0x3FAC] =	sst s2  }
0xb: {  	[smem:$0x3FAD] =	sst s3  }
0xc: {  	[smem:$0x3FAE] =	sst s4  }
0xd: {  	[smem:$0x3FAF] =	sst s5  }
0xe: {  	[smem:$0x3FB0] =	sst s6  }
0xf: {  	[smem:$0x3FB1] =	sst s7  }
0x10: {  	[smem:$0x3FB2] =	sst s8  }
0x11: {  	[smem:$0x3FB3] =	sst s9;
	s0 =	simm.s32 @!p0 $0x0  }
0x12: {  	s1 =	sld [smem:$0x3F99];
	s0 =	simm.s32 @p0 $0x1  }
0x13: {  	[smem:$0x3FB4] =	sst s0;
	s0 =	simm.s32 @!p1 $0x0  }
0x14: {  	s2 =	sld [smem:$0x3F98];
	s0 =	simm.s32 @p1 $0x1  }
0x15: {  	[smem:$0x3FB5] =	sst s0;
	s0 =	simm.s32 @!p2 $0x0  }
0x16: {  	s3 =	sld [smem:$0x3FDB];
	s0 =	simm.s32 @p2 $0x1  }
0x17: {  	s4 =	simm.s32 $0x1BF5;
	[smem:$0x3FB7] =	sst s0  }
0x18: {  	s0 =	sld [smem:$0x3F9A];
	_ =	swait.ge [sflag:s4], $0x0  }
0x19: {  	s7 =	sld [smem:$0x3F9B]  }
0x1a: {  	s8 =	sadd.s32 $0xFFFFE003, lr  }
0x1b: {  	s9 =	sadd.s32 $0xFFFFFEF7, lr;
	s5 =	simm.s32 $0xFFFFFFFF;
	p2 =	slt.u32 s8, $0xFFFFF086  }
0x1c: {  	p1 =	slt.u32 s9, $0xF7A;
	s5 =	simm.s32 @!p2 $0x0  }
0x1d: {  	s5 =	simm.s32 @p1 $0x1;
	p0 =	seq.s32 s7, s2  }
0x1e: {  	s7 =	smul.u32 @!p0 $0xF7A, s2;
	p2 =	seq.s32 @!p0 s5, $0x0  }
0x1f: {  	s9 =	smul.u32 $0xF7A, s1;
	s8 =	simm.s32 @!p0 $0x1BF5;
	p2 =	por !p2, p0  }
0x20: {  	[sflag:s8] =	ssyncset.s32 @!p0 $0xFFFFF086;
	s6 =	sadd.s32 @!p0 s3, s7;
	s7 =	simm.s32 @!p0 $0x108  }
0x21: {  	s3 =	sadd.s32 s3, s9;
	s6 =	sadd.s32 @!p0 $0x88, s6;
	s7 =	simm.s32 @p2 $0x1082  }
0x22: {  	[simem:s7], [sflag:s8] =	dma.local @!p0 [hbm:s6], $0xF7A  }
0x23: {  	s9 =	sor.u32 $0xD0000000, s2;
	s6 =	simm.s32 $0x108;
	_ =	swait.ge @!p0 [sflag:s8], $0x0  }
0x24: {  	s3 =	sadd.s32 $0x88, s3;
	s6 =	simm.s32 @!p1 $0x1082;
	[sflag:s4] =	ssyncset.s32 $0xFFFFF086  }
0x25: {  	[simem:s6], [sflag:s4] =	dma.local [hbm:s3], $0xF7A  }
0x26: {  	[smem:$0x3F9B] =	sst s1;
	(tag) =	ssettag s2;
	_ =	strace s9  }
0x27: {  	s1 =	sld [smem:$0x3FAB]  }
0x28: {  	s2 =	sld [smem:$0x3FAC]  }
0x29: {  	s4 =	sld [smem:$0x3FAE]  }
0x2a: {  	p0 =	seq.s32 s5, $0x0;
	s5 =	sld [smem:$0x3FAF]  }
0x2b: {  	s6 =	sld [smem:$0x3FB0]  }
0x2c: {  	s7 =	sld [smem:$0x3FB1]  }
0x2d: {  	s3 =	simm.s32 $0x108;
	s8 =	sld [smem:$0x3FB2]  }
0x2e: {  	s3 =	simm.s32 @!p0 $0x1082;
	s9 =	sld [smem:$0x3FB3]  }
0x2f: {  	lr =	sadd.s32 s0, s3;
	s0 =	sld [smem:$0x3FAA]  }
0x30: {  	s3 =	sld [smem:$0x3FAD]  }
0x31: {  	[smem:$0x3FB6] =	sst s10  }
0x32: {  	s10 =	sld [smem:$0x3FB4];
	_ =	sdelay $0x3  }
0x33: {  	p0 =	seq.s32 s10, $0x1;
	s10 =	sld [smem:$0x3FB6];
	_ =	sdelay $0x3  }
0x34: {  	[smem:$0x3FB6] =	sst s10  }
0x35: {  	s10 =	sld [smem:$0x3FB5];
	_ =	sdelay $0x3  }
0x36: {  	p1 =	seq.s32 s10, $0x1;
	s10 =	sld [smem:$0x3FB6];
	_ =	sdelay $0x3  }
0x37: {  	[smem:$0x3FB6] =	sst s10  }
0x38: {  	s10 =	sld [smem:$0x3FB7]  }
0x39: {  	_ = 	snop;
	(pc) =	sbr.ind lr, $3  }
0x3a: {  	_ = 	snop  }
0x3b: {  	_ = 	snop  }
0x3c: {  	p2 =	seq.s32 s10, $0x1;
	s10 =	sld [smem:$0x3FB6]  }
0x3d: {  	_ =	shalt  }
0x3e: {  	_ =	shalt  }
0x3f: {  	_ =	shalt  }
0x40: {  	_ =	shalt  }
0x41: {  	_ =	shalt  }
0x42: {  	_ =	shalt  }
0x43: {  	_ =	shalt  }
0x44: {  	_ =	shalt  }
0x45: {  	_ =	shalt  }
0x46: {  	_ =	shalt  }
0x47: {  	_ =	shalt  }
0x48: {  	_ =	shalt  }
0x49: {  	_ =	shalt  }
0x4a: {  	_ =	shalt  }
0x4b: {  	_ =	shalt  }
0x4c: {  	_ =	shalt  }
0x4d: {  	_ =	shalt  }
0x4e: {  	_ =	shalt  }
0x4f: {  	_ =	shalt  }
0x50: {  	_ =	shalt  }
0x51: {  	_ =	shalt  }
0x52: {  	_ =	shalt  }
0x53: {  	_ =	shalt  }
0x54: {  	_ =	shalt  }
0x55: {  	_ =	shalt  }
0x56: {  	_ =	shalt  }
0x57: {  	_ =	shalt  }
0x58: {  	_ =	shalt  }
0x59: {  	_ =	shalt  }
0x5a: {  	_ =	shalt  }
0x5b: {  	_ =	shalt  }
0x5c: {  	_ =	shalt  }
0x5d: {  	_ =	shalt  }
0x5e: {  	_ =	shalt  }
0x5f: {  	_ =	shalt  }
0x60: {  	_ =	shalt  }
0x61: {  	_ =	shalt  }
0x62: {  	_ =	shalt  }
0x63: {  	_ =	shalt  }
0x64: {  	_ =	shalt  }
0x65: {  	_ =	shalt  }
0x66: {  	_ =	shalt  }
0x67: {  	_ =	shalt  }
0x68: {  	_ =	shalt  }
0x69: {  	_ =	shalt  }
0x6a: {  	_ =	shalt  }
0x6b: {  	_ =	shalt  }
0x6c: {  	_ =	shalt  }
0x6d: {  	_ =	shalt  }
0x6e: {  	_ =	shalt  }
0x6f: {  	_ =	shalt  }
0x70: {  	_ =	shalt  }
0x71: {  	_ =	shalt  }
0x72: {  	_ =	shalt  }
0x73: {  	_ =	shalt  }
0x74: {  	_ =	shalt  }
0x75: {  	_ =	shalt  }
0x76: {  	_ =	shalt  }
0x77: {  	_ =	shalt  }
0x78: {  	_ =	shalt  }
0x79: {  	_ =	shalt  }
0x7a: {  	_ =	shalt  }
0x7b: {  	_ =	shalt  }
0x7c: {  	_ =	shalt  }
0x7d: {  	_ =	shalt  }
0x7e: {  	_ =	shalt  }
0x7f: {  	_ =	shalt  }
0x80: {  	_ =	shalt  }
0x81: {  	_ =	shalt  }
0x82: {  	_ =	shalt  }
0x83: {  	_ =	shalt  }
0x84: {  	_ =	shalt  }
0x85: {  	_ =	shalt  }
0x86: {  	_ =	shalt  }
0x87: {  	_ =	shalt  }
.Lfunc_end0:
.L_simem_size_0:
called_computation.4_lowered:
.L_overlay_start_0:
0x88: {  	s2 =	sld [smem:$0x3FD9]  }
0x89: {  	s3 =	sld [smem:$0x3FFE];
	_ =	sdelay $0x1  }
0x8a: {  	s1 =	srdreg.scid  }
0x8b: {  	s0 =	sand.u32 $0x1, s1  }
0x8c: {  	s17 =	sshll.u32 s0, $0xA;
	s2 =	sadd.s32 s3, s2  }
0x8d: {  	s2 =	sadd.s32 s2, s17  }
0x8e: {  	[smem:$0x3FC2] =	sst s2  }
0x8f: {  	_ = 	snop  }
0x90: {  	s2 =	sld [smem:$0x3FD0];
	(tm) =	ssettm $0x1  }
0x91: {  	s18 =	sld [smem:$0x3FFB];
	_ =	sdelay $0x3  }
0x92: {  	_ =	strace s18  }
0x93: {  	s3 =	sld [smem:$0x3FFC];
	_ =	sdelay $0x3  }
0x94: {  	_ =	strace s3  }
0x95: {  	s3 =	sld [smem:$0x3FFD];
	_ =	sdelay $0x3  }
0x96: {  	_ =	strace s3  }
0x97: {  	_ =	strace $0x8FFFFFFF  }
0x98: {  	s19 =	sld [smem:$0x3FDB];
	_ =	sdelay $0x1  }
0x99: {  	s4 =	simm.s32 $_scs_section_size  }
0x9a: {  	s5 =	simm.s32 $_size__tile_overlayer_lowered;
	s6 =	simm.s32 $_tile_overlayer_lowered  }
0x9b: {  	s22 =	simm.s32 $0x1BFF;
	s21 =	sshll.u32 s6, $0x1;
	s3 =	sadd.s32 s4, s19  }
0x9c: {  	s7 =	simm.s32 $0x0;
	s20 =	sshll.u32 s5, $0x1;
	s5 =	sadd.s32 s21, s3  }
0x9d: {  	[timem:s7], [sflag:s22] =	dma.local [hbm:s5], s20  }
0x9e: {  	_ =	swait.ge [sflag:s22], s20  }
0x9f: {  	s4 =	ssub.s32 $0x0, s20;
	[sflag:s22] =	ssyncset.done $0x0  }
0xa0: {  	[sflag:s22] =	ssyncadd.s32 s4;
	_ =	sdelay $0x1  }
0xa1: {  	s23 =	simm.s32 $0x1B8B  }
0xa2: {  	_ =	swait.ge [sflag:s23], $0x1  }
0xa3: {  	[sflag:s23] =	ssyncset.done $0x0  }
0xa4: {  	s25 =	simm.s32 $0x1B8E;
	s24 =	sld [smem:$0x3FFE];
	[sflag:s23] =	ssyncadd.s32 $0xFFFFFFFF  }
0xa5: {  	s26 =	simm.s32 $execute0_lowered;
	[smem:$0x3FD2] =	sst s25  }
0xa6: {  	s5 =	sshll.u32 s26, $0x1;
	_ =	strace $0x80000052;
	[dreg:$0x1] =	wrdreg $0xFFFFFFFF  }
0xa7: {  	s28 =	simm.s32 $_size_execute0_lowered;
	s3 =	sadd.s32 s3, s5;
	[dreg:$0x0] =	wrdreg $0x0  }
0xa8: {  	s5 =	sshll.u32 s28, $0x1;
	[dreg:$0x2] =	wrdreg s3  }
0xa9: {  	[dreg:$0x3] =	wrdreg s5  }
0xaa: {  	[dreg:$0x4] =	wrdreg $0xC0  }
0xab: {  	_ =	task [dreg:s7], $0x5FFFF  }
0xac: {  	[dreg:$0x1] =	wrdreg $0xFFFFFFFF  }
0xad: {  	[dreg:$0x0] =	wrdreg $0x60  }
0xae: {  	[dreg:$0x2] =	wrdreg s24  }
0xaf: {  	[dreg:$0x3] =	wrdreg s2  }
0xb0: {  	[dreg:$0x4] =	wrdreg $0x9C000  }
0xb1: {  	[dreg:$0x5] =	wrdreg $0x9  }
0xb2: {  	_ =	task.clear_ibuf [dreg:s7], $0x6FFFF;
	_ =	strace $0x90000052  }
0xb3: {  	s29 =	simm.s32 $0x9;
	_ =	strace $0x80000054  }
0xb4: {  	_ =	swait.ge [sflag:s29], $0x1  }
0xb5: {  	[sflag:s29] =	ssyncadd.s32 $0xFFFFFFFF  }
0xb6: {  	_ =	strace $0x90000054  }
0xb7: {  	_ =	sfence  }
0xb8: {  	s30 =	sld [smem:$0x0];
	_ =	sdelay $0x2  }
0xb9: {  	s31 =	sshll.u32 s1, $0xD;
	s1 =	sshrl.u32 s1, $0x2  }
0xba: {  	s3 =	sand.u32 $0x4000, s31;
	s1 =	sadd.s32 s1, s30  }
0xbb: {  	s0 =	sor.u32 s3, s0;
	s1 =	sshll.u32 s1, $0x11  }
0xbc: {  	s0 =	sor.u32 s1, s0  }
0xbd: {  	s0 =	sadd.s32 $0x8F2B, s0  }
0xbe: {  	[sflag:s0] =	ssyncadd.remote.s32 $0x1  }
0xbf: {  	_ =	sfence.sel $0xFFFF  }
0xc0: {  	[dreg:$0x0] =	wrdreg $0xFFFFFFFF;
	(pc) =	sbr.abs _section_cstart, $3  }
0xc1: {  	[dreg:$0x1] =	wrdreg $0xFFFFFFFF  }
0xc2: {  	_ =	task.clear_ibuf [dreg:s7], $0x2FFFF;
	_ =	strace $0x9FFFFFFF  }
0xc3: {  	(tm) =	ssettm $0x7FFFFFFF  }
tec
execute0_lowered:
.L_overlay_start_1:
0x0: {  	(tag) =	ssettag $0x1  }
0x1: {  	s0 =	rddreg [dreg:$0x0]  }
0x2: {  	s1 =	rddreg [dreg:$0x1]  }
0x3: {  	s2 =	rddreg [dreg:$0x2]  }
0x4: {  	s3 =	simm.s32 $0x0;
	s4 =	srdreg.scid;
	s13 =	stileid.u32  }
0x5: {  	s14 =	simm.s32 $0x6;
	s16 =	simm.s32 $0x28;
	s17 =	simm.s32 $0x3800  }
0x6: {  	s28 =	simm.s32 $0x2;
	s29 =	simm.s32 $0x3;
	s30 =	simm.s32 $0x4  }
0x7: {  	s31 =	simm.s32 $0x5;
	s15 =	simm.s32 $0x3300;
	[smem:$0x7FF] =	sst s3  }
0x8: {  	s4 =	sand.u32 $0x1, s4;
	s5 =	sadd.s32 $0x3F000, s0;
	s8 =	smul.u32 $0x14000, s13  }
0x9: {  	s9 =	sshll.u32 s13, $0x1;
	s10 =	sadd.s32 $0x67000, s0;
	s12 =	smul.u32 $0x50000, s13  }
0xa: {  	s6 =	sadd.s32 $0x1C000, s0;
	s24 =	smul.u32 $0x2800, s13;
	_ =	strace $0x80000053  }
0xb: {  	s7 =	smul.u32 $0x140000, s4;
	s9 =	sor.u32 s4, s9;
	s11 =	ssub.s32 $0x2, s4  }
0xc: {  	p0 =	seq.s32 s4, $0x1;
	s18 =	sshrl.u32 s11, $0x1;
	s22 =	sshrl.u32 s12, $0x2  }
0xd: {  	s8 =	sadd.s32 s8, s7;
	s7 =	smul.u32 $0x8C00, s9;
	s19 =	ssub.s32 s11, s18  }
0xe: {  	s23 =	sadd.s32 s22, s2;
	s18 =	simm.s32 $0x3380;
	s22 =	simm.s32 $0x3480  }
0xf: {  	s8 =	sshrl.u32 s8, $0x3;
	[dreg:$0x6] =	wrdreg s23;
	s25 =	smax.u32 s19, $0x1  }
0x10: {  	s19 =	simm.s32 $0x4C00;
	s23 =	simm.s32 $0x7400;
	s20 =	sshrl.u32 s7, $0x3  }
0x11: {  	s0 =	sadd.s32 s8, s0;
	[dreg:$0x8] =	wrdreg s25;
	s21 =	sadd.s32 s1, s20  }
0x12: {  	s25 =	simm.s32 $0x8800;
	s9 =	sadd.s32 s6, s20;
	[dreg:$0x4] =	wrdreg s21  }
0x13: {  	s0 =	sadd.s32 $0x8F000, s0;
	[dreg:$0x5] =	wrdreg s9;
	s9 =	smov.u32 s5  }
0x14: {  	s20 =	simm.s32 $0x3400;
	[dreg:$0x7] =	wrdreg s0;
	s9 =	smov.u32 @p0 s10  }
0x15: {  	s21 =	simm.s32 $0x6000;
	s0 =	simm.s32 $0x3280;
	s26 =	sadd.s32 s9, s24  }
0x16: {  	s24 =	simm.s32 $0x0;
	[dreg:$0x9] =	wrdreg s26;
	s26 =	simm.s32 $0x1  }
.LBB2_1:
0x17: {  	s4 =	rddreg [dreg:$0x4]  }
0x18: {  	[tilespmem:s3], [sflag:$0x6] =	stream.linear.gather [hbm4b:s4+s3], $0x1900, $0x38;
	[tilespmem:$0x1DC00] =	vst v63  }
0x19: {  	_ =	swait.ge [sflag:s14], $0x1900  }
0x1a: {  	[sflag:s14] =	ssyncset.done $0x0  }
0x1b: {  	s8 =	simm.s32 $0x1C00;
	s13 =	rddreg [dreg:$0x5];
	[sflag:s14] =	ssyncadd.s32 $0xFFFFE700  }
0x1c: {  	[tilespmem:s8], [sflag:$0x6] =	stream.linear.gather [hbm4b:s13+s3], $0x1900, $0x38;
	[tilespmem:$0x1DC00] =	vst v63  }
0x1d: {  	_ =	swait.ge [sflag:s14], $0x1900  }
0x1e: {  	[sflag:s14] =	ssyncset.done $0x0  }
0x1f: {  	[sflag:s14] =	ssyncadd.s32 $0xFFFFE700  }
0x20: {  	[tilespmem:s17], [sflag:$0x1] =	stream.indirect.gather [hbm4b:s5+s16], $0x80, s3, s16, $0xb8;
	[tilespmem:$0x1DC00] =	vst v63  }
0x21: {  	s8 =	simm.s32 $0x80  }
0x22: {  	[tilespmem:s19], [sflag:$0x2] =	stream.indirect.gather [hbm4b:s5+s16], $0x80, s8, s16, $0xb8;
	[tilespmem:$0x1DC00] =	vst v63  }
0x23: {  	s9 =	simm.s32 $0x100;
	s10 =	simm.s32 $0x180;
	s12 =	stileid.u32  }
0x24: {  	[tilespmem:s21], [sflag:$0x3] =	stream.indirect.gather [hbm4b:s5+s16], $0x80, s9, s16, $0xb8;
	[tilespmem:$0x1DC00] =	vst v63  }
0x25: {  	s11 =	simm.s32 $0x200;
	s4 =	sshll.u32 s12, $0x6;
	s13 =	rddreg [dreg:$0x6]  }
0x26: {  	[tilespmem:s23], [sflag:$0x4] =	stream.indirect.gather [hbm4b:s5+s16], $0x80, s10, s16, $0xb8;
	[tilespmem:$0x1DC00] =	vst v63  }
0x27: {  	s4 =	sor.u32 $0x1C06, s4;
	s8 =	sshrl.u32 s13, $0x3;
	s9 =	rddreg [dreg:$0x9]  }
0x28: {  	[tilespmem:s25], [sflag:$0x5] =	stream.indirect.gather [hbm4b:s5+s16], $0x80, s11, s16, $0xb8;
	[tilespmem:$0x1DC00] =	vst v63  }
0x29: {  	[spmem:s8], [sflag:s4] =	dma.local [hbm:s9], $0x2800  }
0x2a: {  	_ =	swait.ge [sflag:s14], $0x2800  }
0x2b: {  	[sflag:s14] =	ssyncset.done $0x0  }
0x2c: {  	[sflag:s14] =	ssyncadd.s32 $0xFFFFD800  }
0x2d: {  	s9 =	simm.s32 $0x0;
	[bflag:$0x0] =	sbarrier.arrive $0xFFFF  }
.LBB2_2:
0x2e: {  	p0 =	seq.s32 s9, $0x0  }
0x2f: {  	s10 =	smul.u32 @!p0 $0x1C00, s9;
	_ =	sdelay $0x1  }
0x30: {  	s10 =	sadd.s32 @!p0 s7, s10  }
0x31: {  	s10 =	sshrl.u32 @!p0 s10, $0x3  }
0x32: {  	s12 =	simm.s32 @!p0 $0x0;
	s11 =	sadd.s32 @!p0 s1, s10  }
0x33: {  	[tilespmem:s12], [sflag:$0x6] =	stream.linear.gather @!p0 [hbm4b:s11+s12], $0x1900, $0x38;
	[tilespmem:$0x1DC00] =	vst v63  }
0x34: {  	s11 =	simm.s32 @!p0 $0x6  }
0x35: {  	_ =	swait.ge @!p0 [sflag:s11], $0x1900  }
0x36: {  	[sflag:s11] =	ssyncset.done @!p0 $0x0  }
0x37: {  	s13 =	simm.s32 @!p0 $0x1C00;
	s10 =	sadd.s32 @!p0 s6, s10;
	[sflag:s11] =	ssyncadd.s32 @!p0 $0xFFFFE700  }
0x38: {  	[tilespmem:s13], [sflag:$0x6] =	stream.linear.gather @!p0 [hbm4b:s10+s12], $0x1900, $0x38;
	[tilespmem:$0x1DC00] =	vst v63  }
0x39: {  	_ =	swait.ge @!p0 [sflag:s11], $0x1900  }
0x3a: {  	[sflag:s11] =	ssyncset.done @!p0 $0x0  }
0x3b: {  	s10 =	simm.s32 @!p0 $0x28;
	[sflag:s11] =	ssyncadd.s32 @!p0 $0xFFFFE700;
	s11 =	simm.s32 @!p0 $0x3800  }
0x3c: {  	[tilespmem:s11], [sflag:$0x1] =	stream.indirect.gather @!p0 [hbm4b:s5+s10], $0x80, s12, s10, $0xb8;
	[tilespmem:$0x1DC00] =	vst v63  }
0x3d: {  	s11 =	simm.s32 @!p0 $0x80;
	s12 =	simm.s32 @!p0 $0x4C00  }
0x3e: {  	[tilespmem:s12], [sflag:$0x2] =	stream.indirect.gather @!p0 [hbm4b:s5+s10], $0x80, s11, s10, $0xb8;
	[tilespmem:$0x1DC00] =	vst v63  }
0x3f: {  	s11 =	simm.s32 @!p0 $0x100;
	s12 =	simm.s32 @!p0 $0x6000  }
0x40: {  	[tilespmem:s12], [sflag:$0x3] =	stream.indirect.gather @!p0 [hbm4b:s5+s10], $0x80, s11, s10, $0xb8;
	[tilespmem:$0x1DC00] =	vst v63  }
0x41: {  	s11 =	simm.s32 @!p0 $0x180;
	s12 =	simm.s32 @!p0 $0x7400  }
0x42: {  	[tilespmem:s12], [sflag:$0x4] =	stream.indirect.gather @!p0 [hbm4b:s5+s10], $0x80, s11, s10, $0xb8;
	[tilespmem:$0x1DC00] =	vst v63  }
0x43: {  	s11 =	simm.s32 @!p0 $0x200;
	s12 =	simm.s32 @!p0 $0x8800  }
0x44: {  	[tilespmem:s12], [sflag:$0x5] =	stream.indirect.gather @!p0 [hbm4b:s5+s10], $0x80, s11, s10, $0xb8;
	[tilespmem:$0x1DC00] =	vst v63  }
0x45: {  	_ =	swait.ge [sflag:s26], $0x1400  }
0x46: {  	[sflag:s26] =	ssyncset.done $0x0  }
0x47: {  	s11 =	simm.s32 $0x1C00;
	[sflag:s26] =	ssyncadd.s32 $0xFFFFEC00  }
0x48: {  	[spmem:s2] =	stream.indirect.scatter.add.f32 [tilespmem:s17], [sflag:$0x6], $0x80, s11, s16, $0xb8;
	[tilespmem:$0x1DC00] =	vst v63  }
0x49: {  	_ =	swait.ge [sflag:s14], $0x1400  }
0x4a: {  	[sflag:s14] =	ssyncset.done $0x0  }
0x4b: {  	s12 =	simm.s32 $0x280;
	[sflag:s14] =	ssyncadd.s32 $0xFFFFEC00  }
0x4c: {  	[tilespmem:s17], [sflag:$0x1] =	stream.indirect.gather [hbm4b:s5+s16], $0x80, s12, s16, $0xb8;
	[tilespmem:$0x1DC00] =	vst v63  }
0x4d: {  	_ =	swait.ge [sflag:s28], $0x1400  }
0x4e: {  	[sflag:s28] =	ssyncset.done $0x0  }
0x4f: {  	s13 =	simm.s32 $0x1C80;
	[sflag:s28] =	ssyncadd.s32 $0xFFFFEC00  }
0x50: {  	[spmem:s2] =	stream.indirect.scatter.add.f32 [tilespmem:s19], [sflag:$0x6], $0x80, s13, s16, $0xb8;
	[tilespmem:$0x1DC00] =	vst v63  }
0x51: {  	_ =	swait.ge [sflag:s14], $0x1400  }
0x52: {  	[sflag:s14] =	ssyncset.done $0x0  }
0x53: {  	s11 =	simm.s32 $0x300;
	[sflag:s14] =	ssyncadd.s32 $0xFFFFEC00  }
0x54: {  	[tilespmem:s19], [sflag:$0x2] =	stream.indirect.gather [hbm4b:s5+s16], $0x80, s11, s16, $0xb8;
	[tilespmem:$0x1DC00] =	vst v63  }
0x55: {  	_ =	swait.ge [sflag:s29], $0x1400  }
0x56: {  	[sflag:s29] =	ssyncset.done $0x0  }
0x57: {  	s12 =	simm.s32 $0x1D00;
	[sflag:s29] =	ssyncadd.s32 $0xFFFFEC00  }
0x58: {  	[spmem:s2] =	stream.indirect.scatter.add.f32 [tilespmem:s21], [sflag:$0x6], $0x80, s12, s16, $0xb8;
	[tilespmem:$0x1DC00] =	vst v63  }
0x59: {  	_ =	swait.ge [sflag:s14], $0x1400  }
0x5a: {  	[sflag:s14] =	ssyncset.done $0x0  }
0x5b: {  	s13 =	simm.s32 $0x380;
	[sflag:s14] =	ssyncadd.s32 $0xFFFFEC00  }
0x5c: {  	[tilespmem:s21], [sflag:$0x3] =	stream.indirect.gather [hbm4b:s5+s16], $0x80, s13, s16, $0xb8;
	[tilespmem:$0x1DC00] =	vst v63  }
0x5d: {  	_ =	swait.ge [sflag:s30], $0x1400  }
0x5e: {  	[sflag:s30] =	ssyncset.done $0x0  }
0x5f: {  	s11 =	simm.s32 $0x1D80;
	[sflag:s30] =	ssyncadd.s32 $0xFFFFEC00  }
0x60: {  	[spmem:s2] =	stream.indirect.scatter.add.f32 [tilespmem:s23], [sflag:$0x6], $0x80, s11, s16, $0xb8;
	[tilespmem:$0x1DC00] =	vst v63  }
0x61: {  	_ =	swait.ge [sflag:s14], $0x1400  }
0x62: {  	[sflag:s14] =	ssyncset.done $0x0  }
0x63: {  	s12 =	simm.s32 $0x400;
	[sflag:s14] =	ssyncadd.s32 $0xFFFFEC00  }
0x64: {  	[tilespmem:s23], [sflag:$0x4] =	stream.indirect.gather [hbm4b:s5+s16], $0x80, s12, s16, $0xb8;
	[tilespmem:$0x1DC00] =	vst v63  }
0x65: {  	_ =	swait.ge [sflag:s31], $0x1400  }
0x66: {  	[sflag:s31] =	ssyncset.done $0x0  }
0x67: {  	s13 =	simm.s32 $0x1E00;
	[sflag:s31] =	ssyncadd.s32 $0xFFFFEC00  }
0x68: {  	[spmem:s2] =	stream.indirect.scatter.add.f32 [tilespmem:s25], [sflag:$0x6], $0x80, s13, s16, $0xb8;
	[tilespmem:$0x1DC00] =	vst v63  }
0x69: {  	_ =	swait.ge [sflag:s14], $0x1400  }
0x6a: {  	[sflag:s14] =	ssyncset.done $0x0  }
0x6b: {  	s10 =	simm.s32 $0xA00;
	s11 =	simm.s32 $0x480;
	[sflag:s14] =	ssyncadd.s32 $0xFFFFEC00  }
.LBB2_3:
0x6c: {  	[tilespmem:s25], [sflag:$0x5] =	stream.indirect.gather [hbm4b:s5+s16], $0x80, s11, s16, $0xb8;
	[tilespmem:$0x1DC00] =	vst v63  }
0x6d: {  	s11 =	smov.u32 s10  }
0x6e: {  	p0 =	sne.s32 s10, $0x5000;
	s10 =	sadd.s32 $0xA00, s10;
	_ =	swait.ge [sflag:s26], $0x1400  }
0x6f: {  	s11 =	sshra.s32 s11, $0x2;
	[sflag:s26] =	ssyncset.done $0x0  }
0x70: {  	s12 =	sadd.s32 $0x1C00, s11;
	[sflag:s26] =	ssyncadd.s32 $0xFFFFEC00  }
0x71: {  	[spmem:s2] =	stream.indirect.scatter.add.f32 [tilespmem:s17], [sflag:$0x6], $0x80, s12, s16, $0xb8;
	[tilespmem:$0x1DC00] =	vst v63  }
0x72: {  	_ =	swait.ge [sflag:s14], $0x1400  }
0x73: {  	[sflag:s14] =	ssyncset.done $0x0  }
0x74: {  	s12 =	sadd.s32 $0x280, s11;
	[sflag:s14] =	ssyncadd.s32 $0xFFFFEC00  }
0x75: {  	[tilespmem:s17], [sflag:$0x1] =	stream.indirect.gather [hbm4b:s5+s16], $0x80, s12, s16, $0xb8;
	[tilespmem:$0x1DC00] =	vst v63  }
0x76: {  	_ =	swait.ge [sflag:s28], $0x1400  }
0x77: {  	[sflag:s28] =	ssyncset.done $0x0  }
0x78: {  	s12 =	sadd.s32 $0x1C80, s11;
	[sflag:s28] =	ssyncadd.s32 $0xFFFFEC00  }
0x79: {  	[spmem:s2] =	stream.indirect.scatter.add.f32 [tilespmem:s19], [sflag:$0x6], $0x80, s12, s16, $0xb8;
	[tilespmem:$0x1DC00] =	vst v63  }
0x7a: {  	_ =	swait.ge [sflag:s14], $0x1400  }
0x7b: {  	[sflag:s14] =	ssyncset.done $0x0  }
0x7c: {  	s12 =	sadd.s32 $0x300, s11;
	[sflag:s14] =	ssyncadd.s32 $0xFFFFEC00  }
0x7d: {  	[tilespmem:s19], [sflag:$0x2] =	stream.indirect.gather [hbm4b:s5+s16], $0x80, s12, s16, $0xb8;
	[tilespmem:$0x1DC00] =	vst v63  }
0x7e: {  	_ =	swait.ge [sflag:s29], $0x1400  }
0x7f: {  	[sflag:s29] =	ssyncset.done $0x0  }
0x80: {  	s12 =	sadd.s32 $0x1D00, s11;
	[sflag:s29] =	ssyncadd.s32 $0xFFFFEC00  }
0x81: {  	[spmem:s2] =	stream.indirect.scatter.add.f32 [tilespmem:s21], [sflag:$0x6], $0x80, s12, s16, $0xb8;
	[tilespmem:$0x1DC00] =	vst v63  }
0x82: {  	_ =	swait.ge [sflag:s14], $0x1400  }
0x83: {  	[sflag:s14] =	ssyncset.done $0x0  }
0x84: {  	s12 =	sadd.s32 $0x380, s11;
	[sflag:s14] =	ssyncadd.s32 $0xFFFFEC00  }
0x85: {  	[tilespmem:s21], [sflag:$0x3] =	stream.indirect.gather [hbm4b:s5+s16], $0x80, s12, s16, $0xb8;
	[tilespmem:$0x1DC00] =	vst v63  }
0x86: {  	_ =	swait.ge [sflag:s30], $0x1400  }
0x87: {  	[sflag:s30] =	ssyncset.done $0x0  }
0x88: {  	s12 =	sadd.s32 $0x1D80, s11;
	[sflag:s30] =	ssyncadd.s32 $0xFFFFEC00  }
0x89: {  	[spmem:s2] =	stream.indirect.scatter.add.f32 [tilespmem:s23], [sflag:$0x6], $0x80, s12, s16, $0xb8;
	[tilespmem:$0x1DC00] =	vst v63  }
0x8a: {  	_ =	swait.ge [sflag:s14], $0x1400  }
0x8b: {  	[sflag:s14] =	ssyncset.done $0x0  }
0x8c: {  	s12 =	sadd.s32 $0x400, s11;
	[sflag:s14] =	ssyncadd.s32 $0xFFFFEC00  }
0x8d: {  	[tilespmem:s23], [sflag:$0x4] =	stream.indirect.gather [hbm4b:s5+s16], $0x80, s12, s16, $0xb8;
	[tilespmem:$0x1DC00] =	vst v63  }
0x8e: {  	_ =	swait.ge [sflag:s31], $0x1400  }
0x8f: {  	[sflag:s31] =	ssyncset.done $0x0  }
.Ltmp0:
0x90: {  	s12 =	sadd.s32 $0x1E00, s11;
	[sflag:s31] =	ssyncadd.s32 $0xFFFFEC00;
	(pc) =	sbr.rel @p0 .LBB2_3-.Ltmp0, $4  }
0x91: {  	[spmem:s2] =	stream.indirect.scatter.add.f32 [tilespmem:s25], [sflag:$0x6], $0x80, s12, s16, $0xb8;
	[tilespmem:$0x1DC00] =	vst v63  }
0x92: {  	_ =	swait.ge [sflag:s14], $0x1400  }
0x93: {  	[sflag:s14] =	ssyncset.done $0x0  }
0x94: {  	s11 =	sadd.s32 $0x480, s11;
	[sflag:s14] =	ssyncadd.s32 $0xFFFFEC00  }
0x95: {  	[tilespmem:s25], [sflag:$0x5] =	stream.indirect.gather [hbm4b:s5+s16], $0x80, s11, s16, $0xb8;
	[tilespmem:$0x1DC00] =	vst v63  }
0x96: {  	_ =	swait.ge [sflag:s26], $0x1400  }
0x97: {  	[sflag:s26] =	ssyncset.done $0x0  }
0x98: {  	[sflag:s26] =	ssyncadd.s32 $0xFFFFEC00  }
0x99: {  	[spmem:s2] =	stream.indirect.scatter.add.f32 [tilespmem:s17], [sflag:$0x6], $0x80, s0, s16, $0xb8;
	[tilespmem:$0x1DC00] =	vst v63  }
0x9a: {  	_ =	swait.ge [sflag:s14], $0x1400  }
0x9b: {  	[sflag:s14] =	ssyncset.done $0x0  }
0x9c: {  	[sflag:s14] =	ssyncadd.s32 $0xFFFFEC00  }
0x9d: {  	_ =	swait.ge [sflag:s28], $0x1400  }
0x9e: {  	[sflag:s28] =	ssyncset.done $0x0  }
0x9f: {  	[sflag:s28] =	ssyncadd.s32 $0xFFFFEC00  }
0xa0: {  	[spmem:s2] =	stream.indirect.scatter.add.f32 [tilespmem:s19], [sflag:$0x6], $0x80, s15, s16, $0xb8;
	[tilespmem:$0x1DC00] =	vst v63  }
0xa1: {  	_ =	swait.ge [sflag:s14], $0x1400  }
0xa2: {  	[sflag:s14] =	ssyncset.done $0x0  }
0xa3: {  	[sflag:s14] =	ssyncadd.s32 $0xFFFFEC00  }
0xa4: {  	_ =	swait.ge [sflag:s29], $0x1400  }
0xa5: {  	[sflag:s29] =	ssyncset.done $0x0  }
0xa6: {  	[sflag:s29] =	ssyncadd.s32 $0xFFFFEC00  }
0xa7: {  	[spmem:s2] =	stream.indirect.scatter.add.f32 [tilespmem:s21], [sflag:$0x6], $0x80, s18, s16, $0xb8;
	[tilespmem:$0x1DC00] =	vst v63  }
0xa8: {  	_ =	swait.ge [sflag:s14], $0x1400  }
0xa9: {  	[sflag:s14] =	ssyncset.done $0x0  }
0xaa: {  	[sflag:s14] =	ssyncadd.s32 $0xFFFFEC00  }
0xab: {  	_ =	swait.ge [sflag:s30], $0x1400  }
0xac: {  	[sflag:s30] =	ssyncset.done $0x0  }
0xad: {  	[sflag:s30] =	ssyncadd.s32 $0xFFFFEC00  }
0xae: {  	[spmem:s2] =	stream.indirect.scatter.add.f32 [tilespmem:s23], [sflag:$0x6], $0x80, s20, s16, $0xb8;
	[tilespmem:$0x1DC00] =	vst v63  }
0xaf: {  	_ =	swait.ge [sflag:s14], $0x1400  }
0xb0: {  	[sflag:s14] =	ssyncset.done $0x0  }
0xb1: {  	[sflag:s14] =	ssyncadd.s32 $0xFFFFEC00  }
0xb2: {  	s9 =	sadd.s32 $0x1, s9;
	_ =	swait.ge [sflag:s31], $0x1400  }
0xb3: {  	p0 =	sne.s32 s9, $0x5;
	[sflag:s31] =	ssyncset.done $0x0  }
.Ltmp1:
0xb4: {  	[sflag:s31] =	ssyncadd.s32 $0xFFFFEC00;
	(pc) =	sbr.rel @p0 .LBB2_2-.Ltmp1, $4  }
0xb5: {  	[spmem:s2] =	stream.indirect.scatter.add.f32 [tilespmem:s25], [sflag:$0x6], $0x80, s22, s16, $0xb8;
	[tilespmem:$0x1DC00] =	vst v63  }
0xb6: {  	_ =	swait.ge [sflag:s14], $0x1400  }
0xb7: {  	[sflag:s14] =	ssyncset.done $0x0  }
0xb8: {  	[sflag:s14] =	ssyncadd.s32 $0xFFFFEC00  }
0xb9: {  	[bflag:$0x0] =	sbarrier.arrive $0xFFFF  }
0xba: {  	s9 =	rddreg [dreg:$0x7]  }
0xbb: {  	[hbm:s9], [sflag:s4] =	dma.local [spmem:s8], $0x2800  }
0xbc: {  	_ =	swait.ge [sflag:s14], $0x2800  }
0xbd: {  	s24 =	sadd.s32 $0x1, s24;
	s13 =	rddreg [dreg:$0x8]  }
0xbe: {  	p0 =	sne.s32 s24, s13  }
.Ltmp2:
0xbf: {  	_ = 	snop;
	(pc) =	sbr.rel @p0 .LBB2_1-.Ltmp2, $3  }
0xc0: {  	_ =	sdelay $0x1  }
0xc1: {  	[sflag:s14] =	ssyncset.done $0x0  }
0xc2: {  	[sflag:s14] =	ssyncadd.s32 $0xFFFFD800  }
0xc3: {  	_ =	sfence.sel $0x180000  }
0xc4: {  	[bflag:$0x0] =	sbarrier.arrive $0xFFFF  }
0xc5: {  	_ =	strace $0x90000053  }
0xc6: {  	s0 =	stileid.u32;
	[bflag:$0x2] =	sbarrier.arrive $0xFFFF  }
0xc7: {  	p0 =	sne.s32 s0, $0x0;
	s0 =	rddreg [dreg:$0x3]  }
0xc8: {  	s0 =	sadd.s32 @!p0 $0x100000, s0  }
0xc9: {  	[sflag:s0] =	ssyncadd.tile.s32 @!p0 $0x1;
	_ =	shalt  }
.Lfunc_end2:
_tile_overlayer_lowered:
.L_overlay_start_2:
0xca: {  	(tag) =	ssettag $0x2  }
0xcb: {  	s0 =	rddreg [dreg:$0x0];
	s2 =	stileid.u32  }
0xcc: {  	s1 =	rddreg [dreg:$0x1];
	p0 =	sne.s32 s2, $0x0  }
0xcd: {  	s3 =	rddreg [dreg:$0x2];
	[bflag:$0x3] =	sbarrier.arrive $0xFFFF;
	s2 =	simm.s32 @!p0 $0x1C06  }
0xce: {  	[timem:s3], [sflag:s2] =	dma.local @!p0 [hbm:s0], s1  }
0xcf: {  	s0 =	simm.s32 @!p0 $0x6  }
0xd0: {  	_ =	swait.ge @!p0 [sflag:s0], s1  }
0xd1: {  	s1 =	ssub.s32 @!p0 $0x0, s1;
	[sflag:s0] =	ssyncset.done @!p0 $0x0  }
0xd2: {  	[sflag:s0] =	ssyncadd.s32 @!p0 s1  }
0xd3: {  	[bflag:$0x3] =	sbarrier.arrive $0xFFFF  }
0xd4: {  	_ =	shalt  }

</sc_bundles>
